<compile_context>
chip_gen: v7x
topology: tpu7x:2x2x1
jax: 0.10.2.dev20260603
libtpu: 0.0.44.dev20260713+nightly
codegen_flags: <defaults>
</compile_context>

<pallas_src>
import functools
import jax
import jax.numpy as jnp
from jax import lax
from jax.experimental import pallas as pl
from jax.experimental.pallas import tpu as pltpu
from jax.experimental.pallas import tpu_sc as plsc

NC, NS = 2, 16
NW = NC * NS
CS = 16
NSLOT = 5
UNROLL = 8


def kernel(x, pe):
    B, S, D = x.shape
    xf = x.reshape(B * S, D)
    s_per_w = S // NW
    n_sub = s_per_w // CS
    n_chunks = n_sub * B
    chunk = CS * D

    mesh = plsc.VectorSubcoreMesh(core_axis_name="c", subcore_axis_name="s")

    @functools.partial(
        pl.kernel,
        mesh=mesh,
        out_type=jax.ShapeDtypeStruct((B * S, D), jnp.float32),
        compiler_params=pltpu.CompilerParams(use_tc_tiling_on_sc=True),
        scratch_types=(
            [pltpu.VMEM((CS, D), jnp.float32) for _ in range(NSLOT + 2)]
            + [pltpu.SemaphoreType.DMA for _ in range(NSLOT * 2 + 2)]
        ),
    )
    def k(x_hbm, pe_hbm, out_hbm, *rest):
        bxs = rest[:NSLOT]
        bps = rest[NSLOT:NSLOT + 2]
        sems = rest[NSLOT + 2:]
        sis, sos, sps = sems[:NSLOT], sems[NSLOT:2 * NSLOT], sems[2 * NSLOT:]
        sid = lax.axis_index("s")
        wid = sid * NC + lax.axis_index("c")
        s_base = wid * s_per_w

        def row0(i):
            j, b = i // B, i % B
            return b * S + s_base + j * CS

        pend_in = {}
        pend_out = {}
        pend_pe = {}

        def issue_in(i):
            slot = i % NSLOT
            if i - NSLOT in pend_out:
                pend_out.pop(i - NSLOT).wait()
            pend_in[i] = pltpu.async_copy(
                x_hbm.at[pl.ds(row0(i), CS)], bxs[slot], sis[slot])

        def issue_pe(j):
            ps = j % 2
            pend_pe[j] = pltpu.async_copy(
                pe_hbm.at[pl.ds(s_base + j * CS, CS)], bps[ps], sps[ps])

        issue_pe(0)
        issue_pe(1)
        issue_in(0)
        issue_in(1)
        issue_in(2)
        for i in range(n_chunks):
            j, b = i // B, i % B
            slot, ps = i % NSLOT, j % 2
            if b == 0:
                pend_pe.pop(j).wait()
            pend_in.pop(i).wait()
            bx, bp = bxs[slot], bps[ps]

            @plsc.parallel_loop(0, CS, step=1, unroll=2)
            def _(r):
                @plsc.parallel_loop(0, D, step=16, unroll=8)
                def _(c):
                    plsc.addupdate(bx.at[r, pl.ds(c, 16)], bp[r, pl.ds(c, 16)])

            pend_out[i] = pltpu.async_copy(
                bx, out_hbm.at[pl.ds(row0(i), CS)], sos[slot])
            if b == B - 1 and j + 2 < n_sub:
                issue_pe(j + 2)
            if i + 3 < n_chunks:
                issue_in(i + 3)
        for i in sorted(pend_out):
            pend_out.pop(i).wait()

    out = k(xf, pe)
    return out.reshape(B, S, D)

# --- scband reference (transcript-rebuilt; emitter-appended) ---
"""Pipeline reference for scband-learnable-positional-encoding-75703093559484 (READ-ONLY COPY).

The authoritative reference and input builder live on the scoring server;
editing this copy changes nothing except your own understanding.
"""

import jax, jax.numpy as jnp
import numpy as np

D_MODEL = 1024
MAX_LEN = 8192

def setup_inputs(seed: int = 0) -> dict:
    key = jax.random.key(seed)
    k1, k2 = jax.random.split(key)
    x = jax.random.normal(k1, (4, 4096, D_MODEL), dtype=jnp.float32)
    # nn.Embedding default init: N(0, 1)
    pe = jax.random.normal(k2, (MAX_LEN, D_MODEL), dtype=jnp.float32)
    return {"x": x, "pe": pe}

def reference(x, pe):
    batch_size = x.shape[0]
    sequence_length = x.shape[1]
    position_ids = jnp.arange(sequence_length, dtype=jnp.int32)
    position_ids = jnp.broadcast_to(position_ids[None, :], (batch_size, sequence_length))
    position_embeddings = jnp.take(pe, position_ids, axis=0)
    return x + position_embeddings

if __name__ == "__main__":
    import jax
    _d = setup_inputs()
    print(jax.jit(kernel)(*tuple(_d.values())))

</pallas_src>

<mosaic_0001>
#map = affine_map<(d0, d1) -> (0, 0)>
module attributes {stable_mosaic.version = 14 : i64} {
  func.func @k(%arg0: i32, %arg1: i32, %arg2: memref<16384x1024xf32, #tpu.memory_space<hbm>>, %arg3: memref<8192x1024xf32, #tpu.memory_space<hbm>>, %arg4: memref<16384x1024xf32, #tpu.memory_space<hbm>>, %arg5: memref<16x1024xf32, #tpu.memory_space<vmem>>, %arg6: memref<16x1024xf32, #tpu.memory_space<vmem>>, %arg7: memref<16x1024xf32, #tpu.memory_space<vmem>>, %arg8: memref<16x1024xf32, #tpu.memory_space<vmem>>, %arg9: memref<16x1024xf32, #tpu.memory_space<vmem>>, %arg10: memref<16x1024xf32, #tpu.memory_space<vmem>>, %arg11: memref<16x1024xf32, #tpu.memory_space<vmem>>, %arg12: memref<!tpu.dma_semaphore, #tpu.memory_space<semaphore_mem>>, %arg13: memref<!tpu.dma_semaphore, #tpu.memory_space<semaphore_mem>>, %arg14: memref<!tpu.dma_semaphore, #tpu.memory_space<semaphore_mem>>, %arg15: memref<!tpu.dma_semaphore, #tpu.memory_space<semaphore_mem>>, %arg16: memref<!tpu.dma_semaphore, #tpu.memory_space<semaphore_mem>>, %arg17: memref<!tpu.dma_semaphore, #tpu.memory_space<semaphore_mem>>, %arg18: memref<!tpu.dma_semaphore, #tpu.memory_space<semaphore_mem>>, %arg19: memref<!tpu.dma_semaphore, #tpu.memory_space<semaphore_mem>>, %arg20: memref<!tpu.dma_semaphore, #tpu.memory_space<semaphore_mem>>, %arg21: memref<!tpu.dma_semaphore, #tpu.memory_space<semaphore_mem>>, %arg22: memref<!tpu.dma_semaphore, #tpu.memory_space<semaphore_mem>>, %arg23: memref<!tpu.dma_semaphore, #tpu.memory_space<semaphore_mem>>) attributes {dimension_semantics = [#tpu.dimension_semantics<core_parallel>, #tpu.dimension_semantics<subcore_parallel>], iteration_bounds = array<i64: 2, 16>, scalar_prefetch = 0 : i64, scratch_operands = 19 : i64, tpu.core_type = #tpu.core_type<sc_vector_subcore>, window_params = [{transform_indices = #map}, {transform_indices = #map}, {transform_indices = #map}]} {
    %mul3A = arith.constant 2 : i32
    %mul3A_0 = arith.muli %arg1, %mul3A : i32
    %add3A = arith.addi %mul3A_0, %arg0 : i32
    %mul3A_1 = arith.constant 128 : i32
    %mul3A_2 = arith.muli %add3A, %mul3A_1 : i32
    %add3A_3 = arith.constant 0 : i32
    %add3A_4 = arith.addi %mul3A_2, %add3A_3 : i32
    %dma_start3A = arith.constant 0 : i32
    %dma_start3A_5 = tpu.memref_slice %arg3[%add3A_4, %dma_start3A] : memref<8192x1024xf32, #tpu.memory_space<hbm>> -> memref<16x1024xf32, #tpu.memory_space<hbm>>
    %dma_start3A_6 = arith.constant 0 : i32
    %dma_start3A_7 = tpu.memref_slice %arg3[%add3A_4, %dma_start3A_6] : memref<8192x1024xf32, #tpu.memory_space<hbm>> -> memref<16x1024xf32, #tpu.memory_space<hbm>>
    tpu.enqueue_dma source(%dma_start3A_7 : memref<16x1024xf32, #tpu.memory_space<hbm>>) target(%arg10 : memref<16x1024xf32, #tpu.memory_space<vmem>>) target_semaphore(%arg22 : memref<!tpu.dma_semaphore, #tpu.memory_space<semaphore_mem>>)
    %add3A_8 = arith.constant 16 : i32
    %add3A_9 = arith.addi %mul3A_2, %add3A_8 : i32
    %dma_start3A_10 = arith.constant 0 : i32
    %dma_start3A_11 = tpu.memref_slice %arg3[%add3A_9, %dma_start3A_10] : memref<8192x1024xf32, #tpu.memory_space<hbm>> -> memref<16x1024xf32, #tpu.memory_space<hbm>>
    %dma_start3A_12 = arith.constant 0 : i32
    %dma_start3A_13 = tpu.memref_slice %arg3[%add3A_9, %dma_start3A_12] : memref<8192x1024xf32, #tpu.memory_space<hbm>> -> memref<16x1024xf32, #tpu.memory_space<hbm>>
    tpu.enqueue_dma source(%dma_start3A_13 : memref<16x1024xf32, #tpu.memory_space<hbm>>) target(%arg11 : memref<16x1024xf32, #tpu.memory_space<vmem>>) target_semaphore(%arg23 : memref<!tpu.dma_semaphore, #tpu.memory_space<semaphore_mem>>)
    %add3A_14 = arith.constant 0 : i32
    %add3A_15 = arith.addi %add3A_14, %mul3A_2 : i32
    %add3A_16 = arith.constant 0 : i32
    %add3A_17 = arith.addi %add3A_15, %add3A_16 : i32
    %dma_start3A_18 = arith.constant 0 : i32
    %dma_start3A_19 = tpu.memref_slice %arg2[%add3A_17, %dma_start3A_18] : memref<16384x1024xf32, #tpu.memory_space<hbm>> -> memref<16x1024xf32, #tpu.memory_space<hbm>>
    %dma_start3A_20 = arith.constant 0 : i32
    %dma_start3A_21 = tpu.memref_slice %arg2[%add3A_17, %dma_start3A_20] : memref<16384x1024xf32, #tpu.memory_space<hbm>> -> memref<16x1024xf32, #tpu.memory_space<hbm>>
    tpu.enqueue_dma source(%dma_start3A_21 : memref<16x1024xf32, #tpu.memory_space<hbm>>) target(%arg5 : memref<16x1024xf32, #tpu.memory_space<vmem>>) target_semaphore(%arg12 : memref<!tpu.dma_semaphore, #tpu.memory_space<semaphore_mem>>)
    %add3A_22 = arith.constant 4096 : i32
    %add3A_23 = arith.addi %add3A_22, %mul3A_2 : i32
    %add3A_24 = arith.constant 0 : i32
    %add3A_25 = arith.addi %add3A_23, %add3A_24 : i32
    %dma_start3A_26 = arith.constant 0 : i32
    %dma_start3A_27 = tpu.memref_slice %arg2[%add3A_25, %dma_start3A_26] : memref<16384x1024xf32, #tpu.memory_space<hbm>> -> memref<16x1024xf32, #tpu.memory_space<hbm>>
    %dma_start3A_28 = arith.constant 0 : i32
    %dma_start3A_29 = tpu.memref_slice %arg2[%add3A_25, %dma_start3A_28] : memref<16384x1024xf32, #tpu.memory_space<hbm>> -> memref<16x1024xf32, #tpu.memory_space<hbm>>
    tpu.enqueue_dma source(%dma_start3A_29 : memref<16x1024xf32, #tpu.memory_space<hbm>>) target(%arg6 : memref<16x1024xf32, #tpu.memory_space<vmem>>) target_semaphore(%arg13 : memref<!tpu.dma_semaphore, #tpu.memory_space<semaphore_mem>>)
    %add3A_30 = arith.constant 8192 : i32
    %add3A_31 = arith.addi %add3A_30, %mul3A_2 : i32
    %add3A_32 = arith.constant 0 : i32
    %add3A_33 = arith.addi %add3A_31, %add3A_32 : i32
    %dma_start3A_34 = arith.constant 0 : i32
    %dma_start3A_35 = tpu.memref_slice %arg2[%add3A_33, %dma_start3A_34] : memref<16384x1024xf32, #tpu.memory_space<hbm>> -> memref<16x1024xf32, #tpu.memory_space<hbm>>
    %dma_start3A_36 = arith.constant 0 : i32
    %dma_start3A_37 = tpu.memref_slice %arg2[%add3A_33, %dma_start3A_36] : memref<16384x1024xf32, #tpu.memory_space<hbm>> -> memref<16x1024xf32, #tpu.memory_space<hbm>>
    tpu.enqueue_dma source(%dma_start3A_37 : memref<16x1024xf32, #tpu.memory_space<hbm>>) target(%arg7 : memref<16x1024xf32, #tpu.memory_space<vmem>>) target_semaphore(%arg14 : memref<!tpu.dma_semaphore, #tpu.memory_space<semaphore_mem>>)
    %dma_wait3A = arith.constant 0 : i32
    %dma_wait3A_38 = tpu.memref_slice %arg3[%add3A_4, %dma_wait3A] : memref<8192x1024xf32, #tpu.memory_space<hbm>> -> memref<16x1024xf32, #tpu.memory_space<hbm>>
    %dma_wait3A_39 = arith.constant 0 : i32
    %dma_wait3A_40 = tpu.memref_slice %arg3[%add3A_4, %dma_wait3A_39] : memref<8192x1024xf32, #tpu.memory_space<hbm>> -> memref<16x1024xf32, #tpu.memory_space<hbm>>
    tpu.wait_dma2 semaphore(%arg22 : memref<!tpu.dma_semaphore, #tpu.memory_space<semaphore_mem>>) src(%dma_wait3A_40 : memref<16x1024xf32, #tpu.memory_space<hbm>>) dst(%arg10 : memref<16x1024xf32, #tpu.memory_space<vmem>>)
    %dma_wait3A_41 = arith.constant 0 : i32
    %dma_wait3A_42 = tpu.memref_slice %arg2[%add3A_17, %dma_wait3A_41] : memref<16384x1024xf32, #tpu.memory_space<hbm>> -> memref<16x1024xf32, #tpu.memory_space<hbm>>
    %dma_wait3A_43 = arith.constant 0 : i32
    %dma_wait3A_44 = tpu.memref_slice %arg2[%add3A_17, %dma_wait3A_43] : memref<16384x1024xf32, #tpu.memory_space<hbm>> -> memref<16x1024xf32, #tpu.memory_space<hbm>>
    tpu.wait_dma2 semaphore(%arg12 : memref<!tpu.dma_semaphore, #tpu.memory_space<semaphore_mem>>) src(%dma_wait3A_44 : memref<16x1024xf32, #tpu.memory_space<hbm>>) dst(%arg5 : memref<16x1024xf32, #tpu.memory_space<vmem>>)
    %parallel_loop3A = arith.constant 0 : i32
    %parallel_loop3A_45 = arith.constant 16 : i32
    %parallel_loop3A_46 = arith.constant 1 : i32
    scf.for %parallel_loop3A_944 = %parallel_loop3A to %parallel_loop3A_45 step %parallel_loop3A_46  : i32 {
      %parallel_loop3A_945 = arith.constant 0 : i32
      %parallel_loop3A_946 = arith.constant 1024 : i32
      %parallel_loop3A_947 = arith.constant 16 : i32
      scf.for %parallel_loop3A_948 = %parallel_loop3A_945 to %parallel_loop3A_946 step %parallel_loop3A_947  : i32 {
        %parallel_loop3A_949 = arith.index_cast %parallel_loop3A_944 : i32 to index
        %parallel_loop3A_950 = arith.index_cast %parallel_loop3A_948 : i32 to index
        %parallel_loop3A_951 = tpu.vector_load %arg10[%parallel_loop3A_949, %parallel_loop3A_950] {strides = array<i32>} : memref<16x1024xf32, #tpu.memory_space<vmem>>, vector<1x16xf32>,
        %parallel_loop3A_952 = vector.shape_cast %parallel_loop3A_951 : vector<1x16xf32> to vector<16xf32>
        %parallel_loop3A_953 = arith.index_cast %parallel_loop3A_944 : i32 to index
        %parallel_loop3A_954 = arith.index_cast %parallel_loop3A_948 : i32 to index
        %parallel_loop3A_955 = tpu.vector_load %arg5[%parallel_loop3A_953, %parallel_loop3A_954] {strides = array<i32>} : memref<16x1024xf32, #tpu.memory_space<vmem>>, vector<1x16xf32>,
        %parallel_loop3A_956 = vector.shape_cast %parallel_loop3A_955 : vector<1x16xf32> to vector<16xf32>
        %parallel_loop3A_957 = vector.shape_cast %parallel_loop3A_952 : vector<16xf32> to vector<1x16xf32>
        tpu.vector_store %arg5[%parallel_loop3A_953, %parallel_loop3A_954], %parallel_loop3A_957 {add = true, strides = array<i32>} : memref<16x1024xf32, #tpu.memory_space<vmem>>, vector<1x16xf32>,
      } {sc.loop_unroll_factor = 8 : i64, sc.parallel_access}
    } {sc.loop_unroll_factor = 2 : i64, sc.parallel_access}
    %add3A_47 = arith.constant 0 : i32
    %add3A_48 = arith.addi %add3A_47, %mul3A_2 : i32
    %add3A_49 = arith.constant 0 : i32
    %add3A_50 = arith.addi %add3A_48, %add3A_49 : i32
    %dma_start3A_51 = arith.constant 0 : i32
    %dma_start3A_52 = tpu.memref_slice %arg4[%add3A_50, %dma_start3A_51] : memref<16384x1024xf32, #tpu.memory_space<hbm>> -> memref<16x1024xf32, #tpu.memory_space<hbm>>
    %dma_start3A_53 = arith.constant 0 : i32
    %dma_start3A_54 = tpu.memref_slice %arg4[%add3A_50, %dma_start3A_53] : memref<16384x1024xf32, #tpu.memory_space<hbm>> -> memref<16x1024xf32, #tpu.memory_space<hbm>>
    tpu.enqueue_dma source(%arg5 : memref<16x1024xf32, #tpu.memory_space<vmem>>) target(%dma_start3A_54 : memref<16x1024xf32, #tpu.memory_space<hbm>>) target_semaphore(%arg17 : memref<!tpu.dma_semaphore, #tpu.memory_space<semaphore_mem>>)
    %add3A_55 = arith.constant 12288 : i32
    %add3A_56 = arith.addi %add3A_55, %mul3A_2 : i32
    %add3A_57 = arith.constant 0 : i32
    %add3A_58 = arith.addi %add3A_56, %add3A_57 : i32
    %dma_start3A_59 = arith.constant 0 : i32
    %dma_start3A_60 = tpu.memref_slice %arg2[%add3A_58, %dma_start3A_59] : memref<16384x1024xf32, #tpu.memory_space<hbm>> -> memref<16x1024xf32, #tpu.memory_space<hbm>>
    %dma_start3A_61 = arith.constant 0 : i32
    %dma_start3A_62 = tpu.memref_slice %arg2[%add3A_58, %dma_start3A_61] : memref<16384x1024xf32, #tpu.memory_space<hbm>> -> memref<16x1024xf32, #tpu.memory_space<hbm>>
    tpu.enqueue_dma source(%dma_start3A_62 : memref<16x1024xf32, #tpu.memory_space<hbm>>) target(%arg8 : memref<16x1024xf32, #tpu.memory_space<vmem>>) target_semaphore(%arg15 : memref<!tpu.dma_semaphore, #tpu.memory_space<semaphore_mem>>)
    %dma_wait3A_63 = arith.constant 0 : i32
    %dma_wait3A_64 = tpu.memref_slice %arg2[%add3A_25, %dma_wait3A_63] : memref<16384x1024xf32, #tpu.memory_space<hbm>> -> memref<16x1024xf32, #tpu.memory_space<hbm>>
    %dma_wait3A_65 = arith.constant 0 : i32
    %dma_wait3A_66 = tpu.memref_slice %arg2[%add3A_25, %dma_wait3A_65] : memref<16384x1024xf32, #tpu.memory_space<hbm>> -> memref<16x1024xf32, #tpu.memory_space<hbm>>
    tpu.wait_dma2 semaphore(%arg13 : memref<!tpu.dma_semaphore, #tpu.memory_space<semaphore_mem>>) src(%dma_wait3A_66 : memref<16x1024xf32, #tpu.memory_space<hbm>>) dst(%arg6 : memref<16x1024xf32, #tpu.memory_space<vmem>>)
    %parallel_loop3A_67 = arith.constant 0 : i32
    %parallel_loop3A_68 = arith.constant 16 : i32
    %parallel_loop3A_69 = arith.constant 1 : i32
    scf.for %parallel_loop3A_944 = %parallel_loop3A_67 to %parallel_loop3A_68 step %parallel_loop3A_69  : i32 {
      %parallel_loop3A_945 = arith.constant 0 : i32
      %parallel_loop3A_946 = arith.constant 1024 : i32
      %parallel_loop3A_947 = arith.constant 16 : i32
      scf.for %parallel_loop3A_948 = %parallel_loop3A_945 to %parallel_loop3A_946 step %parallel_loop3A_947  : i32 {
        %parallel_loop3A_949 = arith.index_cast %parallel_loop3A_944 : i32 to index
        %parallel_loop3A_950 = arith.index_cast %parallel_loop3A_948 : i32 to index
        %parallel_loop3A_951 = tpu.vector_load %arg10[%parallel_loop3A_949, %parallel_loop3A_950] {strides = array<i32>} : memref<16x1024xf32, #tpu.memory_space<vmem>>, vector<1x16xf32>,
        %parallel_loop3A_952 = vector.shape_cast %parallel_loop3A_951 : vector<1x16xf32> to vector<16xf32>
        %parallel_loop3A_953 = arith.index_cast %parallel_loop3A_944 : i32 to index
        %parallel_loop3A_954 = arith.index_cast %parallel_loop3A_948 : i32 to index
        %parallel_loop3A_955 = tpu.vector_load %arg6[%parallel_loop3A_953, %parallel_loop3A_954] {strides = array<i32>} : memref<16x1024xf32, #tpu.memory_space<vmem>>, vector<1x16xf32>,
        %parallel_loop3A_956 = vector.shape_cast %parallel_loop3A_955 : vector<1x16xf32> to vector<16xf32>
        %parallel_loop3A_957 = vector.shape_cast %parallel_loop3A_952 : vector<16xf32> to vector<1x16xf32>
        tpu.vector_store %arg6[%parallel_loop3A_953, %parallel_loop3A_954], %parallel_loop3A_957 {add = true, strides = array<i32>} : memref<16x1024xf32, #tpu.memory_space<vmem>>, vector<1x16xf32>,
      } {sc.loop_unroll_factor = 8 : i64, sc.parallel_access}
    } {sc.loop_unroll_factor = 2 : i64, sc.parallel_access}
    %add3A_70 = arith.constant 4096 : i32
    %add3A_71 = arith.addi %add3A_70, %mul3A_2 : i32
    %add3A_72 = arith.constant 0 : i32
    %add3A_73 = arith.addi %add3A_71, %add3A_72 : i32
    %dma_start3A_74 = arith.constant 0 : i32
    %dma_start3A_75 = tpu.memref_slice %arg4[%add3A_73, %dma_start3A_74] : memref<16384x1024xf32, #tpu.memory_space<hbm>> -> memref<16x1024xf32, #tpu.memory_space<hbm>>
    %dma_start3A_76 = arith.constant 0 : i32
    %dma_start3A_77 = tpu.memref_slice %arg4[%add3A_73, %dma_start3A_76] : memref<16384x1024xf32, #tpu.memory_space<hbm>> -> memref<16x1024xf32, #tpu.memory_space<hbm>>
    tpu.enqueue_dma source(%arg6 : memref<16x1024xf32, #tpu.memory_space<vmem>>) target(%dma_start3A_77 : memref<16x1024xf32, #tpu.memory_space<hbm>>) target_semaphore(%arg18 : memref<!tpu.dma_semaphore, #tpu.memory_space<semaphore_mem>>)
    %add3A_78 = arith.constant 0 : i32
    %add3A_79 = arith.addi %add3A_78, %mul3A_2 : i32
    %add3A_80 = arith.constant 16 : i32
    %add3A_81 = arith.addi %add3A_79, %add3A_80 : i32
    %dma_start3A_82 = arith.constant 0 : i32
    %dma_start3A_83 = tpu.memref_slice %arg2[%add3A_81, %dma_start3A_82] : memref<16384x1024xf32, #tpu.memory_space<hbm>> -> memref<16x1024xf32, #tpu.memory_space<hbm>>
    %dma_start3A_84 = arith.constant 0 : i32
    %dma_start3A_85 = tpu.memref_slice %arg2[%add3A_81, %dma_start3A_84] : memref<16384x1024xf32, #tpu.memory_space<hbm>> -> memref<16x1024xf32, #tpu.memory_space<hbm>>
    tpu.enqueue_dma source(%dma_start3A_85 : memref<16x1024xf32, #tpu.memory_space<hbm>>) target(%arg9 : memref<16x1024xf32, #tpu.memory_space<vmem>>) target_semaphore(%arg16 : memref<!tpu.dma_semaphore, #tpu.memory_space<semaphore_mem>>)
    %dma_wait3A_86 = arith.constant 0 : i32
    %dma_wait3A_87 = tpu.memref_slice %arg2[%add3A_33, %dma_wait3A_86] : memref<16384x1024xf32, #tpu.memory_space<hbm>> -> memref<16x1024xf32, #tpu.memory_space<hbm>>
    %dma_wait3A_88 = arith.constant 0 : i32
    %dma_wait3A_89 = tpu.memref_slice %arg2[%add3A_33, %dma_wait3A_88] : memref<16384x1024xf32, #tpu.memory_space<hbm>> -> memref<16x1024xf32, #tpu.memory_space<hbm>>
    tpu.wait_dma2 semaphore(%arg14 : memref<!tpu.dma_semaphore, #tpu.memory_space<semaphore_mem>>) src(%dma_wait3A_89 : memref<16x1024xf32, #tpu.memory_space<hbm>>) dst(%arg7 : memref<16x1024xf32, #tpu.memory_space<vmem>>)
    %parallel_loop3A_90 = arith.constant 0 : i32
    %parallel_loop3A_91 = arith.constant 16 : i32
    %parallel_loop3A_92 = arith.constant 1 : i32
    scf.for %parallel_loop3A_944 = %parallel_loop3A_90 to %parallel_loop3A_91 step %parallel_loop3A_92  : i32 {
      %parallel_loop3A_945 = arith.constant 0 : i32
      %parallel_loop3A_946 = arith.constant 1024 : i32
      %parallel_loop3A_947 = arith.constant 16 : i32
      scf.for %parallel_loop3A_948 = %parallel_loop3A_945 to %parallel_loop3A_946 step %parallel_loop3A_947  : i32 {
        %parallel_loop3A_949 = arith.index_cast %parallel_loop3A_944 : i32 to index
        %parallel_loop3A_950 = arith.index_cast %parallel_loop3A_948 : i32 to index
        %parallel_loop3A_951 = tpu.vector_load %arg10[%parallel_loop3A_949, %parallel_loop3A_950] {strides = array<i32>} : memref<16x1024xf32, #tpu.memory_space<vmem>>, vector<1x16xf32>,
        %parallel_loop3A_952 = vector.shape_cast %parallel_loop3A_951 : vector<1x16xf32> to vector<16xf32>
        %parallel_loop3A_953 = arith.index_cast %parallel_loop3A_944 : i32 to index
        %parallel_loop3A_954 = arith.index_cast %parallel_loop3A_948 : i32 to index
        %parallel_loop3A_955 = tpu.vector_load %arg7[%parallel_loop3A_953, %parallel_loop3A_954] {strides = array<i32>} : memref<16x1024xf32, #tpu.memory_space<vmem>>, vector<1x16xf32>,
        %parallel_loop3A_956 = vector.shape_cast %parallel_loop3A_955 : vector<1x16xf32> to vector<16xf32>
        %parallel_loop3A_957 = vector.shape_cast %parallel_loop3A_952 : vector<16xf32> to vector<1x16xf32>
        tpu.vector_store %arg7[%parallel_loop3A_953, %parallel_loop3A_954], %parallel_loop3A_957 {add = true, strides = array<i32>} : memref<16x1024xf32, #tpu.memory_space<vmem>>, vector<1x16xf32>,
      } {sc.loop_unroll_factor = 8 : i64, sc.parallel_access}
    } {sc.loop_unroll_factor = 2 : i64, sc.parallel_access}
    %add3A_93 = arith.constant 8192 : i32
    %add3A_94 = arith.addi %add3A_93, %mul3A_2 : i32
    %add3A_95 = arith.constant 0 : i32
    %add3A_96 = arith.addi %add3A_94, %add3A_95 : i32
    %dma_start3A_97 = arith.constant 0 : i32
    %dma_start3A_98 = tpu.memref_slice %arg4[%add3A_96, %dma_start3A_97] : memref<16384x1024xf32, #tpu.memory_space<hbm>> -> memref<16x1024xf32, #tpu.memory_space<hbm>>
    %dma_start3A_99 = arith.constant 0 : i32
    %dma_start3A_100 = tpu.memref_slice %arg4[%add3A_96, %dma_start3A_99] : memref<16384x1024xf32, #tpu.memory_space<hbm>> -> memref<16x1024xf32, #tpu.memory_space<hbm>>
    tpu.enqueue_dma source(%arg7 : memref<16x1024xf32, #tpu.memory_space<vmem>>) target(%dma_start3A_100 : memref<16x1024xf32, #tpu.memory_space<hbm>>) target_semaphore(%arg19 : memref<!tpu.dma_semaphore, #tpu.memory_space<semaphore_mem>>)
    %dma_wait3A_101 = arith.constant 0 : i32
    %dma_wait3A_102 = tpu.memref_slice %arg4[%add3A_50, %dma_wait3A_101] : memref<16384x1024xf32, #tpu.memory_space<hbm>> -> memref<16x1024xf32, #tpu.memory_space<hbm>>
    %dma_wait3A_103 = arith.constant 0 : i32
    %dma_wait3A_104 = tpu.memref_slice %arg4[%add3A_50, %dma_wait3A_103] : memref<16384x1024xf32, #tpu.memory_space<hbm>> -> memref<16x1024xf32, #tpu.memory_space<hbm>>
    tpu.wait_dma2 semaphore(%arg17 : memref<!tpu.dma_semaphore, #tpu.memory_space<semaphore_mem>>) src(%arg5 : memref<16x1024xf32, #tpu.memory_space<vmem>>) dst(%dma_wait3A_104 : memref<16x1024xf32, #tpu.memory_space<hbm>>)
    %add3A_105 = arith.constant 4096 : i32
    %add3A_106 = arith.addi %add3A_105, %mul3A_2 : i32
    %add3A_107 = arith.constant 16 : i32
    %add3A_108 = arith.addi %add3A_106, %add3A_107 : i32
    %dma_start3A_109 = arith.constant 0 : i32
    %dma_start3A_110 = tpu.memref_slice %arg2[%add3A_108, %dma_start3A_109] : memref<16384x1024xf32, #tpu.memory_space<hbm>> -> memref<16x1024xf32, #tpu.memory_space<hbm>>
    %dma_start3A_111 = arith.constant 0 : i32
    %dma_start3A_112 = tpu.memref_slice %arg2[%add3A_108, %dma_start3A_111] : memref<16384x1024xf32, #tpu.memory_space<hbm>> -> memref<16x1024xf32, #tpu.memory_space<hbm>>
    tpu.enqueue_dma source(%dma_start3A_112 : memref<16x1024xf32, #tpu.memory_space<hbm>>) target(%arg5 : memref<16x1024xf32, #tpu.memory_space<vmem>>) target_semaphore(%arg12 : memref<!tpu.dma_semaphore, #tpu.memory_space<semaphore_mem>>)
    %dma_wait3A_113 = arith.constant 0 : i32
    %dma_wait3A_114 = tpu.memref_slice %arg2[%add3A_58, %dma_wait3A_113] : memref<16384x1024xf32, #tpu.memory_space<hbm>> -> memref<16x1024xf32, #tpu.memory_space<hbm>>
    %dma_wait3A_115 = arith.constant 0 : i32
    %dma_wait3A_116 = tpu.memref_slice %arg2[%add3A_58, %dma_wait3A_115] : memref<16384x1024xf32, #tpu.memory_space<hbm>> -> memref<16x1024xf32, #tpu.memory_space<hbm>>
    tpu.wait_dma2 semaphore(%arg15 : memref<!tpu.dma_semaphore, #tpu.memory_space<semaphore_mem>>) src(%dma_wait3A_116 : memref<16x1024xf32, #tpu.memory_space<hbm>>) dst(%arg8 : memref<16x1024xf32, #tpu.memory_space<vmem>>)
    %parallel_loop3A_117 = arith.constant 0 : i32
    %parallel_loop3A_118 = arith.constant 16 : i32
    %parallel_loop3A_119 = arith.constant 1 : i32
    scf.for %parallel_loop3A_944 = %parallel_loop3A_117 to %parallel_loop3A_118 step %parallel_loop3A_119  : i32 {
      %parallel_loop3A_945 = arith.constant 0 : i32
      %parallel_loop3A_946 = arith.constant 1024 : i32
      %parallel_loop3A_947 = arith.constant 16 : i32
      scf.for %parallel_loop3A_948 = %parallel_loop3A_945 to %parallel_loop3A_946 step %parallel_loop3A_947  : i32 {
        %parallel_loop3A_949 = arith.index_cast %parallel_loop3A_944 : i32 to index
        %parallel_loop3A_950 = arith.index_cast %parallel_loop3A_948 : i32 to index
        %parallel_loop3A_951 = tpu.vector_load %arg10[%parallel_loop3A_949, %parallel_loop3A_950] {strides = array<i32>} : memref<16x1024xf32, #tpu.memory_space<vmem>>, vector<1x16xf32>,
        %parallel_loop3A_952 = vector.shape_cast %parallel_loop3A_951 : vector<1x16xf32> to vector<16xf32>
        %parallel_loop3A_953 = arith.index_cast %parallel_loop3A_944 : i32 to index
        %parallel_loop3A_954 = arith.index_cast %parallel_loop3A_948 : i32 to index
        %parallel_loop3A_955 = tpu.vector_load %arg8[%parallel_loop3A_953, %parallel_loop3A_954] {strides = array<i32>} : memref<16x1024xf32, #tpu.memory_space<vmem>>, vector<1x16xf32>,
        %parallel_loop3A_956 = vector.shape_cast %parallel_loop3A_955 : vector<1x16xf32> to vector<16xf32>
        %parallel_loop3A_957 = vector.shape_cast %parallel_loop3A_952 : vector<16xf32> to vector<1x16xf32>
        tpu.vector_store %arg8[%parallel_loop3A_953, %parallel_loop3A_954], %parallel_loop3A_957 {add = true, strides = array<i32>} : memref<16x1024xf32, #tpu.memory_space<vmem>>, vector<1x16xf32>,
      } {sc.loop_unroll_factor = 8 : i64, sc.parallel_access}
    } {sc.loop_unroll_factor = 2 : i64, sc.parallel_access}
    %add3A_120 = arith.constant 12288 : i32
    %add3A_121 = arith.addi %add3A_120, %mul3A_2 : i32
    %add3A_122 = arith.constant 0 : i32
    %add3A_123 = arith.addi %add3A_121, %add3A_122 : i32
    %dma_start3A_124 = arith.constant 0 : i32
    %dma_start3A_125 = tpu.memref_slice %arg4[%add3A_123, %dma_start3A_124] : memref<16384x1024xf32, #tpu.memory_space<hbm>> -> memref<16x1024xf32, #tpu.memory_space<hbm>>
    %dma_start3A_126 = arith.constant 0 : i32
    %dma_start3A_127 = tpu.memref_slice %arg4[%add3A_123, %dma_start3A_126] : memref<16384x1024xf32, #tpu.memory_space<hbm>> -> memref<16x1024xf32, #tpu.memory_space<hbm>>
    tpu.enqueue_dma source(%arg8 : memref<16x1024xf32, #tpu.memory_space<vmem>>) target(%dma_start3A_127 : memref<16x1024xf32, #tpu.memory_space<hbm>>) target_semaphore(%arg20 : memref<!tpu.dma_semaphore, #tpu.memory_space<semaphore_mem>>)
    %add3A_128 = arith.constant 32 : i32
    %add3A_129 = arith.addi %mul3A_2, %add3A_128 : i32
    %dma_start3A_130 = arith.constant 0 : i32
    %dma_start3A_131 = tpu.memref_slice %arg3[%add3A_129, %dma_start3A_130] : memref<8192x1024xf32, #tpu.memory_space<hbm>> -> memref<16x1024xf32, #tpu.memory_space<hbm>>
    %dma_start3A_132 = arith.constant 0 : i32
    %dma_start3A_133 = tpu.memref_slice %arg3[%add3A_129, %dma_start3A_132] : memref<8192x1024xf32, #tpu.memory_space<hbm>> -> memref<16x1024xf32, #tpu.memory_space<hbm>>
    tpu.enqueue_dma source(%dma_start3A_133 : memref<16x1024xf32, #tpu.memory_space<hbm>>) target(%arg10 : memref<16x1024xf32, #tpu.memory_space<vmem>>) target_semaphore(%arg22 : memref<!tpu.dma_semaphore, #tpu.memory_space<semaphore_mem>>)
    %dma_wait3A_134 = arith.constant 0 : i32
    %dma_wait3A_135 = tpu.memref_slice %arg4[%add3A_73, %dma_wait3A_134] : memref<16384x1024xf32, #tpu.memory_space<hbm>> -> memref<16x1024xf32, #tpu.memory_space<hbm>>
    %dma_wait3A_136 = arith.constant 0 : i32
    %dma_wait3A_137 = tpu.memref_slice %arg4[%add3A_73, %dma_wait3A_136] : memref<16384x1024xf32, #tpu.memory_space<hbm>> -> memref<16x1024xf32, #tpu.memory_space<hbm>>
    tpu.wait_dma2 semaphore(%arg18 : memref<!tpu.dma_semaphore, #tpu.memory_space<semaphore_mem>>) src(%arg6 : memref<16x1024xf32, #tpu.memory_space<vmem>>) dst(%dma_wait3A_137 : memref<16x1024xf32, #tpu.memory_space<hbm>>)
    %add3A_138 = arith.constant 8192 : i32
    %add3A_139 = arith.addi %add3A_138, %mul3A_2 : i32
    %add3A_140 = arith.constant 16 : i32
    %add3A_141 = arith.addi %add3A_139, %add3A_140 : i32
    %dma_start3A_142 = arith.constant 0 : i32
    %dma_start3A_143 = tpu.memref_slice %arg2[%add3A_141, %dma_start3A_142] : memref<16384x1024xf32, #tpu.memory_space<hbm>> -> memref<16x1024xf32, #tpu.memory_space<hbm>>
    %dma_start3A_144 = arith.constant 0 : i32
    %dma_start3A_145 = tpu.memref_slice %arg2[%add3A_141, %dma_start3A_144] : memref<16384x1024xf32, #tpu.memory_space<hbm>> -> memref<16x1024xf32, #tpu.memory_space<hbm>>
    tpu.enqueue_dma source(%dma_start3A_145 : memref<16x1024xf32, #tpu.memory_space<hbm>>) target(%arg6 : memref<16x1024xf32, #tpu.memory_space<vmem>>) target_semaphore(%arg13 : memref<!tpu.dma_semaphore, #tpu.memory_space<semaphore_mem>>)
    %dma_wait3A_146 = arith.constant 0 : i32
    %dma_wait3A_147 = tpu.memref_slice %arg3[%add3A_9, %dma_wait3A_146] : memref<8192x1024xf32, #tpu.memory_space<hbm>> -> memref<16x1024xf32, #tpu.memory_space<hbm>>
    %dma_wait3A_148 = arith.constant 0 : i32
    %dma_wait3A_149 = tpu.memref_slice %arg3[%add3A_9, %dma_wait3A_148] : memref<8192x1024xf32, #tpu.memory_space<hbm>> -> memref<16x1024xf32, #tpu.memory_space<hbm>>
    tpu.wait_dma2 semaphore(%arg23 : memref<!tpu.dma_semaphore, #tpu.memory_space<semaphore_mem>>) src(%dma_wait3A_149 : memref<16x1024xf32, #tpu.memory_space<hbm>>) dst(%arg11 : memref<16x1024xf32, #tpu.memory_space<vmem>>)
    %dma_wait3A_150 = arith.constant 0 : i32
    %dma_wait3A_151 = tpu.memref_slice %arg2[%add3A_81, %dma_wait3A_150] : memref<16384x1024xf32, #tpu.memory_space<hbm>> -> memref<16x1024xf32, #tpu.memory_space<hbm>>
    %dma_wait3A_152 = arith.constant 0 : i32
    %dma_wait3A_153 = tpu.memref_slice %arg2[%add3A_81, %dma_wait3A_152] : memref<16384x1024xf32, #tpu.memory_space<hbm>> -> memref<16x1024xf32, #tpu.memory_space<hbm>>
    tpu.wait_dma2 semaphore(%arg16 : memref<!tpu.dma_semaphore, #tpu.memory_space<semaphore_mem>>) src(%dma_wait3A_153 : memref<16x1024xf32, #tpu.memory_space<hbm>>) dst(%arg9 : memref<16x1024xf32, #tpu.memory_space<vmem>>)
    %parallel_loop3A_154 = arith.constant 0 : i32
    %parallel_loop3A_155 = arith.constant 16 : i32
    %parallel_loop3A_156 = arith.constant 1 : i32
    scf.for %parallel_loop3A_944 = %parallel_loop3A_154 to %parallel_loop3A_155 step %parallel_loop3A_156  : i32 {
      %parallel_loop3A_945 = arith.constant 0 : i32
      %parallel_loop3A_946 = arith.constant 1024 : i32
      %parallel_loop3A_947 = arith.constant 16 : i32
      scf.for %parallel_loop3A_948 = %parallel_loop3A_945 to %parallel_loop3A_946 step %parallel_loop3A_947  : i32 {
        %parallel_loop3A_949 = arith.index_cast %parallel_loop3A_944 : i32 to index
        %parallel_loop3A_950 = arith.index_cast %parallel_loop3A_948 : i32 to index
        %parallel_loop3A_951 = tpu.vector_load %arg11[%parallel_loop3A_949, %parallel_loop3A_950] {strides = array<i32>} : memref<16x1024xf32, #tpu.memory_space<vmem>>, vector<1x16xf32>,
        %parallel_loop3A_952 = vector.shape_cast %parallel_loop3A_951 : vector<1x16xf32> to vector<16xf32>
        %parallel_loop3A_953 = arith.index_cast %parallel_loop3A_944 : i32 to index
        %parallel_loop3A_954 = arith.index_cast %parallel_loop3A_948 : i32 to index
        %parallel_loop3A_955 = tpu.vector_load %arg9[%parallel_loop3A_953, %parallel_loop3A_954] {strides = array<i32>} : memref<16x1024xf32, #tpu.memory_space<vmem>>, vector<1x16xf32>,
        %parallel_loop3A_956 = vector.shape_cast %parallel_loop3A_955 : vector<1x16xf32> to vector<16xf32>
        %parallel_loop3A_957 = vector.shape_cast %parallel_loop3A_952 : vector<16xf32> to vector<1x16xf32>
        tpu.vector_store %arg9[%parallel_loop3A_953, %parallel_loop3A_954], %parallel_loop3A_957 {add = true, strides = array<i32>} : memref<16x1024xf32, #tpu.memory_space<vmem>>, vector<1x16xf32>,
      } {sc.loop_unroll_factor = 8 : i64, sc.parallel_access}
    } {sc.loop_unroll_factor = 2 : i64, sc.parallel_access}
    %add3A_157 = arith.constant 0 : i32
    %add3A_158 = arith.addi %add3A_157, %mul3A_2 : i32
    %add3A_159 = arith.constant 16 : i32
    %add3A_160 = arith.addi %add3A_158, %add3A_159 : i32
    %dma_start3A_161 = arith.constant 0 : i32
    %dma_start3A_162 = tpu.memref_slice %arg4[%add3A_160, %dma_start3A_161] : memref<16384x1024xf32, #tpu.memory_space<hbm>> -> memref<16x1024xf32, #tpu.memory_space<hbm>>
    %dma_start3A_163 = arith.constant 0 : i32
    %dma_start3A_164 = tpu.memref_slice %arg4[%add3A_160, %dma_start3A_163] : memref<16384x1024xf32, #tpu.memory_space<hbm>> -> memref<16x1024xf32, #tpu.memory_space<hbm>>
    tpu.enqueue_dma source(%arg9 : memref<16x1024xf32, #tpu.memory_space<vmem>>) target(%dma_start3A_164 : memref<16x1024xf32, #tpu.memory_space<hbm>>) target_semaphore(%arg21 : memref<!tpu.dma_semaphore, #tpu.memory_space<semaphore_mem>>)
    %dma_wait3A_165 = arith.constant 0 : i32
    %dma_wait3A_166 = tpu.memref_slice %arg4[%add3A_96, %dma_wait3A_165] : memref<16384x1024xf32, #tpu.memory_space<hbm>> -> memref<16x1024xf32, #tpu.memory_space<hbm>>
    %dma_wait3A_167 = arith.constant 0 : i32
    %dma_wait3A_168 = tpu.memref_slice %arg4[%add3A_96, %dma_wait3A_167] : memref<16384x1024xf32, #tpu.memory_space<hbm>> -> memref<16x1024xf32, #tpu.memory_space<hbm>>
    tpu.wait_dma2 semaphore(%arg19 : memref<!tpu.dma_semaphore, #tpu.memory_space<semaphore_mem>>) src(%arg7 : memref<16x1024xf32, #tpu.memory_space<vmem>>) dst(%dma_wait3A_168 : memref<16x1024xf32, #tpu.memory_space<hbm>>)
    %add3A_169 = arith.constant 12288 : i32
    %add3A_170 = arith.addi %add3A_169, %mul3A_2 : i32
    %add3A_171 = arith.constant 16 : i32
    %add3A_172 = arith.addi %add3A_170, %add3A_171 : i32
    %dma_start3A_173 = arith.constant 0 : i32
    %dma_start3A_174 = tpu.memref_slice %arg2[%add3A_172, %dma_start3A_173] : memref<16384x1024xf32, #tpu.memory_space<hbm>> -> memref<16x1024xf32, #tpu.memory_space<hbm>>
    %dma_start3A_175 = arith.constant 0 : i32
    %dma_start3A_176 = tpu.memref_slice %arg2[%add3A_172, %dma_start3A_175] : memref<16384x1024xf32, #tpu.memory_space<hbm>> -> memref<16x1024xf32, #tpu.memory_space<hbm>>
    tpu.enqueue_dma source(%dma_start3A_176 : memref<16x1024xf32, #tpu.memory_space<hbm>>) target(%arg7 : memref<16x1024xf32, #tpu.memory_space<vmem>>) target_semaphore(%arg14 : memref<!tpu.dma_semaphore, #tpu.memory_space<semaphore_mem>>)
    %dma_wait3A_177 = arith.constant 0 : i32
    %dma_wait3A_178 = tpu.memref_slice %arg2[%add3A_108, %dma_wait3A_177] : memref<16384x1024xf32, #tpu.memory_space<hbm>> -> memref<16x1024xf32, #tpu.memory_space<hbm>>
    %dma_wait3A_179 = arith.constant 0 : i32
    %dma_wait3A_180 = tpu.memref_slice %arg2[%add3A_108, %dma_wait3A_179] : memref<16384x1024xf32, #tpu.memory_space<hbm>> -> memref<16x1024xf32, #tpu.memory_space<hbm>>
    tpu.wait_dma2 semaphore(%arg12 : memref<!tpu.dma_semaphore, #tpu.memory_space<semaphore_mem>>) src(%dma_wait3A_180 : memref<16x1024xf32, #tpu.memory_space<hbm>>) dst(%arg5 : memref<16x1024xf32, #tpu.memory_space<vmem>>)
    %parallel_loop3A_181 = arith.constant 0 : i32
    %parallel_loop3A_182 = arith.constant 16 : i32
    %parallel_loop3A_183 = arith.constant 1 : i32
    scf.for %parallel_loop3A_944 = %parallel_loop3A_181 to %parallel_loop3A_182 step %parallel_loop3A_183  : i32 {
      %parallel_loop3A_945 = arith.constant 0 : i32
      %parallel_loop3A_946 = arith.constant 1024 : i32
      %parallel_loop3A_947 = arith.constant 16 : i32
      scf.for %parallel_loop3A_948 = %parallel_loop3A_945 to %parallel_loop3A_946 step %parallel_loop3A_947  : i32 {
        %parallel_loop3A_949 = arith.index_cast %parallel_loop3A_944 : i32 to index
        %parallel_loop3A_950 = arith.index_cast %parallel_loop3A_948 : i32 to index
        %parallel_loop3A_951 = tpu.vector_load %arg11[%parallel_loop3A_949, %parallel_loop3A_950] {strides = array<i32>} : memref<16x1024xf32, #tpu.memory_space<vmem>>, vector<1x16xf32>,
        %parallel_loop3A_952 = vector.shape_cast %parallel_loop3A_951 : vector<1x16xf32> to vector<16xf32>
        %parallel_loop3A_953 = arith.index_cast %parallel_loop3A_944 : i32 to index
        %parallel_loop3A_954 = arith.index_cast %parallel_loop3A_948 : i32 to index
        %parallel_loop3A_955 = tpu.vector_load %arg5[%parallel_loop3A_953, %parallel_loop3A_954] {strides = array<i32>} : memref<16x1024xf32, #tpu.memory_space<vmem>>, vector<1x16xf32>,
        %parallel_loop3A_956 = vector.shape_cast %parallel_loop3A_955 : vector<1x16xf32> to vector<16xf32>
        %parallel_loop3A_957 = vector.shape_cast %parallel_loop3A_952 : vector<16xf32> to vector<1x16xf32>
        tpu.vector_store %arg5[%parallel_loop3A_953, %parallel_loop3A_954], %parallel_loop3A_957 {add = true, strides = array<i32>} : memref<16x1024xf32, #tpu.memory_space<vmem>>, vector<1x16xf32>,
      } {sc.loop_unroll_factor = 8 : i64, sc.parallel_access}
    } {sc.loop_unroll_factor = 2 : i64, sc.parallel_access}
    %add3A_184 = arith.constant 4096 : i32
    %add3A_185 = arith.addi %add3A_184, %mul3A_2 : i32
    %add3A_186 = arith.constant 16 : i32
    %add3A_187 = arith.addi %add3A_185, %add3A_186 : i32
    %dma_start3A_188 = arith.constant 0 : i32
    %dma_start3A_189 = tpu.memref_slice %arg4[%add3A_187, %dma_start3A_188] : memref<16384x1024xf32, #tpu.memory_space<hbm>> -> memref<16x1024xf32, #tpu.memory_space<hbm>>
    %dma_start3A_190 = arith.constant 0 : i32
    %dma_start3A_191 = tpu.memref_slice %arg4[%add3A_187, %dma_start3A_190] : memref<16384x1024xf32, #tpu.memory_space<hbm>> -> memref<16x1024xf32, #tpu.memory_space<hbm>>
    tpu.enqueue_dma source(%arg5 : memref<16x1024xf32, #tpu.memory_space<vmem>>) target(%dma_start3A_191 : memref<16x1024xf32, #tpu.memory_space<hbm>>) target_semaphore(%arg17 : memref<!tpu.dma_semaphore, #tpu.memory_space<semaphore_mem>>)
    %dma_wait3A_192 = arith.constant 0 : i32
    %dma_wait3A_193 = tpu.memref_slice %arg4[%add3A_123, %dma_wait3A_192] : memref<16384x1024xf32, #tpu.memory_space<hbm>> -> memref<16x1024xf32, #tpu.memory_space<hbm>>
    %dma_wait3A_194 = arith.constant 0 : i32
    %dma_wait3A_195 = tpu.memref_slice %arg4[%add3A_123, %dma_wait3A_194] : memref<16384x1024xf32, #tpu.memory_space<hbm>> -> memref<16x1024xf32, #tpu.memory_space<hbm>>
    tpu.wait_dma2 semaphore(%arg20 : memref<!tpu.dma_semaphore, #tpu.memory_space<semaphore_mem>>) src(%arg8 : memref<16x1024xf32, #tpu.memory_space<vmem>>) dst(%dma_wait3A_195 : memref<16x1024xf32, #tpu.memory_space<hbm>>)
    %add3A_196 = arith.constant 0 : i32
    %add3A_197 = arith.addi %add3A_196, %mul3A_2 : i32
    %add3A_198 = arith.constant 32 : i32
    %add3A_199 = arith.addi %add3A_197, %add3A_198 : i32
    %dma_start3A_200 = arith.constant 0 : i32
    %dma_start3A_201 = tpu.memref_slice %arg2[%add3A_199, %dma_start3A_200] : memref<16384x1024xf32, #tpu.memory_space<hbm>> -> memref<16x1024xf32, #tpu.memory_space<hbm>>
    %dma_start3A_202 = arith.constant 0 : i32
    %dma_start3A_203 = tpu.memref_slice %arg2[%add3A_199, %dma_start3A_202] : memref<16384x1024xf32, #tpu.memory_space<hbm>> -> memref<16x1024xf32, #tpu.memory_space<hbm>>
    tpu.enqueue_dma source(%dma_start3A_203 : memref<16x1024xf32, #tpu.memory_space<hbm>>) target(%arg8 : memref<16x1024xf32, #tpu.memory_space<vmem>>) target_semaphore(%arg15 : memref<!tpu.dma_semaphore, #tpu.memory_space<semaphore_mem>>)
    %dma_wait3A_204 = arith.constant 0 : i32
    %dma_wait3A_205 = tpu.memref_slice %arg2[%add3A_141, %dma_wait3A_204] : memref<16384x1024xf32, #tpu.memory_space<hbm>> -> memref<16x1024xf32, #tpu.memory_space<hbm>>
    %dma_wait3A_206 = arith.constant 0 : i32
    %dma_wait3A_207 = tpu.memref_slice %arg2[%add3A_141, %dma_wait3A_206] : memref<16384x1024xf32, #tpu.memory_space<hbm>> -> memref<16x1024xf32, #tpu.memory_space<hbm>>
    tpu.wait_dma2 semaphore(%arg13 : memref<!tpu.dma_semaphore, #tpu.memory_space<semaphore_mem>>) src(%dma_wait3A_207 : memref<16x1024xf32, #tpu.memory_space<hbm>>) dst(%arg6 : memref<16x1024xf32, #tpu.memory_space<vmem>>)
    %parallel_loop3A_208 = arith.constant 0 : i32
    %parallel_loop3A_209 = arith.constant 16 : i32
    %parallel_loop3A_210 = arith.constant 1 : i32
    scf.for %parallel_loop3A_944 = %parallel_loop3A_208 to %parallel_loop3A_209 step %parallel_loop3A_210  : i32 {
      %parallel_loop3A_945 = arith.constant 0 : i32
      %parallel_loop3A_946 = arith.constant 1024 : i32
      %parallel_loop3A_947 = arith.constant 16 : i32
      scf.for %parallel_loop3A_948 = %parallel_loop3A_945 to %parallel_loop3A_946 step %parallel_loop3A_947  : i32 {
        %parallel_loop3A_949 = arith.index_cast %parallel_loop3A_944 : i32 to index
        %parallel_loop3A_950 = arith.index_cast %parallel_loop3A_948 : i32 to index
        %parallel_loop3A_951 = tpu.vector_load %arg11[%parallel_loop3A_949, %parallel_loop3A_950] {strides = array<i32>} : memref<16x1024xf32, #tpu.memory_space<vmem>>, vector<1x16xf32>,
        %parallel_loop3A_952 = vector.shape_cast %parallel_loop3A_951 : vector<1x16xf32> to vector<16xf32>
        %parallel_loop3A_953 = arith.index_cast %parallel_loop3A_944 : i32 to index
        %parallel_loop3A_954 = arith.index_cast %parallel_loop3A_948 : i32 to index
        %parallel_loop3A_955 = tpu.vector_load %arg6[%parallel_loop3A_953, %parallel_loop3A_954] {strides = array<i32>} : memref<16x1024xf32, #tpu.memory_space<vmem>>, vector<1x16xf32>,
        %parallel_loop3A_956 = vector.shape_cast %parallel_loop3A_955 : vector<1x16xf32> to vector<16xf32>
        %parallel_loop3A_957 = vector.shape_cast %parallel_loop3A_952 : vector<16xf32> to vector<1x16xf32>
        tpu.vector_store %arg6[%parallel_loop3A_953, %parallel_loop3A_954], %parallel_loop3A_957 {add = true, strides = array<i32>} : memref<16x1024xf32, #tpu.memory_space<vmem>>, vector<1x16xf32>,
      } {sc.loop_unroll_factor = 8 : i64, sc.parallel_access}
    } {sc.loop_unroll_factor = 2 : i64, sc.parallel_access}
    %add3A_211 = arith.constant 8192 : i32
    %add3A_212 = arith.addi %add3A_211, %mul3A_2 : i32
    %add3A_213 = arith.constant 16 : i32
    %add3A_214 = arith.addi %add3A_212, %add3A_213 : i32
    %dma_start3A_215 = arith.constant 0 : i32
    %dma_start3A_216 = tpu.memref_slice %arg4[%add3A_214, %dma_start3A_215] : memref<16384x1024xf32, #tpu.memory_space<hbm>> -> memref<16x1024xf32, #tpu.memory_space<hbm>>
    %dma_start3A_217 = arith.constant 0 : i32
    %dma_start3A_218 = tpu.memref_slice %arg4[%add3A_214, %dma_start3A_217] : memref<16384x1024xf32, #tpu.memory_space<hbm>> -> memref<16x1024xf32, #tpu.memory_space<hbm>>
    tpu.enqueue_dma source(%arg6 : memref<16x1024xf32, #tpu.memory_space<vmem>>) target(%dma_start3A_218 : memref<16x1024xf32, #tpu.memory_space<hbm>>) target_semaphore(%arg18 : memref<!tpu.dma_semaphore, #tpu.memory_space<semaphore_mem>>)
    %dma_wait3A_219 = arith.constant 0 : i32
    %dma_wait3A_220 = tpu.memref_slice %arg4[%add3A_160, %dma_wait3A_219] : memref<16384x1024xf32, #tpu.memory_space<hbm>> -> memref<16x1024xf32, #tpu.memory_space<hbm>>
    %dma_wait3A_221 = arith.constant 0 : i32
    %dma_wait3A_222 = tpu.memref_slice %arg4[%add3A_160, %dma_wait3A_221] : memref<16384x1024xf32, #tpu.memory_space<hbm>> -> memref<16x1024xf32, #tpu.memory_space<hbm>>
    tpu.wait_dma2 semaphore(%arg21 : memref<!tpu.dma_semaphore, #tpu.memory_space<semaphore_mem>>) src(%arg9 : memref<16x1024xf32, #tpu.memory_space<vmem>>) dst(%dma_wait3A_222 : memref<16x1024xf32, #tpu.memory_space<hbm>>)
    %add3A_223 = arith.constant 4096 : i32
    %add3A_224 = arith.addi %add3A_223, %mul3A_2 : i32
    %add3A_225 = arith.constant 32 : i32
    %add3A_226 = arith.addi %add3A_224, %add3A_225 : i32
    %dma_start3A_227 = arith.constant 0 : i32
    %dma_start3A_228 = tpu.memref_slice %arg2[%add3A_226, %dma_start3A_227] : memref<16384x1024xf32, #tpu.memory_space<hbm>> -> memref<16x1024xf32, #tpu.memory_space<hbm>>
    %dma_start3A_229 = arith.constant 0 : i32
    %dma_start3A_230 = tpu.memref_slice %arg2[%add3A_226, %dma_start3A_229] : memref<16384x1024xf32, #tpu.memory_space<hbm>> -> memref<16x1024xf32, #tpu.memory_space<hbm>>
    tpu.enqueue_dma source(%dma_start3A_230 : memref<16x1024xf32, #tpu.memory_space<hbm>>) target(%arg9 : memref<16x1024xf32, #tpu.memory_space<vmem>>) target_semaphore(%arg16 : memref<!tpu.dma_semaphore, #tpu.memory_space<semaphore_mem>>)
    %dma_wait3A_231 = arith.constant 0 : i32
    %dma_wait3A_232 = tpu.memref_slice %arg2[%add3A_172, %dma_wait3A_231] : memref<16384x1024xf32, #tpu.memory_space<hbm>> -> memref<16x1024xf32, #tpu.memory_space<hbm>>
    %dma_wait3A_233 = arith.constant 0 : i32
    %dma_wait3A_234 = tpu.memref_slice %arg2[%add3A_172, %dma_wait3A_233] : memref<16384x1024xf32, #tpu.memory_space<hbm>> -> memref<16x1024xf32, #tpu.memory_space<hbm>>
    tpu.wait_dma2 semaphore(%arg14 : memref<!tpu.dma_semaphore, #tpu.memory_space<semaphore_mem>>) src(%dma_wait3A_234 : memref<16x1024xf32, #tpu.memory_space<hbm>>) dst(%arg7 : memref<16x1024xf32, #tpu.memory_space<vmem>>)
    %parallel_loop3A_235 = arith.constant 0 : i32
    %parallel_loop3A_236 = arith.constant 16 : i32
    %parallel_loop3A_237 = arith.constant 1 : i32
    scf.for %parallel_loop3A_944 = %parallel_loop3A_235 to %parallel_loop3A_236 step %parallel_loop3A_237  : i32 {
      %parallel_loop3A_945 = arith.constant 0 : i32
      %parallel_loop3A_946 = arith.constant 1024 : i32
      %parallel_loop3A_947 = arith.constant 16 : i32
      scf.for %parallel_loop3A_948 = %parallel_loop3A_945 to %parallel_loop3A_946 step %parallel_loop3A_947  : i32 {
        %parallel_loop3A_949 = arith.index_cast %parallel_loop3A_944 : i32 to index
        %parallel_loop3A_950 = arith.index_cast %parallel_loop3A_948 : i32 to index
        %parallel_loop3A_951 = tpu.vector_load %arg11[%parallel_loop3A_949, %parallel_loop3A_950] {strides = array<i32>} : memref<16x1024xf32, #tpu.memory_space<vmem>>, vector<1x16xf32>,
        %parallel_loop3A_952 = vector.shape_cast %parallel_loop3A_951 : vector<1x16xf32> to vector<16xf32>
        %parallel_loop3A_953 = arith.index_cast %parallel_loop3A_944 : i32 to index
        %parallel_loop3A_954 = arith.index_cast %parallel_loop3A_948 : i32 to index
        %parallel_loop3A_955 = tpu.vector_load %arg7[%parallel_loop3A_953, %parallel_loop3A_954] {strides = array<i32>} : memref<16x1024xf32, #tpu.memory_space<vmem>>, vector<1x16xf32>,
        %parallel_loop3A_956 = vector.shape_cast %parallel_loop3A_955 : vector<1x16xf32> to vector<16xf32>
        %parallel_loop3A_957 = vector.shape_cast %parallel_loop3A_952 : vector<16xf32> to vector<1x16xf32>
        tpu.vector_store %arg7[%parallel_loop3A_953, %parallel_loop3A_954], %parallel_loop3A_957 {add = true, strides = array<i32>} : memref<16x1024xf32, #tpu.memory_space<vmem>>, vector<1x16xf32>,
      } {sc.loop_unroll_factor = 8 : i64, sc.parallel_access}
    } {sc.loop_unroll_factor = 2 : i64, sc.parallel_access}
    %add3A_238 = arith.constant 12288 : i32
    %add3A_239 = arith.addi %add3A_238, %mul3A_2 : i32
    %add3A_240 = arith.constant 16 : i32
    %add3A_241 = arith.addi %add3A_239, %add3A_240 : i32
    %dma_start3A_242 = arith.constant 0 : i32
    %dma_start3A_243 = tpu.memref_slice %arg4[%add3A_241, %dma_start3A_242] : memref<16384x1024xf32, #tpu.memory_space<hbm>> -> memref<16x1024xf32, #tpu.memory_space<hbm>>
    %dma_start3A_244 = arith.constant 0 : i32
    %dma_start3A_245 = tpu.memref_slice %arg4[%add3A_241, %dma_start3A_244] : memref<16384x1024xf32, #tpu.memory_space<hbm>> -> memref<16x1024xf32, #tpu.memory_space<hbm>>
    tpu.enqueue_dma source(%arg7 : memref<16x1024xf32, #tpu.memory_space<vmem>>) target(%dma_start3A_245 : memref<16x1024xf32, #tpu.memory_space<hbm>>) target_semaphore(%arg19 : memref<!tpu.dma_semaphore, #tpu.memory_space<semaphore_mem>>)
    %add3A_246 = arith.constant 48 : i32
    %add3A_247 = arith.addi %mul3A_2, %add3A_246 : i32
    %dma_start3A_248 = arith.constant 0 : i32
    %dma_start3A_249 = tpu.memref_slice %arg3[%add3A_247, %dma_start3A_248] : memref<8192x1024xf32, #tpu.memory_space<hbm>> -> memref<16x1024xf32, #tpu.memory_space<hbm>>
    %dma_start3A_250 = arith.constant 0 : i32
    %dma_start3A_251 = tpu.memref_slice %arg3[%add3A_247, %dma_start3A_250] : memref<8192x1024xf32, #tpu.memory_space<hbm>> -> memref<16x1024xf32, #tpu.memory_space<hbm>>
    tpu.enqueue_dma source(%dma_start3A_251 : memref<16x1024xf32, #tpu.memory_space<hbm>>) target(%arg11 : memref<16x1024xf32, #tpu.memory_space<vmem>>) target_semaphore(%arg23 : memref<!tpu.dma_semaphore, #tpu.memory_space<semaphore_mem>>)
    %dma_wait3A_252 = arith.constant 0 : i32
    %dma_wait3A_253 = tpu.memref_slice %arg4[%add3A_187, %dma_wait3A_252] : memref<16384x1024xf32, #tpu.memory_space<hbm>> -> memref<16x1024xf32, #tpu.memory_space<hbm>>
    %dma_wait3A_254 = arith.constant 0 : i32
    %dma_wait3A_255 = tpu.memref_slice %arg4[%add3A_187, %dma_wait3A_254] : memref<16384x1024xf32, #tpu.memory_space<hbm>> -> memref<16x1024xf32, #tpu.memory_space<hbm>>
    tpu.wait_dma2 semaphore(%arg17 : memref<!tpu.dma_semaphore, #tpu.memory_space<semaphore_mem>>) src(%arg5 : memref<16x1024xf32, #tpu.memory_space<vmem>>) dst(%dma_wait3A_255 : memref<16x1024xf32, #tpu.memory_space<hbm>>)
    %add3A_256 = arith.constant 8192 : i32
    %add3A_257 = arith.addi %add3A_256, %mul3A_2 : i32
    %add3A_258 = arith.constant 32 : i32
    %add3A_259 = arith.addi %add3A_257, %add3A_258 : i32
    %dma_start3A_260 = arith.constant 0 : i32
    %dma_start3A_261 = tpu.memref_slice %arg2[%add3A_259, %dma_start3A_260] : memref<16384x1024xf32, #tpu.memory_space<hbm>> -> memref<16x1024xf32, #tpu.memory_space<hbm>>
    %dma_start3A_262 = arith.constant 0 : i32
    %dma_start3A_263 = tpu.memref_slice %arg2[%add3A_259, %dma_start3A_262] : memref<16384x1024xf32, #tpu.memory_space<hbm>> -> memref<16x1024xf32, #tpu.memory_space<hbm>>
    tpu.enqueue_dma source(%dma_start3A_263 : memref<16x1024xf32, #tpu.memory_space<hbm>>) target(%arg5 : memref<16x1024xf32, #tpu.memory_space<vmem>>) target_semaphore(%arg12 : memref<!tpu.dma_semaphore, #tpu.memory_space<semaphore_mem>>)
    %dma_wait3A_264 = arith.constant 0 : i32
    %dma_wait3A_265 = tpu.memref_slice %arg3[%add3A_129, %dma_wait3A_264] : memref<8192x1024xf32, #tpu.memory_space<hbm>> -> memref<16x1024xf32, #tpu.memory_space<hbm>>
    %dma_wait3A_266 = arith.constant 0 : i32
    %dma_wait3A_267 = tpu.memref_slice %arg3[%add3A_129, %dma_wait3A_266] : memref<8192x1024xf32, #tpu.memory_space<hbm>> -> memref<16x1024xf32, #tpu.memory_space<hbm>>
    tpu.wait_dma2 semaphore(%arg22 : memref<!tpu.dma_semaphore, #tpu.memory_space<semaphore_mem>>) src(%dma_wait3A_267 : memref<16x1024xf32, #tpu.memory_space<hbm>>) dst(%arg10 : memref<16x1024xf32, #tpu.memory_space<vmem>>)
    %dma_wait3A_268 = arith.constant 0 : i32
    %dma_wait3A_269 = tpu.memref_slice %arg2[%add3A_199, %dma_wait3A_268] : memref<16384x1024xf32, #tpu.memory_space<hbm>> -> memref<16x1024xf32, #tpu.memory_space<hbm>>
    %dma_wait3A_270 = arith.constant 0 : i32
    %dma_wait3A_271 = tpu.memref_slice %arg2[%add3A_199, %dma_wait3A_270] : memref<16384x1024xf32, #tpu.memory_space<hbm>> -> memref<16x1024xf32, #tpu.memory_space<hbm>>
    tpu.wait_dma2 semaphore(%arg15 : memref<!tpu.dma_semaphore, #tpu.memory_space<semaphore_mem>>) src(%dma_wait3A_271 : memref<16x1024xf32, #tpu.memory_space<hbm>>) dst(%arg8 : memref<16x1024xf32, #tpu.memory_space<vmem>>)
    %parallel_loop3A_272 = arith.constant 0 : i32
    %parallel_loop3A_273 = arith.constant 16 : i32
    %parallel_loop3A_274 = arith.constant 1 : i32
    scf.for %parallel_loop3A_944 = %parallel_loop3A_272 to %parallel_loop3A_273 step %parallel_loop3A_274  : i32 {
      %parallel_loop3A_945 = arith.constant 0 : i32
      %parallel_loop3A_946 = arith.constant 1024 : i32
      %parallel_loop3A_947 = arith.constant 16 : i32
      scf.for %parallel_loop3A_948 = %parallel_loop3A_945 to %parallel_loop3A_946 step %parallel_loop3A_947  : i32 {
        %parallel_loop3A_949 = arith.index_cast %parallel_loop3A_944 : i32 to index
        %parallel_loop3A_950 = arith.index_cast %parallel_loop3A_948 : i32 to index
        %parallel_loop3A_951 = tpu.vector_load %arg10[%parallel_loop3A_949, %parallel_loop3A_950] {strides = array<i32>} : memref<16x1024xf32, #tpu.memory_space<vmem>>, vector<1x16xf32>,
        %parallel_loop3A_952 = vector.shape_cast %parallel_loop3A_951 : vector<1x16xf32> to vector<16xf32>
        %parallel_loop3A_953 = arith.index_cast %parallel_loop3A_944 : i32 to index
        %parallel_loop3A_954 = arith.index_cast %parallel_loop3A_948 : i32 to index
        %parallel_loop3A_955 = tpu.vector_load %arg8[%parallel_loop3A_953, %parallel_loop3A_954] {strides = array<i32>} : memref<16x1024xf32, #tpu.memory_space<vmem>>, vector<1x16xf32>,
        %parallel_loop3A_956 = vector.shape_cast %parallel_loop3A_955 : vector<1x16xf32> to vector<16xf32>
        %parallel_loop3A_957 = vector.shape_cast %parallel_loop3A_952 : vector<16xf32> to vector<1x16xf32>
        tpu.vector_store %arg8[%parallel_loop3A_953, %parallel_loop3A_954], %parallel_loop3A_957 {add = true, strides = array<i32>} : memref<16x1024xf32, #tpu.memory_space<vmem>>, vector<1x16xf32>,
      } {sc.loop_unroll_factor = 8 : i64, sc.parallel_access}
    } {sc.loop_unroll_factor = 2 : i64, sc.parallel_access}
    %add3A_275 = arith.constant 0 : i32
    %add3A_276 = arith.addi %add3A_275, %mul3A_2 : i32
    %add3A_277 = arith.constant 32 : i32
    %add3A_278 = arith.addi %add3A_276, %add3A_277 : i32
    %dma_start3A_279 = arith.constant 0 : i32
    %dma_start3A_280 = tpu.memref_slice %arg4[%add3A_278, %dma_start3A_279] : memref<16384x1024xf32, #tpu.memory_space<hbm>> -> memref<16x1024xf32, #tpu.memory_space<hbm>>
    %dma_start3A_281 = arith.constant 0 : i32
    %dma_start3A_282 = tpu.memref_slice %arg4[%add3A_278, %dma_start3A_281] : memref<16384x1024xf32, #tpu.memory_space<hbm>> -> memref<16x1024xf32, #tpu.memory_space<hbm>>
    tpu.enqueue_dma source(%arg8 : memref<16x1024xf32, #tpu.memory_space<vmem>>) target(%dma_start3A_282 : memref<16x1024xf32, #tpu.memory_space<hbm>>) target_semaphore(%arg20 : memref<!tpu.dma_semaphore, #tpu.memory_space<semaphore_mem>>)
    %dma_wait3A_283 = arith.constant 0 : i32
    %dma_wait3A_284 = tpu.memref_slice %arg4[%add3A_214, %dma_wait3A_283] : memref<16384x1024xf32, #tpu.memory_space<hbm>> -> memref<16x1024xf32, #tpu.memory_space<hbm>>
    %dma_wait3A_285 = arith.constant 0 : i32
    %dma_wait3A_286 = tpu.memref_slice %arg4[%add3A_214, %dma_wait3A_285] : memref<16384x1024xf32, #tpu.memory_space<hbm>> -> memref<16x1024xf32, #tpu.memory_space<hbm>>
    tpu.wait_dma2 semaphore(%arg18 : memref<!tpu.dma_semaphore, #tpu.memory_space<semaphore_mem>>) src(%arg6 : memref<16x1024xf32, #tpu.memory_space<vmem>>) dst(%dma_wait3A_286 : memref<16x1024xf32, #tpu.memory_space<hbm>>)
    %add3A_287 = arith.constant 12288 : i32
    %add3A_288 = arith.addi %add3A_287, %mul3A_2 : i32
    %add3A_289 = arith.constant 32 : i32
    %add3A_290 = arith.addi %add3A_288, %add3A_289 : i32
    %dma_start3A_291 = arith.constant 0 : i32
    %dma_start3A_292 = tpu.memref_slice %arg2[%add3A_290, %dma_start3A_291] : memref<16384x1024xf32, #tpu.memory_space<hbm>> -> memref<16x1024xf32, #tpu.memory_space<hbm>>
    %dma_start3A_293 = arith.constant 0 : i32
    %dma_start3A_294 = tpu.memref_slice %arg2[%add3A_290, %dma_start3A_293] : memref<16384x1024xf32, #tpu.memory_space<hbm>> -> memref<16x1024xf32, #tpu.memory_space<hbm>>
    tpu.enqueue_dma source(%dma_start3A_294 : memref<16x1024xf32, #tpu.memory_space<hbm>>) target(%arg6 : memref<16x1024xf32, #tpu.memory_space<vmem>>) target_semaphore(%arg13 : memref<!tpu.dma_semaphore, #tpu.memory_space<semaphore_mem>>)
    %dma_wait3A_295 = arith.constant 0 : i32
    %dma_wait3A_296 = tpu.memref_slice %arg2[%add3A_226, %dma_wait3A_295] : memref<16384x1024xf32, #tpu.memory_space<hbm>> -> memref<16x1024xf32, #tpu.memory_space<hbm>>
    %dma_wait3A_297 = arith.constant 0 : i32
    %dma_wait3A_298 = tpu.memref_slice %arg2[%add3A_226, %dma_wait3A_297] : memref<16384x1024xf32, #tpu.memory_space<hbm>> -> memref<16x1024xf32, #tpu.memory_space<hbm>>
    tpu.wait_dma2 semaphore(%arg16 : memref<!tpu.dma_semaphore, #tpu.memory_space<semaphore_mem>>) src(%dma_wait3A_298 : memref<16x1024xf32, #tpu.memory_space<hbm>>) dst(%arg9 : memref<16x1024xf32, #tpu.memory_space<vmem>>)
    %parallel_loop3A_299 = arith.constant 0 : i32
    %parallel_loop3A_300 = arith.constant 16 : i32
    %parallel_loop3A_301 = arith.constant 1 : i32
    scf.for %parallel_loop3A_944 = %parallel_loop3A_299 to %parallel_loop3A_300 step %parallel_loop3A_301  : i32 {
      %parallel_loop3A_945 = arith.constant 0 : i32
      %parallel_loop3A_946 = arith.constant 1024 : i32
      %parallel_loop3A_947 = arith.constant 16 : i32
      scf.for %parallel_loop3A_948 = %parallel_loop3A_945 to %parallel_loop3A_946 step %parallel_loop3A_947  : i32 {
        %parallel_loop3A_949 = arith.index_cast %parallel_loop3A_944 : i32 to index
        %parallel_loop3A_950 = arith.index_cast %parallel_loop3A_948 : i32 to index
        %parallel_loop3A_951 = tpu.vector_load %arg10[%parallel_loop3A_949, %parallel_loop3A_950] {strides = array<i32>} : memref<16x1024xf32, #tpu.memory_space<vmem>>, vector<1x16xf32>,
        %parallel_loop3A_952 = vector.shape_cast %parallel_loop3A_951 : vector<1x16xf32> to vector<16xf32>
        %parallel_loop3A_953 = arith.index_cast %parallel_loop3A_944 : i32 to index
        %parallel_loop3A_954 = arith.index_cast %parallel_loop3A_948 : i32 to index
        %parallel_loop3A_955 = tpu.vector_load %arg9[%parallel_loop3A_953, %parallel_loop3A_954] {strides = array<i32>} : memref<16x1024xf32, #tpu.memory_space<vmem>>, vector<1x16xf32>,
        %parallel_loop3A_956 = vector.shape_cast %parallel_loop3A_955 : vector<1x16xf32> to vector<16xf32>
        %parallel_loop3A_957 = vector.shape_cast %parallel_loop3A_952 : vector<16xf32> to vector<1x16xf32>
        tpu.vector_store %arg9[%parallel_loop3A_953, %parallel_loop3A_954], %parallel_loop3A_957 {add = true, strides = array<i32>} : memref<16x1024xf32, #tpu.memory_space<vmem>>, vector<1x16xf32>,
      } {sc.loop_unroll_factor = 8 : i64, sc.parallel_access}
    } {sc.loop_unroll_factor = 2 : i64, sc.parallel_access}
    %add3A_302 = arith.constant 4096 : i32
    %add3A_303 = arith.addi %add3A_302, %mul3A_2 : i32
    %add3A_304 = arith.constant 32 : i32
    %add3A_305 = arith.addi %add3A_303, %add3A_304 : i32
    %dma_start3A_306 = arith.constant 0 : i32
    %dma_start3A_307 = tpu.memref_slice %arg4[%add3A_305, %dma_start3A_306] : memref<16384x1024xf32, #tpu.memory_space<hbm>> -> memref<16x1024xf32, #tpu.memory_space<hbm>>
    %dma_start3A_308 = arith.constant 0 : i32
    %dma_start3A_309 = tpu.memref_slice %arg4[%add3A_305, %dma_start3A_308] : memref<16384x1024xf32, #tpu.memory_space<hbm>> -> memref<16x1024xf32, #tpu.memory_space<hbm>>
    tpu.enqueue_dma source(%arg9 : memref<16x1024xf32, #tpu.memory_space<vmem>>) target(%dma_start3A_309 : memref<16x1024xf32, #tpu.memory_space<hbm>>) target_semaphore(%arg21 : memref<!tpu.dma_semaphore, #tpu.memory_space<semaphore_mem>>)
    %dma_wait3A_310 = arith.constant 0 : i32
    %dma_wait3A_311 = tpu.memref_slice %arg4[%add3A_241, %dma_wait3A_310] : memref<16384x1024xf32, #tpu.memory_space<hbm>> -> memref<16x1024xf32, #tpu.memory_space<hbm>>
    %dma_wait3A_312 = arith.constant 0 : i32
    %dma_wait3A_313 = tpu.memref_slice %arg4[%add3A_241, %dma_wait3A_312] : memref<16384x1024xf32, #tpu.memory_space<hbm>> -> memref<16x1024xf32, #tpu.memory_space<hbm>>
    tpu.wait_dma2 semaphore(%arg19 : memref<!tpu.dma_semaphore, #tpu.memory_space<semaphore_mem>>) src(%arg7 : memref<16x1024xf32, #tpu.memory_space<vmem>>) dst(%dma_wait3A_313 : memref<16x1024xf32, #tpu.memory_space<hbm>>)
    %add3A_314 = arith.constant 0 : i32
    %add3A_315 = arith.addi %add3A_314, %mul3A_2 : i32
    %add3A_316 = arith.constant 48 : i32
    %add3A_317 = arith.addi %add3A_315, %add3A_316 : i32
    %dma_start3A_318 = arith.constant 0 : i32
    %dma_start3A_319 = tpu.memref_slice %arg2[%add3A_317, %dma_start3A_318] : memref<16384x1024xf32, #tpu.memory_space<hbm>> -> memref<16x1024xf32, #tpu.memory_space<hbm>>
    %dma_start3A_320 = arith.constant 0 : i32
    %dma_start3A_321 = tpu.memref_slice %arg2[%add3A_317, %dma_start3A_320] : memref<16384x1024xf32, #tpu.memory_space<hbm>> -> memref<16x1024xf32, #tpu.memory_space<hbm>>
    tpu.enqueue_dma source(%dma_start3A_321 : memref<16x1024xf32, #tpu.memory_space<hbm>>) target(%arg7 : memref<16x1024xf32, #tpu.memory_space<vmem>>) target_semaphore(%arg14 : memref<!tpu.dma_semaphore, #tpu.memory_space<semaphore_mem>>)
    %dma_wait3A_322 = arith.constant 0 : i32
    %dma_wait3A_323 = tpu.memref_slice %arg2[%add3A_259, %dma_wait3A_322] : memref<16384x1024xf32, #tpu.memory_space<hbm>> -> memref<16x1024xf32, #tpu.memory_space<hbm>>
    %dma_wait3A_324 = arith.constant 0 : i32
    %dma_wait3A_325 = tpu.memref_slice %arg2[%add3A_259, %dma_wait3A_324] : memref<16384x1024xf32, #tpu.memory_space<hbm>> -> memref<16x1024xf32, #tpu.memory_space<hbm>>
    tpu.wait_dma2 semaphore(%arg12 : memref<!tpu.dma_semaphore, #tpu.memory_space<semaphore_mem>>) src(%dma_wait3A_325 : memref<16x1024xf32, #tpu.memory_space<hbm>>) dst(%arg5 : memref<16x1024xf32, #tpu.memory_space<vmem>>)
    %parallel_loop3A_326 = arith.constant 0 : i32
    %parallel_loop3A_327 = arith.constant 16 : i32
    %parallel_loop3A_328 = arith.constant 1 : i32
    scf.for %parallel_loop3A_944 = %parallel_loop3A_326 to %parallel_loop3A_327 step %parallel_loop3A_328  : i32 {
      %parallel_loop3A_945 = arith.constant 0 : i32
      %parallel_loop3A_946 = arith.constant 1024 : i32
      %parallel_loop3A_947 = arith.constant 16 : i32
      scf.for %parallel_loop3A_948 = %parallel_loop3A_945 to %parallel_loop3A_946 step %parallel_loop3A_947  : i32 {
        %parallel_loop3A_949 = arith.index_cast %parallel_loop3A_944 : i32 to index
        %parallel_loop3A_950 = arith.index_cast %parallel_loop3A_948 : i32 to index
        %parallel_loop3A_951 = tpu.vector_load %arg10[%parallel_loop3A_949, %parallel_loop3A_950] {strides = array<i32>} : memref<16x1024xf32, #tpu.memory_space<vmem>>, vector<1x16xf32>,
        %parallel_loop3A_952 = vector.shape_cast %parallel_loop3A_951 : vector<1x16xf32> to vector<16xf32>
        %parallel_loop3A_953 = arith.index_cast %parallel_loop3A_944 : i32 to index
        %parallel_loop3A_954 = arith.index_cast %parallel_loop3A_948 : i32 to index
        %parallel_loop3A_955 = tpu.vector_load %arg5[%parallel_loop3A_953, %parallel_loop3A_954] {strides = array<i32>} : memref<16x1024xf32, #tpu.memory_space<vmem>>, vector<1x16xf32>,
        %parallel_loop3A_956 = vector.shape_cast %parallel_loop3A_955 : vector<1x16xf32> to vector<16xf32>
        %parallel_loop3A_957 = vector.shape_cast %parallel_loop3A_952 : vector<16xf32> to vector<1x16xf32>
        tpu.vector_store %arg5[%parallel_loop3A_953, %parallel_loop3A_954], %parallel_loop3A_957 {add = true, strides = array<i32>} : memref<16x1024xf32, #tpu.memory_space<vmem>>, vector<1x16xf32>,
      } {sc.loop_unroll_factor = 8 : i64, sc.parallel_access}
    } {sc.loop_unroll_factor = 2 : i64, sc.parallel_access}
    %add3A_329 = arith.constant 8192 : i32
    %add3A_330 = arith.addi %add3A_329, %mul3A_2 : i32
    %add3A_331 = arith.constant 32 : i32
    %add3A_332 = arith.addi %add3A_330, %add3A_331 : i32
    %dma_start3A_333 = arith.constant 0 : i32
    %dma_start3A_334 = tpu.memref_slice %arg4[%add3A_332, %dma_start3A_333] : memref<16384x1024xf32, #tpu.memory_space<hbm>> -> memref<16x1024xf32, #tpu.memory_space<hbm>>
    %dma_start3A_335 = arith.constant 0 : i32
    %dma_start3A_336 = tpu.memref_slice %arg4[%add3A_332, %dma_start3A_335] : memref<16384x1024xf32, #tpu.memory_space<hbm>> -> memref<16x1024xf32, #tpu.memory_space<hbm>>
    tpu.enqueue_dma source(%arg5 : memref<16x1024xf32, #tpu.memory_space<vmem>>) target(%dma_start3A_336 : memref<16x1024xf32, #tpu.memory_space<hbm>>) target_semaphore(%arg17 : memref<!tpu.dma_semaphore, #tpu.memory_space<semaphore_mem>>)
    %dma_wait3A_337 = arith.constant 0 : i32
    %dma_wait3A_338 = tpu.memref_slice %arg4[%add3A_278, %dma_wait3A_337] : memref<16384x1024xf32, #tpu.memory_space<hbm>> -> memref<16x1024xf32, #tpu.memory_space<hbm>>
    %dma_wait3A_339 = arith.constant 0 : i32
    %dma_wait3A_340 = tpu.memref_slice %arg4[%add3A_278, %dma_wait3A_339] : memref<16384x1024xf32, #tpu.memory_space<hbm>> -> memref<16x1024xf32, #tpu.memory_space<hbm>>
    tpu.wait_dma2 semaphore(%arg20 : memref<!tpu.dma_semaphore, #tpu.memory_space<semaphore_mem>>) src(%arg8 : memref<16x1024xf32, #tpu.memory_space<vmem>>) dst(%dma_wait3A_340 : memref<16x1024xf32, #tpu.memory_space<hbm>>)
    %add3A_341 = arith.constant 4096 : i32
    %add3A_342 = arith.addi %add3A_341, %mul3A_2 : i32
    %add3A_343 = arith.constant 48 : i32
    %add3A_344 = arith.addi %add3A_342, %add3A_343 : i32
    %dma_start3A_345 = arith.constant 0 : i32
    %dma_start3A_346 = tpu.memref_slice %arg2[%add3A_344, %dma_start3A_345] : memref<16384x1024xf32, #tpu.memory_space<hbm>> -> memref<16x1024xf32, #tpu.memory_space<hbm>>
    %dma_start3A_347 = arith.constant 0 : i32
    %dma_start3A_348 = tpu.memref_slice %arg2[%add3A_344, %dma_start3A_347] : memref<16384x1024xf32, #tpu.memory_space<hbm>> -> memref<16x1024xf32, #tpu.memory_space<hbm>>
    tpu.enqueue_dma source(%dma_start3A_348 : memref<16x1024xf32, #tpu.memory_space<hbm>>) target(%arg8 : memref<16x1024xf32, #tpu.memory_space<vmem>>) target_semaphore(%arg15 : memref<!tpu.dma_semaphore, #tpu.memory_space<semaphore_mem>>)
    %dma_wait3A_349 = arith.constant 0 : i32
    %dma_wait3A_350 = tpu.memref_slice %arg2[%add3A_290, %dma_wait3A_349] : memref<16384x1024xf32, #tpu.memory_space<hbm>> -> memref<16x1024xf32, #tpu.memory_space<hbm>>
    %dma_wait3A_351 = arith.constant 0 : i32
    %dma_wait3A_352 = tpu.memref_slice %arg2[%add3A_290, %dma_wait3A_351] : memref<16384x1024xf32, #tpu.memory_space<hbm>> -> memref<16x1024xf32, #tpu.memory_space<hbm>>
    tpu.wait_dma2 semaphore(%arg13 : memref<!tpu.dma_semaphore, #tpu.memory_space<semaphore_mem>>) src(%dma_wait3A_352 : memref<16x1024xf32, #tpu.memory_space<hbm>>) dst(%arg6 : memref<16x1024xf32, #tpu.memory_space<vmem>>)
    %parallel_loop3A_353 = arith.constant 0 : i32
    %parallel_loop3A_354 = arith.constant 16 : i32
    %parallel_loop3A_355 = arith.constant 1 : i32
    scf.for %parallel_loop3A_944 = %parallel_loop3A_353 to %parallel_loop3A_354 step %parallel_loop3A_355  : i32 {
      %parallel_loop3A_945 = arith.constant 0 : i32
      %parallel_loop3A_946 = arith.constant 1024 : i32
      %parallel_loop3A_947 = arith.constant 16 : i32
      scf.for %parallel_loop3A_948 = %parallel_loop3A_945 to %parallel_loop3A_946 step %parallel_loop3A_947  : i32 {
        %parallel_loop3A_949 = arith.index_cast %parallel_loop3A_944 : i32 to index
        %parallel_loop3A_950 = arith.index_cast %parallel_loop3A_948 : i32 to index
        %parallel_loop3A_951 = tpu.vector_load %arg10[%parallel_loop3A_949, %parallel_loop3A_950] {strides = array<i32>} : memref<16x1024xf32, #tpu.memory_space<vmem>>, vector<1x16xf32>,
        %parallel_loop3A_952 = vector.shape_cast %parallel_loop3A_951 : vector<1x16xf32> to vector<16xf32>
        %parallel_loop3A_953 = arith.index_cast %parallel_loop3A_944 : i32 to index
        %parallel_loop3A_954 = arith.index_cast %parallel_loop3A_948 : i32 to index
        %parallel_loop3A_955 = tpu.vector_load %arg6[%parallel_loop3A_953, %parallel_loop3A_954] {strides = array<i32>} : memref<16x1024xf32, #tpu.memory_space<vmem>>, vector<1x16xf32>,
        %parallel_loop3A_956 = vector.shape_cast %parallel_loop3A_955 : vector<1x16xf32> to vector<16xf32>
        %parallel_loop3A_957 = vector.shape_cast %parallel_loop3A_952 : vector<16xf32> to vector<1x16xf32>
        tpu.vector_store %arg6[%parallel_loop3A_953, %parallel_loop3A_954], %parallel_loop3A_957 {add = true, strides = array<i32>} : memref<16x1024xf32, #tpu.memory_space<vmem>>, vector<1x16xf32>,
      } {sc.loop_unroll_factor = 8 : i64, sc.parallel_access}
    } {sc.loop_unroll_factor = 2 : i64, sc.parallel_access}
    %add3A_356 = arith.constant 12288 : i32
    %add3A_357 = arith.addi %add3A_356, %mul3A_2 : i32
    %add3A_358 = arith.constant 32 : i32
    %add3A_359 = arith.addi %add3A_357, %add3A_358 : i32
    %dma_start3A_360 = arith.constant 0 : i32
    %dma_start3A_361 = tpu.memref_slice %arg4[%add3A_359, %dma_start3A_360] : memref<16384x1024xf32, #tpu.memory_space<hbm>> -> memref<16x1024xf32, #tpu.memory_space<hbm>>
    %dma_start3A_362 = arith.constant 0 : i32
    %dma_start3A_363 = tpu.memref_slice %arg4[%add3A_359, %dma_start3A_362] : memref<16384x1024xf32, #tpu.memory_space<hbm>> -> memref<16x1024xf32, #tpu.memory_space<hbm>>
    tpu.enqueue_dma source(%arg6 : memref<16x1024xf32, #tpu.memory_space<vmem>>) target(%dma_start3A_363 : memref<16x1024xf32, #tpu.memory_space<hbm>>) target_semaphore(%arg18 : memref<!tpu.dma_semaphore, #tpu.memory_space<semaphore_mem>>)
    %add3A_364 = arith.constant 64 : i32
    %add3A_365 = arith.addi %mul3A_2, %add3A_364 : i32
    %dma_start3A_366 = arith.constant 0 : i32
    %dma_start3A_367 = tpu.memref_slice %arg3[%add3A_365, %dma_start3A_366] : memref<8192x1024xf32, #tpu.memory_space<hbm>> -> memref<16x1024xf32, #tpu.memory_space<hbm>>
    %dma_start3A_368 = arith.constant 0 : i32
    %dma_start3A_369 = tpu.memref_slice %arg3[%add3A_365, %dma_start3A_368] : memref<8192x1024xf32, #tpu.memory_space<hbm>> -> memref<16x1024xf32, #tpu.memory_space<hbm>>
    tpu.enqueue_dma source(%dma_start3A_369 : memref<16x1024xf32, #tpu.memory_space<hbm>>) target(%arg10 : memref<16x1024xf32, #tpu.memory_space<vmem>>) target_semaphore(%arg22 : memref<!tpu.dma_semaphore, #tpu.memory_space<semaphore_mem>>)
    %dma_wait3A_370 = arith.constant 0 : i32
    %dma_wait3A_371 = tpu.memref_slice %arg4[%add3A_305, %dma_wait3A_370] : memref<16384x1024xf32, #tpu.memory_space<hbm>> -> memref<16x1024xf32, #tpu.memory_space<hbm>>
    %dma_wait3A_372 = arith.constant 0 : i32
    %dma_wait3A_373 = tpu.memref_slice %arg4[%add3A_305, %dma_wait3A_372] : memref<16384x1024xf32, #tpu.memory_space<hbm>> -> memref<16x1024xf32, #tpu.memory_space<hbm>>
    tpu.wait_dma2 semaphore(%arg21 : memref<!tpu.dma_semaphore, #tpu.memory_space<semaphore_mem>>) src(%arg9 : memref<16x1024xf32, #tpu.memory_space<vmem>>) dst(%dma_wait3A_373 : memref<16x1024xf32, #tpu.memory_space<hbm>>)
    %add3A_374 = arith.constant 8192 : i32
    %add3A_375 = arith.addi %add3A_374, %mul3A_2 : i32
    %add3A_376 = arith.constant 48 : i32
    %add3A_377 = arith.addi %add3A_375, %add3A_376 : i32
    %dma_start3A_378 = arith.constant 0 : i32
    %dma_start3A_379 = tpu.memref_slice %arg2[%add3A_377, %dma_start3A_378] : memref<16384x1024xf32, #tpu.memory_space<hbm>> -> memref<16x1024xf32, #tpu.memory_space<hbm>>
    %dma_start3A_380 = arith.constant 0 : i32
    %dma_start3A_381 = tpu.memref_slice %arg2[%add3A_377, %dma_start3A_380] : memref<16384x1024xf32, #tpu.memory_space<hbm>> -> memref<16x1024xf32, #tpu.memory_space<hbm>>
    tpu.enqueue_dma source(%dma_start3A_381 : memref<16x1024xf32, #tpu.memory_space<hbm>>) target(%arg9 : memref<16x1024xf32, #tpu.memory_space<vmem>>) target_semaphore(%arg16 : memref<!tpu.dma_semaphore, #tpu.memory_space<semaphore_mem>>)
    %dma_wait3A_382 = arith.constant 0 : i32
    %dma_wait3A_383 = tpu.memref_slice %arg3[%add3A_247, %dma_wait3A_382] : memref<8192x1024xf32, #tpu.memory_space<hbm>> -> memref<16x1024xf32, #tpu.memory_space<hbm>>
    %dma_wait3A_384 = arith.constant 0 : i32
    %dma_wait3A_385 = tpu.memref_slice %arg3[%add3A_247, %dma_wait3A_384] : memref<8192x1024xf32, #tpu.memory_space<hbm>> -> memref<16x1024xf32, #tpu.memory_space<hbm>>
    tpu.wait_dma2 semaphore(%arg23 : memref<!tpu.dma_semaphore, #tpu.memory_space<semaphore_mem>>) src(%dma_wait3A_385 : memref<16x1024xf32, #tpu.memory_space<hbm>>) dst(%arg11 : memref<16x1024xf32, #tpu.memory_space<vmem>>)
    %dma_wait3A_386 = arith.constant 0 : i32
    %dma_wait3A_387 = tpu.memref_slice %arg2[%add3A_317, %dma_wait3A_386] : memref<16384x1024xf32, #tpu.memory_space<hbm>> -> memref<16x1024xf32, #tpu.memory_space<hbm>>
    %dma_wait3A_388 = arith.constant 0 : i32
    %dma_wait3A_389 = tpu.memref_slice %arg2[%add3A_317, %dma_wait3A_388] : memref<16384x1024xf32, #tpu.memory_space<hbm>> -> memref<16x1024xf32, #tpu.memory_space<hbm>>
    tpu.wait_dma2 semaphore(%arg14 : memref<!tpu.dma_semaphore, #tpu.memory_space<semaphore_mem>>) src(%dma_wait3A_389 : memref<16x1024xf32, #tpu.memory_space<hbm>>) dst(%arg7 : memref<16x1024xf32, #tpu.memory_space<vmem>>)
    %parallel_loop3A_390 = arith.constant 0 : i32
    %parallel_loop3A_391 = arith.constant 16 : i32
    %parallel_loop3A_392 = arith.constant 1 : i32
    scf.for %parallel_loop3A_944 = %parallel_loop3A_390 to %parallel_loop3A_391 step %parallel_loop3A_392  : i32 {
      %parallel_loop3A_945 = arith.constant 0 : i32
      %parallel_loop3A_946 = arith.constant 1024 : i32
      %parallel_loop3A_947 = arith.constant 16 : i32
      scf.for %parallel_loop3A_948 = %parallel_loop3A_945 to %parallel_loop3A_946 step %parallel_loop3A_947  : i32 {
        %parallel_loop3A_949 = arith.index_cast %parallel_loop3A_944 : i32 to index
        %parallel_loop3A_950 = arith.index_cast %parallel_loop3A_948 : i32 to index
        %parallel_loop3A_951 = tpu.vector_load %arg11[%parallel_loop3A_949, %parallel_loop3A_950] {strides = array<i32>} : memref<16x1024xf32, #tpu.memory_space<vmem>>, vector<1x16xf32>,
        %parallel_loop3A_952 = vector.shape_cast %parallel_loop3A_951 : vector<1x16xf32> to vector<16xf32>
        %parallel_loop3A_953 = arith.index_cast %parallel_loop3A_944 : i32 to index
        %parallel_loop3A_954 = arith.index_cast %parallel_loop3A_948 : i32 to index
        %parallel_loop3A_955 = tpu.vector_load %arg7[%parallel_loop3A_953, %parallel_loop3A_954] {strides = array<i32>} : memref<16x1024xf32, #tpu.memory_space<vmem>>, vector<1x16xf32>,
        %parallel_loop3A_956 = vector.shape_cast %parallel_loop3A_955 : vector<1x16xf32> to vector<16xf32>
        %parallel_loop3A_957 = vector.shape_cast %parallel_loop3A_952 : vector<16xf32> to vector<1x16xf32>
        tpu.vector_store %arg7[%parallel_loop3A_953, %parallel_loop3A_954], %parallel_loop3A_957 {add = true, strides = array<i32>} : memref<16x1024xf32, #tpu.memory_space<vmem>>, vector<1x16xf32>,
      } {sc.loop_unroll_factor = 8 : i64, sc.parallel_access}
    } {sc.loop_unroll_factor = 2 : i64, sc.parallel_access}
    %add3A_393 = arith.constant 0 : i32
    %add3A_394 = arith.addi %add3A_393, %mul3A_2 : i32
    %add3A_395 = arith.constant 48 : i32
    %add3A_396 = arith.addi %add3A_394, %add3A_395 : i32
    %dma_start3A_397 = arith.constant 0 : i32
    %dma_start3A_398 = tpu.memref_slice %arg4[%add3A_396, %dma_start3A_397] : memref<16384x1024xf32, #tpu.memory_space<hbm>> -> memref<16x1024xf32, #tpu.memory_space<hbm>>
    %dma_start3A_399 = arith.constant 0 : i32
    %dma_start3A_400 = tpu.memref_slice %arg4[%add3A_396, %dma_start3A_399] : memref<16384x1024xf32, #tpu.memory_space<hbm>> -> memref<16x1024xf32, #tpu.memory_space<hbm>>
    tpu.enqueue_dma source(%arg7 : memref<16x1024xf32, #tpu.memory_space<vmem>>) target(%dma_start3A_400 : memref<16x1024xf32, #tpu.memory_space<hbm>>) target_semaphore(%arg19 : memref<!tpu.dma_semaphore, #tpu.memory_space<semaphore_mem>>)
    %dma_wait3A_401 = arith.constant 0 : i32
    %dma_wait3A_402 = tpu.memref_slice %arg4[%add3A_332, %dma_wait3A_401] : memref<16384x1024xf32, #tpu.memory_space<hbm>> -> memref<16x1024xf32, #tpu.memory_space<hbm>>
    %dma_wait3A_403 = arith.constant 0 : i32
    %dma_wait3A_404 = tpu.memref_slice %arg4[%add3A_332, %dma_wait3A_403] : memref<16384x1024xf32, #tpu.memory_space<hbm>> -> memref<16x1024xf32, #tpu.memory_space<hbm>>
    tpu.wait_dma2 semaphore(%arg17 : memref<!tpu.dma_semaphore, #tpu.memory_space<semaphore_mem>>) src(%arg5 : memref<16x1024xf32, #tpu.memory_space<vmem>>) dst(%dma_wait3A_404 : memref<16x1024xf32, #tpu.memory_space<hbm>>)
    %add3A_405 = arith.constant 12288 : i32
    %add3A_406 = arith.addi %add3A_405, %mul3A_2 : i32
    %add3A_407 = arith.constant 48 : i32
    %add3A_408 = arith.addi %add3A_406, %add3A_407 : i32
    %dma_start3A_409 = arith.constant 0 : i32
    %dma_start3A_410 = tpu.memref_slice %arg2[%add3A_408, %dma_start3A_409] : memref<16384x1024xf32, #tpu.memory_space<hbm>> -> memref<16x1024xf32, #tpu.memory_space<hbm>>
    %dma_start3A_411 = arith.constant 0 : i32
    %dma_start3A_412 = tpu.memref_slice %arg2[%add3A_408, %dma_start3A_411] : memref<16384x1024xf32, #tpu.memory_space<hbm>> -> memref<16x1024xf32, #tpu.memory_space<hbm>>
    tpu.enqueue_dma source(%dma_start3A_412 : memref<16x1024xf32, #tpu.memory_space<hbm>>) target(%arg5 : memref<16x1024xf32, #tpu.memory_space<vmem>>) target_semaphore(%arg12 : memref<!tpu.dma_semaphore, #tpu.memory_space<semaphore_mem>>)
    %dma_wait3A_413 = arith.constant 0 : i32
    %dma_wait3A_414 = tpu.memref_slice %arg2[%add3A_344, %dma_wait3A_413] : memref<16384x1024xf32, #tpu.memory_space<hbm>> -> memref<16x1024xf32, #tpu.memory_space<hbm>>
    %dma_wait3A_415 = arith.constant 0 : i32
    %dma_wait3A_416 = tpu.memref_slice %arg2[%add3A_344, %dma_wait3A_415] : memref<16384x1024xf32, #tpu.memory_space<hbm>> -> memref<16x1024xf32, #tpu.memory_space<hbm>>
    tpu.wait_dma2 semaphore(%arg15 : memref<!tpu.dma_semaphore, #tpu.memory_space<semaphore_mem>>) src(%dma_wait3A_416 : memref<16x1024xf32, #tpu.memory_space<hbm>>) dst(%arg8 : memref<16x1024xf32, #tpu.memory_space<vmem>>)
    %parallel_loop3A_417 = arith.constant 0 : i32
    %parallel_loop3A_418 = arith.constant 16 : i32
    %parallel_loop3A_419 = arith.constant 1 : i32
    scf.for %parallel_loop3A_944 = %parallel_loop3A_417 to %parallel_loop3A_418 step %parallel_loop3A_419  : i32 {
      %parallel_loop3A_945 = arith.constant 0 : i32
      %parallel_loop3A_946 = arith.constant 1024 : i32
      %parallel_loop3A_947 = arith.constant 16 : i32
      scf.for %parallel_loop3A_948 = %parallel_loop3A_945 to %parallel_loop3A_946 step %parallel_loop3A_947  : i32 {
        %parallel_loop3A_949 = arith.index_cast %parallel_loop3A_944 : i32 to index
        %parallel_loop3A_950 = arith.index_cast %parallel_loop3A_948 : i32 to index
        %parallel_loop3A_951 = tpu.vector_load %arg11[%parallel_loop3A_949, %parallel_loop3A_950] {strides = array<i32>} : memref<16x1024xf32, #tpu.memory_space<vmem>>, vector<1x16xf32>,
        %parallel_loop3A_952 = vector.shape_cast %parallel_loop3A_951 : vector<1x16xf32> to vector<16xf32>
        %parallel_loop3A_953 = arith.index_cast %parallel_loop3A_944 : i32 to index
        %parallel_loop3A_954 = arith.index_cast %parallel_loop3A_948 : i32 to index
        %parallel_loop3A_955 = tpu.vector_load %arg8[%parallel_loop3A_953, %parallel_loop3A_954] {strides = array<i32>} : memref<16x1024xf32, #tpu.memory_space<vmem>>, vector<1x16xf32>,
        %parallel_loop3A_956 = vector.shape_cast %parallel_loop3A_955 : vector<1x16xf32> to vector<16xf32>
        %parallel_loop3A_957 = vector.shape_cast %parallel_loop3A_952 : vector<16xf32> to vector<1x16xf32>
        tpu.vector_store %arg8[%parallel_loop3A_953, %parallel_loop3A_954], %parallel_loop3A_957 {add = true, strides = array<i32>} : memref<16x1024xf32, #tpu.memory_space<vmem>>, vector<1x16xf32>,
      } {sc.loop_unroll_factor = 8 : i64, sc.parallel_access}
    } {sc.loop_unroll_factor = 2 : i64, sc.parallel_access}
    %add3A_420 = arith.constant 4096 : i32
    %add3A_421 = arith.addi %add3A_420, %mul3A_2 : i32
    %add3A_422 = arith.constant 48 : i32
    %add3A_423 = arith.addi %add3A_421, %add3A_422 : i32
    %dma_start3A_424 = arith.constant 0 : i32
    %dma_start3A_425 = tpu.memref_slice %arg4[%add3A_423, %dma_start3A_424] : memref<16384x1024xf32, #tpu.memory_space<hbm>> -> memref<16x1024xf32, #tpu.memory_space<hbm>>
    %dma_start3A_426 = arith.constant 0 : i32
    %dma_start3A_427 = tpu.memref_slice %arg4[%add3A_423, %dma_start3A_426] : memref<16384x1024xf32, #tpu.memory_space<hbm>> -> memref<16x1024xf32, #tpu.memory_space<hbm>>
    tpu.enqueue_dma source(%arg8 : memref<16x1024xf32, #tpu.memory_space<vmem>>) target(%dma_start3A_427 : memref<16x1024xf32, #tpu.memory_space<hbm>>) target_semaphore(%arg20 : memref<!tpu.dma_semaphore, #tpu.memory_space<semaphore_mem>>)
    %dma_wait3A_428 = arith.constant 0 : i32
    %dma_wait3A_429 = tpu.memref_slice %arg4[%add3A_359, %dma_wait3A_428] : memref<16384x1024xf32, #tpu.memory_space<hbm>> -> memref<16x1024xf32, #tpu.memory_space<hbm>>
    %dma_wait3A_430 = arith.constant 0 : i32
    %dma_wait3A_431 = tpu.memref_slice %arg4[%add3A_359, %dma_wait3A_430] : memref<16384x1024xf32, #tpu.memory_space<hbm>> -> memref<16x1024xf32, #tpu.memory_space<hbm>>
    tpu.wait_dma2 semaphore(%arg18 : memref<!tpu.dma_semaphore, #tpu.memory_space<semaphore_mem>>) src(%arg6 : memref<16x1024xf32, #tpu.memory_space<vmem>>) dst(%dma_wait3A_431 : memref<16x1024xf32, #tpu.memory_space<hbm>>)
    %add3A_432 = arith.constant 0 : i32
    %add3A_433 = arith.addi %add3A_432, %mul3A_2 : i32
    %add3A_434 = arith.constant 64 : i32
    %add3A_435 = arith.addi %add3A_433, %add3A_434 : i32
    %dma_start3A_436 = arith.constant 0 : i32
    %dma_start3A_437 = tpu.memref_slice %arg2[%add3A_435, %dma_start3A_436] : memref<16384x1024xf32, #tpu.memory_space<hbm>> -> memref<16x1024xf32, #tpu.memory_space<hbm>>
    %dma_start3A_438 = arith.constant 0 : i32
    %dma_start3A_439 = tpu.memref_slice %arg2[%add3A_435, %dma_start3A_438] : memref<16384x1024xf32, #tpu.memory_space<hbm>> -> memref<16x1024xf32, #tpu.memory_space<hbm>>
    tpu.enqueue_dma source(%dma_start3A_439 : memref<16x1024xf32, #tpu.memory_space<hbm>>) target(%arg6 : memref<16x1024xf32, #tpu.memory_space<vmem>>) target_semaphore(%arg13 : memref<!tpu.dma_semaphore, #tpu.memory_space<semaphore_mem>>)
    %dma_wait3A_440 = arith.constant 0 : i32
    %dma_wait3A_441 = tpu.memref_slice %arg2[%add3A_377, %dma_wait3A_440] : memref<16384x1024xf32, #tpu.memory_space<hbm>> -> memref<16x1024xf32, #tpu.memory_space<hbm>>
    %dma_wait3A_442 = arith.constant 0 : i32
    %dma_wait3A_443 = tpu.memref_slice %arg2[%add3A_377, %dma_wait3A_442] : memref<16384x1024xf32, #tpu.memory_space<hbm>> -> memref<16x1024xf32, #tpu.memory_space<hbm>>
    tpu.wait_dma2 semaphore(%arg16 : memref<!tpu.dma_semaphore, #tpu.memory_space<semaphore_mem>>) src(%dma_wait3A_443 : memref<16x1024xf32, #tpu.memory_space<hbm>>) dst(%arg9 : memref<16x1024xf32, #tpu.memory_space<vmem>>)
    %parallel_loop3A_444 = arith.constant 0 : i32
    %parallel_loop3A_445 = arith.constant 16 : i32
    %parallel_loop3A_446 = arith.constant 1 : i32
    scf.for %parallel_loop3A_944 = %parallel_loop3A_444 to %parallel_loop3A_445 step %parallel_loop3A_446  : i32 {
      %parallel_loop3A_945 = arith.constant 0 : i32
      %parallel_loop3A_946 = arith.constant 1024 : i32
      %parallel_loop3A_947 = arith.constant 16 : i32
      scf.for %parallel_loop3A_948 = %parallel_loop3A_945 to %parallel_loop3A_946 step %parallel_loop3A_947  : i32 {
        %parallel_loop3A_949 = arith.index_cast %parallel_loop3A_944 : i32 to index
        %parallel_loop3A_950 = arith.index_cast %parallel_loop3A_948 : i32 to index
        %parallel_loop3A_951 = tpu.vector_load %arg11[%parallel_loop3A_949, %parallel_loop3A_950] {strides = array<i32>} : memref<16x1024xf32, #tpu.memory_space<vmem>>, vector<1x16xf32>,
        %parallel_loop3A_952 = vector.shape_cast %parallel_loop3A_951 : vector<1x16xf32> to vector<16xf32>
        %parallel_loop3A_953 = arith.index_cast %parallel_loop3A_944 : i32 to index
        %parallel_loop3A_954 = arith.index_cast %parallel_loop3A_948 : i32 to index
        %parallel_loop3A_955 = tpu.vector_load %arg9[%parallel_loop3A_953, %parallel_loop3A_954] {strides = array<i32>} : memref<16x1024xf32, #tpu.memory_space<vmem>>, vector<1x16xf32>,
        %parallel_loop3A_956 = vector.shape_cast %parallel_loop3A_955 : vector<1x16xf32> to vector<16xf32>
        %parallel_loop3A_957 = vector.shape_cast %parallel_loop3A_952 : vector<16xf32> to vector<1x16xf32>
        tpu.vector_store %arg9[%parallel_loop3A_953, %parallel_loop3A_954], %parallel_loop3A_957 {add = true, strides = array<i32>} : memref<16x1024xf32, #tpu.memory_space<vmem>>, vector<1x16xf32>,
      } {sc.loop_unroll_factor = 8 : i64, sc.parallel_access}
    } {sc.loop_unroll_factor = 2 : i64, sc.parallel_access}
    %add3A_447 = arith.constant 8192 : i32
    %add3A_448 = arith.addi %add3A_447, %mul3A_2 : i32
    %add3A_449 = arith.constant 48 : i32
    %add3A_450 = arith.addi %add3A_448, %add3A_449 : i32
    %dma_start3A_451 = arith.constant 0 : i32
    %dma_start3A_452 = tpu.memref_slice %arg4[%add3A_450, %dma_start3A_451] : memref<16384x1024xf32, #tpu.memory_space<hbm>> -> memref<16x1024xf32, #tpu.memory_space<hbm>>
    %dma_start3A_453 = arith.constant 0 : i32
    %dma_start3A_454 = tpu.memref_slice %arg4[%add3A_450, %dma_start3A_453] : memref<16384x1024xf32, #tpu.memory_space<hbm>> -> memref<16x1024xf32, #tpu.memory_space<hbm>>
    tpu.enqueue_dma source(%arg9 : memref<16x1024xf32, #tpu.memory_space<vmem>>) target(%dma_start3A_454 : memref<16x1024xf32, #tpu.memory_space<hbm>>) target_semaphore(%arg21 : memref<!tpu.dma_semaphore, #tpu.memory_space<semaphore_mem>>)
    %dma_wait3A_455 = arith.constant 0 : i32
    %dma_wait3A_456 = tpu.memref_slice %arg4[%add3A_396, %dma_wait3A_455] : memref<16384x1024xf32, #tpu.memory_space<hbm>> -> memref<16x1024xf32, #tpu.memory_space<hbm>>
    %dma_wait3A_457 = arith.constant 0 : i32
    %dma_wait3A_458 = tpu.memref_slice %arg4[%add3A_396, %dma_wait3A_457] : memref<16384x1024xf32, #tpu.memory_space<hbm>> -> memref<16x1024xf32, #tpu.memory_space<hbm>>
    tpu.wait_dma2 semaphore(%arg19 : memref<!tpu.dma_semaphore, #tpu.memory_space<semaphore_mem>>) src(%arg7 : memref<16x1024xf32, #tpu.memory_space<vmem>>) dst(%dma_wait3A_458 : memref<16x1024xf32, #tpu.memory_space<hbm>>)
    %add3A_459 = arith.constant 4096 : i32
    %add3A_460 = arith.addi %add3A_459, %mul3A_2 : i32
    %add3A_461 = arith.constant 64 : i32
    %add3A_462 = arith.addi %add3A_460, %add3A_461 : i32
    %dma_start3A_463 = arith.constant 0 : i32
    %dma_start3A_464 = tpu.memref_slice %arg2[%add3A_462, %dma_start3A_463] : memref<16384x1024xf32, #tpu.memory_space<hbm>> -> memref<16x1024xf32, #tpu.memory_space<hbm>>
    %dma_start3A_465 = arith.constant 0 : i32
    %dma_start3A_466 = tpu.memref_slice %arg2[%add3A_462, %dma_start3A_465] : memref<16384x1024xf32, #tpu.memory_space<hbm>> -> memref<16x1024xf32, #tpu.memory_space<hbm>>
    tpu.enqueue_dma source(%dma_start3A_466 : memref<16x1024xf32, #tpu.memory_space<hbm>>) target(%arg7 : memref<16x1024xf32, #tpu.memory_space<vmem>>) target_semaphore(%arg14 : memref<!tpu.dma_semaphore, #tpu.memory_space<semaphore_mem>>)
    %dma_wait3A_467 = arith.constant 0 : i32
    %dma_wait3A_468 = tpu.memref_slice %arg2[%add3A_408, %dma_wait3A_467] : memref<16384x1024xf32, #tpu.memory_space<hbm>> -> memref<16x1024xf32, #tpu.memory_space<hbm>>
    %dma_wait3A_469 = arith.constant 0 : i32
    %dma_wait3A_470 = tpu.memref_slice %arg2[%add3A_408, %dma_wait3A_469] : memref<16384x1024xf32, #tpu.memory_space<hbm>> -> memref<16x1024xf32, #tpu.memory_space<hbm>>
    tpu.wait_dma2 semaphore(%arg12 : memref<!tpu.dma_semaphore, #tpu.memory_space<semaphore_mem>>) src(%dma_wait3A_470 : memref<16x1024xf32, #tpu.memory_space<hbm>>) dst(%arg5 : memref<16x1024xf32, #tpu.memory_space<vmem>>)
    %parallel_loop3A_471 = arith.constant 0 : i32
    %parallel_loop3A_472 = arith.constant 16 : i32
    %parallel_loop3A_473 = arith.constant 1 : i32
    scf.for %parallel_loop3A_944 = %parallel_loop3A_471 to %parallel_loop3A_472 step %parallel_loop3A_473  : i32 {
      %parallel_loop3A_945 = arith.constant 0 : i32
      %parallel_loop3A_946 = arith.constant 1024 : i32
      %parallel_loop3A_947 = arith.constant 16 : i32
      scf.for %parallel_loop3A_948 = %parallel_loop3A_945 to %parallel_loop3A_946 step %parallel_loop3A_947  : i32 {
        %parallel_loop3A_949 = arith.index_cast %parallel_loop3A_944 : i32 to index
        %parallel_loop3A_950 = arith.index_cast %parallel_loop3A_948 : i32 to index
        %parallel_loop3A_951 = tpu.vector_load %arg11[%parallel_loop3A_949, %parallel_loop3A_950] {strides = array<i32>} : memref<16x1024xf32, #tpu.memory_space<vmem>>, vector<1x16xf32>,
        %parallel_loop3A_952 = vector.shape_cast %parallel_loop3A_951 : vector<1x16xf32> to vector<16xf32>
        %parallel_loop3A_953 = arith.index_cast %parallel_loop3A_944 : i32 to index
        %parallel_loop3A_954 = arith.index_cast %parallel_loop3A_948 : i32 to index
        %parallel_loop3A_955 = tpu.vector_load %arg5[%parallel_loop3A_953, %parallel_loop3A_954] {strides = array<i32>} : memref<16x1024xf32, #tpu.memory_space<vmem>>, vector<1x16xf32>,
        %parallel_loop3A_956 = vector.shape_cast %parallel_loop3A_955 : vector<1x16xf32> to vector<16xf32>
        %parallel_loop3A_957 = vector.shape_cast %parallel_loop3A_952 : vector<16xf32> to vector<1x16xf32>
        tpu.vector_store %arg5[%parallel_loop3A_953, %parallel_loop3A_954], %parallel_loop3A_957 {add = true, strides = array<i32>} : memref<16x1024xf32, #tpu.memory_space<vmem>>, vector<1x16xf32>,
      } {sc.loop_unroll_factor = 8 : i64, sc.parallel_access}
    } {sc.loop_unroll_factor = 2 : i64, sc.parallel_access}
    %add3A_474 = arith.constant 12288 : i32
    %add3A_475 = arith.addi %add3A_474, %mul3A_2 : i32
    %add3A_476 = arith.constant 48 : i32
    %add3A_477 = arith.addi %add3A_475, %add3A_476 : i32
    %dma_start3A_478 = arith.constant 0 : i32
    %dma_start3A_479 = tpu.memref_slice %arg4[%add3A_477, %dma_start3A_478] : memref<16384x1024xf32, #tpu.memory_space<hbm>> -> memref<16x1024xf32, #tpu.memory_space<hbm>>
    %dma_start3A_480 = arith.constant 0 : i32
    %dma_start3A_481 = tpu.memref_slice %arg4[%add3A_477, %dma_start3A_480] : memref<16384x1024xf32, #tpu.memory_space<hbm>> -> memref<16x1024xf32, #tpu.memory_space<hbm>>
    tpu.enqueue_dma source(%arg5 : memref<16x1024xf32, #tpu.memory_space<vmem>>) target(%dma_start3A_481 : memref<16x1024xf32, #tpu.memory_space<hbm>>) target_semaphore(%arg17 : memref<!tpu.dma_semaphore, #tpu.memory_space<semaphore_mem>>)
    %add3A_482 = arith.constant 80 : i32
    %add3A_483 = arith.addi %mul3A_2, %add3A_482 : i32
    %dma_start3A_484 = arith.constant 0 : i32
    %dma_start3A_485 = tpu.memref_slice %arg3[%add3A_483, %dma_start3A_484] : memref<8192x1024xf32, #tpu.memory_space<hbm>> -> memref<16x1024xf32, #tpu.memory_space<hbm>>
    %dma_start3A_486 = arith.constant 0 : i32
    %dma_start3A_487 = tpu.memref_slice %arg3[%add3A_483, %dma_start3A_486] : memref<8192x1024xf32, #tpu.memory_space<hbm>> -> memref<16x1024xf32, #tpu.memory_space<hbm>>
    tpu.enqueue_dma source(%dma_start3A_487 : memref<16x1024xf32, #tpu.memory_space<hbm>>) target(%arg11 : memref<16x1024xf32, #tpu.memory_space<vmem>>) target_semaphore(%arg23 : memref<!tpu.dma_semaphore, #tpu.memory_space<semaphore_mem>>)
    %dma_wait3A_488 = arith.constant 0 : i32
    %dma_wait3A_489 = tpu.memref_slice %arg4[%add3A_423, %dma_wait3A_488] : memref<16384x1024xf32, #tpu.memory_space<hbm>> -> memref<16x1024xf32, #tpu.memory_space<hbm>>
    %dma_wait3A_490 = arith.constant 0 : i32
    %dma_wait3A_491 = tpu.memref_slice %arg4[%add3A_423, %dma_wait3A_490] : memref<16384x1024xf32, #tpu.memory_space<hbm>> -> memref<16x1024xf32, #tpu.memory_space<hbm>>
    tpu.wait_dma2 semaphore(%arg20 : memref<!tpu.dma_semaphore, #tpu.memory_space<semaphore_mem>>) src(%arg8 : memref<16x1024xf32, #tpu.memory_space<vmem>>) dst(%dma_wait3A_491 : memref<16x1024xf32, #tpu.memory_space<hbm>>)
    %add3A_492 = arith.constant 8192 : i32
    %add3A_493 = arith.addi %add3A_492, %mul3A_2 : i32
    %add3A_494 = arith.constant 64 : i32
    %add3A_495 = arith.addi %add3A_493, %add3A_494 : i32
    %dma_start3A_496 = arith.constant 0 : i32
    %dma_start3A_497 = tpu.memref_slice %arg2[%add3A_495, %dma_start3A_496] : memref<16384x1024xf32, #tpu.memory_space<hbm>> -> memref<16x1024xf32, #tpu.memory_space<hbm>>
    %dma_start3A_498 = arith.constant 0 : i32
    %dma_start3A_499 = tpu.memref_slice %arg2[%add3A_495, %dma_start3A_498] : memref<16384x1024xf32, #tpu.memory_space<hbm>> -> memref<16x1024xf32, #tpu.memory_space<hbm>>
    tpu.enqueue_dma source(%dma_start3A_499 : memref<16x1024xf32, #tpu.memory_space<hbm>>) target(%arg8 : memref<16x1024xf32, #tpu.memory_space<vmem>>) target_semaphore(%arg15 : memref<!tpu.dma_semaphore, #tpu.memory_space<semaphore_mem>>)
    %dma_wait3A_500 = arith.constant 0 : i32
    %dma_wait3A_501 = tpu.memref_slice %arg3[%add3A_365, %dma_wait3A_500] : memref<8192x1024xf32, #tpu.memory_space<hbm>> -> memref<16x1024xf32, #tpu.memory_space<hbm>>
    %dma_wait3A_502 = arith.constant 0 : i32
    %dma_wait3A_503 = tpu.memref_slice %arg3[%add3A_365, %dma_wait3A_502] : memref<8192x1024xf32, #tpu.memory_space<hbm>> -> memref<16x1024xf32, #tpu.memory_space<hbm>>
    tpu.wait_dma2 semaphore(%arg22 : memref<!tpu.dma_semaphore, #tpu.memory_space<semaphore_mem>>) src(%dma_wait3A_503 : memref<16x1024xf32, #tpu.memory_space<hbm>>) dst(%arg10 : memref<16x1024xf32, #tpu.memory_space<vmem>>)
    %dma_wait3A_504 = arith.constant 0 : i32
    %dma_wait3A_505 = tpu.memref_slice %arg2[%add3A_435, %dma_wait3A_504] : memref<16384x1024xf32, #tpu.memory_space<hbm>> -> memref<16x1024xf32, #tpu.memory_space<hbm>>
    %dma_wait3A_506 = arith.constant 0 : i32
    %dma_wait3A_507 = tpu.memref_slice %arg2[%add3A_435, %dma_wait3A_506] : memref<16384x1024xf32, #tpu.memory_space<hbm>> -> memref<16x1024xf32, #tpu.memory_space<hbm>>
    tpu.wait_dma2 semaphore(%arg13 : memref<!tpu.dma_semaphore, #tpu.memory_space<semaphore_mem>>) src(%dma_wait3A_507 : memref<16x1024xf32, #tpu.memory_space<hbm>>) dst(%arg6 : memref<16x1024xf32, #tpu.memory_space<vmem>>)
    %parallel_loop3A_508 = arith.constant 0 : i32
    %parallel_loop3A_509 = arith.constant 16 : i32
    %parallel_loop3A_510 = arith.constant 1 : i32
    scf.for %parallel_loop3A_944 = %parallel_loop3A_508 to %parallel_loop3A_509 step %parallel_loop3A_510  : i32 {
      %parallel_loop3A_945 = arith.constant 0 : i32
      %parallel_loop3A_946 = arith.constant 1024 : i32
      %parallel_loop3A_947 = arith.constant 16 : i32
      scf.for %parallel_loop3A_948 = %parallel_loop3A_945 to %parallel_loop3A_946 step %parallel_loop3A_947  : i32 {
        %parallel_loop3A_949 = arith.index_cast %parallel_loop3A_944 : i32 to index
        %parallel_loop3A_950 = arith.index_cast %parallel_loop3A_948 : i32 to index
        %parallel_loop3A_951 = tpu.vector_load %arg10[%parallel_loop3A_949, %parallel_loop3A_950] {strides = array<i32>} : memref<16x1024xf32, #tpu.memory_space<vmem>>, vector<1x16xf32>,
        %parallel_loop3A_952 = vector.shape_cast %parallel_loop3A_951 : vector<1x16xf32> to vector<16xf32>
        %parallel_loop3A_953 = arith.index_cast %parallel_loop3A_944 : i32 to index
        %parallel_loop3A_954 = arith.index_cast %parallel_loop3A_948 : i32 to index
        %parallel_loop3A_955 = tpu.vector_load %arg6[%parallel_loop3A_953, %parallel_loop3A_954] {strides = array<i32>} : memref<16x1024xf32, #tpu.memory_space<vmem>>, vector<1x16xf32>,
        %parallel_loop3A_956 = vector.shape_cast %parallel_loop3A_955 : vector<1x16xf32> to vector<16xf32>
        %parallel_loop3A_957 = vector.shape_cast %parallel_loop3A_952 : vector<16xf32> to vector<1x16xf32>
        tpu.vector_store %arg6[%parallel_loop3A_953, %parallel_loop3A_954], %parallel_loop3A_957 {add = true, strides = array<i32>} : memref<16x1024xf32, #tpu.memory_space<vmem>>, vector<1x16xf32>,
      } {sc.loop_unroll_factor = 8 : i64, sc.parallel_access}
    } {sc.loop_unroll_factor = 2 : i64, sc.parallel_access}
    %add3A_511 = arith.constant 0 : i32
    %add3A_512 = arith.addi %add3A_511, %mul3A_2 : i32
    %add3A_513 = arith.constant 64 : i32
    %add3A_514 = arith.addi %add3A_512, %add3A_513 : i32
    %dma_start3A_515 = arith.constant 0 : i32
    %dma_start3A_516 = tpu.memref_slice %arg4[%add3A_514, %dma_start3A_515] : memref<16384x1024xf32, #tpu.memory_space<hbm>> -> memref<16x1024xf32, #tpu.memory_space<hbm>>
    %dma_start3A_517 = arith.constant 0 : i32
    %dma_start3A_518 = tpu.memref_slice %arg4[%add3A_514, %dma_start3A_517] : memref<16384x1024xf32, #tpu.memory_space<hbm>> -> memref<16x1024xf32, #tpu.memory_space<hbm>>
    tpu.enqueue_dma source(%arg6 : memref<16x1024xf32, #tpu.memory_space<vmem>>) target(%dma_start3A_518 : memref<16x1024xf32, #tpu.memory_space<hbm>>) target_semaphore(%arg18 : memref<!tpu.dma_semaphore, #tpu.memory_space<semaphore_mem>>)
    %dma_wait3A_519 = arith.constant 0 : i32
    %dma_wait3A_520 = tpu.memref_slice %arg4[%add3A_450, %dma_wait3A_519] : memref<16384x1024xf32, #tpu.memory_space<hbm>> -> memref<16x1024xf32, #tpu.memory_space<hbm>>
    %dma_wait3A_521 = arith.constant 0 : i32
    %dma_wait3A_522 = tpu.memref_slice %arg4[%add3A_450, %dma_wait3A_521] : memref<16384x1024xf32, #tpu.memory_space<hbm>> -> memref<16x1024xf32, #tpu.memory_space<hbm>>
    tpu.wait_dma2 semaphore(%arg21 : memref<!tpu.dma_semaphore, #tpu.memory_space<semaphore_mem>>) src(%arg9 : memref<16x1024xf32, #tpu.memory_space<vmem>>) dst(%dma_wait3A_522 : memref<16x1024xf32, #tpu.memory_space<hbm>>)
    %add3A_523 = arith.constant 12288 : i32
    %add3A_524 = arith.addi %add3A_523, %mul3A_2 : i32
    %add3A_525 = arith.constant 64 : i32
    %add3A_526 = arith.addi %add3A_524, %add3A_525 : i32
    %dma_start3A_527 = arith.constant 0 : i32
    %dma_start3A_528 = tpu.memref_slice %arg2[%add3A_526, %dma_start3A_527] : memref<16384x1024xf32, #tpu.memory_space<hbm>> -> memref<16x1024xf32, #tpu.memory_space<hbm>>
    %dma_start3A_529 = arith.constant 0 : i32
    %dma_start3A_530 = tpu.memref_slice %arg2[%add3A_526, %dma_start3A_529] : memref<16384x1024xf32, #tpu.memory_space<hbm>> -> memref<16x1024xf32, #tpu.memory_space<hbm>>
    tpu.enqueue_dma source(%dma_start3A_530 : memref<16x1024xf32, #tpu.memory_space<hbm>>) target(%arg9 : memref<16x1024xf32, #tpu.memory_space<vmem>>) target_semaphore(%arg16 : memref<!tpu.dma_semaphore, #tpu.memory_space<semaphore_mem>>)
    %dma_wait3A_531 = arith.constant 0 : i32
    %dma_wait3A_532 = tpu.memref_slice %arg2[%add3A_462, %dma_wait3A_531] : memref<16384x1024xf32, #tpu.memory_space<hbm>> -> memref<16x1024xf32, #tpu.memory_space<hbm>>
    %dma_wait3A_533 = arith.constant 0 : i32
    %dma_wait3A_534 = tpu.memref_slice %arg2[%add3A_462, %dma_wait3A_533] : memref<16384x1024xf32, #tpu.memory_space<hbm>> -> memref<16x1024xf32, #tpu.memory_space<hbm>>
    tpu.wait_dma2 semaphore(%arg14 : memref<!tpu.dma_semaphore, #tpu.memory_space<semaphore_mem>>) src(%dma_wait3A_534 : memref<16x1024xf32, #tpu.memory_space<hbm>>) dst(%arg7 : memref<16x1024xf32, #tpu.memory_space<vmem>>)
    %parallel_loop3A_535 = arith.constant 0 : i32
    %parallel_loop3A_536 = arith.constant 16 : i32
    %parallel_loop3A_537 = arith.constant 1 : i32
    scf.for %parallel_loop3A_944 = %parallel_loop3A_535 to %parallel_loop3A_536 step %parallel_loop3A_537  : i32 {
      %parallel_loop3A_945 = arith.constant 0 : i32
      %parallel_loop3A_946 = arith.constant 1024 : i32
      %parallel_loop3A_947 = arith.constant 16 : i32
      scf.for %parallel_loop3A_948 = %parallel_loop3A_945 to %parallel_loop3A_946 step %parallel_loop3A_947  : i32 {
        %parallel_loop3A_949 = arith.index_cast %parallel_loop3A_944 : i32 to index
        %parallel_loop3A_950 = arith.index_cast %parallel_loop3A_948 : i32 to index
        %parallel_loop3A_951 = tpu.vector_load %arg10[%parallel_loop3A_949, %parallel_loop3A_950] {strides = array<i32>} : memref<16x1024xf32, #tpu.memory_space<vmem>>, vector<1x16xf32>,
        %parallel_loop3A_952 = vector.shape_cast %parallel_loop3A_951 : vector<1x16xf32> to vector<16xf32>
        %parallel_loop3A_953 = arith.index_cast %parallel_loop3A_944 : i32 to index
        %parallel_loop3A_954 = arith.index_cast %parallel_loop3A_948 : i32 to index
        %parallel_loop3A_955 = tpu.vector_load %arg7[%parallel_loop3A_953, %parallel_loop3A_954] {strides = array<i32>} : memref<16x1024xf32, #tpu.memory_space<vmem>>, vector<1x16xf32>,
        %parallel_loop3A_956 = vector.shape_cast %parallel_loop3A_955 : vector<1x16xf32> to vector<16xf32>
        %parallel_loop3A_957 = vector.shape_cast %parallel_loop3A_952 : vector<16xf32> to vector<1x16xf32>
        tpu.vector_store %arg7[%parallel_loop3A_953, %parallel_loop3A_954], %parallel_loop3A_957 {add = true, strides = array<i32>} : memref<16x1024xf32, #tpu.memory_space<vmem>>, vector<1x16xf32>,
      } {sc.loop_unroll_factor = 8 : i64, sc.parallel_access}
    } {sc.loop_unroll_factor = 2 : i64, sc.parallel_access}
    %add3A_538 = arith.constant 4096 : i32
    %add3A_539 = arith.addi %add3A_538, %mul3A_2 : i32
    %add3A_540 = arith.constant 64 : i32
    %add3A_541 = arith.addi %add3A_539, %add3A_540 : i32
    %dma_start3A_542 = arith.constant 0 : i32
    %dma_start3A_543 = tpu.memref_slice %arg4[%add3A_541, %dma_start3A_542] : memref<16384x1024xf32, #tpu.memory_space<hbm>> -> memref<16x1024xf32, #tpu.memory_space<hbm>>
    %dma_start3A_544 = arith.constant 0 : i32
    %dma_start3A_545 = tpu.memref_slice %arg4[%add3A_541, %dma_start3A_544] : memref<16384x1024xf32, #tpu.memory_space<hbm>> -> memref<16x1024xf32, #tpu.memory_space<hbm>>
    tpu.enqueue_dma source(%arg7 : memref<16x1024xf32, #tpu.memory_space<vmem>>) target(%dma_start3A_545 : memref<16x1024xf32, #tpu.memory_space<hbm>>) target_semaphore(%arg19 : memref<!tpu.dma_semaphore, #tpu.memory_space<semaphore_mem>>)
    %dma_wait3A_546 = arith.constant 0 : i32
    %dma_wait3A_547 = tpu.memref_slice %arg4[%add3A_477, %dma_wait3A_546] : memref<16384x1024xf32, #tpu.memory_space<hbm>> -> memref<16x1024xf32, #tpu.memory_space<hbm>>
    %dma_wait3A_548 = arith.constant 0 : i32
    %dma_wait3A_549 = tpu.memref_slice %arg4[%add3A_477, %dma_wait3A_548] : memref<16384x1024xf32, #tpu.memory_space<hbm>> -> memref<16x1024xf32, #tpu.memory_space<hbm>>
    tpu.wait_dma2 semaphore(%arg17 : memref<!tpu.dma_semaphore, #tpu.memory_space<semaphore_mem>>) src(%arg5 : memref<16x1024xf32, #tpu.memory_space<vmem>>) dst(%dma_wait3A_549 : memref<16x1024xf32, #tpu.memory_space<hbm>>)
    %add3A_550 = arith.constant 0 : i32
    %add3A_551 = arith.addi %add3A_550, %mul3A_2 : i32
    %add3A_552 = arith.constant 80 : i32
    %add3A_553 = arith.addi %add3A_551, %add3A_552 : i32
    %dma_start3A_554 = arith.constant 0 : i32
    %dma_start3A_555 = tpu.memref_slice %arg2[%add3A_553, %dma_start3A_554] : memref<16384x1024xf32, #tpu.memory_space<hbm>> -> memref<16x1024xf32, #tpu.memory_space<hbm>>
    %dma_start3A_556 = arith.constant 0 : i32
    %dma_start3A_557 = tpu.memref_slice %arg2[%add3A_553, %dma_start3A_556] : memref<16384x1024xf32, #tpu.memory_space<hbm>> -> memref<16x1024xf32, #tpu.memory_space<hbm>>
    tpu.enqueue_dma source(%dma_start3A_557 : memref<16x1024xf32, #tpu.memory_space<hbm>>) target(%arg5 : memref<16x1024xf32, #tpu.memory_space<vmem>>) target_semaphore(%arg12 : memref<!tpu.dma_semaphore, #tpu.memory_space<semaphore_mem>>)
    %dma_wait3A_558 = arith.constant 0 : i32
    %dma_wait3A_559 = tpu.memref_slice %arg2[%add3A_495, %dma_wait3A_558] : memref<16384x1024xf32, #tpu.memory_space<hbm>> -> memref<16x1024xf32, #tpu.memory_space<hbm>>
    %dma_wait3A_560 = arith.constant 0 : i32
    %dma_wait3A_561 = tpu.memref_slice %arg2[%add3A_495, %dma_wait3A_560] : memref<16384x1024xf32, #tpu.memory_space<hbm>> -> memref<16x1024xf32, #tpu.memory_space<hbm>>
    tpu.wait_dma2 semaphore(%arg15 : memref<!tpu.dma_semaphore, #tpu.memory_space<semaphore_mem>>) src(%dma_wait3A_561 : memref<16x1024xf32, #tpu.memory_space<hbm>>) dst(%arg8 : memref<16x1024xf32, #tpu.memory_space<vmem>>)
    %parallel_loop3A_562 = arith.constant 0 : i32
    %parallel_loop3A_563 = arith.constant 16 : i32
    %parallel_loop3A_564 = arith.constant 1 : i32
    scf.for %parallel_loop3A_944 = %parallel_loop3A_562 to %parallel_loop3A_563 step %parallel_loop3A_564  : i32 {
      %parallel_loop3A_945 = arith.constant 0 : i32
      %parallel_loop3A_946 = arith.constant 1024 : i32
      %parallel_loop3A_947 = arith.constant 16 : i32
      scf.for %parallel_loop3A_948 = %parallel_loop3A_945 to %parallel_loop3A_946 step %parallel_loop3A_947  : i32 {
        %parallel_loop3A_949 = arith.index_cast %parallel_loop3A_944 : i32 to index
        %parallel_loop3A_950 = arith.index_cast %parallel_loop3A_948 : i32 to index
        %parallel_loop3A_951 = tpu.vector_load %arg10[%parallel_loop3A_949, %parallel_loop3A_950] {strides = array<i32>} : memref<16x1024xf32, #tpu.memory_space<vmem>>, vector<1x16xf32>,
        %parallel_loop3A_952 = vector.shape_cast %parallel_loop3A_951 : vector<1x16xf32> to vector<16xf32>
        %parallel_loop3A_953 = arith.index_cast %parallel_loop3A_944 : i32 to index
        %parallel_loop3A_954 = arith.index_cast %parallel_loop3A_948 : i32 to index
        %parallel_loop3A_955 = tpu.vector_load %arg8[%parallel_loop3A_953, %parallel_loop3A_954] {strides = array<i32>} : memref<16x1024xf32, #tpu.memory_space<vmem>>, vector<1x16xf32>,
        %parallel_loop3A_956 = vector.shape_cast %parallel_loop3A_955 : vector<1x16xf32> to vector<16xf32>
        %parallel_loop3A_957 = vector.shape_cast %parallel_loop3A_952 : vector<16xf32> to vector<1x16xf32>
        tpu.vector_store %arg8[%parallel_loop3A_953, %parallel_loop3A_954], %parallel_loop3A_957 {add = true, strides = array<i32>} : memref<16x1024xf32, #tpu.memory_space<vmem>>, vector<1x16xf32>,
      } {sc.loop_unroll_factor = 8 : i64, sc.parallel_access}
    } {sc.loop_unroll_factor = 2 : i64, sc.parallel_access}
    %add3A_565 = arith.constant 8192 : i32
    %add3A_566 = arith.addi %add3A_565, %mul3A_2 : i32
    %add3A_567 = arith.constant 64 : i32
    %add3A_568 = arith.addi %add3A_566, %add3A_567 : i32
    %dma_start3A_569 = arith.constant 0 : i32
    %dma_start3A_570 = tpu.memref_slice %arg4[%add3A_568, %dma_start3A_569] : memref<16384x1024xf32, #tpu.memory_space<hbm>> -> memref<16x1024xf32, #tpu.memory_space<hbm>>
    %dma_start3A_571 = arith.constant 0 : i32
    %dma_start3A_572 = tpu.memref_slice %arg4[%add3A_568, %dma_start3A_571] : memref<16384x1024xf32, #tpu.memory_space<hbm>> -> memref<16x1024xf32, #tpu.memory_space<hbm>>
    tpu.enqueue_dma source(%arg8 : memref<16x1024xf32, #tpu.memory_space<vmem>>) target(%dma_start3A_572 : memref<16x1024xf32, #tpu.memory_space<hbm>>) target_semaphore(%arg20 : memref<!tpu.dma_semaphore, #tpu.memory_space<semaphore_mem>>)
    %dma_wait3A_573 = arith.constant 0 : i32
    %dma_wait3A_574 = tpu.memref_slice %arg4[%add3A_514, %dma_wait3A_573] : memref<16384x1024xf32, #tpu.memory_space<hbm>> -> memref<16x1024xf32, #tpu.memory_space<hbm>>
    %dma_wait3A_575 = arith.constant 0 : i32
    %dma_wait3A_576 = tpu.memref_slice %arg4[%add3A_514, %dma_wait3A_575] : memref<16384x1024xf32, #tpu.memory_space<hbm>> -> memref<16x1024xf32, #tpu.memory_space<hbm>>
    tpu.wait_dma2 semaphore(%arg18 : memref<!tpu.dma_semaphore, #tpu.memory_space<semaphore_mem>>) src(%arg6 : memref<16x1024xf32, #tpu.memory_space<vmem>>) dst(%dma_wait3A_576 : memref<16x1024xf32, #tpu.memory_space<hbm>>)
    %add3A_577 = arith.constant 4096 : i32
    %add3A_578 = arith.addi %add3A_577, %mul3A_2 : i32
    %add3A_579 = arith.constant 80 : i32
    %add3A_580 = arith.addi %add3A_578, %add3A_579 : i32
    %dma_start3A_581 = arith.constant 0 : i32
    %dma_start3A_582 = tpu.memref_slice %arg2[%add3A_580, %dma_start3A_581] : memref<16384x1024xf32, #tpu.memory_space<hbm>> -> memref<16x1024xf32, #tpu.memory_space<hbm>>
    %dma_start3A_583 = arith.constant 0 : i32
    %dma_start3A_584 = tpu.memref_slice %arg2[%add3A_580, %dma_start3A_583] : memref<16384x1024xf32, #tpu.memory_space<hbm>> -> memref<16x1024xf32, #tpu.memory_space<hbm>>
    tpu.enqueue_dma source(%dma_start3A_584 : memref<16x1024xf32, #tpu.memory_space<hbm>>) target(%arg6 : memref<16x1024xf32, #tpu.memory_space<vmem>>) target_semaphore(%arg13 : memref<!tpu.dma_semaphore, #tpu.memory_space<semaphore_mem>>)
    %dma_wait3A_585 = arith.constant 0 : i32
    %dma_wait3A_586 = tpu.memref_slice %arg2[%add3A_526, %dma_wait3A_585] : memref<16384x1024xf32, #tpu.memory_space<hbm>> -> memref<16x1024xf32, #tpu.memory_space<hbm>>
    %dma_wait3A_587 = arith.constant 0 : i32
    %dma_wait3A_588 = tpu.memref_slice %arg2[%add3A_526, %dma_wait3A_587] : memref<16384x1024xf32, #tpu.memory_space<hbm>> -> memref<16x1024xf32, #tpu.memory_space<hbm>>
    tpu.wait_dma2 semaphore(%arg16 : memref<!tpu.dma_semaphore, #tpu.memory_space<semaphore_mem>>) src(%dma_wait3A_588 : memref<16x1024xf32, #tpu.memory_space<hbm>>) dst(%arg9 : memref<16x1024xf32, #tpu.memory_space<vmem>>)
    %parallel_loop3A_589 = arith.constant 0 : i32
    %parallel_loop3A_590 = arith.constant 16 : i32
    %parallel_loop3A_591 = arith.constant 1 : i32
    scf.for %parallel_loop3A_944 = %parallel_loop3A_589 to %parallel_loop3A_590 step %parallel_loop3A_591  : i32 {
      %parallel_loop3A_945 = arith.constant 0 : i32
      %parallel_loop3A_946 = arith.constant 1024 : i32
      %parallel_loop3A_947 = arith.constant 16 : i32
      scf.for %parallel_loop3A_948 = %parallel_loop3A_945 to %parallel_loop3A_946 step %parallel_loop3A_947  : i32 {
        %parallel_loop3A_949 = arith.index_cast %parallel_loop3A_944 : i32 to index
        %parallel_loop3A_950 = arith.index_cast %parallel_loop3A_948 : i32 to index
        %parallel_loop3A_951 = tpu.vector_load %arg10[%parallel_loop3A_949, %parallel_loop3A_950] {strides = array<i32>} : memref<16x1024xf32, #tpu.memory_space<vmem>>, vector<1x16xf32>,
        %parallel_loop3A_952 = vector.shape_cast %parallel_loop3A_951 : vector<1x16xf32> to vector<16xf32>
        %parallel_loop3A_953 = arith.index_cast %parallel_loop3A_944 : i32 to index
        %parallel_loop3A_954 = arith.index_cast %parallel_loop3A_948 : i32 to index
        %parallel_loop3A_955 = tpu.vector_load %arg9[%parallel_loop3A_953, %parallel_loop3A_954] {strides = array<i32>} : memref<16x1024xf32, #tpu.memory_space<vmem>>, vector<1x16xf32>,
        %parallel_loop3A_956 = vector.shape_cast %parallel_loop3A_955 : vector<1x16xf32> to vector<16xf32>
        %parallel_loop3A_957 = vector.shape_cast %parallel_loop3A_952 : vector<16xf32> to vector<1x16xf32>
        tpu.vector_store %arg9[%parallel_loop3A_953, %parallel_loop3A_954], %parallel_loop3A_957 {add = true, strides = array<i32>} : memref<16x1024xf32, #tpu.memory_space<vmem>>, vector<1x16xf32>,
      } {sc.loop_unroll_factor = 8 : i64, sc.parallel_access}
    } {sc.loop_unroll_factor = 2 : i64, sc.parallel_access}
    %add3A_592 = arith.constant 12288 : i32
    %add3A_593 = arith.addi %add3A_592, %mul3A_2 : i32
    %add3A_594 = arith.constant 64 : i32
    %add3A_595 = arith.addi %add3A_593, %add3A_594 : i32
    %dma_start3A_596 = arith.constant 0 : i32
    %dma_start3A_597 = tpu.memref_slice %arg4[%add3A_595, %dma_start3A_596] : memref<16384x1024xf32, #tpu.memory_space<hbm>> -> memref<16x1024xf32, #tpu.memory_space<hbm>>
    %dma_start3A_598 = arith.constant 0 : i32
    %dma_start3A_599 = tpu.memref_slice %arg4[%add3A_595, %dma_start3A_598] : memref<16384x1024xf32, #tpu.memory_space<hbm>> -> memref<16x1024xf32, #tpu.memory_space<hbm>>
    tpu.enqueue_dma source(%arg9 : memref<16x1024xf32, #tpu.memory_space<vmem>>) target(%dma_start3A_599 : memref<16x1024xf32, #tpu.memory_space<hbm>>) target_semaphore(%arg21 : memref<!tpu.dma_semaphore, #tpu.memory_space<semaphore_mem>>)
    %add3A_600 = arith.constant 96 : i32
    %add3A_601 = arith.addi %mul3A_2, %add3A_600 : i32
    %dma_start3A_602 = arith.constant 0 : i32
    %dma_start3A_603 = tpu.memref_slice %arg3[%add3A_601, %dma_start3A_602] : memref<8192x1024xf32, #tpu.memory_space<hbm>> -> memref<16x1024xf32, #tpu.memory_space<hbm>>
    %dma_start3A_604 = arith.constant 0 : i32
    %dma_start3A_605 = tpu.memref_slice %arg3[%add3A_601, %dma_start3A_604] : memref<8192x1024xf32, #tpu.memory_space<hbm>> -> memref<16x1024xf32, #tpu.memory_space<hbm>>
    tpu.enqueue_dma source(%dma_start3A_605 : memref<16x1024xf32, #tpu.memory_space<hbm>>) target(%arg10 : memref<16x1024xf32, #tpu.memory_space<vmem>>) target_semaphore(%arg22 : memref<!tpu.dma_semaphore, #tpu.memory_space<semaphore_mem>>)
    %dma_wait3A_606 = arith.constant 0 : i32
    %dma_wait3A_607 = tpu.memref_slice %arg4[%add3A_541, %dma_wait3A_606] : memref<16384x1024xf32, #tpu.memory_space<hbm>> -> memref<16x1024xf32, #tpu.memory_space<hbm>>
    %dma_wait3A_608 = arith.constant 0 : i32
    %dma_wait3A_609 = tpu.memref_slice %arg4[%add3A_541, %dma_wait3A_608] : memref<16384x1024xf32, #tpu.memory_space<hbm>> -> memref<16x1024xf32, #tpu.memory_space<hbm>>
    tpu.wait_dma2 semaphore(%arg19 : memref<!tpu.dma_semaphore, #tpu.memory_space<semaphore_mem>>) src(%arg7 : memref<16x1024xf32, #tpu.memory_space<vmem>>) dst(%dma_wait3A_609 : memref<16x1024xf32, #tpu.memory_space<hbm>>)
    %add3A_610 = arith.constant 8192 : i32
    %add3A_611 = arith.addi %add3A_610, %mul3A_2 : i32
    %add3A_612 = arith.constant 80 : i32
    %add3A_613 = arith.addi %add3A_611, %add3A_612 : i32
    %dma_start3A_614 = arith.constant 0 : i32
    %dma_start3A_615 = tpu.memref_slice %arg2[%add3A_613, %dma_start3A_614] : memref<16384x1024xf32, #tpu.memory_space<hbm>> -> memref<16x1024xf32, #tpu.memory_space<hbm>>
    %dma_start3A_616 = arith.constant 0 : i32
    %dma_start3A_617 = tpu.memref_slice %arg2[%add3A_613, %dma_start3A_616] : memref<16384x1024xf32, #tpu.memory_space<hbm>> -> memref<16x1024xf32, #tpu.memory_space<hbm>>
    tpu.enqueue_dma source(%dma_start3A_617 : memref<16x1024xf32, #tpu.memory_space<hbm>>) target(%arg7 : memref<16x1024xf32, #tpu.memory_space<vmem>>) target_semaphore(%arg14 : memref<!tpu.dma_semaphore, #tpu.memory_space<semaphore_mem>>)
    %dma_wait3A_618 = arith.constant 0 : i32
    %dma_wait3A_619 = tpu.memref_slice %arg3[%add3A_483, %dma_wait3A_618] : memref<8192x1024xf32, #tpu.memory_space<hbm>> -> memref<16x1024xf32, #tpu.memory_space<hbm>>
    %dma_wait3A_620 = arith.constant 0 : i32
    %dma_wait3A_621 = tpu.memref_slice %arg3[%add3A_483, %dma_wait3A_620] : memref<8192x1024xf32, #tpu.memory_space<hbm>> -> memref<16x1024xf32, #tpu.memory_space<hbm>>
    tpu.wait_dma2 semaphore(%arg23 : memref<!tpu.dma_semaphore, #tpu.memory_space<semaphore_mem>>) src(%dma_wait3A_621 : memref<16x1024xf32, #tpu.memory_space<hbm>>) dst(%arg11 : memref<16x1024xf32, #tpu.memory_space<vmem>>)
    %dma_wait3A_622 = arith.constant 0 : i32
    %dma_wait3A_623 = tpu.memref_slice %arg2[%add3A_553, %dma_wait3A_622] : memref<16384x1024xf32, #tpu.memory_space<hbm>> -> memref<16x1024xf32, #tpu.memory_space<hbm>>
    %dma_wait3A_624 = arith.constant 0 : i32
    %dma_wait3A_625 = tpu.memref_slice %arg2[%add3A_553, %dma_wait3A_624] : memref<16384x1024xf32, #tpu.memory_space<hbm>> -> memref<16x1024xf32, #tpu.memory_space<hbm>>
    tpu.wait_dma2 semaphore(%arg12 : memref<!tpu.dma_semaphore, #tpu.memory_space<semaphore_mem>>) src(%dma_wait3A_625 : memref<16x1024xf32, #tpu.memory_space<hbm>>) dst(%arg5 : memref<16x1024xf32, #tpu.memory_space<vmem>>)
    %parallel_loop3A_626 = arith.constant 0 : i32
    %parallel_loop3A_627 = arith.constant 16 : i32
    %parallel_loop3A_628 = arith.constant 1 : i32
    scf.for %parallel_loop3A_944 = %parallel_loop3A_626 to %parallel_loop3A_627 step %parallel_loop3A_628  : i32 {
      %parallel_loop3A_945 = arith.constant 0 : i32
      %parallel_loop3A_946 = arith.constant 1024 : i32
      %parallel_loop3A_947 = arith.constant 16 : i32
      scf.for %parallel_loop3A_948 = %parallel_loop3A_945 to %parallel_loop3A_946 step %parallel_loop3A_947  : i32 {
        %parallel_loop3A_949 = arith.index_cast %parallel_loop3A_944 : i32 to index
        %parallel_loop3A_950 = arith.index_cast %parallel_loop3A_948 : i32 to index
        %parallel_loop3A_951 = tpu.vector_load %arg11[%parallel_loop3A_949, %parallel_loop3A_950] {strides = array<i32>} : memref<16x1024xf32, #tpu.memory_space<vmem>>, vector<1x16xf32>,
        %parallel_loop3A_952 = vector.shape_cast %parallel_loop3A_951 : vector<1x16xf32> to vector<16xf32>
        %parallel_loop3A_953 = arith.index_cast %parallel_loop3A_944 : i32 to index
        %parallel_loop3A_954 = arith.index_cast %parallel_loop3A_948 : i32 to index
        %parallel_loop3A_955 = tpu.vector_load %arg5[%parallel_loop3A_953, %parallel_loop3A_954] {strides = array<i32>} : memref<16x1024xf32, #tpu.memory_space<vmem>>, vector<1x16xf32>,
        %parallel_loop3A_956 = vector.shape_cast %parallel_loop3A_955 : vector<1x16xf32> to vector<16xf32>
        %parallel_loop3A_957 = vector.shape_cast %parallel_loop3A_952 : vector<16xf32> to vector<1x16xf32>
        tpu.vector_store %arg5[%parallel_loop3A_953, %parallel_loop3A_954], %parallel_loop3A_957 {add = true, strides = array<i32>} : memref<16x1024xf32, #tpu.memory_space<vmem>>, vector<1x16xf32>,
      } {sc.loop_unroll_factor = 8 : i64, sc.parallel_access}
    } {sc.loop_unroll_factor = 2 : i64, sc.parallel_access}
    %add3A_629 = arith.constant 0 : i32
    %add3A_630 = arith.addi %add3A_629, %mul3A_2 : i32
    %add3A_631 = arith.constant 80 : i32
    %add3A_632 = arith.addi %add3A_630, %add3A_631 : i32
    %dma_start3A_633 = arith.constant 0 : i32
    %dma_start3A_634 = tpu.memref_slice %arg4[%add3A_632, %dma_start3A_633] : memref<16384x1024xf32, #tpu.memory_space<hbm>> -> memref<16x1024xf32, #tpu.memory_space<hbm>>
    %dma_start3A_635 = arith.constant 0 : i32
    %dma_start3A_636 = tpu.memref_slice %arg4[%add3A_632, %dma_start3A_635] : memref<16384x1024xf32, #tpu.memory_space<hbm>> -> memref<16x1024xf32, #tpu.memory_space<hbm>>
    tpu.enqueue_dma source(%arg5 : memref<16x1024xf32, #tpu.memory_space<vmem>>) target(%dma_start3A_636 : memref<16x1024xf32, #tpu.memory_space<hbm>>) target_semaphore(%arg17 : memref<!tpu.dma_semaphore, #tpu.memory_space<semaphore_mem>>)
    %dma_wait3A_637 = arith.constant 0 : i32
    %dma_wait3A_638 = tpu.memref_slice %arg4[%add3A_568, %dma_wait3A_637] : memref<16384x1024xf32, #tpu.memory_space<hbm>> -> memref<16x1024xf32, #tpu.memory_space<hbm>>
    %dma_wait3A_639 = arith.constant 0 : i32
    %dma_wait3A_640 = tpu.memref_slice %arg4[%add3A_568, %dma_wait3A_639] : memref<16384x1024xf32, #tpu.memory_space<hbm>> -> memref<16x1024xf32, #tpu.memory_space<hbm>>
    tpu.wait_dma2 semaphore(%arg20 : memref<!tpu.dma_semaphore, #tpu.memory_space<semaphore_mem>>) src(%arg8 : memref<16x1024xf32, #tpu.memory_space<vmem>>) dst(%dma_wait3A_640 : memref<16x1024xf32, #tpu.memory_space<hbm>>)
    %add3A_641 = arith.constant 12288 : i32
    %add3A_642 = arith.addi %add3A_641, %mul3A_2 : i32
    %add3A_643 = arith.constant 80 : i32
    %add3A_644 = arith.addi %add3A_642, %add3A_643 : i32
    %dma_start3A_645 = arith.constant 0 : i32
    %dma_start3A_646 = tpu.memref_slice %arg2[%add3A_644, %dma_start3A_645] : memref<16384x1024xf32, #tpu.memory_space<hbm>> -> memref<16x1024xf32, #tpu.memory_space<hbm>>
    %dma_start3A_647 = arith.constant 0 : i32
    %dma_start3A_648 = tpu.memref_slice %arg2[%add3A_644, %dma_start3A_647] : memref<16384x1024xf32, #tpu.memory_space<hbm>> -> memref<16x1024xf32, #tpu.memory_space<hbm>>
    tpu.enqueue_dma source(%dma_start3A_648 : memref<16x1024xf32, #tpu.memory_space<hbm>>) target(%arg8 : memref<16x1024xf32, #tpu.memory_space<vmem>>) target_semaphore(%arg15 : memref<!tpu.dma_semaphore, #tpu.memory_space<semaphore_mem>>)
    %dma_wait3A_649 = arith.constant 0 : i32
    %dma_wait3A_650 = tpu.memref_slice %arg2[%add3A_580, %dma_wait3A_649] : memref<16384x1024xf32, #tpu.memory_space<hbm>> -> memref<16x1024xf32, #tpu.memory_space<hbm>>
    %dma_wait3A_651 = arith.constant 0 : i32
    %dma_wait3A_652 = tpu.memref_slice %arg2[%add3A_580, %dma_wait3A_651] : memref<16384x1024xf32, #tpu.memory_space<hbm>> -> memref<16x1024xf32, #tpu.memory_space<hbm>>
    tpu.wait_dma2 semaphore(%arg13 : memref<!tpu.dma_semaphore, #tpu.memory_space<semaphore_mem>>) src(%dma_wait3A_652 : memref<16x1024xf32, #tpu.memory_space<hbm>>) dst(%arg6 : memref<16x1024xf32, #tpu.memory_space<vmem>>)
    %parallel_loop3A_653 = arith.constant 0 : i32
    %parallel_loop3A_654 = arith.constant 16 : i32
    %parallel_loop3A_655 = arith.constant 1 : i32
    scf.for %parallel_loop3A_944 = %parallel_loop3A_653 to %parallel_loop3A_654 step %parallel_loop3A_655  : i32 {
      %parallel_loop3A_945 = arith.constant 0 : i32
      %parallel_loop3A_946 = arith.constant 1024 : i32
      %parallel_loop3A_947 = arith.constant 16 : i32
      scf.for %parallel_loop3A_948 = %parallel_loop3A_945 to %parallel_loop3A_946 step %parallel_loop3A_947  : i32 {
        %parallel_loop3A_949 = arith.index_cast %parallel_loop3A_944 : i32 to index
        %parallel_loop3A_950 = arith.index_cast %parallel_loop3A_948 : i32 to index
        %parallel_loop3A_951 = tpu.vector_load %arg11[%parallel_loop3A_949, %parallel_loop3A_950] {strides = array<i32>} : memref<16x1024xf32, #tpu.memory_space<vmem>>, vector<1x16xf32>,
        %parallel_loop3A_952 = vector.shape_cast %parallel_loop3A_951 : vector<1x16xf32> to vector<16xf32>
        %parallel_loop3A_953 = arith.index_cast %parallel_loop3A_944 : i32 to index
        %parallel_loop3A_954 = arith.index_cast %parallel_loop3A_948 : i32 to index
        %parallel_loop3A_955 = tpu.vector_load %arg6[%parallel_loop3A_953, %parallel_loop3A_954] {strides = array<i32>} : memref<16x1024xf32, #tpu.memory_space<vmem>>, vector<1x16xf32>,
        %parallel_loop3A_956 = vector.shape_cast %parallel_loop3A_955 : vector<1x16xf32> to vector<16xf32>
        %parallel_loop3A_957 = vector.shape_cast %parallel_loop3A_952 : vector<16xf32> to vector<1x16xf32>
        tpu.vector_store %arg6[%parallel_loop3A_953, %parallel_loop3A_954], %parallel_loop3A_957 {add = true, strides = array<i32>} : memref<16x1024xf32, #tpu.memory_space<vmem>>, vector<1x16xf32>,
      } {sc.loop_unroll_factor = 8 : i64, sc.parallel_access}
    } {sc.loop_unroll_factor = 2 : i64, sc.parallel_access}
    %add3A_656 = arith.constant 4096 : i32
    %add3A_657 = arith.addi %add3A_656, %mul3A_2 : i32
    %add3A_658 = arith.constant 80 : i32
    %add3A_659 = arith.addi %add3A_657, %add3A_658 : i32
    %dma_start3A_660 = arith.constant 0 : i32
    %dma_start3A_661 = tpu.memref_slice %arg4[%add3A_659, %dma_start3A_660] : memref<16384x1024xf32, #tpu.memory_space<hbm>> -> memref<16x1024xf32, #tpu.memory_space<hbm>>
    %dma_start3A_662 = arith.constant 0 : i32
    %dma_start3A_663 = tpu.memref_slice %arg4[%add3A_659, %dma_start3A_662] : memref<16384x1024xf32, #tpu.memory_space<hbm>> -> memref<16x1024xf32, #tpu.memory_space<hbm>>
    tpu.enqueue_dma source(%arg6 : memref<16x1024xf32, #tpu.memory_space<vmem>>) target(%dma_start3A_663 : memref<16x1024xf32, #tpu.memory_space<hbm>>) target_semaphore(%arg18 : memref<!tpu.dma_semaphore, #tpu.memory_space<semaphore_mem>>)
    %dma_wait3A_664 = arith.constant 0 : i32
    %dma_wait3A_665 = tpu.memref_slice %arg4[%add3A_595, %dma_wait3A_664] : memref<16384x1024xf32, #tpu.memory_space<hbm>> -> memref<16x1024xf32, #tpu.memory_space<hbm>>
    %dma_wait3A_666 = arith.constant 0 : i32
    %dma_wait3A_667 = tpu.memref_slice %arg4[%add3A_595, %dma_wait3A_666] : memref<16384x1024xf32, #tpu.memory_space<hbm>> -> memref<16x1024xf32, #tpu.memory_space<hbm>>
    tpu.wait_dma2 semaphore(%arg21 : memref<!tpu.dma_semaphore, #tpu.memory_space<semaphore_mem>>) src(%arg9 : memref<16x1024xf32, #tpu.memory_space<vmem>>) dst(%dma_wait3A_667 : memref<16x1024xf32, #tpu.memory_space<hbm>>)
    %add3A_668 = arith.constant 0 : i32
    %add3A_669 = arith.addi %add3A_668, %mul3A_2 : i32
    %add3A_670 = arith.constant 96 : i32
    %add3A_671 = arith.addi %add3A_669, %add3A_670 : i32
    %dma_start3A_672 = arith.constant 0 : i32
    %dma_start3A_673 = tpu.memref_slice %arg2[%add3A_671, %dma_start3A_672] : memref<16384x1024xf32, #tpu.memory_space<hbm>> -> memref<16x1024xf32, #tpu.memory_space<hbm>>
    %dma_start3A_674 = arith.constant 0 : i32
    %dma_start3A_675 = tpu.memref_slice %arg2[%add3A_671, %dma_start3A_674] : memref<16384x1024xf32, #tpu.memory_space<hbm>> -> memref<16x1024xf32, #tpu.memory_space<hbm>>
    tpu.enqueue_dma source(%dma_start3A_675 : memref<16x1024xf32, #tpu.memory_space<hbm>>) target(%arg9 : memref<16x1024xf32, #tpu.memory_space<vmem>>) target_semaphore(%arg16 : memref<!tpu.dma_semaphore, #tpu.memory_space<semaphore_mem>>)
    %dma_wait3A_676 = arith.constant 0 : i32
    %dma_wait3A_677 = tpu.memref_slice %arg2[%add3A_613, %dma_wait3A_676] : memref<16384x1024xf32, #tpu.memory_space<hbm>> -> memref<16x1024xf32, #tpu.memory_space<hbm>>
    %dma_wait3A_678 = arith.constant 0 : i32
    %dma_wait3A_679 = tpu.memref_slice %arg2[%add3A_613, %dma_wait3A_678] : memref<16384x1024xf32, #tpu.memory_space<hbm>> -> memref<16x1024xf32, #tpu.memory_space<hbm>>
    tpu.wait_dma2 semaphore(%arg14 : memref<!tpu.dma_semaphore, #tpu.memory_space<semaphore_mem>>) src(%dma_wait3A_679 : memref<16x1024xf32, #tpu.memory_space<hbm>>) dst(%arg7 : memref<16x1024xf32, #tpu.memory_space<vmem>>)
    %parallel_loop3A_680 = arith.constant 0 : i32
    %parallel_loop3A_681 = arith.constant 16 : i32
    %parallel_loop3A_682 = arith.constant 1 : i32
    scf.for %parallel_loop3A_944 = %parallel_loop3A_680 to %parallel_loop3A_681 step %parallel_loop3A_682  : i32 {
      %parallel_loop3A_945 = arith.constant 0 : i32
      %parallel_loop3A_946 = arith.constant 1024 : i32
      %parallel_loop3A_947 = arith.constant 16 : i32
      scf.for %parallel_loop3A_948 = %parallel_loop3A_945 to %parallel_loop3A_946 step %parallel_loop3A_947  : i32 {
        %parallel_loop3A_949 = arith.index_cast %parallel_loop3A_944 : i32 to index
        %parallel_loop3A_950 = arith.index_cast %parallel_loop3A_948 : i32 to index
        %parallel_loop3A_951 = tpu.vector_load %arg11[%parallel_loop3A_949, %parallel_loop3A_950] {strides = array<i32>} : memref<16x1024xf32, #tpu.memory_space<vmem>>, vector<1x16xf32>,
        %parallel_loop3A_952 = vector.shape_cast %parallel_loop3A_951 : vector<1x16xf32> to vector<16xf32>
        %parallel_loop3A_953 = arith.index_cast %parallel_loop3A_944 : i32 to index
        %parallel_loop3A_954 = arith.index_cast %parallel_loop3A_948 : i32 to index
        %parallel_loop3A_955 = tpu.vector_load %arg7[%parallel_loop3A_953, %parallel_loop3A_954] {strides = array<i32>} : memref<16x1024xf32, #tpu.memory_space<vmem>>, vector<1x16xf32>,
        %parallel_loop3A_956 = vector.shape_cast %parallel_loop3A_955 : vector<1x16xf32> to vector<16xf32>
        %parallel_loop3A_957 = vector.shape_cast %parallel_loop3A_952 : vector<16xf32> to vector<1x16xf32>
        tpu.vector_store %arg7[%parallel_loop3A_953, %parallel_loop3A_954], %parallel_loop3A_957 {add = true, strides = array<i32>} : memref<16x1024xf32, #tpu.memory_space<vmem>>, vector<1x16xf32>,
      } {sc.loop_unroll_factor = 8 : i64, sc.parallel_access}
    } {sc.loop_unroll_factor = 2 : i64, sc.parallel_access}
    %add3A_683 = arith.constant 8192 : i32
    %add3A_684 = arith.addi %add3A_683, %mul3A_2 : i32
    %add3A_685 = arith.constant 80 : i32
    %add3A_686 = arith.addi %add3A_684, %add3A_685 : i32
    %dma_start3A_687 = arith.constant 0 : i32
    %dma_start3A_688 = tpu.memref_slice %arg4[%add3A_686, %dma_start3A_687] : memref<16384x1024xf32, #tpu.memory_space<hbm>> -> memref<16x1024xf32, #tpu.memory_space<hbm>>
    %dma_start3A_689 = arith.constant 0 : i32
    %dma_start3A_690 = tpu.memref_slice %arg4[%add3A_686, %dma_start3A_689] : memref<16384x1024xf32, #tpu.memory_space<hbm>> -> memref<16x1024xf32, #tpu.memory_space<hbm>>
    tpu.enqueue_dma source(%arg7 : memref<16x1024xf32, #tpu.memory_space<vmem>>) target(%dma_start3A_690 : memref<16x1024xf32, #tpu.memory_space<hbm>>) target_semaphore(%arg19 : memref<!tpu.dma_semaphore, #tpu.memory_space<semaphore_mem>>)
    %dma_wait3A_691 = arith.constant 0 : i32
    %dma_wait3A_692 = tpu.memref_slice %arg4[%add3A_632, %dma_wait3A_691] : memref<16384x1024xf32, #tpu.memory_space<hbm>> -> memref<16x1024xf32, #tpu.memory_space<hbm>>
    %dma_wait3A_693 = arith.constant 0 : i32
    %dma_wait3A_694 = tpu.memref_slice %arg4[%add3A_632, %dma_wait3A_693] : memref<16384x1024xf32, #tpu.memory_space<hbm>> -> memref<16x1024xf32, #tpu.memory_space<hbm>>
    tpu.wait_dma2 semaphore(%arg17 : memref<!tpu.dma_semaphore, #tpu.memory_space<semaphore_mem>>) src(%arg5 : memref<16x1024xf32, #tpu.memory_space<vmem>>) dst(%dma_wait3A_694 : memref<16x1024xf32, #tpu.memory_space<hbm>>)
    %add3A_695 = arith.constant 4096 : i32
    %add3A_696 = arith.addi %add3A_695, %mul3A_2 : i32
    %add3A_697 = arith.constant 96 : i32
    %add3A_698 = arith.addi %add3A_696, %add3A_697 : i32
    %dma_start3A_699 = arith.constant 0 : i32
    %dma_start3A_700 = tpu.memref_slice %arg2[%add3A_698, %dma_start3A_699] : memref<16384x1024xf32, #tpu.memory_space<hbm>> -> memref<16x1024xf32, #tpu.memory_space<hbm>>
    %dma_start3A_701 = arith.constant 0 : i32
    %dma_start3A_702 = tpu.memref_slice %arg2[%add3A_698, %dma_start3A_701] : memref<16384x1024xf32, #tpu.memory_space<hbm>> -> memref<16x1024xf32, #tpu.memory_space<hbm>>
    tpu.enqueue_dma source(%dma_start3A_702 : memref<16x1024xf32, #tpu.memory_space<hbm>>) target(%arg5 : memref<16x1024xf32, #tpu.memory_space<vmem>>) target_semaphore(%arg12 : memref<!tpu.dma_semaphore, #tpu.memory_space<semaphore_mem>>)
    %dma_wait3A_703 = arith.constant 0 : i32
    %dma_wait3A_704 = tpu.memref_slice %arg2[%add3A_644, %dma_wait3A_703] : memref<16384x1024xf32, #tpu.memory_space<hbm>> -> memref<16x1024xf32, #tpu.memory_space<hbm>>
    %dma_wait3A_705 = arith.constant 0 : i32
    %dma_wait3A_706 = tpu.memref_slice %arg2[%add3A_644, %dma_wait3A_705] : memref<16384x1024xf32, #tpu.memory_space<hbm>> -> memref<16x1024xf32, #tpu.memory_space<hbm>>
    tpu.wait_dma2 semaphore(%arg15 : memref<!tpu.dma_semaphore, #tpu.memory_space<semaphore_mem>>) src(%dma_wait3A_706 : memref<16x1024xf32, #tpu.memory_space<hbm>>) dst(%arg8 : memref<16x1024xf32, #tpu.memory_space<vmem>>)
    %parallel_loop3A_707 = arith.constant 0 : i32
    %parallel_loop3A_708 = arith.constant 16 : i32
    %parallel_loop3A_709 = arith.constant 1 : i32
    scf.for %parallel_loop3A_944 = %parallel_loop3A_707 to %parallel_loop3A_708 step %parallel_loop3A_709  : i32 {
      %parallel_loop3A_945 = arith.constant 0 : i32
      %parallel_loop3A_946 = arith.constant 1024 : i32
      %parallel_loop3A_947 = arith.constant 16 : i32
      scf.for %parallel_loop3A_948 = %parallel_loop3A_945 to %parallel_loop3A_946 step %parallel_loop3A_947  : i32 {
        %parallel_loop3A_949 = arith.index_cast %parallel_loop3A_944 : i32 to index
        %parallel_loop3A_950 = arith.index_cast %parallel_loop3A_948 : i32 to index
        %parallel_loop3A_951 = tpu.vector_load %arg11[%parallel_loop3A_949, %parallel_loop3A_950] {strides = array<i32>} : memref<16x1024xf32, #tpu.memory_space<vmem>>, vector<1x16xf32>,
        %parallel_loop3A_952 = vector.shape_cast %parallel_loop3A_951 : vector<1x16xf32> to vector<16xf32>
        %parallel_loop3A_953 = arith.index_cast %parallel_loop3A_944 : i32 to index
        %parallel_loop3A_954 = arith.index_cast %parallel_loop3A_948 : i32 to index
        %parallel_loop3A_955 = tpu.vector_load %arg8[%parallel_loop3A_953, %parallel_loop3A_954] {strides = array<i32>} : memref<16x1024xf32, #tpu.memory_space<vmem>>, vector<1x16xf32>,
        %parallel_loop3A_956 = vector.shape_cast %parallel_loop3A_955 : vector<1x16xf32> to vector<16xf32>
        %parallel_loop3A_957 = vector.shape_cast %parallel_loop3A_952 : vector<16xf32> to vector<1x16xf32>
        tpu.vector_store %arg8[%parallel_loop3A_953, %parallel_loop3A_954], %parallel_loop3A_957 {add = true, strides = array<i32>} : memref<16x1024xf32, #tpu.memory_space<vmem>>, vector<1x16xf32>,
      } {sc.loop_unroll_factor = 8 : i64, sc.parallel_access}
    } {sc.loop_unroll_factor = 2 : i64, sc.parallel_access}
    %add3A_710 = arith.constant 12288 : i32
    %add3A_711 = arith.addi %add3A_710, %mul3A_2 : i32
    %add3A_712 = arith.constant 80 : i32
    %add3A_713 = arith.addi %add3A_711, %add3A_712 : i32
    %dma_start3A_714 = arith.constant 0 : i32
    %dma_start3A_715 = tpu.memref_slice %arg4[%add3A_713, %dma_start3A_714] : memref<16384x1024xf32, #tpu.memory_space<hbm>> -> memref<16x1024xf32, #tpu.memory_space<hbm>>
    %dma_start3A_716 = arith.constant 0 : i32
    %dma_start3A_717 = tpu.memref_slice %arg4[%add3A_713, %dma_start3A_716] : memref<16384x1024xf32, #tpu.memory_space<hbm>> -> memref<16x1024xf32, #tpu.memory_space<hbm>>
    tpu.enqueue_dma source(%arg8 : memref<16x1024xf32, #tpu.memory_space<vmem>>) target(%dma_start3A_717 : memref<16x1024xf32, #tpu.memory_space<hbm>>) target_semaphore(%arg20 : memref<!tpu.dma_semaphore, #tpu.memory_space<semaphore_mem>>)
    %add3A_718 = arith.constant 112 : i32
    %add3A_719 = arith.addi %mul3A_2, %add3A_718 : i32
    %dma_start3A_720 = arith.constant 0 : i32
    %dma_start3A_721 = tpu.memref_slice %arg3[%add3A_719, %dma_start3A_720] : memref<8192x1024xf32, #tpu.memory_space<hbm>> -> memref<16x1024xf32, #tpu.memory_space<hbm>>
    %dma_start3A_722 = arith.constant 0 : i32
    %dma_start3A_723 = tpu.memref_slice %arg3[%add3A_719, %dma_start3A_722] : memref<8192x1024xf32, #tpu.memory_space<hbm>> -> memref<16x1024xf32, #tpu.memory_space<hbm>>
    tpu.enqueue_dma source(%dma_start3A_723 : memref<16x1024xf32, #tpu.memory_space<hbm>>) target(%arg11 : memref<16x1024xf32, #tpu.memory_space<vmem>>) target_semaphore(%arg23 : memref<!tpu.dma_semaphore, #tpu.memory_space<semaphore_mem>>)
    %dma_wait3A_724 = arith.constant 0 : i32
    %dma_wait3A_725 = tpu.memref_slice %arg4[%add3A_659, %dma_wait3A_724] : memref<16384x1024xf32, #tpu.memory_space<hbm>> -> memref<16x1024xf32, #tpu.memory_space<hbm>>
    %dma_wait3A_726 = arith.constant 0 : i32
    %dma_wait3A_727 = tpu.memref_slice %arg4[%add3A_659, %dma_wait3A_726] : memref<16384x1024xf32, #tpu.memory_space<hbm>> -> memref<16x1024xf32, #tpu.memory_space<hbm>>
    tpu.wait_dma2 semaphore(%arg18 : memref<!tpu.dma_semaphore, #tpu.memory_space<semaphore_mem>>) src(%arg6 : memref<16x1024xf32, #tpu.memory_space<vmem>>) dst(%dma_wait3A_727 : memref<16x1024xf32, #tpu.memory_space<hbm>>)
    %add3A_728 = arith.constant 8192 : i32
    %add3A_729 = arith.addi %add3A_728, %mul3A_2 : i32
    %add3A_730 = arith.constant 96 : i32
    %add3A_731 = arith.addi %add3A_729, %add3A_730 : i32
    %dma_start3A_732 = arith.constant 0 : i32
    %dma_start3A_733 = tpu.memref_slice %arg2[%add3A_731, %dma_start3A_732] : memref<16384x1024xf32, #tpu.memory_space<hbm>> -> memref<16x1024xf32, #tpu.memory_space<hbm>>
    %dma_start3A_734 = arith.constant 0 : i32
    %dma_start3A_735 = tpu.memref_slice %arg2[%add3A_731, %dma_start3A_734] : memref<16384x1024xf32, #tpu.memory_space<hbm>> -> memref<16x1024xf32, #tpu.memory_space<hbm>>
    tpu.enqueue_dma source(%dma_start3A_735 : memref<16x1024xf32, #tpu.memory_space<hbm>>) target(%arg6 : memref<16x1024xf32, #tpu.memory_space<vmem>>) target_semaphore(%arg13 : memref<!tpu.dma_semaphore, #tpu.memory_space<semaphore_mem>>)
    %dma_wait3A_736 = arith.constant 0 : i32
    %dma_wait3A_737 = tpu.memref_slice %arg3[%add3A_601, %dma_wait3A_736] : memref<8192x1024xf32, #tpu.memory_space<hbm>> -> memref<16x1024xf32, #tpu.memory_space<hbm>>
    %dma_wait3A_738 = arith.constant 0 : i32
    %dma_wait3A_739 = tpu.memref_slice %arg3[%add3A_601, %dma_wait3A_738] : memref<8192x1024xf32, #tpu.memory_space<hbm>> -> memref<16x1024xf32, #tpu.memory_space<hbm>>
    tpu.wait_dma2 semaphore(%arg22 : memref<!tpu.dma_semaphore, #tpu.memory_space<semaphore_mem>>) src(%dma_wait3A_739 : memref<16x1024xf32, #tpu.memory_space<hbm>>) dst(%arg10 : memref<16x1024xf32, #tpu.memory_space<vmem>>)
    %dma_wait3A_740 = arith.constant 0 : i32
    %dma_wait3A_741 = tpu.memref_slice %arg2[%add3A_671, %dma_wait3A_740] : memref<16384x1024xf32, #tpu.memory_space<hbm>> -> memref<16x1024xf32, #tpu.memory_space<hbm>>
    %dma_wait3A_742 = arith.constant 0 : i32
    %dma_wait3A_743 = tpu.memref_slice %arg2[%add3A_671, %dma_wait3A_742] : memref<16384x1024xf32, #tpu.memory_space<hbm>> -> memref<16x1024xf32, #tpu.memory_space<hbm>>
    tpu.wait_dma2 semaphore(%arg16 : memref<!tpu.dma_semaphore, #tpu.memory_space<semaphore_mem>>) src(%dma_wait3A_743 : memref<16x1024xf32, #tpu.memory_space<hbm>>) dst(%arg9 : memref<16x1024xf32, #tpu.memory_space<vmem>>)
    %parallel_loop3A_744 = arith.constant 0 : i32
    %parallel_loop3A_745 = arith.constant 16 : i32
    %parallel_loop3A_746 = arith.constant 1 : i32
    scf.for %parallel_loop3A_944 = %parallel_loop3A_744 to %parallel_loop3A_745 step %parallel_loop3A_746  : i32 {
      %parallel_loop3A_945 = arith.constant 0 : i32
      %parallel_loop3A_946 = arith.constant 1024 : i32
      %parallel_loop3A_947 = arith.constant 16 : i32
      scf.for %parallel_loop3A_948 = %parallel_loop3A_945 to %parallel_loop3A_946 step %parallel_loop3A_947  : i32 {
        %parallel_loop3A_949 = arith.index_cast %parallel_loop3A_944 : i32 to index
        %parallel_loop3A_950 = arith.index_cast %parallel_loop3A_948 : i32 to index
        %parallel_loop3A_951 = tpu.vector_load %arg10[%parallel_loop3A_949, %parallel_loop3A_950] {strides = array<i32>} : memref<16x1024xf32, #tpu.memory_space<vmem>>, vector<1x16xf32>,
        %parallel_loop3A_952 = vector.shape_cast %parallel_loop3A_951 : vector<1x16xf32> to vector<16xf32>
        %parallel_loop3A_953 = arith.index_cast %parallel_loop3A_944 : i32 to index
        %parallel_loop3A_954 = arith.index_cast %parallel_loop3A_948 : i32 to index
        %parallel_loop3A_955 = tpu.vector_load %arg9[%parallel_loop3A_953, %parallel_loop3A_954] {strides = array<i32>} : memref<16x1024xf32, #tpu.memory_space<vmem>>, vector<1x16xf32>,
        %parallel_loop3A_956 = vector.shape_cast %parallel_loop3A_955 : vector<1x16xf32> to vector<16xf32>
        %parallel_loop3A_957 = vector.shape_cast %parallel_loop3A_952 : vector<16xf32> to vector<1x16xf32>
        tpu.vector_store %arg9[%parallel_loop3A_953, %parallel_loop3A_954], %parallel_loop3A_957 {add = true, strides = array<i32>} : memref<16x1024xf32, #tpu.memory_space<vmem>>, vector<1x16xf32>,
      } {sc.loop_unroll_factor = 8 : i64, sc.parallel_access}
    } {sc.loop_unroll_factor = 2 : i64, sc.parallel_access}
    %add3A_747 = arith.constant 0 : i32
    %add3A_748 = arith.addi %add3A_747, %mul3A_2 : i32
    %add3A_749 = arith.constant 96 : i32
    %add3A_750 = arith.addi %add3A_748, %add3A_749 : i32
    %dma_start3A_751 = arith.constant 0 : i32
    %dma_start3A_752 = tpu.memref_slice %arg4[%add3A_750, %dma_start3A_751] : memref<16384x1024xf32, #tpu.memory_space<hbm>> -> memref<16x1024xf32, #tpu.memory_space<hbm>>
    %dma_start3A_753 = arith.constant 0 : i32
    %dma_start3A_754 = tpu.memref_slice %arg4[%add3A_750, %dma_start3A_753] : memref<16384x1024xf32, #tpu.memory_space<hbm>> -> memref<16x1024xf32, #tpu.memory_space<hbm>>
    tpu.enqueue_dma source(%arg9 : memref<16x1024xf32, #tpu.memory_space<vmem>>) target(%dma_start3A_754 : memref<16x1024xf32, #tpu.memory_space<hbm>>) target_semaphore(%arg21 : memref<!tpu.dma_semaphore, #tpu.memory_space<semaphore_mem>>)
    %dma_wait3A_755 = arith.constant 0 : i32
    %dma_wait3A_756 = tpu.memref_slice %arg4[%add3A_686, %dma_wait3A_755] : memref<16384x1024xf32, #tpu.memory_space<hbm>> -> memref<16x1024xf32, #tpu.memory_space<hbm>>
    %dma_wait3A_757 = arith.constant 0 : i32
    %dma_wait3A_758 = tpu.memref_slice %arg4[%add3A_686, %dma_wait3A_757] : memref<16384x1024xf32, #tpu.memory_space<hbm>> -> memref<16x1024xf32, #tpu.memory_space<hbm>>
    tpu.wait_dma2 semaphore(%arg19 : memref<!tpu.dma_semaphore, #tpu.memory_space<semaphore_mem>>) src(%arg7 : memref<16x1024xf32, #tpu.memory_space<vmem>>) dst(%dma_wait3A_758 : memref<16x1024xf32, #tpu.memory_space<hbm>>)
    %add3A_759 = arith.constant 12288 : i32
    %add3A_760 = arith.addi %add3A_759, %mul3A_2 : i32
    %add3A_761 = arith.constant 96 : i32
    %add3A_762 = arith.addi %add3A_760, %add3A_761 : i32
    %dma_start3A_763 = arith.constant 0 : i32
    %dma_start3A_764 = tpu.memref_slice %arg2[%add3A_762, %dma_start3A_763] : memref<16384x1024xf32, #tpu.memory_space<hbm>> -> memref<16x1024xf32, #tpu.memory_space<hbm>>
    %dma_start3A_765 = arith.constant 0 : i32
    %dma_start3A_766 = tpu.memref_slice %arg2[%add3A_762, %dma_start3A_765] : memref<16384x1024xf32, #tpu.memory_space<hbm>> -> memref<16x1024xf32, #tpu.memory_space<hbm>>
    tpu.enqueue_dma source(%dma_start3A_766 : memref<16x1024xf32, #tpu.memory_space<hbm>>) target(%arg7 : memref<16x1024xf32, #tpu.memory_space<vmem>>) target_semaphore(%arg14 : memref<!tpu.dma_semaphore, #tpu.memory_space<semaphore_mem>>)
    %dma_wait3A_767 = arith.constant 0 : i32
    %dma_wait3A_768 = tpu.memref_slice %arg2[%add3A_698, %dma_wait3A_767] : memref<16384x1024xf32, #tpu.memory_space<hbm>> -> memref<16x1024xf32, #tpu.memory_space<hbm>>
    %dma_wait3A_769 = arith.constant 0 : i32
    %dma_wait3A_770 = tpu.memref_slice %arg2[%add3A_698, %dma_wait3A_769] : memref<16384x1024xf32, #tpu.memory_space<hbm>> -> memref<16x1024xf32, #tpu.memory_space<hbm>>
    tpu.wait_dma2 semaphore(%arg12 : memref<!tpu.dma_semaphore, #tpu.memory_space<semaphore_mem>>) src(%dma_wait3A_770 : memref<16x1024xf32, #tpu.memory_space<hbm>>) dst(%arg5 : memref<16x1024xf32, #tpu.memory_space<vmem>>)
    %parallel_loop3A_771 = arith.constant 0 : i32
    %parallel_loop3A_772 = arith.constant 16 : i32
    %parallel_loop3A_773 = arith.constant 1 : i32
    scf.for %parallel_loop3A_944 = %parallel_loop3A_771 to %parallel_loop3A_772 step %parallel_loop3A_773  : i32 {
      %parallel_loop3A_945 = arith.constant 0 : i32
      %parallel_loop3A_946 = arith.constant 1024 : i32
      %parallel_loop3A_947 = arith.constant 16 : i32
      scf.for %parallel_loop3A_948 = %parallel_loop3A_945 to %parallel_loop3A_946 step %parallel_loop3A_947  : i32 {
        %parallel_loop3A_949 = arith.index_cast %parallel_loop3A_944 : i32 to index
        %parallel_loop3A_950 = arith.index_cast %parallel_loop3A_948 : i32 to index
        %parallel_loop3A_951 = tpu.vector_load %arg10[%parallel_loop3A_949, %parallel_loop3A_950] {strides = array<i32>} : memref<16x1024xf32, #tpu.memory_space<vmem>>, vector<1x16xf32>,
        %parallel_loop3A_952 = vector.shape_cast %parallel_loop3A_951 : vector<1x16xf32> to vector<16xf32>
        %parallel_loop3A_953 = arith.index_cast %parallel_loop3A_944 : i32 to index
        %parallel_loop3A_954 = arith.index_cast %parallel_loop3A_948 : i32 to index
        %parallel_loop3A_955 = tpu.vector_load %arg5[%parallel_loop3A_953, %parallel_loop3A_954] {strides = array<i32>} : memref<16x1024xf32, #tpu.memory_space<vmem>>, vector<1x16xf32>,
        %parallel_loop3A_956 = vector.shape_cast %parallel_loop3A_955 : vector<1x16xf32> to vector<16xf32>
        %parallel_loop3A_957 = vector.shape_cast %parallel_loop3A_952 : vector<16xf32> to vector<1x16xf32>
        tpu.vector_store %arg5[%parallel_loop3A_953, %parallel_loop3A_954], %parallel_loop3A_957 {add = true, strides = array<i32>} : memref<16x1024xf32, #tpu.memory_space<vmem>>, vector<1x16xf32>,
      } {sc.loop_unroll_factor = 8 : i64, sc.parallel_access}
    } {sc.loop_unroll_factor = 2 : i64, sc.parallel_access}
    %add3A_774 = arith.constant 4096 : i32
    %add3A_775 = arith.addi %add3A_774, %mul3A_2 : i32
    %add3A_776 = arith.constant 96 : i32
    %add3A_777 = arith.addi %add3A_775, %add3A_776 : i32
    %dma_start3A_778 = arith.constant 0 : i32
    %dma_start3A_779 = tpu.memref_slice %arg4[%add3A_777, %dma_start3A_778] : memref<16384x1024xf32, #tpu.memory_space<hbm>> -> memref<16x1024xf32, #tpu.memory_space<hbm>>
    %dma_start3A_780 = arith.constant 0 : i32
    %dma_start3A_781 = tpu.memref_slice %arg4[%add3A_777, %dma_start3A_780] : memref<16384x1024xf32, #tpu.memory_space<hbm>> -> memref<16x1024xf32, #tpu.memory_space<hbm>>
    tpu.enqueue_dma source(%arg5 : memref<16x1024xf32, #tpu.memory_space<vmem>>) target(%dma_start3A_781 : memref<16x1024xf32, #tpu.memory_space<hbm>>) target_semaphore(%arg17 : memref<!tpu.dma_semaphore, #tpu.memory_space<semaphore_mem>>)
    %dma_wait3A_782 = arith.constant 0 : i32
    %dma_wait3A_783 = tpu.memref_slice %arg4[%add3A_713, %dma_wait3A_782] : memref<16384x1024xf32, #tpu.memory_space<hbm>> -> memref<16x1024xf32, #tpu.memory_space<hbm>>
    %dma_wait3A_784 = arith.constant 0 : i32
    %dma_wait3A_785 = tpu.memref_slice %arg4[%add3A_713, %dma_wait3A_784] : memref<16384x1024xf32, #tpu.memory_space<hbm>> -> memref<16x1024xf32, #tpu.memory_space<hbm>>
    tpu.wait_dma2 semaphore(%arg20 : memref<!tpu.dma_semaphore, #tpu.memory_space<semaphore_mem>>) src(%arg8 : memref<16x1024xf32, #tpu.memory_space<vmem>>) dst(%dma_wait3A_785 : memref<16x1024xf32, #tpu.memory_space<hbm>>)
    %add3A_786 = arith.constant 0 : i32
    %add3A_787 = arith.addi %add3A_786, %mul3A_2 : i32
    %add3A_788 = arith.constant 112 : i32
    %add3A_789 = arith.addi %add3A_787, %add3A_788 : i32
    %dma_start3A_790 = arith.constant 0 : i32
    %dma_start3A_791 = tpu.memref_slice %arg2[%add3A_789, %dma_start3A_790] : memref<16384x1024xf32, #tpu.memory_space<hbm>> -> memref<16x1024xf32, #tpu.memory_space<hbm>>
    %dma_start3A_792 = arith.constant 0 : i32
    %dma_start3A_793 = tpu.memref_slice %arg2[%add3A_789, %dma_start3A_792] : memref<16384x1024xf32, #tpu.memory_space<hbm>> -> memref<16x1024xf32, #tpu.memory_space<hbm>>
    tpu.enqueue_dma source(%dma_start3A_793 : memref<16x1024xf32, #tpu.memory_space<hbm>>) target(%arg8 : memref<16x1024xf32, #tpu.memory_space<vmem>>) target_semaphore(%arg15 : memref<!tpu.dma_semaphore, #tpu.memory_space<semaphore_mem>>)
    %dma_wait3A_794 = arith.constant 0 : i32
    %dma_wait3A_795 = tpu.memref_slice %arg2[%add3A_731, %dma_wait3A_794] : memref<16384x1024xf32, #tpu.memory_space<hbm>> -> memref<16x1024xf32, #tpu.memory_space<hbm>>
    %dma_wait3A_796 = arith.constant 0 : i32
    %dma_wait3A_797 = tpu.memref_slice %arg2[%add3A_731, %dma_wait3A_796] : memref<16384x1024xf32, #tpu.memory_space<hbm>> -> memref<16x1024xf32, #tpu.memory_space<hbm>>
    tpu.wait_dma2 semaphore(%arg13 : memref<!tpu.dma_semaphore, #tpu.memory_space<semaphore_mem>>) src(%dma_wait3A_797 : memref<16x1024xf32, #tpu.memory_space<hbm>>) dst(%arg6 : memref<16x1024xf32, #tpu.memory_space<vmem>>)
    %parallel_loop3A_798 = arith.constant 0 : i32
    %parallel_loop3A_799 = arith.constant 16 : i32
    %parallel_loop3A_800 = arith.constant 1 : i32
    scf.for %parallel_loop3A_944 = %parallel_loop3A_798 to %parallel_loop3A_799 step %parallel_loop3A_800  : i32 {
      %parallel_loop3A_945 = arith.constant 0 : i32
      %parallel_loop3A_946 = arith.constant 1024 : i32
      %parallel_loop3A_947 = arith.constant 16 : i32
      scf.for %parallel_loop3A_948 = %parallel_loop3A_945 to %parallel_loop3A_946 step %parallel_loop3A_947  : i32 {
        %parallel_loop3A_949 = arith.index_cast %parallel_loop3A_944 : i32 to index
        %parallel_loop3A_950 = arith.index_cast %parallel_loop3A_948 : i32 to index
        %parallel_loop3A_951 = tpu.vector_load %arg10[%parallel_loop3A_949, %parallel_loop3A_950] {strides = array<i32>} : memref<16x1024xf32, #tpu.memory_space<vmem>>, vector<1x16xf32>,
        %parallel_loop3A_952 = vector.shape_cast %parallel_loop3A_951 : vector<1x16xf32> to vector<16xf32>
        %parallel_loop3A_953 = arith.index_cast %parallel_loop3A_944 : i32 to index
        %parallel_loop3A_954 = arith.index_cast %parallel_loop3A_948 : i32 to index
        %parallel_loop3A_955 = tpu.vector_load %arg6[%parallel_loop3A_953, %parallel_loop3A_954] {strides = array<i32>} : memref<16x1024xf32, #tpu.memory_space<vmem>>, vector<1x16xf32>,
        %parallel_loop3A_956 = vector.shape_cast %parallel_loop3A_955 : vector<1x16xf32> to vector<16xf32>
        %parallel_loop3A_957 = vector.shape_cast %parallel_loop3A_952 : vector<16xf32> to vector<1x16xf32>
        tpu.vector_store %arg6[%parallel_loop3A_953, %parallel_loop3A_954], %parallel_loop3A_957 {add = true, strides = array<i32>} : memref<16x1024xf32, #tpu.memory_space<vmem>>, vector<1x16xf32>,
      } {sc.loop_unroll_factor = 8 : i64, sc.parallel_access}
    } {sc.loop_unroll_factor = 2 : i64, sc.parallel_access}
    %add3A_801 = arith.constant 8192 : i32
    %add3A_802 = arith.addi %add3A_801, %mul3A_2 : i32
    %add3A_803 = arith.constant 96 : i32
    %add3A_804 = arith.addi %add3A_802, %add3A_803 : i32
    %dma_start3A_805 = arith.constant 0 : i32
    %dma_start3A_806 = tpu.memref_slice %arg4[%add3A_804, %dma_start3A_805] : memref<16384x1024xf32, #tpu.memory_space<hbm>> -> memref<16x1024xf32, #tpu.memory_space<hbm>>
    %dma_start3A_807 = arith.constant 0 : i32
    %dma_start3A_808 = tpu.memref_slice %arg4[%add3A_804, %dma_start3A_807] : memref<16384x1024xf32, #tpu.memory_space<hbm>> -> memref<16x1024xf32, #tpu.memory_space<hbm>>
    tpu.enqueue_dma source(%arg6 : memref<16x1024xf32, #tpu.memory_space<vmem>>) target(%dma_start3A_808 : memref<16x1024xf32, #tpu.memory_space<hbm>>) target_semaphore(%arg18 : memref<!tpu.dma_semaphore, #tpu.memory_space<semaphore_mem>>)
    %dma_wait3A_809 = arith.constant 0 : i32
    %dma_wait3A_810 = tpu.memref_slice %arg4[%add3A_750, %dma_wait3A_809] : memref<16384x1024xf32, #tpu.memory_space<hbm>> -> memref<16x1024xf32, #tpu.memory_space<hbm>>
    %dma_wait3A_811 = arith.constant 0 : i32
    %dma_wait3A_812 = tpu.memref_slice %arg4[%add3A_750, %dma_wait3A_811] : memref<16384x1024xf32, #tpu.memory_space<hbm>> -> memref<16x1024xf32, #tpu.memory_space<hbm>>
    tpu.wait_dma2 semaphore(%arg21 : memref<!tpu.dma_semaphore, #tpu.memory_space<semaphore_mem>>) src(%arg9 : memref<16x1024xf32, #tpu.memory_space<vmem>>) dst(%dma_wait3A_812 : memref<16x1024xf32, #tpu.memory_space<hbm>>)
    %add3A_813 = arith.constant 4096 : i32
    %add3A_814 = arith.addi %add3A_813, %mul3A_2 : i32
    %add3A_815 = arith.constant 112 : i32
    %add3A_816 = arith.addi %add3A_814, %add3A_815 : i32
    %dma_start3A_817 = arith.constant 0 : i32
    %dma_start3A_818 = tpu.memref_slice %arg2[%add3A_816, %dma_start3A_817] : memref<16384x1024xf32, #tpu.memory_space<hbm>> -> memref<16x1024xf32, #tpu.memory_space<hbm>>
    %dma_start3A_819 = arith.constant 0 : i32
    %dma_start3A_820 = tpu.memref_slice %arg2[%add3A_816, %dma_start3A_819] : memref<16384x1024xf32, #tpu.memory_space<hbm>> -> memref<16x1024xf32, #tpu.memory_space<hbm>>
    tpu.enqueue_dma source(%dma_start3A_820 : memref<16x1024xf32, #tpu.memory_space<hbm>>) target(%arg9 : memref<16x1024xf32, #tpu.memory_space<vmem>>) target_semaphore(%arg16 : memref<!tpu.dma_semaphore, #tpu.memory_space<semaphore_mem>>)
    %dma_wait3A_821 = arith.constant 0 : i32
    %dma_wait3A_822 = tpu.memref_slice %arg2[%add3A_762, %dma_wait3A_821] : memref<16384x1024xf32, #tpu.memory_space<hbm>> -> memref<16x1024xf32, #tpu.memory_space<hbm>>
    %dma_wait3A_823 = arith.constant 0 : i32
    %dma_wait3A_824 = tpu.memref_slice %arg2[%add3A_762, %dma_wait3A_823] : memref<16384x1024xf32, #tpu.memory_space<hbm>> -> memref<16x1024xf32, #tpu.memory_space<hbm>>
    tpu.wait_dma2 semaphore(%arg14 : memref<!tpu.dma_semaphore, #tpu.memory_space<semaphore_mem>>) src(%dma_wait3A_824 : memref<16x1024xf32, #tpu.memory_space<hbm>>) dst(%arg7 : memref<16x1024xf32, #tpu.memory_space<vmem>>)
    %parallel_loop3A_825 = arith.constant 0 : i32
    %parallel_loop3A_826 = arith.constant 16 : i32
    %parallel_loop3A_827 = arith.constant 1 : i32
    scf.for %parallel_loop3A_944 = %parallel_loop3A_825 to %parallel_loop3A_826 step %parallel_loop3A_827  : i32 {
      %parallel_loop3A_945 = arith.constant 0 : i32
      %parallel_loop3A_946 = arith.constant 1024 : i32
      %parallel_loop3A_947 = arith.constant 16 : i32
      scf.for %parallel_loop3A_948 = %parallel_loop3A_945 to %parallel_loop3A_946 step %parallel_loop3A_947  : i32 {
        %parallel_loop3A_949 = arith.index_cast %parallel_loop3A_944 : i32 to index
        %parallel_loop3A_950 = arith.index_cast %parallel_loop3A_948 : i32 to index
        %parallel_loop3A_951 = tpu.vector_load %arg10[%parallel_loop3A_949, %parallel_loop3A_950] {strides = array<i32>} : memref<16x1024xf32, #tpu.memory_space<vmem>>, vector<1x16xf32>,
        %parallel_loop3A_952 = vector.shape_cast %parallel_loop3A_951 : vector<1x16xf32> to vector<16xf32>
        %parallel_loop3A_953 = arith.index_cast %parallel_loop3A_944 : i32 to index
        %parallel_loop3A_954 = arith.index_cast %parallel_loop3A_948 : i32 to index
        %parallel_loop3A_955 = tpu.vector_load %arg7[%parallel_loop3A_953, %parallel_loop3A_954] {strides = array<i32>} : memref<16x1024xf32, #tpu.memory_space<vmem>>, vector<1x16xf32>,
        %parallel_loop3A_956 = vector.shape_cast %parallel_loop3A_955 : vector<1x16xf32> to vector<16xf32>
        %parallel_loop3A_957 = vector.shape_cast %parallel_loop3A_952 : vector<16xf32> to vector<1x16xf32>
        tpu.vector_store %arg7[%parallel_loop3A_953, %parallel_loop3A_954], %parallel_loop3A_957 {add = true, strides = array<i32>} : memref<16x1024xf32, #tpu.memory_space<vmem>>, vector<1x16xf32>,
      } {sc.loop_unroll_factor = 8 : i64, sc.parallel_access}
    } {sc.loop_unroll_factor = 2 : i64, sc.parallel_access}
    %add3A_828 = arith.constant 12288 : i32
    %add3A_829 = arith.addi %add3A_828, %mul3A_2 : i32
    %add3A_830 = arith.constant 96 : i32
    %add3A_831 = arith.addi %add3A_829, %add3A_830 : i32
    %dma_start3A_832 = arith.constant 0 : i32
    %dma_start3A_833 = tpu.memref_slice %arg4[%add3A_831, %dma_start3A_832] : memref<16384x1024xf32, #tpu.memory_space<hbm>> -> memref<16x1024xf32, #tpu.memory_space<hbm>>
    %dma_start3A_834 = arith.constant 0 : i32
    %dma_start3A_835 = tpu.memref_slice %arg4[%add3A_831, %dma_start3A_834] : memref<16384x1024xf32, #tpu.memory_space<hbm>> -> memref<16x1024xf32, #tpu.memory_space<hbm>>
    tpu.enqueue_dma source(%arg7 : memref<16x1024xf32, #tpu.memory_space<vmem>>) target(%dma_start3A_835 : memref<16x1024xf32, #tpu.memory_space<hbm>>) target_semaphore(%arg19 : memref<!tpu.dma_semaphore, #tpu.memory_space<semaphore_mem>>)
    %dma_wait3A_836 = arith.constant 0 : i32
    %dma_wait3A_837 = tpu.memref_slice %arg4[%add3A_777, %dma_wait3A_836] : memref<16384x1024xf32, #tpu.memory_space<hbm>> -> memref<16x1024xf32, #tpu.memory_space<hbm>>
    %dma_wait3A_838 = arith.constant 0 : i32
    %dma_wait3A_839 = tpu.memref_slice %arg4[%add3A_777, %dma_wait3A_838] : memref<16384x1024xf32, #tpu.memory_space<hbm>> -> memref<16x1024xf32, #tpu.memory_space<hbm>>
    tpu.wait_dma2 semaphore(%arg17 : memref<!tpu.dma_semaphore, #tpu.memory_space<semaphore_mem>>) src(%arg5 : memref<16x1024xf32, #tpu.memory_space<vmem>>) dst(%dma_wait3A_839 : memref<16x1024xf32, #tpu.memory_space<hbm>>)
    %add3A_840 = arith.constant 8192 : i32
    %add3A_841 = arith.addi %add3A_840, %mul3A_2 : i32
    %add3A_842 = arith.constant 112 : i32
    %add3A_843 = arith.addi %add3A_841, %add3A_842 : i32
    %dma_start3A_844 = arith.constant 0 : i32
    %dma_start3A_845 = tpu.memref_slice %arg2[%add3A_843, %dma_start3A_844] : memref<16384x1024xf32, #tpu.memory_space<hbm>> -> memref<16x1024xf32, #tpu.memory_space<hbm>>
    %dma_start3A_846 = arith.constant 0 : i32
    %dma_start3A_847 = tpu.memref_slice %arg2[%add3A_843, %dma_start3A_846] : memref<16384x1024xf32, #tpu.memory_space<hbm>> -> memref<16x1024xf32, #tpu.memory_space<hbm>>
    tpu.enqueue_dma source(%dma_start3A_847 : memref<16x1024xf32, #tpu.memory_space<hbm>>) target(%arg5 : memref<16x1024xf32, #tpu.memory_space<vmem>>) target_semaphore(%arg12 : memref<!tpu.dma_semaphore, #tpu.memory_space<semaphore_mem>>)
    %dma_wait3A_848 = arith.constant 0 : i32
    %dma_wait3A_849 = tpu.memref_slice %arg3[%add3A_719, %dma_wait3A_848] : memref<8192x1024xf32, #tpu.memory_space<hbm>> -> memref<16x1024xf32, #tpu.memory_space<hbm>>
    %dma_wait3A_850 = arith.constant 0 : i32
    %dma_wait3A_851 = tpu.memref_slice %arg3[%add3A_719, %dma_wait3A_850] : memref<8192x1024xf32, #tpu.memory_space<hbm>> -> memref<16x1024xf32, #tpu.memory_space<hbm>>
    tpu.wait_dma2 semaphore(%arg23 : memref<!tpu.dma_semaphore, #tpu.memory_space<semaphore_mem>>) src(%dma_wait3A_851 : memref<16x1024xf32, #tpu.memory_space<hbm>>) dst(%arg11 : memref<16x1024xf32, #tpu.memory_space<vmem>>)
    %dma_wait3A_852 = arith.constant 0 : i32
    %dma_wait3A_853 = tpu.memref_slice %arg2[%add3A_789, %dma_wait3A_852] : memref<16384x1024xf32, #tpu.memory_space<hbm>> -> memref<16x1024xf32, #tpu.memory_space<hbm>>
    %dma_wait3A_854 = arith.constant 0 : i32
    %dma_wait3A_855 = tpu.memref_slice %arg2[%add3A_789, %dma_wait3A_854] : memref<16384x1024xf32, #tpu.memory_space<hbm>> -> memref<16x1024xf32, #tpu.memory_space<hbm>>
    tpu.wait_dma2 semaphore(%arg15 : memref<!tpu.dma_semaphore, #tpu.memory_space<semaphore_mem>>) src(%dma_wait3A_855 : memref<16x1024xf32, #tpu.memory_space<hbm>>) dst(%arg8 : memref<16x1024xf32, #tpu.memory_space<vmem>>)
    %parallel_loop3A_856 = arith.constant 0 : i32
    %parallel_loop3A_857 = arith.constant 16 : i32
    %parallel_loop3A_858 = arith.constant 1 : i32
    scf.for %parallel_loop3A_944 = %parallel_loop3A_856 to %parallel_loop3A_857 step %parallel_loop3A_858  : i32 {
      %parallel_loop3A_945 = arith.constant 0 : i32
      %parallel_loop3A_946 = arith.constant 1024 : i32
      %parallel_loop3A_947 = arith.constant 16 : i32
      scf.for %parallel_loop3A_948 = %parallel_loop3A_945 to %parallel_loop3A_946 step %parallel_loop3A_947  : i32 {
        %parallel_loop3A_949 = arith.index_cast %parallel_loop3A_944 : i32 to index
        %parallel_loop3A_950 = arith.index_cast %parallel_loop3A_948 : i32 to index
        %parallel_loop3A_951 = tpu.vector_load %arg11[%parallel_loop3A_949, %parallel_loop3A_950] {strides = array<i32>} : memref<16x1024xf32, #tpu.memory_space<vmem>>, vector<1x16xf32>,
        %parallel_loop3A_952 = vector.shape_cast %parallel_loop3A_951 : vector<1x16xf32> to vector<16xf32>
        %parallel_loop3A_953 = arith.index_cast %parallel_loop3A_944 : i32 to index
        %parallel_loop3A_954 = arith.index_cast %parallel_loop3A_948 : i32 to index
        %parallel_loop3A_955 = tpu.vector_load %arg8[%parallel_loop3A_953, %parallel_loop3A_954] {strides = array<i32>} : memref<16x1024xf32, #tpu.memory_space<vmem>>, vector<1x16xf32>,
        %parallel_loop3A_956 = vector.shape_cast %parallel_loop3A_955 : vector<1x16xf32> to vector<16xf32>
        %parallel_loop3A_957 = vector.shape_cast %parallel_loop3A_952 : vector<16xf32> to vector<1x16xf32>
        tpu.vector_store %arg8[%parallel_loop3A_953, %parallel_loop3A_954], %parallel_loop3A_957 {add = true, strides = array<i32>} : memref<16x1024xf32, #tpu.memory_space<vmem>>, vector<1x16xf32>,
      } {sc.loop_unroll_factor = 8 : i64, sc.parallel_access}
    } {sc.loop_unroll_factor = 2 : i64, sc.parallel_access}
    %add3A_859 = arith.constant 0 : i32
    %add3A_860 = arith.addi %add3A_859, %mul3A_2 : i32
    %add3A_861 = arith.constant 112 : i32
    %add3A_862 = arith.addi %add3A_860, %add3A_861 : i32
    %dma_start3A_863 = arith.constant 0 : i32
    %dma_start3A_864 = tpu.memref_slice %arg4[%add3A_862, %dma_start3A_863] : memref<16384x1024xf32, #tpu.memory_space<hbm>> -> memref<16x1024xf32, #tpu.memory_space<hbm>>
    %dma_start3A_865 = arith.constant 0 : i32
    %dma_start3A_866 = tpu.memref_slice %arg4[%add3A_862, %dma_start3A_865] : memref<16384x1024xf32, #tpu.memory_space<hbm>> -> memref<16x1024xf32, #tpu.memory_space<hbm>>
    tpu.enqueue_dma source(%arg8 : memref<16x1024xf32, #tpu.memory_space<vmem>>) target(%dma_start3A_866 : memref<16x1024xf32, #tpu.memory_space<hbm>>) target_semaphore(%arg20 : memref<!tpu.dma_semaphore, #tpu.memory_space<semaphore_mem>>)
    %dma_wait3A_867 = arith.constant 0 : i32
    %dma_wait3A_868 = tpu.memref_slice %arg4[%add3A_804, %dma_wait3A_867] : memref<16384x1024xf32, #tpu.memory_space<hbm>> -> memref<16x1024xf32, #tpu.memory_space<hbm>>
    %dma_wait3A_869 = arith.constant 0 : i32
    %dma_wait3A_870 = tpu.memref_slice %arg4[%add3A_804, %dma_wait3A_869] : memref<16384x1024xf32, #tpu.memory_space<hbm>> -> memref<16x1024xf32, #tpu.memory_space<hbm>>
    tpu.wait_dma2 semaphore(%arg18 : memref<!tpu.dma_semaphore, #tpu.memory_space<semaphore_mem>>) src(%arg6 : memref<16x1024xf32, #tpu.memory_space<vmem>>) dst(%dma_wait3A_870 : memref<16x1024xf32, #tpu.memory_space<hbm>>)
    %add3A_871 = arith.constant 12288 : i32
    %add3A_872 = arith.addi %add3A_871, %mul3A_2 : i32
    %add3A_873 = arith.constant 112 : i32
    %add3A_874 = arith.addi %add3A_872, %add3A_873 : i32
    %dma_start3A_875 = arith.constant 0 : i32
    %dma_start3A_876 = tpu.memref_slice %arg2[%add3A_874, %dma_start3A_875] : memref<16384x1024xf32, #tpu.memory_space<hbm>> -> memref<16x1024xf32, #tpu.memory_space<hbm>>
    %dma_start3A_877 = arith.constant 0 : i32
    %dma_start3A_878 = tpu.memref_slice %arg2[%add3A_874, %dma_start3A_877] : memref<16384x1024xf32, #tpu.memory_space<hbm>> -> memref<16x1024xf32, #tpu.memory_space<hbm>>
    tpu.enqueue_dma source(%dma_start3A_878 : memref<16x1024xf32, #tpu.memory_space<hbm>>) target(%arg6 : memref<16x1024xf32, #tpu.memory_space<vmem>>) target_semaphore(%arg13 : memref<!tpu.dma_semaphore, #tpu.memory_space<semaphore_mem>>)
    %dma_wait3A_879 = arith.constant 0 : i32
    %dma_wait3A_880 = tpu.memref_slice %arg2[%add3A_816, %dma_wait3A_879] : memref<16384x1024xf32, #tpu.memory_space<hbm>> -> memref<16x1024xf32, #tpu.memory_space<hbm>>
    %dma_wait3A_881 = arith.constant 0 : i32
    %dma_wait3A_882 = tpu.memref_slice %arg2[%add3A_816, %dma_wait3A_881] : memref<16384x1024xf32, #tpu.memory_space<hbm>> -> memref<16x1024xf32, #tpu.memory_space<hbm>>
    tpu.wait_dma2 semaphore(%arg16 : memref<!tpu.dma_semaphore, #tpu.memory_space<semaphore_mem>>) src(%dma_wait3A_882 : memref<16x1024xf32, #tpu.memory_space<hbm>>) dst(%arg9 : memref<16x1024xf32, #tpu.memory_space<vmem>>)
    %parallel_loop3A_883 = arith.constant 0 : i32
    %parallel_loop3A_884 = arith.constant 16 : i32
    %parallel_loop3A_885 = arith.constant 1 : i32
    scf.for %parallel_loop3A_944 = %parallel_loop3A_883 to %parallel_loop3A_884 step %parallel_loop3A_885  : i32 {
      %parallel_loop3A_945 = arith.constant 0 : i32
      %parallel_loop3A_946 = arith.constant 1024 : i32
      %parallel_loop3A_947 = arith.constant 16 : i32
      scf.for %parallel_loop3A_948 = %parallel_loop3A_945 to %parallel_loop3A_946 step %parallel_loop3A_947  : i32 {
        %parallel_loop3A_949 = arith.index_cast %parallel_loop3A_944 : i32 to index
        %parallel_loop3A_950 = arith.index_cast %parallel_loop3A_948 : i32 to index
        %parallel_loop3A_951 = tpu.vector_load %arg11[%parallel_loop3A_949, %parallel_loop3A_950] {strides = array<i32>} : memref<16x1024xf32, #tpu.memory_space<vmem>>, vector<1x16xf32>,
        %parallel_loop3A_952 = vector.shape_cast %parallel_loop3A_951 : vector<1x16xf32> to vector<16xf32>
        %parallel_loop3A_953 = arith.index_cast %parallel_loop3A_944 : i32 to index
        %parallel_loop3A_954 = arith.index_cast %parallel_loop3A_948 : i32 to index
        %parallel_loop3A_955 = tpu.vector_load %arg9[%parallel_loop3A_953, %parallel_loop3A_954] {strides = array<i32>} : memref<16x1024xf32, #tpu.memory_space<vmem>>, vector<1x16xf32>,
        %parallel_loop3A_956 = vector.shape_cast %parallel_loop3A_955 : vector<1x16xf32> to vector<16xf32>
        %parallel_loop3A_957 = vector.shape_cast %parallel_loop3A_952 : vector<16xf32> to vector<1x16xf32>
        tpu.vector_store %arg9[%parallel_loop3A_953, %parallel_loop3A_954], %parallel_loop3A_957 {add = true, strides = array<i32>} : memref<16x1024xf32, #tpu.memory_space<vmem>>, vector<1x16xf32>,
      } {sc.loop_unroll_factor = 8 : i64, sc.parallel_access}
    } {sc.loop_unroll_factor = 2 : i64, sc.parallel_access}
    %add3A_886 = arith.constant 4096 : i32
    %add3A_887 = arith.addi %add3A_886, %mul3A_2 : i32
    %add3A_888 = arith.constant 112 : i32
    %add3A_889 = arith.addi %add3A_887, %add3A_888 : i32
    %dma_start3A_890 = arith.constant 0 : i32
    %dma_start3A_891 = tpu.memref_slice %arg4[%add3A_889, %dma_start3A_890] : memref<16384x1024xf32, #tpu.memory_space<hbm>> -> memref<16x1024xf32, #tpu.memory_space<hbm>>
    %dma_start3A_892 = arith.constant 0 : i32
    %dma_start3A_893 = tpu.memref_slice %arg4[%add3A_889, %dma_start3A_892] : memref<16384x1024xf32, #tpu.memory_space<hbm>> -> memref<16x1024xf32, #tpu.memory_space<hbm>>
    tpu.enqueue_dma source(%arg9 : memref<16x1024xf32, #tpu.memory_space<vmem>>) target(%dma_start3A_893 : memref<16x1024xf32, #tpu.memory_space<hbm>>) target_semaphore(%arg21 : memref<!tpu.dma_semaphore, #tpu.memory_space<semaphore_mem>>)
    %dma_wait3A_894 = arith.constant 0 : i32
    %dma_wait3A_895 = tpu.memref_slice %arg2[%add3A_843, %dma_wait3A_894] : memref<16384x1024xf32, #tpu.memory_space<hbm>> -> memref<16x1024xf32, #tpu.memory_space<hbm>>
    %dma_wait3A_896 = arith.constant 0 : i32
    %dma_wait3A_897 = tpu.memref_slice %arg2[%add3A_843, %dma_wait3A_896] : memref<16384x1024xf32, #tpu.memory_space<hbm>> -> memref<16x1024xf32, #tpu.memory_space<hbm>>
    tpu.wait_dma2 semaphore(%arg12 : memref<!tpu.dma_semaphore, #tpu.memory_space<semaphore_mem>>) src(%dma_wait3A_897 : memref<16x1024xf32, #tpu.memory_space<hbm>>) dst(%arg5 : memref<16x1024xf32, #tpu.memory_space<vmem>>)
    %parallel_loop3A_898 = arith.constant 0 : i32
    %parallel_loop3A_899 = arith.constant 16 : i32
    %parallel_loop3A_900 = arith.constant 1 : i32
    scf.for %parallel_loop3A_944 = %parallel_loop3A_898 to %parallel_loop3A_899 step %parallel_loop3A_900  : i32 {
      %parallel_loop3A_945 = arith.constant 0 : i32
      %parallel_loop3A_946 = arith.constant 1024 : i32
      %parallel_loop3A_947 = arith.constant 16 : i32
      scf.for %parallel_loop3A_948 = %parallel_loop3A_945 to %parallel_loop3A_946 step %parallel_loop3A_947  : i32 {
        %parallel_loop3A_949 = arith.index_cast %parallel_loop3A_944 : i32 to index
        %parallel_loop3A_950 = arith.index_cast %parallel_loop3A_948 : i32 to index
        %parallel_loop3A_951 = tpu.vector_load %arg11[%parallel_loop3A_949, %parallel_loop3A_950] {strides = array<i32>} : memref<16x1024xf32, #tpu.memory_space<vmem>>, vector<1x16xf32>,
        %parallel_loop3A_952 = vector.shape_cast %parallel_loop3A_951 : vector<1x16xf32> to vector<16xf32>
        %parallel_loop3A_953 = arith.index_cast %parallel_loop3A_944 : i32 to index
        %parallel_loop3A_954 = arith.index_cast %parallel_loop3A_948 : i32 to index
        %parallel_loop3A_955 = tpu.vector_load %arg5[%parallel_loop3A_953, %parallel_loop3A_954] {strides = array<i32>} : memref<16x1024xf32, #tpu.memory_space<vmem>>, vector<1x16xf32>,
        %parallel_loop3A_956 = vector.shape_cast %parallel_loop3A_955 : vector<1x16xf32> to vector<16xf32>
        %parallel_loop3A_957 = vector.shape_cast %parallel_loop3A_952 : vector<16xf32> to vector<1x16xf32>
        tpu.vector_store %arg5[%parallel_loop3A_953, %parallel_loop3A_954], %parallel_loop3A_957 {add = true, strides = array<i32>} : memref<16x1024xf32, #tpu.memory_space<vmem>>, vector<1x16xf32>,
      } {sc.loop_unroll_factor = 8 : i64, sc.parallel_access}
    } {sc.loop_unroll_factor = 2 : i64, sc.parallel_access}
    %add3A_901 = arith.constant 8192 : i32
    %add3A_902 = arith.addi %add3A_901, %mul3A_2 : i32
    %add3A_903 = arith.constant 112 : i32
    %add3A_904 = arith.addi %add3A_902, %add3A_903 : i32
    %dma_start3A_905 = arith.constant 0 : i32
    %dma_start3A_906 = tpu.memref_slice %arg4[%add3A_904, %dma_start3A_905] : memref<16384x1024xf32, #tpu.memory_space<hbm>> -> memref<16x1024xf32, #tpu.memory_space<hbm>>
    %dma_start3A_907 = arith.constant 0 : i32
    %dma_start3A_908 = tpu.memref_slice %arg4[%add3A_904, %dma_start3A_907] : memref<16384x1024xf32, #tpu.memory_space<hbm>> -> memref<16x1024xf32, #tpu.memory_space<hbm>>
    tpu.enqueue_dma source(%arg5 : memref<16x1024xf32, #tpu.memory_space<vmem>>) target(%dma_start3A_908 : memref<16x1024xf32, #tpu.memory_space<hbm>>) target_semaphore(%arg17 : memref<!tpu.dma_semaphore, #tpu.memory_space<semaphore_mem>>)
    %dma_wait3A_909 = arith.constant 0 : i32
    %dma_wait3A_910 = tpu.memref_slice %arg2[%add3A_874, %dma_wait3A_909] : memref<16384x1024xf32, #tpu.memory_space<hbm>> -> memref<16x1024xf32, #tpu.memory_space<hbm>>
    %dma_wait3A_911 = arith.constant 0 : i32
    %dma_wait3A_912 = tpu.memref_slice %arg2[%add3A_874, %dma_wait3A_911] : memref<16384x1024xf32, #tpu.memory_space<hbm>> -> memref<16x1024xf32, #tpu.memory_space<hbm>>
    tpu.wait_dma2 semaphore(%arg13 : memref<!tpu.dma_semaphore, #tpu.memory_space<semaphore_mem>>) src(%dma_wait3A_912 : memref<16x1024xf32, #tpu.memory_space<hbm>>) dst(%arg6 : memref<16x1024xf32, #tpu.memory_space<vmem>>)
    %parallel_loop3A_913 = arith.constant 0 : i32
    %parallel_loop3A_914 = arith.constant 16 : i32
    %parallel_loop3A_915 = arith.constant 1 : i32
    scf.for %parallel_loop3A_944 = %parallel_loop3A_913 to %parallel_loop3A_914 step %parallel_loop3A_915  : i32 {
      %parallel_loop3A_945 = arith.constant 0 : i32
      %parallel_loop3A_946 = arith.constant 1024 : i32
      %parallel_loop3A_947 = arith.constant 16 : i32
      scf.for %parallel_loop3A_948 = %parallel_loop3A_945 to %parallel_loop3A_946 step %parallel_loop3A_947  : i32 {
        %parallel_loop3A_949 = arith.index_cast %parallel_loop3A_944 : i32 to index
        %parallel_loop3A_950 = arith.index_cast %parallel_loop3A_948 : i32 to index
        %parallel_loop3A_951 = tpu.vector_load %arg11[%parallel_loop3A_949, %parallel_loop3A_950] {strides = array<i32>} : memref<16x1024xf32, #tpu.memory_space<vmem>>, vector<1x16xf32>,
        %parallel_loop3A_952 = vector.shape_cast %parallel_loop3A_951 : vector<1x16xf32> to vector<16xf32>
        %parallel_loop3A_953 = arith.index_cast %parallel_loop3A_944 : i32 to index
        %parallel_loop3A_954 = arith.index_cast %parallel_loop3A_948 : i32 to index
        %parallel_loop3A_955 = tpu.vector_load %arg6[%parallel_loop3A_953, %parallel_loop3A_954] {strides = array<i32>} : memref<16x1024xf32, #tpu.memory_space<vmem>>, vector<1x16xf32>,
        %parallel_loop3A_956 = vector.shape_cast %parallel_loop3A_955 : vector<1x16xf32> to vector<16xf32>
        %parallel_loop3A_957 = vector.shape_cast %parallel_loop3A_952 : vector<16xf32> to vector<1x16xf32>
        tpu.vector_store %arg6[%parallel_loop3A_953, %parallel_loop3A_954], %parallel_loop3A_957 {add = true, strides = array<i32>} : memref<16x1024xf32, #tpu.memory_space<vmem>>, vector<1x16xf32>,
      } {sc.loop_unroll_factor = 8 : i64, sc.parallel_access}
    } {sc.loop_unroll_factor = 2 : i64, sc.parallel_access}
    %add3A_916 = arith.constant 12288 : i32
    %add3A_917 = arith.addi %add3A_916, %mul3A_2 : i32
    %add3A_918 = arith.constant 112 : i32
    %add3A_919 = arith.addi %add3A_917, %add3A_918 : i32
    %dma_start3A_920 = arith.constant 0 : i32
    %dma_start3A_921 = tpu.memref_slice %arg4[%add3A_919, %dma_start3A_920] : memref<16384x1024xf32, #tpu.memory_space<hbm>> -> memref<16x1024xf32, #tpu.memory_space<hbm>>
    %dma_start3A_922 = arith.constant 0 : i32
    %dma_start3A_923 = tpu.memref_slice %arg4[%add3A_919, %dma_start3A_922] : memref<16384x1024xf32, #tpu.memory_space<hbm>> -> memref<16x1024xf32, #tpu.memory_space<hbm>>
    tpu.enqueue_dma source(%arg6 : memref<16x1024xf32, #tpu.memory_space<vmem>>) target(%dma_start3A_923 : memref<16x1024xf32, #tpu.memory_space<hbm>>) target_semaphore(%arg18 : memref<!tpu.dma_semaphore, #tpu.memory_space<semaphore_mem>>)
    %dma_wait3A_924 = arith.constant 0 : i32
    %dma_wait3A_925 = tpu.memref_slice %arg4[%add3A_831, %dma_wait3A_924] : memref<16384x1024xf32, #tpu.memory_space<hbm>> -> memref<16x1024xf32, #tpu.memory_space<hbm>>
    %dma_wait3A_926 = arith.constant 0 : i32
    %dma_wait3A_927 = tpu.memref_slice %arg4[%add3A_831, %dma_wait3A_926] : memref<16384x1024xf32, #tpu.memory_space<hbm>> -> memref<16x1024xf32, #tpu.memory_space<hbm>>
    tpu.wait_dma2 semaphore(%arg19 : memref<!tpu.dma_semaphore, #tpu.memory_space<semaphore_mem>>) src(%arg7 : memref<16x1024xf32, #tpu.memory_space<vmem>>) dst(%dma_wait3A_927 : memref<16x1024xf32, #tpu.memory_space<hbm>>)
    %dma_wait3A_928 = arith.constant 0 : i32
    %dma_wait3A_929 = tpu.memref_slice %arg4[%add3A_862, %dma_wait3A_928] : memref<16384x1024xf32, #tpu.memory_space<hbm>> -> memref<16x1024xf32, #tpu.memory_space<hbm>>
    %dma_wait3A_930 = arith.constant 0 : i32
    %dma_wait3A_931 = tpu.memref_slice %arg4[%add3A_862, %dma_wait3A_930] : memref<16384x1024xf32, #tpu.memory_space<hbm>> -> memref<16x1024xf32, #tpu.memory_space<hbm>>
    tpu.wait_dma2 semaphore(%arg20 : memref<!tpu.dma_semaphore, #tpu.memory_space<semaphore_mem>>) src(%arg8 : memref<16x1024xf32, #tpu.memory_space<vmem>>) dst(%dma_wait3A_931 : memref<16x1024xf32, #tpu.memory_space<hbm>>)
    %dma_wait3A_932 = arith.constant 0 : i32
    %dma_wait3A_933 = tpu.memref_slice %arg4[%add3A_889, %dma_wait3A_932] : memref<16384x1024xf32, #tpu.memory_space<hbm>> -> memref<16x1024xf32, #tpu.memory_space<hbm>>
    %dma_wait3A_934 = arith.constant 0 : i32
    %dma_wait3A_935 = tpu.memref_slice %arg4[%add3A_889, %dma_wait3A_934] : memref<16384x1024xf32, #tpu.memory_space<hbm>> -> memref<16x1024xf32, #tpu.memory_space<hbm>>
    tpu.wait_dma2 semaphore(%arg21 : memref<!tpu.dma_semaphore, #tpu.memory_space<semaphore_mem>>) src(%arg9 : memref<16x1024xf32, #tpu.memory_space<vmem>>) dst(%dma_wait3A_935 : memref<16x1024xf32, #tpu.memory_space<hbm>>)
    %dma_wait3A_936 = arith.constant 0 : i32
    %dma_wait3A_937 = tpu.memref_slice %arg4[%add3A_904, %dma_wait3A_936] : memref<16384x1024xf32, #tpu.memory_space<hbm>> -> memref<16x1024xf32, #tpu.memory_space<hbm>>
    %dma_wait3A_938 = arith.constant 0 : i32
    %dma_wait3A_939 = tpu.memref_slice %arg4[%add3A_904, %dma_wait3A_938] : memref<16384x1024xf32, #tpu.memory_space<hbm>> -> memref<16x1024xf32, #tpu.memory_space<hbm>>
    tpu.wait_dma2 semaphore(%arg17 : memref<!tpu.dma_semaphore, #tpu.memory_space<semaphore_mem>>) src(%arg5 : memref<16x1024xf32, #tpu.memory_space<vmem>>) dst(%dma_wait3A_939 : memref<16x1024xf32, #tpu.memory_space<hbm>>)
    %dma_wait3A_940 = arith.constant 0 : i32
    %dma_wait3A_941 = tpu.memref_slice %arg4[%add3A_919, %dma_wait3A_940] : memref<16384x1024xf32, #tpu.memory_space<hbm>> -> memref<16x1024xf32, #tpu.memory_space<hbm>>
    %dma_wait3A_942 = arith.constant 0 : i32
    %dma_wait3A_943 = tpu.memref_slice %arg4[%add3A_919, %dma_wait3A_942] : memref<16384x1024xf32, #tpu.memory_space<hbm>> -> memref<16x1024xf32, #tpu.memory_space<hbm>>
    tpu.wait_dma2 semaphore(%arg18 : memref<!tpu.dma_semaphore, #tpu.memory_space<semaphore_mem>>) src(%arg6 : memref<16x1024xf32, #tpu.memory_space<vmem>>) dst(%dma_wait3A_943 : memref<16x1024xf32, #tpu.memory_space<hbm>>)
    return
  }
}

</mosaic_0001>

<sc_bundles>
// kernel: kernel.3.cloned.1.call-start
scs
__scs_entry_jumppad:
0x0: {  	(pc) =	sbr.rel $0x88, $3  }
0x1: {  	(tag) =	ssettag $0x0;
	lr =	simm.s32 $0x1  }
0x2: {  	[smem:$0x3F9F] =	sst lr;
	_ =	strace $0xD0000000  }
0x3: {  	_ = 	snop  }
0x4: {  	_ = 	snop  }
0x5: {  	_ = 	snop  }
0x6: {  	_ = 	snop  }
0x7: {  	_ = 	snop  }
__scs_overlays_trampoline_lowered:
0x8: {  	[smem:$0x3FAE] =	sst s0  }
0x9: {  	[smem:$0x3FAF] =	sst s1  }
0xa: {  	[smem:$0x3FB0] =	sst s2  }
0xb: {  	[smem:$0x3FB1] =	sst s3  }
0xc: {  	[smem:$0x3FB2] =	sst s4  }
0xd: {  	[smem:$0x3FB3] =	sst s5  }
0xe: {  	[smem:$0x3FB4] =	sst s6  }
0xf: {  	[smem:$0x3FB5] =	sst s7  }
0x10: {  	[smem:$0x3FB6] =	sst s8  }
0x11: {  	[smem:$0x3FB7] =	sst s9;
	s0 =	simm.s32 @!p0 $0x0  }
0x12: {  	s1 =	sld [smem:$0x3F9D];
	s0 =	simm.s32 @p0 $0x1  }
0x13: {  	[smem:$0x3FB8] =	sst s0;
	s0 =	simm.s32 @!p1 $0x0  }
0x14: {  	s2 =	sld [smem:$0x3F9C];
	s0 =	simm.s32 @p1 $0x1  }
0x15: {  	[smem:$0x3FB9] =	sst s0;
	s0 =	simm.s32 @!p2 $0x0  }
0x16: {  	s3 =	sld [smem:$0x3FDB];
	s0 =	simm.s32 @p2 $0x1  }
0x17: {  	s4 =	simm.s32 $0x1BF5;
	[smem:$0x3FBB] =	sst s0  }
0x18: {  	s0 =	sld [smem:$0x3F9E];
	_ =	swait.ge [sflag:s4], $0x0  }
0x19: {  	s7 =	sld [smem:$0x3F9F]  }
0x1a: {  	s8 =	sadd.s32 $0xFFFFE003, lr  }
0x1b: {  	s9 =	sadd.s32 $0xFFFFFEF7, lr;
	s5 =	simm.s32 $0xFFFFFFFF;
	p2 =	slt.u32 s8, $0xFFFFF086  }
0x1c: {  	p1 =	slt.u32 s9, $0xF7A;
	s5 =	simm.s32 @!p2 $0x0  }
0x1d: {  	s5 =	simm.s32 @p1 $0x1;
	p0 =	seq.s32 s7, s2  }
0x1e: {  	s7 =	smul.u32 @!p0 $0xF7A, s2;
	p2 =	seq.s32 @!p0 s5, $0x0  }
0x1f: {  	s9 =	smul.u32 $0xF7A, s1;
	s8 =	simm.s32 @!p0 $0x1BF5;
	p2 =	por !p2, p0  }
0x20: {  	[sflag:s8] =	ssyncset.s32 @!p0 $0xFFFFF086;
	s6 =	sadd.s32 @!p0 s3, s7;
	s7 =	simm.s32 @!p0 $0x108  }
0x21: {  	s3 =	sadd.s32 s3, s9;
	s6 =	sadd.s32 @!p0 $0x88, s6;
	s7 =	simm.s32 @p2 $0x1082  }
0x22: {  	[simem:s7], [sflag:s8] =	dma.local @!p0 [hbm:s6], $0xF7A  }
0x23: {  	s9 =	sor.u32 $0xD0000000, s2;
	s6 =	simm.s32 $0x108;
	_ =	swait.ge @!p0 [sflag:s8], $0x0  }
0x24: {  	s3 =	sadd.s32 $0x88, s3;
	s6 =	simm.s32 @!p1 $0x1082;
	[sflag:s4] =	ssyncset.s32 $0xFFFFF086  }
0x25: {  	[simem:s6], [sflag:s4] =	dma.local [hbm:s3], $0xF7A  }
0x26: {  	[smem:$0x3F9F] =	sst s1;
	(tag) =	ssettag s2;
	_ =	strace s9  }
0x27: {  	s1 =	sld [smem:$0x3FAF]  }
0x28: {  	s2 =	sld [smem:$0x3FB0]  }
0x29: {  	s4 =	sld [smem:$0x3FB2]  }
0x2a: {  	p0 =	seq.s32 s5, $0x0;
	s5 =	sld [smem:$0x3FB3]  }
0x2b: {  	s6 =	sld [smem:$0x3FB4]  }
0x2c: {  	s7 =	sld [smem:$0x3FB5]  }
0x2d: {  	s3 =	simm.s32 $0x108;
	s8 =	sld [smem:$0x3FB6]  }
0x2e: {  	s3 =	simm.s32 @!p0 $0x1082;
	s9 =	sld [smem:$0x3FB7]  }
0x2f: {  	lr =	sadd.s32 s0, s3;
	s0 =	sld [smem:$0x3FAE]  }
0x30: {  	s3 =	sld [smem:$0x3FB1]  }
0x31: {  	[smem:$0x3FBA] =	sst s10  }
0x32: {  	s10 =	sld [smem:$0x3FB8];
	_ =	sdelay $0x3  }
0x33: {  	p0 =	seq.s32 s10, $0x1;
	s10 =	sld [smem:$0x3FBA];
	_ =	sdelay $0x3  }
0x34: {  	[smem:$0x3FBA] =	sst s10  }
0x35: {  	s10 =	sld [smem:$0x3FB9];
	_ =	sdelay $0x3  }
0x36: {  	p1 =	seq.s32 s10, $0x1;
	s10 =	sld [smem:$0x3FBA];
	_ =	sdelay $0x3  }
0x37: {  	[smem:$0x3FBA] =	sst s10  }
0x38: {  	s10 =	sld [smem:$0x3FBB]  }
0x39: {  	_ = 	snop;
	(pc) =	sbr.ind lr, $3  }
0x3a: {  	_ = 	snop  }
0x3b: {  	_ = 	snop  }
0x3c: {  	p2 =	seq.s32 s10, $0x1;
	s10 =	sld [smem:$0x3FBA]  }
0x3d: {  	_ =	shalt  }
0x3e: {  	_ =	shalt  }
0x3f: {  	_ =	shalt  }
0x40: {  	_ =	shalt  }
0x41: {  	_ =	shalt  }
0x42: {  	_ =	shalt  }
0x43: {  	_ =	shalt  }
0x44: {  	_ =	shalt  }
0x45: {  	_ =	shalt  }
0x46: {  	_ =	shalt  }
0x47: {  	_ =	shalt  }
0x48: {  	_ =	shalt  }
0x49: {  	_ =	shalt  }
0x4a: {  	_ =	shalt  }
0x4b: {  	_ =	shalt  }
0x4c: {  	_ =	shalt  }
0x4d: {  	_ =	shalt  }
0x4e: {  	_ =	shalt  }
0x4f: {  	_ =	shalt  }
0x50: {  	_ =	shalt  }
0x51: {  	_ =	shalt  }
0x52: {  	_ =	shalt  }
0x53: {  	_ =	shalt  }
0x54: {  	_ =	shalt  }
0x55: {  	_ =	shalt  }
0x56: {  	_ =	shalt  }
0x57: {  	_ =	shalt  }
0x58: {  	_ =	shalt  }
0x59: {  	_ =	shalt  }
0x5a: {  	_ =	shalt  }
0x5b: {  	_ =	shalt  }
0x5c: {  	_ =	shalt  }
0x5d: {  	_ =	shalt  }
0x5e: {  	_ =	shalt  }
0x5f: {  	_ =	shalt  }
0x60: {  	_ =	shalt  }
0x61: {  	_ =	shalt  }
0x62: {  	_ =	shalt  }
0x63: {  	_ =	shalt  }
0x64: {  	_ =	shalt  }
0x65: {  	_ =	shalt  }
0x66: {  	_ =	shalt  }
0x67: {  	_ =	shalt  }
0x68: {  	_ =	shalt  }
0x69: {  	_ =	shalt  }
0x6a: {  	_ =	shalt  }
0x6b: {  	_ =	shalt  }
0x6c: {  	_ =	shalt  }
0x6d: {  	_ =	shalt  }
0x6e: {  	_ =	shalt  }
0x6f: {  	_ =	shalt  }
0x70: {  	_ =	shalt  }
0x71: {  	_ =	shalt  }
0x72: {  	_ =	shalt  }
0x73: {  	_ =	shalt  }
0x74: {  	_ =	shalt  }
0x75: {  	_ =	shalt  }
0x76: {  	_ =	shalt  }
0x77: {  	_ =	shalt  }
0x78: {  	_ =	shalt  }
0x79: {  	_ =	shalt  }
0x7a: {  	_ =	shalt  }
0x7b: {  	_ =	shalt  }
0x7c: {  	_ =	shalt  }
0x7d: {  	_ =	shalt  }
0x7e: {  	_ =	shalt  }
0x7f: {  	_ =	shalt  }
0x80: {  	_ =	shalt  }
0x81: {  	_ =	shalt  }
0x82: {  	_ =	shalt  }
0x83: {  	_ =	shalt  }
0x84: {  	_ =	shalt  }
0x85: {  	_ =	shalt  }
0x86: {  	_ =	shalt  }
0x87: {  	_ =	shalt  }
.Lfunc_end0:
.L_simem_size_0:
called_computation_lowered:
.L_overlay_start_0:
0x88: {  	s2 =	sld [smem:$0x3FD9]  }
0x89: {  	s3 =	sld [smem:$0x3FFE];
	_ =	sdelay $0x1  }
0x8a: {  	s1 =	srdreg.scid  }
0x8b: {  	s0 =	sand.u32 $0x1, s1  }
0x8c: {  	s18 =	sshll.u32 s0, $0xA;
	s2 =	sadd.s32 s3, s2  }
0x8d: {  	s2 =	sadd.s32 s2, s18  }
0x8e: {  	[smem:$0x3FC6] =	sst s2  }
0x8f: {  	_ = 	snop  }
0x90: {  	s2 =	sld [smem:$0x3FC9]  }
0x91: {  	s19 =	sld [smem:$0x3FC8]  }
0x92: {  	s4 =	sld [smem:$0x3FD0];
	(tm) =	ssettm $0x1  }
0x93: {  	s5 =	sld [smem:$0x3FFB];
	_ =	sdelay $0x3  }
0x94: {  	_ =	strace s5  }
0x95: {  	s5 =	sld [smem:$0x3FFC];
	_ =	sdelay $0x3  }
0x96: {  	_ =	strace s5  }
0x97: {  	s5 =	sld [smem:$0x3FFD];
	_ =	sdelay $0x3  }
0x98: {  	_ =	strace s5  }
0x99: {  	_ =	strace $0x8FFFFFFF  }
0x9a: {  	s20 =	sld [smem:$0x3FDB];
	_ =	sdelay $0x1  }
0x9b: {  	s6 =	simm.s32 $_scs_section_size  }
0x9c: {  	s7 =	simm.s32 $_size__tile_overlayer_lowered;
	s8 =	simm.s32 $_tile_overlayer_lowered  }
0x9d: {  	s23 =	simm.s32 $0x1BFF;
	s22 =	sshll.u32 s8, $0x1;
	s5 =	sadd.s32 s6, s20  }
0x9e: {  	s9 =	simm.s32 $0x0;
	s21 =	sshll.u32 s7, $0x1;
	s7 =	sadd.s32 s22, s5  }
0x9f: {  	[timem:s9], [sflag:s23] =	dma.local [hbm:s7], s21  }
0xa0: {  	_ =	swait.ge [sflag:s23], s21  }
0xa1: {  	s6 =	ssub.s32 $0x0, s21;
	[sflag:s23] =	ssyncset.done $0x0  }
0xa2: {  	[sflag:s23] =	ssyncadd.s32 s6;
	_ =	sdelay $0x1  }
0xa3: {  	s24 =	simm.s32 $0x1B8B  }
0xa4: {  	_ =	swait.ge [sflag:s24], $0x1  }
0xa5: {  	[sflag:s24] =	ssyncset.done $0x0  }
0xa6: {  	s25 =	simm.s32 $0x1B8E;
	[sflag:s24] =	ssyncadd.s32 $0xFFFFFFFF  }
0xa7: {  	s26 =	simm.s32 $execute0_lowered;
	[smem:$0x3FD2] =	sst s25  }
0xa8: {  	s6 =	sshll.u32 s26, $0x1;
	_ =	strace $0x80000046;
	[dreg:$0x1] =	wrdreg $0xFFFFFFFF  }
0xa9: {  	s28 =	simm.s32 $_size_execute0_lowered;
	s5 =	sadd.s32 s5, s6;
	[dreg:$0x0] =	wrdreg $0x0  }
0xaa: {  	s6 =	sshll.u32 s28, $0x1;
	[dreg:$0x2] =	wrdreg s5  }
0xab: {  	[dreg:$0x3] =	wrdreg s6  }
0xac: {  	[dreg:$0x4] =	wrdreg $0xC0  }
0xad: {  	_ =	task [dreg:s9], $0x5FFFF  }
0xae: {  	[dreg:$0x1] =	wrdreg $0xFFFFFFFF  }
0xaf: {  	[dreg:$0x0] =	wrdreg $0x60  }
0xb0: {  	[dreg:$0x2] =	wrdreg s2  }
0xb1: {  	[dreg:$0x3] =	wrdreg s19  }
0xb2: {  	[dreg:$0x4] =	wrdreg s4  }
0xb3: {  	[dreg:$0x5] =	wrdreg $0x9  }
0xb4: {  	_ =	task.clear_ibuf [dreg:s9], $0x6FFFF;
	_ =	strace $0x90000046  }
0xb5: {  	s29 =	simm.s32 $0x9;
	_ =	strace $0x80000048  }
0xb6: {  	_ =	swait.ge [sflag:s29], $0x1  }
0xb7: {  	[sflag:s29] =	ssyncadd.s32 $0xFFFFFFFF  }
0xb8: {  	_ =	strace $0x90000048  }
0xb9: {  	_ =	sfence  }
0xba: {  	s30 =	sld [smem:$0x0];
	_ =	sdelay $0x2  }
0xbb: {  	s31 =	sshll.u32 s1, $0xD;
	s1 =	sshrl.u32 s1, $0x2  }
0xbc: {  	s3 =	sand.u32 $0x4000, s31;
	s1 =	sadd.s32 s1, s30  }
0xbd: {  	s0 =	sor.u32 s3, s0;
	s1 =	sshll.u32 s1, $0x11  }
0xbe: {  	s0 =	sor.u32 s1, s0  }
0xbf: {  	s0 =	sadd.s32 $0x8F2B, s0  }
0xc0: {  	[sflag:s0] =	ssyncadd.remote.s32 $0x1  }
0xc1: {  	_ =	sfence.sel $0xFFFF  }
0xc2: {  	[dreg:$0x0] =	wrdreg $0xFFFFFFFF;
	(pc) =	sbr.abs _section_cstart, $3  }
0xc3: {  	[dreg:$0x1] =	wrdreg $0xFFFFFFFF  }
0xc4: {  	_ =	task.clear_ibuf [dreg:s9], $0x2FFFF;
	_ =	strace $0x9FFFFFFF  }
0xc5: {  	(tm) =	ssettm $0x7FFFFFFF  }
tec
execute0_lowered:
.L_overlay_start_1:
0x0: {  	(tag) =	ssettag $0x1  }
0x1: {  	s1 =	srdreg.scid  }
0x2: {  	s0 =	rddreg [dreg:$0x0];
	s2 =	stileid.u32;
	s1 =	sand.u32 $0x1, s1  }
0x3: {  	s5 =	rddreg [dreg:$0x1];
	s3 =	sshll.u32 s2, $0xF;
	s4 =	sshll.u32 s1, $0xE  }
0x4: {  	s2 =	rddreg [dreg:$0x2];
	s4 =	sor.u32 s4, s3  }
0x5: {  	s6 =	ssub.s32 $0x2, s1;
	s1 =	simm.s32 $0x0;
	s7 =	sor.u32 $0x800, s4  }
0x6: {  	[smem:$0x7FF] =	sst s1;
	s24 =	sor.u32 $0x80000, s4;
	s23 =	sadd.s32 s5, s7  }
0x7: {  	s8 =	sor.u32 $0x100000, s4;
	s10 =	sadd.s32 s0, s24;
	[dreg:$0x4] =	wrdreg s23  }
0x8: {  	s9 =	sor.u32 $0x180000, s4;
	s25 =	sadd.s32 s0, s8;
	[dreg:$0x5] =	wrdreg s10  }
0x9: {  	s22 =	sshrl.u32 s6, $0x1;
	s26 =	sadd.s32 s0, s9;
	[dreg:$0x6] =	wrdreg s25  }
0xa: {  	s3 =	ssub.s32 s6, s22;
	s6 =	sadd.s32 s2, s24;
	[dreg:$0x7] =	wrdreg s26  }
0xb: {  	s11 =	sor.u32 $0x80800, s4;
	s8 =	sadd.s32 s2, s8;
	[dreg:$0x8] =	wrdreg s6  }
0xc: {  	s12 =	sadd.s32 s0, s11;
	[dreg:$0xa] =	wrdreg s8  }
0xd: {  	s13 =	sor.u32 $0x1000, s4;
	s9 =	sadd.s32 s2, s9;
	[dreg:$0xb] =	wrdreg s12  }
0xe: {  	s15 =	sor.u32 $0x100800, s4;
	s14 =	sadd.s32 s5, s13;
	[dreg:$0xc] =	wrdreg s9  }
0xf: {  	s17 =	sor.u32 $0x180800, s4;
	s16 =	sadd.s32 s0, s15;
	[dreg:$0xd] =	wrdreg s14  }
0x10: {  	s18 =	sadd.s32 s0, s17;
	[dreg:$0xe] =	wrdreg s16  }
0x11: {  	s19 =	sadd.s32 s0, s13;
	[dreg:$0x10] =	wrdreg s18  }
0x12: {  	s20 =	sadd.s32 s2, s15;
	[dreg:$0x12] =	wrdreg s19  }
0x13: {  	s22 =	sadd.s32 s2, s13;
	[dreg:$0x13] =	wrdreg s20  }
0x14: {  	s10 =	sadd.s32 s0, s7;
	[dreg:$0x15] =	wrdreg s22  }
0x15: {  	s7 =	sadd.s32 s2, s7;
	[dreg:$0x9] =	wrdreg s10  }
0x16: {  	s21 =	sor.u32 $0x81000, s4;
	s6 =	sadd.s32 s2, s11;
	[dreg:$0xf] =	wrdreg s7  }
0x17: {  	s24 =	sor.u32 $0x101000, s4;
	s23 =	sadd.s32 s0, s21;
	[dreg:$0x11] =	wrdreg s6  }
0x18: {  	s15 =	sor.u32 $0x101800, s4;
	s25 =	sadd.s32 s0, s24;
	[dreg:$0x16] =	wrdreg s23  }
0x19: {  	s18 =	sadd.s32 s2, s15;
	[dreg:$0x18] =	wrdreg s25  }
0x1a: {  	s7 =	sadd.s32 s2, s17;
	[smem:$0x7D3] =	sst s18  }
0x1b: {  	s26 =	sor.u32 $0x181000, s4;
	s6 =	sadd.s32 s2, s21;
	[dreg:$0x14] =	wrdreg s7  }
0x1c: {  	s9 =	sor.u32 $0x1800, s4;
	s10 =	sadd.s32 s0, s26;
	[dreg:$0x17] =	wrdreg s6  }
0x1d: {  	s11 =	sadd.s32 s5, s9;
	[dreg:$0x1a] =	wrdreg s10  }
0x1e: {  	s12 =	sadd.s32 s0, s9;
	[dreg:$0x1c] =	wrdreg s11  }
0x1f: {  	s14 =	sor.u32 $0x81800, s4;
	s13 =	sadd.s32 s2, s9;
	[dreg:$0x1d] =	wrdreg s12  }
0x20: {  	s16 =	sadd.s32 s0, s14;
	[dreg:$0x1e] =	wrdreg s13  }
0x21: {  	s20 =	sor.u32 $0x181800, s4;
	s17 =	sadd.s32 s0, s15;
	[dreg:$0x1f] =	wrdreg s16  }
0x22: {  	s19 =	sor.u32 $0x2000, s4;
	s21 =	sadd.s32 s0, s20;
	[smem:$0x7D2] =	sst s17  }
0x23: {  	s22 =	sadd.s32 s5, s19;
	[smem:$0x7D4] =	sst s21  }
0x24: {  	s23 =	sadd.s32 s0, s19;
	[smem:$0x7D6] =	sst s22  }
0x25: {  	s7 =	sadd.s32 s2, s24;
	[smem:$0x7D7] =	sst s23  }
0x26: {  	s9 =	sor.u32 $0x182000, s4;
	s6 =	sadd.s32 s2, s26;
	[dreg:$0x19] =	wrdreg s7  }
0x27: {  	s10 =	sadd.s32 s0, s9;
	[dreg:$0x1b] =	wrdreg s6  }
0x28: {  	s21 =	sadd.s32 s5, s4;
	[smem:$0x7DD] =	sst s10  }
0x29: {  	s6 =	sadd.s32 s2, s14;
	[smem:$0x7E8] =	sst s21  }
0x2a: {  	s24 =	sor.u32 $0x82000, s4;
	s7 =	sadd.s32 s2, s20;
	[smem:$0x7D1] =	sst s6  }
0x2b: {  	s26 =	sor.u32 $0x102000, s4;
	s25 =	sadd.s32 s0, s24;
	[smem:$0x7D5] =	sst s7  }
0x2c: {  	s11 =	sor.u32 $0x2800, s4;
	s8 =	sadd.s32 s0, s26;
	[smem:$0x7D9] =	sst s25  }
0x2d: {  	s12 =	sadd.s32 s5, s11;
	[smem:$0x7DB] =	sst s8  }
0x2e: {  	s16 =	sor.u32 $0x102800, s4;
	s13 =	sadd.s32 s0, s11;
	[smem:$0x7DF] =	sst s12  }
0x2f: {  	s18 =	sor.u32 $0x182800, s4;
	s17 =	sadd.s32 s0, s16;
	[smem:$0x7E0] =	sst s13  }
0x30: {  	s20 =	sadd.s32 s2, s18;
	[smem:$0x7E4] =	sst s17  }
0x31: {  	s14 =	sor.u32 $0x82800, s4;
	s6 =	sadd.s32 s2, s19;
	[smem:$0x7E7] =	sst s20  }
0x32: {  	s15 =	sadd.s32 s0, s14;
	[smem:$0x7D8] =	sst s6  }
0x33: {  	s7 =	sadd.s32 s2, s14;
	[smem:$0x7E2] =	sst s15  }
0x34: {  	s10 =	sor.u32 $0x103000, s4;
	s19 =	sadd.s32 s0, s18;
	[smem:$0x7E3] =	sst s7  }
0x35: {  	s12 =	sadd.s32 s0, s10;
	[smem:$0x7E6] =	sst s19  }
0x36: {  	s28 =	simm.s32 $0x7;
	s17 =	sadd.s32 s0, s4;
	[smem:$0x7EF] =	sst s12  }
0x37: {  	s29 =	simm.s32 $0xC;
	s18 =	sadd.s32 s2, s4;
	[smem:$0x7F5] =	sst s17  }
0x38: {  	s22 =	sor.u32 $0x3000, s4;
	s6 =	sadd.s32 s2, s24;
	[smem:$0x7F6] =	sst s18  }
0x39: {  	s23 =	sor.u32 $0x3800, s4;
	s24 =	sadd.s32 s5, s22;
	[smem:$0x7DA] =	sst s6  }
0x3a: {  	s30 =	simm.s32 $0x5;
	s5 =	sadd.s32 s5, s23;
	[smem:$0x7E9] =	sst s24  }
0x3b: {  	s31 =	simm.s32 $0x8;
	s15 =	sadd.s32 s0, s23;
	[smem:$0x7EA] =	sst s5  }
0x3c: {  	s25 =	sor.u32 $0x83000, s4;
	s6 =	sadd.s32 s2, s26;
	[smem:$0x7F3] =	sst s15  }
0x3d: {  	s20 =	sor.u32 $0x103800, s4;
	s26 =	sadd.s32 s0, s22;
	[smem:$0x7DC] =	sst s6  }
0x3e: {  	s19 =	sor.u32 $0x83800, s4;
	s5 =	sadd.s32 s2, s25;
	[smem:$0x7EB] =	sst s26  }
0x3f: {  	s17 =	simm.s32 $0x4000;
	s21 =	sadd.s32 s0, s19;
	[smem:$0x7EE] =	sst s5  }
0x40: {  	s18 =	simm.s32 $0x8000;
	s24 =	sadd.s32 s2, s20;
	[smem:$0x7F7] =	sst s21  }
0x41: {  	s15 =	simm.s32 $0x14000;
	s6 =	sadd.s32 s2, s9;
	[smem:$0x7FB] =	sst s24  }
0x42: {  	s9 =	sadd.s32 s0, s25;
	s5 =	sadd.s32 s2, s10;
	[smem:$0x7DE] =	sst s6  }
0x43: {  	s26 =	smax.u32 s3, $0x1;
	s21 =	simm.s32 $0xC000;
	[smem:$0x7ED] =	sst s9  }
0x44: {  	s24 =	simm.s32 $0x3;
	s6 =	sadd.s32 s2, s11;
	[smem:$0x7F0] =	sst s5  }
0x45: {  	s11 =	sor.u32 $0x183000, s4;
	[smem:$0x7E1] =	sst s6;
	s6 =	sadd.s32 s2, s16  }
0x46: {  	s3 =	simm.s32 $0x0;
	s13 =	sadd.s32 s0, s11;
	[smem:$0x7E5] =	sst s6  }
0x47: {  	s4 =	sor.u32 $0x183800, s4;
	s14 =	sadd.s32 s2, s11;
	[smem:$0x7F1] =	sst s13  }
0x48: {  	s16 =	sadd.s32 s2, s23;
	s23 =	sadd.s32 s2, s19;
	[smem:$0x7F2] =	sst s14  }
0x49: {  	s25 =	sadd.s32 s2, s4;
	s19 =	simm.s32 $0xB;
	[smem:$0x7F4] =	sst s16  }
0x4a: {  	s6 =	sadd.s32 s2, s22;
	s22 =	sadd.s32 s0, s20;
	[smem:$0x7FA] =	sst s23  }
0x4b: {  	s0 =	sadd.s32 s0, s4;
	[smem:$0x7FC] =	sst s25;
	s16 =	simm.s32 $0x18000  }
0x4c: {  	s20 =	simm.s32 $0x1;
	s23 =	simm.s32 $0x10000;
	[smem:$0x7EC] =	sst s6  }
0x4d: {  	s25 =	simm.s32 $0x6;
	s2 =	simm.s32 $0xA;
	[smem:$0x7F8] =	sst s22  }
0x4e: {  	[smem:$0x7F9] =	sst s0;
	s22 =	simm.s32 $0x2;
	s0 =	simm.s32 $0x9  }
0x4f: {  	_ =	strace $0x80000047;
	[smem:$0x7FD] =	sst s26;
	s26 =	simm.s32 $0x4  }
.LBB2_1:
0x50: {  	s4 =	sld [smem:$0x7E8];
	_ =	sdelay $0x1  }
0x51: {  	s11 =	rddreg [dreg:$0x4]  }
0x52: {  	[tilespmem:s15], [sflag:$0xB] =	stream.linear.gather [hbm4b:s4+s1], $0x4000, $0x38;
	[tilespmem:$0x1C000] =	vst v63  }
0x53: {  	s12 =	sld [smem:$0x7F5]  }
0x54: {  	[tilespmem:s16], [sflag:$0xC] =	stream.linear.gather [hbm4b:s11+s1], $0x4000, $0x38;
	[tilespmem:$0x1C000] =	vst v63  }
0x55: {  	_ = 	snop  }
0x56: {  	[tilespmem:s1], [sflag:$0x1] =	stream.linear.gather [hbm4b:s12+s1], $0x4000, $0x38;
	[tilespmem:$0x1C000] =	vst v63  }
0x57: {  	s13 =	rddreg [dreg:$0x5]  }
0x58: {  	[tilespmem:s17], [sflag:$0x2] =	stream.linear.gather [hbm4b:s13+s1], $0x4000, $0x38;
	[tilespmem:$0x1C000] =	vst v63  }
0x59: {  	s14 =	rddreg [dreg:$0x6]  }
0x5a: {  	[tilespmem:s18], [sflag:$0x3] =	stream.linear.gather [hbm4b:s14+s1], $0x4000, $0x38;
	[tilespmem:$0x1C000] =	vst v63  }
0x5b: {  	_ =	swait.ge [sflag:s19], $0x4000  }
0x5c: {  	[sflag:s19] =	ssyncset.done $0x0  }
0x5d: {  	[sflag:s19] =	ssyncadd.s32 $0xFFFFC000  }
0x5e: {  	_ =	swait.ge [sflag:s20], $0x4000  }
0x5f: {  	s5 =	simm.s32 $0x0;
	[sflag:s20] =	ssyncset.done $0x0  }
0x60: {  	s6 =	simm.s32 $0x0;
	s4 =	simm.s32 $0x0;
	[sflag:s20] =	ssyncadd.s32 $0xFFFFC000  }
.LBB2_2:
0x61: {  	s7 =	sshll.u32 s5, $0xA  }
0x62: {  	s13 =	sand.u32 $0x3FFFE000, s4;
	s7 =	sand.u32 $0xC00, s7  }
0x63: {  	s10 =	sadd.s32 $0x14040, s13;
	s8 =	sshrl.u32 s7, $0x2  }
0x64: {  	s7 =	sadd.s32 s8, s10  }
0x65: {  	v0 =	vld [tilespmem:s7+$0x30]  }
0x66: {  	v2 =	vld [tilespmem:s7+$0xFFFFFFC0]  }
0x67: {  	v3 =	vld [tilespmem:s7+$0xFFFFFFD0]  }
0x68: {  	v4 =	vld [tilespmem:s7+$0xFFFFFFE0]  }
0x69: {  	v5 =	vld [tilespmem:s7+$0xFFFFFFF0]  }
0x6a: {  	v6 =	vld [tilespmem:s7+$0x0]  }
0x6b: {  	s11 =	sadd.s32 s8, s13;
	v1 =	vld [tilespmem:s7+$0x10]  }
0x6c: {  	[tilespmem:s11+$0x70] =	vst.add.f32.msk $0xffff, v0  }
0x6d: {  	v0 =	vld [tilespmem:s7+$0x20]  }
0x6e: {  	[tilespmem:s11+$0x0] =	vst.add.f32.msk $0xffff, v2  }
0x6f: {  	[tilespmem:s11+$0x10] =	vst.add.f32.msk $0xffff, v3  }
0x70: {  	[tilespmem:s11+$0x20] =	vst.add.f32.msk $0xffff, v4  }
0x71: {  	[tilespmem:s11+$0x30] =	vst.add.f32.msk $0xffff, v5  }
0x72: {  	s12 =	simm.s32 $0x0;
	s9 =	sadd.s32 $0x14080, s13;
	[tilespmem:s11+$0x40] =	vst.add.f32.msk $0xffff, v6;
	s7 =	smov.u32 s13  }
.LBB2_3:
0x73: {  	s12 =	sadd.s32 $0x80, s12;
	[tilespmem:s11+$0x50] =	vst.add.f32.msk $0xffff, v1;
	s10 =	sadd.s32 $0x400, s10  }
0x74: {  	s14 =	sadd.s32 s8, s10;
	p0 =	slt.u32 s12, $0x380;
	[tilespmem:s11+$0x60] =	vst.add.f32.msk $0xffff, v0  }
0x75: {  	v0 =	vld [tilespmem:s14+$0x30]  }
0x76: {  	v2 =	vld [tilespmem:s14+$0xFFFFFFC0]  }
0x77: {  	v3 =	vld [tilespmem:s14+$0xFFFFFFD0]  }
0x78: {  	s7 =	sadd.s32 $0x400, s7;
	v4 =	vld [tilespmem:s14+$0xFFFFFFE0]  }
0x79: {  	s11 =	sadd.s32 s8, s7;
	v5 =	vld [tilespmem:s14+$0xFFFFFFF0]  }
0x7a: {  	[tilespmem:s11+$0x70] =	vst.add.f32.msk $0xffff, v0  }
0x7b: {  	v6 =	vld [tilespmem:s14+$0x0]  }
0x7c: {  	v1 =	vld [tilespmem:s14+$0x10]  }
0x7d: {  	v0 =	vld [tilespmem:s14+$0x20]  }
.Ltmp0:
0x7e: {  	[tilespmem:s11+$0x0] =	vst.add.f32.msk $0xffff, v2;
	(pc) =	sbr.rel @p0 .LBB2_3-.Ltmp0, $4  }
0x7f: {  	[tilespmem:s11+$0x10] =	vst.add.f32.msk $0xffff, v3  }
0x80: {  	[tilespmem:s11+$0x20] =	vst.add.f32.msk $0xffff, v4  }
0x81: {  	[tilespmem:s11+$0x30] =	vst.add.f32.msk $0xffff, v5  }
0x82: {  	[tilespmem:s11+$0x40] =	vst.add.f32.msk $0xffff, v6  }
0x83: {  	[tilespmem:s11+$0x50] =	vst.add.f32.msk $0xffff, v1  }
0x84: {  	[tilespmem:s11+$0x60] =	vst.add.f32.msk $0xffff, v0;
	s7 =	sadd.s32 s8, s9  }
0x85: {  	v0 =	vld [tilespmem:s7+$0x70]  }
0x86: {  	v1 =	vld [tilespmem:s7+$0x0]  }
0x87: {  	v2 =	vld [tilespmem:s7+$0x10]  }
0x88: {  	v3 =	vld [tilespmem:s7+$0x20]  }
0x89: {  	v4 =	vld [tilespmem:s7+$0x30]  }
0x8a: {  	v5 =	vld [tilespmem:s7+$0x40]  }
0x8b: {  	s10 =	sadd.s32 s8, s13;
	v6 =	vld [tilespmem:s7+$0x50]  }
0x8c: {  	[tilespmem:s10+$0xF0] =	vst.add.f32.msk $0xffff, v0  }
0x8d: {  	v0 =	vld [tilespmem:s7+$0x60]  }
0x8e: {  	[tilespmem:s10+$0x80] =	vst.add.f32.msk $0xffff, v1  }
0x8f: {  	[tilespmem:s10+$0x90] =	vst.add.f32.msk $0xffff, v2  }
0x90: {  	[tilespmem:s10+$0xA0] =	vst.add.f32.msk $0xffff, v3  }
0x91: {  	[tilespmem:s10+$0xB0] =	vst.add.f32.msk $0xffff, v4  }
0x92: {  	[tilespmem:s10+$0xC0] =	vst.add.f32.msk $0xffff, v5  }
0x93: {  	s11 =	simm.s32 $0x0;
	[tilespmem:s10+$0xD0] =	vst.add.f32.msk $0xffff, v6;
	s7 =	sadd.s32 $0x400, s9  }
.LBB2_5:
0x94: {  	s9 =	sadd.s32 s8, s7;
	s11 =	sadd.s32 $0x80, s11;
	[tilespmem:s10+$0xE0] =	vst.add.f32.msk $0xffff, v0  }
0x95: {  	v0 =	vld [tilespmem:s9+$0x70];
	p0 =	slt.u32 s11, $0x380  }
0x96: {  	v1 =	vld [tilespmem:s9+$0x0]  }
0x97: {  	v2 =	vld [tilespmem:s9+$0x10]  }
0x98: {  	s13 =	sadd.s32 $0x400, s13;
	v3 =	vld [tilespmem:s9+$0x20]  }
0x99: {  	s10 =	sadd.s32 s8, s13;
	v4 =	vld [tilespmem:s9+$0x30]  }
0x9a: {  	[tilespmem:s10+$0xF0] =	vst.add.f32.msk $0xffff, v0  }
0x9b: {  	v5 =	vld [tilespmem:s9+$0x40]  }
0x9c: {  	v6 =	vld [tilespmem:s9+$0x50]  }
0x9d: {  	v0 =	vld [tilespmem:s9+$0x60]  }
0x9e: {  	[tilespmem:s10+$0x80] =	vst.add.f32.msk $0xffff, v1  }
.Ltmp1:
0x9f: {  	[tilespmem:s10+$0x90] =	vst.add.f32.msk $0xffff, v2;
	(pc) =	sbr.rel @p0 .LBB2_5-.Ltmp1, $4  }
0xa0: {  	[tilespmem:s10+$0xA0] =	vst.add.f32.msk $0xffff, v3  }
0xa1: {  	[tilespmem:s10+$0xB0] =	vst.add.f32.msk $0xffff, v4  }
0xa2: {  	[tilespmem:s10+$0xC0] =	vst.add.f32.msk $0xffff, v5  }
0xa3: {  	s7 =	sadd.s32 $0x400, s7;
	[tilespmem:s10+$0xD0] =	vst.add.f32.msk $0xffff, v6  }
0xa4: {  	p0 =	slt.u32 s6, $0xE  }
.Ltmp2:
0xa5: {  	_ = 	snop;
	(pc) =	sbr.rel @p0 .LBB2_2-.Ltmp2, $3  }
0xa6: {  	_ =	sdelay $0x1  }
0xa7: {  	s7 =	sadd.s32 $0x2, s6  }
0xa8: {  	[tilespmem:s10+$0xE0] =	vst.add.f32.msk $0xffff, v0;
	s5 =	sadd.s32 $0x1, s5;
	s4 =	sadd.s32 $0x800, s4;
	s6 =	smov.u32 s7  }
0xa9: {  	s5 =	sld [smem:$0x7F6];
	_ =	sdelay $0x1  }
0xaa: {  	s4 =	simm.s32 $0x0  }
0xab: {  	[hbm4b:s5+s4] =	stream.linear.scatter [tilespmem:s4], [sflag:$0x6], $0x4000, $0x38;
	[tilespmem:$0x1C000] =	vst v63  }
0xac: {  	s14 =	rddreg [dreg:$0x7]  }
0xad: {  	[tilespmem:s21], [sflag:$0x4] =	stream.linear.gather [hbm4b:s14+s4], $0x4000, $0x38;
	[tilespmem:$0x1C000] =	vst v63  }
0xae: {  	_ =	swait.ge [sflag:s22], $0x4000  }
0xaf: {  	[sflag:s22] =	ssyncset.done $0x0  }
0xb0: {  	s6 =	simm.s32 $0x0;
	s5 =	simm.s32 $0x0;
	[sflag:s22] =	ssyncadd.s32 $0xFFFFC000  }
.LBB2_8:
0xb1: {  	s7 =	sshll.u32 s6, $0xA  }
0xb2: {  	s9 =	sand.u32 $0x3FFFE000, s5;
	s7 =	sand.u32 $0xC00, s7  }
0xb3: {  	s10 =	sadd.s32 $0x14040, s9;
	s7 =	sshrl.u32 s7, $0x2  }
0xb4: {  	s12 =	sadd.s32 s7, s10  }
0xb5: {  	v0 =	vld [tilespmem:s12+$0x30]  }
0xb6: {  	v2 =	vld [tilespmem:s12+$0xFFFFFFC0]  }
0xb7: {  	v3 =	vld [tilespmem:s12+$0xFFFFFFD0]  }
0xb8: {  	v4 =	vld [tilespmem:s12+$0xFFFFFFE0]  }
0xb9: {  	v5 =	vld [tilespmem:s12+$0xFFFFFFF0]  }
0xba: {  	s8 =	sadd.s32 $0x4000, s9;
	v6 =	vld [tilespmem:s12+$0x0]  }
0xbb: {  	s11 =	sadd.s32 s7, s8;
	v1 =	vld [tilespmem:s12+$0x10]  }
0xbc: {  	[tilespmem:s11+$0x70] =	vst.add.f32.msk $0xffff, v0  }
0xbd: {  	v0 =	vld [tilespmem:s12+$0x20]  }
0xbe: {  	[tilespmem:s11+$0x0] =	vst.add.f32.msk $0xffff, v2  }
0xbf: {  	[tilespmem:s11+$0x10] =	vst.add.f32.msk $0xffff, v3  }
0xc0: {  	[tilespmem:s11+$0x20] =	vst.add.f32.msk $0xffff, v4  }
0xc1: {  	[tilespmem:s11+$0x30] =	vst.add.f32.msk $0xffff, v5  }
0xc2: {  	s9 =	sadd.s32 $0x14080, s9;
	s13 =	smov.u32 s8;
	s12 =	simm.s32 $0x0;
	[tilespmem:s11+$0x40] =	vst.add.f32.msk $0xffff, v6  }
.LBB2_9:
0xc3: {  	s12 =	sadd.s32 $0x80, s12;
	[tilespmem:s11+$0x50] =	vst.add.f32.msk $0xffff, v1;
	s10 =	sadd.s32 $0x400, s10  }
0xc4: {  	s14 =	sadd.s32 s7, s10;
	p0 =	slt.u32 s12, $0x380;
	[tilespmem:s11+$0x60] =	vst.add.f32.msk $0xffff, v0  }
0xc5: {  	v0 =	vld [tilespmem:s14+$0x30]  }
0xc6: {  	v2 =	vld [tilespmem:s14+$0xFFFFFFC0]  }
0xc7: {  	v3 =	vld [tilespmem:s14+$0xFFFFFFD0]  }
0xc8: {  	s13 =	sadd.s32 $0x400, s13;
	v4 =	vld [tilespmem:s14+$0xFFFFFFE0]  }
0xc9: {  	s11 =	sadd.s32 s7, s13;
	v5 =	vld [tilespmem:s14+$0xFFFFFFF0]  }
0xca: {  	[tilespmem:s11+$0x70] =	vst.add.f32.msk $0xffff, v0  }
0xcb: {  	v6 =	vld [tilespmem:s14+$0x0]  }
0xcc: {  	v1 =	vld [tilespmem:s14+$0x10]  }
0xcd: {  	v0 =	vld [tilespmem:s14+$0x20]  }
.Ltmp3:
0xce: {  	[tilespmem:s11+$0x0] =	vst.add.f32.msk $0xffff, v2;
	(pc) =	sbr.rel @p0 .LBB2_9-.Ltmp3, $4  }
0xcf: {  	[tilespmem:s11+$0x10] =	vst.add.f32.msk $0xffff, v3  }
0xd0: {  	[tilespmem:s11+$0x20] =	vst.add.f32.msk $0xffff, v4  }
0xd1: {  	[tilespmem:s11+$0x30] =	vst.add.f32.msk $0xffff, v5  }
0xd2: {  	[tilespmem:s11+$0x40] =	vst.add.f32.msk $0xffff, v6  }
0xd3: {  	[tilespmem:s11+$0x50] =	vst.add.f32.msk $0xffff, v1  }
0xd4: {  	[tilespmem:s11+$0x60] =	vst.add.f32.msk $0xffff, v0;
	s14 =	sadd.s32 s7, s9  }
0xd5: {  	v0 =	vld [tilespmem:s14+$0x70]  }
0xd6: {  	v1 =	vld [tilespmem:s14+$0x0]  }
0xd7: {  	v2 =	vld [tilespmem:s14+$0x10]  }
0xd8: {  	v3 =	vld [tilespmem:s14+$0x20]  }
0xd9: {  	v4 =	vld [tilespmem:s14+$0x30]  }
0xda: {  	v5 =	vld [tilespmem:s14+$0x40]  }
0xdb: {  	s10 =	sadd.s32 s7, s8;
	v6 =	vld [tilespmem:s14+$0x50]  }
0xdc: {  	[tilespmem:s10+$0xF0] =	vst.add.f32.msk $0xffff, v0  }
0xdd: {  	v0 =	vld [tilespmem:s14+$0x60]  }
0xde: {  	[tilespmem:s10+$0x80] =	vst.add.f32.msk $0xffff, v1  }
0xdf: {  	[tilespmem:s10+$0x90] =	vst.add.f32.msk $0xffff, v2  }
0xe0: {  	[tilespmem:s10+$0xA0] =	vst.add.f32.msk $0xffff, v3  }
0xe1: {  	[tilespmem:s10+$0xB0] =	vst.add.f32.msk $0xffff, v4  }
0xe2: {  	[tilespmem:s10+$0xC0] =	vst.add.f32.msk $0xffff, v5  }
0xe3: {  	s11 =	simm.s32 $0x0;
	s9 =	sadd.s32 $0x400, s9;
	[tilespmem:s10+$0xD0] =	vst.add.f32.msk $0xffff, v6  }
.LBB2_11:
0xe4: {  	s12 =	sadd.s32 s7, s9;
	s11 =	sadd.s32 $0x80, s11;
	[tilespmem:s10+$0xE0] =	vst.add.f32.msk $0xffff, v0  }
0xe5: {  	v0 =	vld [tilespmem:s12+$0x70];
	p0 =	slt.u32 s11, $0x380  }
0xe6: {  	v1 =	vld [tilespmem:s12+$0x0]  }
0xe7: {  	v2 =	vld [tilespmem:s12+$0x10]  }
0xe8: {  	s8 =	sadd.s32 $0x400, s8;
	v3 =	vld [tilespmem:s12+$0x20]  }
0xe9: {  	s10 =	sadd.s32 s7, s8;
	v4 =	vld [tilespmem:s12+$0x30]  }
0xea: {  	[tilespmem:s10+$0xF0] =	vst.add.f32.msk $0xffff, v0  }
0xeb: {  	v5 =	vld [tilespmem:s12+$0x40]  }
0xec: {  	v6 =	vld [tilespmem:s12+$0x50]  }
0xed: {  	v0 =	vld [tilespmem:s12+$0x60]  }
0xee: {  	[tilespmem:s10+$0x80] =	vst.add.f32.msk $0xffff, v1  }
.Ltmp4:
0xef: {  	[tilespmem:s10+$0x90] =	vst.add.f32.msk $0xffff, v2;
	(pc) =	sbr.rel @p0 .LBB2_11-.Ltmp4, $4  }
0xf0: {  	[tilespmem:s10+$0xA0] =	vst.add.f32.msk $0xffff, v3  }
0xf1: {  	[tilespmem:s10+$0xB0] =	vst.add.f32.msk $0xffff, v4  }
0xf2: {  	[tilespmem:s10+$0xC0] =	vst.add.f32.msk $0xffff, v5  }
0xf3: {  	s9 =	sadd.s32 $0x400, s9;
	[tilespmem:s10+$0xD0] =	vst.add.f32.msk $0xffff, v6  }
0xf4: {  	p0 =	slt.u32 s4, $0xE  }
.Ltmp5:
0xf5: {  	_ = 	snop;
	(pc) =	sbr.rel @p0 .LBB2_8-.Ltmp5, $3  }
0xf6: {  	_ =	sdelay $0x1  }
0xf7: {  	s7 =	sadd.s32 $0x2, s4  }
0xf8: {  	[tilespmem:s10+$0xE0] =	vst.add.f32.msk $0xffff, v0;
	s6 =	sadd.s32 $0x1, s6;
	s5 =	sadd.s32 $0x800, s5;
	s4 =	smov.u32 s7  }
0xf9: {  	s4 =	simm.s32 $0x0;
	s5 =	rddreg [dreg:$0x8]  }
0xfa: {  	[hbm4b:s5+s4] =	stream.linear.scatter [tilespmem:s17], [sflag:$0x7], $0x4000, $0x38;
	[tilespmem:$0x1C000] =	vst v63  }
0xfb: {  	s14 =	rddreg [dreg:$0x9]  }
0xfc: {  	[tilespmem:s23], [sflag:$0x5] =	stream.linear.gather [hbm4b:s14+s4], $0x4000, $0x38;
	[tilespmem:$0x1C000] =	vst v63  }
0xfd: {  	_ =	swait.ge [sflag:s24], $0x4000  }
0xfe: {  	[sflag:s24] =	ssyncset.done $0x0  }
0xff: {  	s6 =	simm.s32 $0x0;
	s5 =	simm.s32 $0x0;
	[sflag:s24] =	ssyncadd.s32 $0xFFFFC000  }
.LBB2_14:
0x100: {  	s7 =	sshll.u32 s6, $0xA  }
0x101: {  	s9 =	sand.u32 $0x3FFFE000, s5;
	s7 =	sand.u32 $0xC00, s7  }
0x102: {  	s10 =	sadd.s32 $0x14040, s9;
	s7 =	sshrl.u32 s7, $0x2  }
0x103: {  	s12 =	sadd.s32 s7, s10  }
0x104: {  	v0 =	vld [tilespmem:s12+$0x30]  }
0x105: {  	v2 =	vld [tilespmem:s12+$0xFFFFFFC0]  }
0x106: {  	v3 =	vld [tilespmem:s12+$0xFFFFFFD0]  }
0x107: {  	v4 =	vld [tilespmem:s12+$0xFFFFFFE0]  }
0x108: {  	v5 =	vld [tilespmem:s12+$0xFFFFFFF0]  }
0x109: {  	s8 =	sadd.s32 $0x8000, s9;
	v6 =	vld [tilespmem:s12+$0x0]  }
0x10a: {  	s11 =	sadd.s32 s7, s8;
	v1 =	vld [tilespmem:s12+$0x10]  }
0x10b: {  	[tilespmem:s11+$0x70] =	vst.add.f32.msk $0xffff, v0  }
0x10c: {  	v0 =	vld [tilespmem:s12+$0x20]  }
0x10d: {  	[tilespmem:s11+$0x0] =	vst.add.f32.msk $0xffff, v2  }
0x10e: {  	[tilespmem:s11+$0x10] =	vst.add.f32.msk $0xffff, v3  }
0x10f: {  	[tilespmem:s11+$0x20] =	vst.add.f32.msk $0xffff, v4  }
0x110: {  	[tilespmem:s11+$0x30] =	vst.add.f32.msk $0xffff, v5  }
0x111: {  	s9 =	sadd.s32 $0x14080, s9;
	s13 =	smov.u32 s8;
	s12 =	simm.s32 $0x0;
	[tilespmem:s11+$0x40] =	vst.add.f32.msk $0xffff, v6  }
.LBB2_15:
0x112: {  	s12 =	sadd.s32 $0x80, s12;
	[tilespmem:s11+$0x50] =	vst.add.f32.msk $0xffff, v1;
	s10 =	sadd.s32 $0x400, s10  }
0x113: {  	s14 =	sadd.s32 s7, s10;
	p0 =	slt.u32 s12, $0x380;
	[tilespmem:s11+$0x60] =	vst.add.f32.msk $0xffff, v0  }
0x114: {  	v0 =	vld [tilespmem:s14+$0x30]  }
0x115: {  	v2 =	vld [tilespmem:s14+$0xFFFFFFC0]  }
0x116: {  	v3 =	vld [tilespmem:s14+$0xFFFFFFD0]  }
0x117: {  	s13 =	sadd.s32 $0x400, s13;
	v4 =	vld [tilespmem:s14+$0xFFFFFFE0]  }
0x118: {  	s11 =	sadd.s32 s7, s13;
	v5 =	vld [tilespmem:s14+$0xFFFFFFF0]  }
0x119: {  	[tilespmem:s11+$0x70] =	vst.add.f32.msk $0xffff, v0  }
0x11a: {  	v6 =	vld [tilespmem:s14+$0x0]  }
0x11b: {  	v1 =	vld [tilespmem:s14+$0x10]  }
0x11c: {  	v0 =	vld [tilespmem:s14+$0x20]  }
.Ltmp6:
0x11d: {  	[tilespmem:s11+$0x0] =	vst.add.f32.msk $0xffff, v2;
	(pc) =	sbr.rel @p0 .LBB2_15-.Ltmp6, $4  }
0x11e: {  	[tilespmem:s11+$0x10] =	vst.add.f32.msk $0xffff, v3  }
0x11f: {  	[tilespmem:s11+$0x20] =	vst.add.f32.msk $0xffff, v4  }
0x120: {  	[tilespmem:s11+$0x30] =	vst.add.f32.msk $0xffff, v5  }
0x121: {  	[tilespmem:s11+$0x40] =	vst.add.f32.msk $0xffff, v6  }
0x122: {  	[tilespmem:s11+$0x50] =	vst.add.f32.msk $0xffff, v1  }
0x123: {  	[tilespmem:s11+$0x60] =	vst.add.f32.msk $0xffff, v0;
	s14 =	sadd.s32 s7, s9  }
0x124: {  	v0 =	vld [tilespmem:s14+$0x70]  }
0x125: {  	v1 =	vld [tilespmem:s14+$0x0]  }
0x126: {  	v2 =	vld [tilespmem:s14+$0x10]  }
0x127: {  	v3 =	vld [tilespmem:s14+$0x20]  }
0x128: {  	v4 =	vld [tilespmem:s14+$0x30]  }
0x129: {  	v5 =	vld [tilespmem:s14+$0x40]  }
0x12a: {  	s10 =	sadd.s32 s7, s8;
	v6 =	vld [tilespmem:s14+$0x50]  }
0x12b: {  	[tilespmem:s10+$0xF0] =	vst.add.f32.msk $0xffff, v0  }
0x12c: {  	v0 =	vld [tilespmem:s14+$0x60]  }
0x12d: {  	[tilespmem:s10+$0x80] =	vst.add.f32.msk $0xffff, v1  }
0x12e: {  	[tilespmem:s10+$0x90] =	vst.add.f32.msk $0xffff, v2  }
0x12f: {  	[tilespmem:s10+$0xA0] =	vst.add.f32.msk $0xffff, v3  }
0x130: {  	[tilespmem:s10+$0xB0] =	vst.add.f32.msk $0xffff, v4  }
0x131: {  	[tilespmem:s10+$0xC0] =	vst.add.f32.msk $0xffff, v5  }
0x132: {  	s11 =	simm.s32 $0x0;
	s9 =	sadd.s32 $0x400, s9;
	[tilespmem:s10+$0xD0] =	vst.add.f32.msk $0xffff, v6  }
.LBB2_17:
0x133: {  	s12 =	sadd.s32 s7, s9;
	s11 =	sadd.s32 $0x80, s11;
	[tilespmem:s10+$0xE0] =	vst.add.f32.msk $0xffff, v0  }
0x134: {  	v0 =	vld [tilespmem:s12+$0x70];
	p0 =	slt.u32 s11, $0x380  }
0x135: {  	v1 =	vld [tilespmem:s12+$0x0]  }
0x136: {  	v2 =	vld [tilespmem:s12+$0x10]  }
0x137: {  	s8 =	sadd.s32 $0x400, s8;
	v3 =	vld [tilespmem:s12+$0x20]  }
0x138: {  	s10 =	sadd.s32 s7, s8;
	v4 =	vld [tilespmem:s12+$0x30]  }
0x139: {  	[tilespmem:s10+$0xF0] =	vst.add.f32.msk $0xffff, v0  }
0x13a: {  	v5 =	vld [tilespmem:s12+$0x40]  }
0x13b: {  	v6 =	vld [tilespmem:s12+$0x50]  }
0x13c: {  	v0 =	vld [tilespmem:s12+$0x60]  }
0x13d: {  	[tilespmem:s10+$0x80] =	vst.add.f32.msk $0xffff, v1  }
.Ltmp7:
0x13e: {  	[tilespmem:s10+$0x90] =	vst.add.f32.msk $0xffff, v2;
	(pc) =	sbr.rel @p0 .LBB2_17-.Ltmp7, $4  }
0x13f: {  	[tilespmem:s10+$0xA0] =	vst.add.f32.msk $0xffff, v3  }
0x140: {  	[tilespmem:s10+$0xB0] =	vst.add.f32.msk $0xffff, v4  }
0x141: {  	[tilespmem:s10+$0xC0] =	vst.add.f32.msk $0xffff, v5  }
0x142: {  	s9 =	sadd.s32 $0x400, s9;
	[tilespmem:s10+$0xD0] =	vst.add.f32.msk $0xffff, v6  }
0x143: {  	p0 =	slt.u32 s4, $0xE  }
.Ltmp8:
0x144: {  	_ = 	snop;
	(pc) =	sbr.rel @p0 .LBB2_14-.Ltmp8, $3  }
0x145: {  	_ =	sdelay $0x1  }
0x146: {  	s7 =	sadd.s32 $0x2, s4  }
0x147: {  	[tilespmem:s10+$0xE0] =	vst.add.f32.msk $0xffff, v0;
	s6 =	sadd.s32 $0x1, s6;
	s5 =	sadd.s32 $0x800, s5;
	s4 =	smov.u32 s7  }
0x148: {  	s4 =	simm.s32 $0x0;
	s5 =	rddreg [dreg:$0xa]  }
0x149: {  	[hbm4b:s5+s4] =	stream.linear.scatter [tilespmem:s18], [sflag:$0x8], $0x4000, $0x38;
	[tilespmem:$0x1C000] =	vst v63  }
0x14a: {  	_ =	swait.ge [sflag:s25], $0x4000  }
0x14b: {  	[sflag:s25] =	ssyncset.done $0x0  }
0x14c: {  	s14 =	rddreg [dreg:$0xb];
	[sflag:s25] =	ssyncadd.s32 $0xFFFFC000  }
0x14d: {  	[tilespmem:s4], [sflag:$0x1] =	stream.linear.gather [hbm4b:s14+s4], $0x4000, $0x38;
	[tilespmem:$0x1C000] =	vst v63  }
0x14e: {  	_ =	swait.ge [sflag:s26], $0x4000  }
0x14f: {  	[sflag:s26] =	ssyncset.done $0x0  }
0x150: {  	s6 =	simm.s32 $0x0;
	s5 =	simm.s32 $0x0;
	[sflag:s26] =	ssyncadd.s32 $0xFFFFC000  }
.LBB2_20:
0x151: {  	s7 =	sshll.u32 s6, $0xA  }
0x152: {  	s9 =	sand.u32 $0x3FFFE000, s5;
	s7 =	sand.u32 $0xC00, s7  }
0x153: {  	s10 =	sadd.s32 $0x14040, s9;
	s7 =	sshrl.u32 s7, $0x2  }
0x154: {  	s12 =	sadd.s32 s7, s10  }
0x155: {  	v0 =	vld [tilespmem:s12+$0x30]  }
0x156: {  	v2 =	vld [tilespmem:s12+$0xFFFFFFC0]  }
0x157: {  	v3 =	vld [tilespmem:s12+$0xFFFFFFD0]  }
0x158: {  	v4 =	vld [tilespmem:s12+$0xFFFFFFE0]  }
0x159: {  	v5 =	vld [tilespmem:s12+$0xFFFFFFF0]  }
0x15a: {  	s8 =	sadd.s32 $0xC000, s9;
	v6 =	vld [tilespmem:s12+$0x0]  }
0x15b: {  	s11 =	sadd.s32 s7, s8;
	v1 =	vld [tilespmem:s12+$0x10]  }
0x15c: {  	[tilespmem:s11+$0x70] =	vst.add.f32.msk $0xffff, v0  }
0x15d: {  	v0 =	vld [tilespmem:s12+$0x20]  }
0x15e: {  	[tilespmem:s11+$0x0] =	vst.add.f32.msk $0xffff, v2  }
0x15f: {  	[tilespmem:s11+$0x10] =	vst.add.f32.msk $0xffff, v3  }
0x160: {  	[tilespmem:s11+$0x20] =	vst.add.f32.msk $0xffff, v4  }
0x161: {  	[tilespmem:s11+$0x30] =	vst.add.f32.msk $0xffff, v5  }
0x162: {  	s9 =	sadd.s32 $0x14080, s9;
	s13 =	smov.u32 s8;
	s12 =	simm.s32 $0x0;
	[tilespmem:s11+$0x40] =	vst.add.f32.msk $0xffff, v6  }
.LBB2_21:
0x163: {  	s12 =	sadd.s32 $0x80, s12;
	[tilespmem:s11+$0x50] =	vst.add.f32.msk $0xffff, v1;
	s10 =	sadd.s32 $0x400, s10  }
0x164: {  	s14 =	sadd.s32 s7, s10;
	p0 =	slt.u32 s12, $0x380;
	[tilespmem:s11+$0x60] =	vst.add.f32.msk $0xffff, v0  }
0x165: {  	v0 =	vld [tilespmem:s14+$0x30]  }
0x166: {  	v2 =	vld [tilespmem:s14+$0xFFFFFFC0]  }
0x167: {  	v3 =	vld [tilespmem:s14+$0xFFFFFFD0]  }
0x168: {  	s13 =	sadd.s32 $0x400, s13;
	v4 =	vld [tilespmem:s14+$0xFFFFFFE0]  }
0x169: {  	s11 =	sadd.s32 s7, s13;
	v5 =	vld [tilespmem:s14+$0xFFFFFFF0]  }
0x16a: {  	[tilespmem:s11+$0x70] =	vst.add.f32.msk $0xffff, v0  }
0x16b: {  	v6 =	vld [tilespmem:s14+$0x0]  }
0x16c: {  	v1 =	vld [tilespmem:s14+$0x10]  }
0x16d: {  	v0 =	vld [tilespmem:s14+$0x20]  }
.Ltmp9:
0x16e: {  	[tilespmem:s11+$0x0] =	vst.add.f32.msk $0xffff, v2;
	(pc) =	sbr.rel @p0 .LBB2_21-.Ltmp9, $4  }
0x16f: {  	[tilespmem:s11+$0x10] =	vst.add.f32.msk $0xffff, v3  }
0x170: {  	[tilespmem:s11+$0x20] =	vst.add.f32.msk $0xffff, v4  }
0x171: {  	[tilespmem:s11+$0x30] =	vst.add.f32.msk $0xffff, v5  }
0x172: {  	[tilespmem:s11+$0x40] =	vst.add.f32.msk $0xffff, v6  }
0x173: {  	[tilespmem:s11+$0x50] =	vst.add.f32.msk $0xffff, v1  }
0x174: {  	[tilespmem:s11+$0x60] =	vst.add.f32.msk $0xffff, v0;
	s14 =	sadd.s32 s7, s9  }
0x175: {  	v0 =	vld [tilespmem:s14+$0x70]  }
0x176: {  	v1 =	vld [tilespmem:s14+$0x0]  }
0x177: {  	v2 =	vld [tilespmem:s14+$0x10]  }
0x178: {  	v3 =	vld [tilespmem:s14+$0x20]  }
0x179: {  	v4 =	vld [tilespmem:s14+$0x30]  }
0x17a: {  	v5 =	vld [tilespmem:s14+$0x40]  }
0x17b: {  	s10 =	sadd.s32 s7, s8;
	v6 =	vld [tilespmem:s14+$0x50]  }
0x17c: {  	[tilespmem:s10+$0xF0] =	vst.add.f32.msk $0xffff, v0  }
0x17d: {  	v0 =	vld [tilespmem:s14+$0x60]  }
0x17e: {  	[tilespmem:s10+$0x80] =	vst.add.f32.msk $0xffff, v1  }
0x17f: {  	[tilespmem:s10+$0x90] =	vst.add.f32.msk $0xffff, v2  }
0x180: {  	[tilespmem:s10+$0xA0] =	vst.add.f32.msk $0xffff, v3  }
0x181: {  	[tilespmem:s10+$0xB0] =	vst.add.f32.msk $0xffff, v4  }
0x182: {  	[tilespmem:s10+$0xC0] =	vst.add.f32.msk $0xffff, v5  }
0x183: {  	s11 =	simm.s32 $0x0;
	s9 =	sadd.s32 $0x400, s9;
	[tilespmem:s10+$0xD0] =	vst.add.f32.msk $0xffff, v6  }
.LBB2_23:
0x184: {  	s12 =	sadd.s32 s7, s9;
	s11 =	sadd.s32 $0x80, s11;
	[tilespmem:s10+$0xE0] =	vst.add.f32.msk $0xffff, v0  }
0x185: {  	v0 =	vld [tilespmem:s12+$0x70];
	p0 =	slt.u32 s11, $0x380  }
0x186: {  	v1 =	vld [tilespmem:s12+$0x0]  }
0x187: {  	v2 =	vld [tilespmem:s12+$0x10]  }
0x188: {  	s8 =	sadd.s32 $0x400, s8;
	v3 =	vld [tilespmem:s12+$0x20]  }
0x189: {  	s10 =	sadd.s32 s7, s8;
	v4 =	vld [tilespmem:s12+$0x30]  }
0x18a: {  	[tilespmem:s10+$0xF0] =	vst.add.f32.msk $0xffff, v0  }
0x18b: {  	v5 =	vld [tilespmem:s12+$0x40]  }
0x18c: {  	v6 =	vld [tilespmem:s12+$0x50]  }
0x18d: {  	v0 =	vld [tilespmem:s12+$0x60]  }
0x18e: {  	[tilespmem:s10+$0x80] =	vst.add.f32.msk $0xffff, v1  }
.Ltmp10:
0x18f: {  	[tilespmem:s10+$0x90] =	vst.add.f32.msk $0xffff, v2;
	(pc) =	sbr.rel @p0 .LBB2_23-.Ltmp10, $4  }
0x190: {  	[tilespmem:s10+$0xA0] =	vst.add.f32.msk $0xffff, v3  }
0x191: {  	[tilespmem:s10+$0xB0] =	vst.add.f32.msk $0xffff, v4  }
0x192: {  	[tilespmem:s10+$0xC0] =	vst.add.f32.msk $0xffff, v5  }
0x193: {  	s9 =	sadd.s32 $0x400, s9;
	[tilespmem:s10+$0xD0] =	vst.add.f32.msk $0xffff, v6  }
0x194: {  	p0 =	slt.u32 s4, $0xE  }
.Ltmp11:
0x195: {  	_ = 	snop;
	(pc) =	sbr.rel @p0 .LBB2_20-.Ltmp11, $3  }
0x196: {  	_ =	sdelay $0x1  }
0x197: {  	s7 =	sadd.s32 $0x2, s4  }
0x198: {  	[tilespmem:s10+$0xE0] =	vst.add.f32.msk $0xffff, v0;
	s6 =	sadd.s32 $0x1, s6;
	s5 =	sadd.s32 $0x800, s5;
	s4 =	smov.u32 s7  }
0x199: {  	s4 =	simm.s32 $0x0;
	s5 =	rddreg [dreg:$0xc]  }
0x19a: {  	[hbm4b:s5+s4] =	stream.linear.scatter [tilespmem:s21], [sflag:$0x9], $0x4000, $0x38;
	[tilespmem:$0x1C000] =	vst v63  }
0x19b: {  	s13 =	rddreg [dreg:$0xd]  }
0x19c: {  	[tilespmem:s15], [sflag:$0xB] =	stream.linear.gather [hbm4b:s13+s4], $0x4000, $0x38;
	[tilespmem:$0x1C000] =	vst v63  }
0x19d: {  	_ =	swait.ge [sflag:s28], $0x4000  }
0x19e: {  	[sflag:s28] =	ssyncset.done $0x0  }
0x19f: {  	s14 =	rddreg [dreg:$0xe];
	[sflag:s28] =	ssyncadd.s32 $0xFFFFC000  }
0x1a0: {  	[tilespmem:s17], [sflag:$0x2] =	stream.linear.gather [hbm4b:s14+s4], $0x4000, $0x38;
	[tilespmem:$0x1C000] =	vst v63  }
0x1a1: {  	_ =	swait.ge [sflag:s29], $0x4000  }
0x1a2: {  	[sflag:s29] =	ssyncset.done $0x0  }
0x1a3: {  	[sflag:s29] =	ssyncadd.s32 $0xFFFFC000  }
0x1a4: {  	_ =	swait.ge [sflag:s30], $0x4000  }
0x1a5: {  	[sflag:s30] =	ssyncset.done $0x0  }
0x1a6: {  	s6 =	simm.s32 $0x0;
	s5 =	simm.s32 $0x0;
	[sflag:s30] =	ssyncadd.s32 $0xFFFFC000  }
.LBB2_26:
0x1a7: {  	s7 =	sshll.u32 s6, $0xA  }
0x1a8: {  	s9 =	sand.u32 $0x3FFFE000, s5;
	s7 =	sand.u32 $0xC00, s7  }
0x1a9: {  	s10 =	sadd.s32 $0x18040, s9;
	s7 =	sshrl.u32 s7, $0x2  }
0x1aa: {  	s12 =	sadd.s32 s7, s10  }
0x1ab: {  	v0 =	vld [tilespmem:s12+$0x30]  }
0x1ac: {  	v2 =	vld [tilespmem:s12+$0xFFFFFFC0]  }
0x1ad: {  	v3 =	vld [tilespmem:s12+$0xFFFFFFD0]  }
0x1ae: {  	v4 =	vld [tilespmem:s12+$0xFFFFFFE0]  }
0x1af: {  	v5 =	vld [tilespmem:s12+$0xFFFFFFF0]  }
0x1b0: {  	s8 =	sadd.s32 $0x10000, s9;
	v6 =	vld [tilespmem:s12+$0x0]  }
0x1b1: {  	s11 =	sadd.s32 s7, s8;
	v1 =	vld [tilespmem:s12+$0x10]  }
0x1b2: {  	[tilespmem:s11+$0x70] =	vst.add.f32.msk $0xffff, v0  }
0x1b3: {  	v0 =	vld [tilespmem:s12+$0x20]  }
0x1b4: {  	[tilespmem:s11+$0x0] =	vst.add.f32.msk $0xffff, v2  }
0x1b5: {  	[tilespmem:s11+$0x10] =	vst.add.f32.msk $0xffff, v3  }
0x1b6: {  	[tilespmem:s11+$0x20] =	vst.add.f32.msk $0xffff, v4  }
0x1b7: {  	[tilespmem:s11+$0x30] =	vst.add.f32.msk $0xffff, v5  }
0x1b8: {  	s9 =	sadd.s32 $0x18080, s9;
	s13 =	smov.u32 s8;
	s12 =	simm.s32 $0x0;
	[tilespmem:s11+$0x40] =	vst.add.f32.msk $0xffff, v6  }
.LBB2_27:
0x1b9: {  	s12 =	sadd.s32 $0x80, s12;
	[tilespmem:s11+$0x50] =	vst.add.f32.msk $0xffff, v1;
	s10 =	sadd.s32 $0x400, s10  }
0x1ba: {  	s14 =	sadd.s32 s7, s10;
	p0 =	slt.u32 s12, $0x380;
	[tilespmem:s11+$0x60] =	vst.add.f32.msk $0xffff, v0  }
0x1bb: {  	v0 =	vld [tilespmem:s14+$0x30]  }
0x1bc: {  	v2 =	vld [tilespmem:s14+$0xFFFFFFC0]  }
0x1bd: {  	v3 =	vld [tilespmem:s14+$0xFFFFFFD0]  }
0x1be: {  	s13 =	sadd.s32 $0x400, s13;
	v4 =	vld [tilespmem:s14+$0xFFFFFFE0]  }
0x1bf: {  	s11 =	sadd.s32 s7, s13;
	v5 =	vld [tilespmem:s14+$0xFFFFFFF0]  }
0x1c0: {  	[tilespmem:s11+$0x70] =	vst.add.f32.msk $0xffff, v0  }
0x1c1: {  	v6 =	vld [tilespmem:s14+$0x0]  }
0x1c2: {  	v1 =	vld [tilespmem:s14+$0x10]  }
0x1c3: {  	v0 =	vld [tilespmem:s14+$0x20]  }
.Ltmp12:
0x1c4: {  	[tilespmem:s11+$0x0] =	vst.add.f32.msk $0xffff, v2;
	(pc) =	sbr.rel @p0 .LBB2_27-.Ltmp12, $4  }
0x1c5: {  	[tilespmem:s11+$0x10] =	vst.add.f32.msk $0xffff, v3  }
0x1c6: {  	[tilespmem:s11+$0x20] =	vst.add.f32.msk $0xffff, v4  }
0x1c7: {  	[tilespmem:s11+$0x30] =	vst.add.f32.msk $0xffff, v5  }
0x1c8: {  	[tilespmem:s11+$0x40] =	vst.add.f32.msk $0xffff, v6  }
0x1c9: {  	[tilespmem:s11+$0x50] =	vst.add.f32.msk $0xffff, v1  }
0x1ca: {  	[tilespmem:s11+$0x60] =	vst.add.f32.msk $0xffff, v0;
	s14 =	sadd.s32 s7, s9  }
0x1cb: {  	v0 =	vld [tilespmem:s14+$0x70]  }
0x1cc: {  	v1 =	vld [tilespmem:s14+$0x0]  }
0x1cd: {  	v2 =	vld [tilespmem:s14+$0x10]  }
0x1ce: {  	v3 =	vld [tilespmem:s14+$0x20]  }
0x1cf: {  	v4 =	vld [tilespmem:s14+$0x30]  }
0x1d0: {  	v5 =	vld [tilespmem:s14+$0x40]  }
0x1d1: {  	s10 =	sadd.s32 s7, s8;
	v6 =	vld [tilespmem:s14+$0x50]  }
0x1d2: {  	[tilespmem:s10+$0xF0] =	vst.add.f32.msk $0xffff, v0  }
0x1d3: {  	v0 =	vld [tilespmem:s14+$0x60]  }
0x1d4: {  	[tilespmem:s10+$0x80] =	vst.add.f32.msk $0xffff, v1  }
0x1d5: {  	[tilespmem:s10+$0x90] =	vst.add.f32.msk $0xffff, v2  }
0x1d6: {  	[tilespmem:s10+$0xA0] =	vst.add.f32.msk $0xffff, v3  }
0x1d7: {  	[tilespmem:s10+$0xB0] =	vst.add.f32.msk $0xffff, v4  }
0x1d8: {  	[tilespmem:s10+$0xC0] =	vst.add.f32.msk $0xffff, v5  }
0x1d9: {  	s11 =	simm.s32 $0x0;
	s9 =	sadd.s32 $0x400, s9;
	[tilespmem:s10+$0xD0] =	vst.add.f32.msk $0xffff, v6  }
.LBB2_29:
0x1da: {  	s12 =	sadd.s32 s7, s9;
	s11 =	sadd.s32 $0x80, s11;
	[tilespmem:s10+$0xE0] =	vst.add.f32.msk $0xffff, v0  }
0x1db: {  	v0 =	vld [tilespmem:s12+$0x70];
	p0 =	slt.u32 s11, $0x380  }
0x1dc: {  	v1 =	vld [tilespmem:s12+$0x0]  }
0x1dd: {  	v2 =	vld [tilespmem:s12+$0x10]  }
0x1de: {  	s8 =	sadd.s32 $0x400, s8;
	v3 =	vld [tilespmem:s12+$0x20]  }
0x1df: {  	s10 =	sadd.s32 s7, s8;
	v4 =	vld [tilespmem:s12+$0x30]  }
0x1e0: {  	[tilespmem:s10+$0xF0] =	vst.add.f32.msk $0xffff, v0  }
0x1e1: {  	v5 =	vld [tilespmem:s12+$0x40]  }
0x1e2: {  	v6 =	vld [tilespmem:s12+$0x50]  }
0x1e3: {  	v0 =	vld [tilespmem:s12+$0x60]  }
0x1e4: {  	[tilespmem:s10+$0x80] =	vst.add.f32.msk $0xffff, v1  }
.Ltmp13:
0x1e5: {  	[tilespmem:s10+$0x90] =	vst.add.f32.msk $0xffff, v2;
	(pc) =	sbr.rel @p0 .LBB2_29-.Ltmp13, $4  }
0x1e6: {  	[tilespmem:s10+$0xA0] =	vst.add.f32.msk $0xffff, v3  }
0x1e7: {  	[tilespmem:s10+$0xB0] =	vst.add.f32.msk $0xffff, v4  }
0x1e8: {  	[tilespmem:s10+$0xC0] =	vst.add.f32.msk $0xffff, v5  }
0x1e9: {  	s9 =	sadd.s32 $0x400, s9;
	[tilespmem:s10+$0xD0] =	vst.add.f32.msk $0xffff, v6  }
0x1ea: {  	p0 =	slt.u32 s4, $0xE  }
.Ltmp14:
0x1eb: {  	_ = 	snop;
	(pc) =	sbr.rel @p0 .LBB2_26-.Ltmp14, $3  }
0x1ec: {  	_ =	sdelay $0x1  }
0x1ed: {  	s7 =	sadd.s32 $0x2, s4  }
0x1ee: {  	[tilespmem:s10+$0xE0] =	vst.add.f32.msk $0xffff, v0;
	s6 =	sadd.s32 $0x1, s6;
	s5 =	sadd.s32 $0x800, s5;
	s4 =	smov.u32 s7  }
0x1ef: {  	s4 =	simm.s32 $0x0;
	s5 =	rddreg [dreg:$0xf]  }
0x1f0: {  	[hbm4b:s5+s4] =	stream.linear.scatter [tilespmem:s23], [sflag:$0xA], $0x4000, $0x38;
	[tilespmem:$0x1C000] =	vst v63  }
0x1f1: {  	_ =	swait.ge [sflag:s31], $0x4000  }
0x1f2: {  	[sflag:s31] =	ssyncset.done $0x0  }
0x1f3: {  	s14 =	rddreg [dreg:$0x10];
	[sflag:s31] =	ssyncadd.s32 $0xFFFFC000  }
0x1f4: {  	[tilespmem:s18], [sflag:$0x3] =	stream.linear.gather [hbm4b:s14+s4], $0x4000, $0x38;
	[tilespmem:$0x1C000] =	vst v63  }
0x1f5: {  	_ =	swait.ge [sflag:s20], $0x4000  }
0x1f6: {  	[sflag:s20] =	ssyncset.done $0x0  }
0x1f7: {  	s6 =	simm.s32 $0x0;
	s5 =	simm.s32 $0x0;
	[sflag:s20] =	ssyncadd.s32 $0xFFFFC000  }
.LBB2_32:
0x1f8: {  	s7 =	sshll.u32 s6, $0xA  }
0x1f9: {  	s8 =	sand.u32 $0xC00, s7;
	s7 =	sand.u32 $0x3FFFE000, s5  }
0x1fa: {  	s10 =	sadd.s32 $0x18040, s7;
	s8 =	sshrl.u32 s8, $0x2  }
0x1fb: {  	s9 =	sadd.s32 s8, s10  }
0x1fc: {  	v0 =	vld [tilespmem:s9+$0x30]  }
0x1fd: {  	v2 =	vld [tilespmem:s9+$0xFFFFFFC0]  }
0x1fe: {  	v3 =	vld [tilespmem:s9+$0xFFFFFFD0]  }
0x1ff: {  	v4 =	vld [tilespmem:s9+$0xFFFFFFE0]  }
0x200: {  	v5 =	vld [tilespmem:s9+$0xFFFFFFF0]  }
0x201: {  	v6 =	vld [tilespmem:s9+$0x0]  }
0x202: {  	s11 =	sadd.s32 s8, s7;
	v1 =	vld [tilespmem:s9+$0x10]  }
0x203: {  	[tilespmem:s11+$0x70] =	vst.add.f32.msk $0xffff, v0  }
0x204: {  	v0 =	vld [tilespmem:s9+$0x20]  }
0x205: {  	[tilespmem:s11+$0x0] =	vst.add.f32.msk $0xffff, v2  }
0x206: {  	[tilespmem:s11+$0x10] =	vst.add.f32.msk $0xffff, v3  }
0x207: {  	[tilespmem:s11+$0x20] =	vst.add.f32.msk $0xffff, v4  }
0x208: {  	[tilespmem:s11+$0x30] =	vst.add.f32.msk $0xffff, v5  }
0x209: {  	s12 =	simm.s32 $0x0;
	s13 =	smov.u32 s7;
	s9 =	sadd.s32 $0x18080, s7;
	[tilespmem:s11+$0x40] =	vst.add.f32.msk $0xffff, v6  }
.LBB2_33:
0x20a: {  	s12 =	sadd.s32 $0x80, s12;
	[tilespmem:s11+$0x50] =	vst.add.f32.msk $0xffff, v1;
	s10 =	sadd.s32 $0x400, s10  }
0x20b: {  	s14 =	sadd.s32 s8, s10;
	p0 =	slt.u32 s12, $0x380;
	[tilespmem:s11+$0x60] =	vst.add.f32.msk $0xffff, v0  }
0x20c: {  	v0 =	vld [tilespmem:s14+$0x30]  }
0x20d: {  	v2 =	vld [tilespmem:s14+$0xFFFFFFC0]  }
0x20e: {  	v3 =	vld [tilespmem:s14+$0xFFFFFFD0]  }
0x20f: {  	s13 =	sadd.s32 $0x400, s13;
	v4 =	vld [tilespmem:s14+$0xFFFFFFE0]  }
0x210: {  	s11 =	sadd.s32 s8, s13;
	v5 =	vld [tilespmem:s14+$0xFFFFFFF0]  }
0x211: {  	[tilespmem:s11+$0x70] =	vst.add.f32.msk $0xffff, v0  }
0x212: {  	v6 =	vld [tilespmem:s14+$0x0]  }
0x213: {  	v1 =	vld [tilespmem:s14+$0x10]  }
0x214: {  	v0 =	vld [tilespmem:s14+$0x20]  }
.Ltmp15:
0x215: {  	[tilespmem:s11+$0x0] =	vst.add.f32.msk $0xffff, v2;
	(pc) =	sbr.rel @p0 .LBB2_33-.Ltmp15, $4  }
0x216: {  	[tilespmem:s11+$0x10] =	vst.add.f32.msk $0xffff, v3  }
0x217: {  	[tilespmem:s11+$0x20] =	vst.add.f32.msk $0xffff, v4  }
0x218: {  	[tilespmem:s11+$0x30] =	vst.add.f32.msk $0xffff, v5  }
0x219: {  	[tilespmem:s11+$0x40] =	vst.add.f32.msk $0xffff, v6  }
0x21a: {  	[tilespmem:s11+$0x50] =	vst.add.f32.msk $0xffff, v1  }
0x21b: {  	[tilespmem:s11+$0x60] =	vst.add.f32.msk $0xffff, v0;
	s14 =	sadd.s32 s8, s9  }
0x21c: {  	v0 =	vld [tilespmem:s14+$0x70]  }
0x21d: {  	v1 =	vld [tilespmem:s14+$0x0]  }
0x21e: {  	v2 =	vld [tilespmem:s14+$0x10]  }
0x21f: {  	v3 =	vld [tilespmem:s14+$0x20]  }
0x220: {  	v4 =	vld [tilespmem:s14+$0x30]  }
0x221: {  	v5 =	vld [tilespmem:s14+$0x40]  }
0x222: {  	s10 =	sadd.s32 s8, s7;
	v6 =	vld [tilespmem:s14+$0x50]  }
0x223: {  	[tilespmem:s10+$0xF0] =	vst.add.f32.msk $0xffff, v0  }
0x224: {  	v0 =	vld [tilespmem:s14+$0x60]  }
0x225: {  	[tilespmem:s10+$0x80] =	vst.add.f32.msk $0xffff, v1  }
0x226: {  	[tilespmem:s10+$0x90] =	vst.add.f32.msk $0xffff, v2  }
0x227: {  	[tilespmem:s10+$0xA0] =	vst.add.f32.msk $0xffff, v3  }
0x228: {  	[tilespmem:s10+$0xB0] =	vst.add.f32.msk $0xffff, v4  }
0x229: {  	[tilespmem:s10+$0xC0] =	vst.add.f32.msk $0xffff, v5  }
0x22a: {  	s11 =	simm.s32 $0x0;
	s9 =	sadd.s32 $0x400, s9;
	[tilespmem:s10+$0xD0] =	vst.add.f32.msk $0xffff, v6  }
.LBB2_35:
0x22b: {  	s12 =	sadd.s32 s8, s9;
	s11 =	sadd.s32 $0x80, s11;
	[tilespmem:s10+$0xE0] =	vst.add.f32.msk $0xffff, v0  }
0x22c: {  	v0 =	vld [tilespmem:s12+$0x70];
	p0 =	slt.u32 s11, $0x380  }
0x22d: {  	v1 =	vld [tilespmem:s12+$0x0]  }
0x22e: {  	v2 =	vld [tilespmem:s12+$0x10]  }
0x22f: {  	s7 =	sadd.s32 $0x400, s7;
	v3 =	vld [tilespmem:s12+$0x20]  }
0x230: {  	s10 =	sadd.s32 s8, s7;
	v4 =	vld [tilespmem:s12+$0x30]  }
0x231: {  	[tilespmem:s10+$0xF0] =	vst.add.f32.msk $0xffff, v0  }
0x232: {  	v5 =	vld [tilespmem:s12+$0x40]  }
0x233: {  	v6 =	vld [tilespmem:s12+$0x50]  }
0x234: {  	v0 =	vld [tilespmem:s12+$0x60]  }
0x235: {  	[tilespmem:s10+$0x80] =	vst.add.f32.msk $0xffff, v1  }
.Ltmp16:
0x236: {  	[tilespmem:s10+$0x90] =	vst.add.f32.msk $0xffff, v2;
	(pc) =	sbr.rel @p0 .LBB2_35-.Ltmp16, $4  }
0x237: {  	[tilespmem:s10+$0xA0] =	vst.add.f32.msk $0xffff, v3  }
0x238: {  	[tilespmem:s10+$0xB0] =	vst.add.f32.msk $0xffff, v4  }
0x239: {  	[tilespmem:s10+$0xC0] =	vst.add.f32.msk $0xffff, v5  }
0x23a: {  	s9 =	sadd.s32 $0x400, s9;
	[tilespmem:s10+$0xD0] =	vst.add.f32.msk $0xffff, v6  }
0x23b: {  	p0 =	slt.u32 s4, $0xE  }
.Ltmp17:
0x23c: {  	_ = 	snop;
	(pc) =	sbr.rel @p0 .LBB2_32-.Ltmp17, $3  }
0x23d: {  	_ =	sdelay $0x1  }
0x23e: {  	s7 =	sadd.s32 $0x2, s4  }
0x23f: {  	[tilespmem:s10+$0xE0] =	vst.add.f32.msk $0xffff, v0;
	s6 =	sadd.s32 $0x1, s6;
	s5 =	sadd.s32 $0x800, s5;
	s4 =	smov.u32 s7  }
0x240: {  	s4 =	simm.s32 $0x0;
	s5 =	rddreg [dreg:$0x11]  }
0x241: {  	[hbm4b:s5+s4] =	stream.linear.scatter [tilespmem:s4], [sflag:$0x6], $0x4000, $0x38;
	[tilespmem:$0x1C000] =	vst v63  }
0x242: {  	_ =	swait.ge [sflag:s0], $0x4000  }
0x243: {  	[sflag:s0] =	ssyncset.done $0x0  }
0x244: {  	s14 =	rddreg [dreg:$0x12];
	[sflag:s0] =	ssyncadd.s32 $0xFFFFC000  }
0x245: {  	[tilespmem:s21], [sflag:$0x4] =	stream.linear.gather [hbm4b:s14+s4], $0x4000, $0x38;
	[tilespmem:$0x1C000] =	vst v63  }
0x246: {  	_ =	swait.ge [sflag:s22], $0x4000  }
0x247: {  	[sflag:s22] =	ssyncset.done $0x0  }
0x248: {  	s6 =	simm.s32 $0x0;
	s5 =	simm.s32 $0x0;
	[sflag:s22] =	ssyncadd.s32 $0xFFFFC000  }
.LBB2_38:
0x249: {  	s7 =	sshll.u32 s6, $0xA  }
0x24a: {  	s9 =	sand.u32 $0x3FFFE000, s5;
	s7 =	sand.u32 $0xC00, s7  }
0x24b: {  	s10 =	sadd.s32 $0x18040, s9;
	s7 =	sshrl.u32 s7, $0x2  }
0x24c: {  	s12 =	sadd.s32 s7, s10  }
0x24d: {  	v0 =	vld [tilespmem:s12+$0x30]  }
0x24e: {  	v2 =	vld [tilespmem:s12+$0xFFFFFFC0]  }
0x24f: {  	v3 =	vld [tilespmem:s12+$0xFFFFFFD0]  }
0x250: {  	v4 =	vld [tilespmem:s12+$0xFFFFFFE0]  }
0x251: {  	v5 =	vld [tilespmem:s12+$0xFFFFFFF0]  }
0x252: {  	s8 =	sadd.s32 $0x4000, s9;
	v6 =	vld [tilespmem:s12+$0x0]  }
0x253: {  	s11 =	sadd.s32 s7, s8;
	v1 =	vld [tilespmem:s12+$0x10]  }
0x254: {  	[tilespmem:s11+$0x70] =	vst.add.f32.msk $0xffff, v0  }
0x255: {  	v0 =	vld [tilespmem:s12+$0x20]  }
0x256: {  	[tilespmem:s11+$0x0] =	vst.add.f32.msk $0xffff, v2  }
0x257: {  	[tilespmem:s11+$0x10] =	vst.add.f32.msk $0xffff, v3  }
0x258: {  	[tilespmem:s11+$0x20] =	vst.add.f32.msk $0xffff, v4  }
0x259: {  	[tilespmem:s11+$0x30] =	vst.add.f32.msk $0xffff, v5  }
0x25a: {  	s9 =	sadd.s32 $0x18080, s9;
	s13 =	smov.u32 s8;
	s12 =	simm.s32 $0x0;
	[tilespmem:s11+$0x40] =	vst.add.f32.msk $0xffff, v6  }
.LBB2_39:
0x25b: {  	s12 =	sadd.s32 $0x80, s12;
	[tilespmem:s11+$0x50] =	vst.add.f32.msk $0xffff, v1;
	s10 =	sadd.s32 $0x400, s10  }
0x25c: {  	s14 =	sadd.s32 s7, s10;
	p0 =	slt.u32 s12, $0x380;
	[tilespmem:s11+$0x60] =	vst.add.f32.msk $0xffff, v0  }
0x25d: {  	v0 =	vld [tilespmem:s14+$0x30]  }
0x25e: {  	v2 =	vld [tilespmem:s14+$0xFFFFFFC0]  }
0x25f: {  	v3 =	vld [tilespmem:s14+$0xFFFFFFD0]  }
0x260: {  	s13 =	sadd.s32 $0x400, s13;
	v4 =	vld [tilespmem:s14+$0xFFFFFFE0]  }
0x261: {  	s11 =	sadd.s32 s7, s13;
	v5 =	vld [tilespmem:s14+$0xFFFFFFF0]  }
0x262: {  	[tilespmem:s11+$0x70] =	vst.add.f32.msk $0xffff, v0  }
0x263: {  	v6 =	vld [tilespmem:s14+$0x0]  }
0x264: {  	v1 =	vld [tilespmem:s14+$0x10]  }
0x265: {  	v0 =	vld [tilespmem:s14+$0x20]  }
.Ltmp18:
0x266: {  	[tilespmem:s11+$0x0] =	vst.add.f32.msk $0xffff, v2;
	(pc) =	sbr.rel @p0 .LBB2_39-.Ltmp18, $4  }
0x267: {  	[tilespmem:s11+$0x10] =	vst.add.f32.msk $0xffff, v3  }
0x268: {  	[tilespmem:s11+$0x20] =	vst.add.f32.msk $0xffff, v4  }
0x269: {  	[tilespmem:s11+$0x30] =	vst.add.f32.msk $0xffff, v5  }
0x26a: {  	[tilespmem:s11+$0x40] =	vst.add.f32.msk $0xffff, v6  }
0x26b: {  	[tilespmem:s11+$0x50] =	vst.add.f32.msk $0xffff, v1  }
0x26c: {  	[tilespmem:s11+$0x60] =	vst.add.f32.msk $0xffff, v0;
	s14 =	sadd.s32 s7, s9  }
0x26d: {  	v0 =	vld [tilespmem:s14+$0x70]  }
0x26e: {  	v1 =	vld [tilespmem:s14+$0x0]  }
0x26f: {  	v2 =	vld [tilespmem:s14+$0x10]  }
0x270: {  	v3 =	vld [tilespmem:s14+$0x20]  }
0x271: {  	v4 =	vld [tilespmem:s14+$0x30]  }
0x272: {  	v5 =	vld [tilespmem:s14+$0x40]  }
0x273: {  	s10 =	sadd.s32 s7, s8;
	v6 =	vld [tilespmem:s14+$0x50]  }
0x274: {  	[tilespmem:s10+$0xF0] =	vst.add.f32.msk $0xffff, v0  }
0x275: {  	v0 =	vld [tilespmem:s14+$0x60]  }
0x276: {  	[tilespmem:s10+$0x80] =	vst.add.f32.msk $0xffff, v1  }
0x277: {  	[tilespmem:s10+$0x90] =	vst.add.f32.msk $0xffff, v2  }
0x278: {  	[tilespmem:s10+$0xA0] =	vst.add.f32.msk $0xffff, v3  }
0x279: {  	[tilespmem:s10+$0xB0] =	vst.add.f32.msk $0xffff, v4  }
0x27a: {  	[tilespmem:s10+$0xC0] =	vst.add.f32.msk $0xffff, v5  }
0x27b: {  	s11 =	simm.s32 $0x0;
	s9 =	sadd.s32 $0x400, s9;
	[tilespmem:s10+$0xD0] =	vst.add.f32.msk $0xffff, v6  }
.LBB2_41:
0x27c: {  	s12 =	sadd.s32 s7, s9;
	s11 =	sadd.s32 $0x80, s11;
	[tilespmem:s10+$0xE0] =	vst.add.f32.msk $0xffff, v0  }
0x27d: {  	v0 =	vld [tilespmem:s12+$0x70];
	p0 =	slt.u32 s11, $0x380  }
0x27e: {  	v1 =	vld [tilespmem:s12+$0x0]  }
0x27f: {  	v2 =	vld [tilespmem:s12+$0x10]  }
0x280: {  	s8 =	sadd.s32 $0x400, s8;
	v3 =	vld [tilespmem:s12+$0x20]  }
0x281: {  	s10 =	sadd.s32 s7, s8;
	v4 =	vld [tilespmem:s12+$0x30]  }
0x282: {  	[tilespmem:s10+$0xF0] =	vst.add.f32.msk $0xffff, v0  }
0x283: {  	v5 =	vld [tilespmem:s12+$0x40]  }
0x284: {  	v6 =	vld [tilespmem:s12+$0x50]  }
0x285: {  	v0 =	vld [tilespmem:s12+$0x60]  }
0x286: {  	[tilespmem:s10+$0x80] =	vst.add.f32.msk $0xffff, v1  }
.Ltmp19:
0x287: {  	[tilespmem:s10+$0x90] =	vst.add.f32.msk $0xffff, v2;
	(pc) =	sbr.rel @p0 .LBB2_41-.Ltmp19, $4  }
0x288: {  	[tilespmem:s10+$0xA0] =	vst.add.f32.msk $0xffff, v3  }
0x289: {  	[tilespmem:s10+$0xB0] =	vst.add.f32.msk $0xffff, v4  }
0x28a: {  	[tilespmem:s10+$0xC0] =	vst.add.f32.msk $0xffff, v5  }
0x28b: {  	s9 =	sadd.s32 $0x400, s9;
	[tilespmem:s10+$0xD0] =	vst.add.f32.msk $0xffff, v6  }
0x28c: {  	p0 =	slt.u32 s4, $0xE  }
.Ltmp20:
0x28d: {  	_ = 	snop;
	(pc) =	sbr.rel @p0 .LBB2_38-.Ltmp20, $3  }
0x28e: {  	_ =	sdelay $0x1  }
0x28f: {  	s7 =	sadd.s32 $0x2, s4  }
0x290: {  	[tilespmem:s10+$0xE0] =	vst.add.f32.msk $0xffff, v0;
	s6 =	sadd.s32 $0x1, s6;
	s5 =	sadd.s32 $0x800, s5;
	s4 =	smov.u32 s7  }
0x291: {  	s4 =	simm.s32 $0x0;
	s5 =	rddreg [dreg:$0x13]  }
0x292: {  	[hbm4b:s5+s4] =	stream.linear.scatter [tilespmem:s17], [sflag:$0x7], $0x4000, $0x38;
	[tilespmem:$0x1C000] =	vst v63  }
0x293: {  	_ =	swait.ge [sflag:s2], $0x4000  }
0x294: {  	[sflag:s2] =	ssyncset.done $0x0  }
0x295: {  	s14 =	rddreg [dreg:$0x16];
	[sflag:s2] =	ssyncadd.s32 $0xFFFFC000  }
0x296: {  	[tilespmem:s23], [sflag:$0x5] =	stream.linear.gather [hbm4b:s14+s4], $0x4000, $0x38;
	[tilespmem:$0x1C000] =	vst v63  }
0x297: {  	_ =	swait.ge [sflag:s24], $0x4000  }
0x298: {  	[sflag:s24] =	ssyncset.done $0x0  }
0x299: {  	s6 =	simm.s32 $0x0;
	s5 =	simm.s32 $0x0;
	[sflag:s24] =	ssyncadd.s32 $0xFFFFC000  }
.LBB2_44:
0x29a: {  	s7 =	sshll.u32 s6, $0xA  }
0x29b: {  	s9 =	sand.u32 $0x3FFFE000, s5;
	s7 =	sand.u32 $0xC00, s7  }
0x29c: {  	s10 =	sadd.s32 $0x18040, s9;
	s7 =	sshrl.u32 s7, $0x2  }
0x29d: {  	s12 =	sadd.s32 s7, s10  }
0x29e: {  	v0 =	vld [tilespmem:s12+$0x30]  }
0x29f: {  	v2 =	vld [tilespmem:s12+$0xFFFFFFC0]  }
0x2a0: {  	v3 =	vld [tilespmem:s12+$0xFFFFFFD0]  }
0x2a1: {  	v4 =	vld [tilespmem:s12+$0xFFFFFFE0]  }
0x2a2: {  	v5 =	vld [tilespmem:s12+$0xFFFFFFF0]  }
0x2a3: {  	s8 =	sadd.s32 $0x8000, s9;
	v6 =	vld [tilespmem:s12+$0x0]  }
0x2a4: {  	s11 =	sadd.s32 s7, s8;
	v1 =	vld [tilespmem:s12+$0x10]  }
0x2a5: {  	[tilespmem:s11+$0x70] =	vst.add.f32.msk $0xffff, v0  }
0x2a6: {  	v0 =	vld [tilespmem:s12+$0x20]  }
0x2a7: {  	[tilespmem:s11+$0x0] =	vst.add.f32.msk $0xffff, v2  }
0x2a8: {  	[tilespmem:s11+$0x10] =	vst.add.f32.msk $0xffff, v3  }
0x2a9: {  	[tilespmem:s11+$0x20] =	vst.add.f32.msk $0xffff, v4  }
0x2aa: {  	[tilespmem:s11+$0x30] =	vst.add.f32.msk $0xffff, v5  }
0x2ab: {  	s9 =	sadd.s32 $0x18080, s9;
	s13 =	smov.u32 s8;
	s12 =	simm.s32 $0x0;
	[tilespmem:s11+$0x40] =	vst.add.f32.msk $0xffff, v6  }
.LBB2_45:
0x2ac: {  	s12 =	sadd.s32 $0x80, s12;
	[tilespmem:s11+$0x50] =	vst.add.f32.msk $0xffff, v1;
	s10 =	sadd.s32 $0x400, s10  }
0x2ad: {  	s14 =	sadd.s32 s7, s10;
	p0 =	slt.u32 s12, $0x380;
	[tilespmem:s11+$0x60] =	vst.add.f32.msk $0xffff, v0  }
0x2ae: {  	v0 =	vld [tilespmem:s14+$0x30]  }
0x2af: {  	v2 =	vld [tilespmem:s14+$0xFFFFFFC0]  }
0x2b0: {  	v3 =	vld [tilespmem:s14+$0xFFFFFFD0]  }
0x2b1: {  	s13 =	sadd.s32 $0x400, s13;
	v4 =	vld [tilespmem:s14+$0xFFFFFFE0]  }
0x2b2: {  	s11 =	sadd.s32 s7, s13;
	v5 =	vld [tilespmem:s14+$0xFFFFFFF0]  }
0x2b3: {  	[tilespmem:s11+$0x70] =	vst.add.f32.msk $0xffff, v0  }
0x2b4: {  	v6 =	vld [tilespmem:s14+$0x0]  }
0x2b5: {  	v1 =	vld [tilespmem:s14+$0x10]  }
0x2b6: {  	v0 =	vld [tilespmem:s14+$0x20]  }
.Ltmp21:
0x2b7: {  	[tilespmem:s11+$0x0] =	vst.add.f32.msk $0xffff, v2;
	(pc) =	sbr.rel @p0 .LBB2_45-.Ltmp21, $4  }
0x2b8: {  	[tilespmem:s11+$0x10] =	vst.add.f32.msk $0xffff, v3  }
0x2b9: {  	[tilespmem:s11+$0x20] =	vst.add.f32.msk $0xffff, v4  }
0x2ba: {  	[tilespmem:s11+$0x30] =	vst.add.f32.msk $0xffff, v5  }
0x2bb: {  	[tilespmem:s11+$0x40] =	vst.add.f32.msk $0xffff, v6  }
0x2bc: {  	[tilespmem:s11+$0x50] =	vst.add.f32.msk $0xffff, v1  }
0x2bd: {  	[tilespmem:s11+$0x60] =	vst.add.f32.msk $0xffff, v0;
	s14 =	sadd.s32 s7, s9  }
0x2be: {  	v0 =	vld [tilespmem:s14+$0x70]  }
0x2bf: {  	v1 =	vld [tilespmem:s14+$0x0]  }
0x2c0: {  	v2 =	vld [tilespmem:s14+$0x10]  }
0x2c1: {  	v3 =	vld [tilespmem:s14+$0x20]  }
0x2c2: {  	v4 =	vld [tilespmem:s14+$0x30]  }
0x2c3: {  	v5 =	vld [tilespmem:s14+$0x40]  }
0x2c4: {  	s10 =	sadd.s32 s7, s8;
	v6 =	vld [tilespmem:s14+$0x50]  }
0x2c5: {  	[tilespmem:s10+$0xF0] =	vst.add.f32.msk $0xffff, v0  }
0x2c6: {  	v0 =	vld [tilespmem:s14+$0x60]  }
0x2c7: {  	[tilespmem:s10+$0x80] =	vst.add.f32.msk $0xffff, v1  }
0x2c8: {  	[tilespmem:s10+$0x90] =	vst.add.f32.msk $0xffff, v2  }
0x2c9: {  	[tilespmem:s10+$0xA0] =	vst.add.f32.msk $0xffff, v3  }
0x2ca: {  	[tilespmem:s10+$0xB0] =	vst.add.f32.msk $0xffff, v4  }
0x2cb: {  	[tilespmem:s10+$0xC0] =	vst.add.f32.msk $0xffff, v5  }
0x2cc: {  	s11 =	simm.s32 $0x0;
	s9 =	sadd.s32 $0x400, s9;
	[tilespmem:s10+$0xD0] =	vst.add.f32.msk $0xffff, v6  }
.LBB2_47:
0x2cd: {  	s12 =	sadd.s32 s7, s9;
	s11 =	sadd.s32 $0x80, s11;
	[tilespmem:s10+$0xE0] =	vst.add.f32.msk $0xffff, v0  }
0x2ce: {  	v0 =	vld [tilespmem:s12+$0x70];
	p0 =	slt.u32 s11, $0x380  }
0x2cf: {  	v1 =	vld [tilespmem:s12+$0x0]  }
0x2d0: {  	v2 =	vld [tilespmem:s12+$0x10]  }
0x2d1: {  	s8 =	sadd.s32 $0x400, s8;
	v3 =	vld [tilespmem:s12+$0x20]  }
0x2d2: {  	s10 =	sadd.s32 s7, s8;
	v4 =	vld [tilespmem:s12+$0x30]  }
0x2d3: {  	[tilespmem:s10+$0xF0] =	vst.add.f32.msk $0xffff, v0  }
0x2d4: {  	v5 =	vld [tilespmem:s12+$0x40]  }
0x2d5: {  	v6 =	vld [tilespmem:s12+$0x50]  }
0x2d6: {  	v0 =	vld [tilespmem:s12+$0x60]  }
0x2d7: {  	[tilespmem:s10+$0x80] =	vst.add.f32.msk $0xffff, v1  }
.Ltmp22:
0x2d8: {  	[tilespmem:s10+$0x90] =	vst.add.f32.msk $0xffff, v2;
	(pc) =	sbr.rel @p0 .LBB2_47-.Ltmp22, $4  }
0x2d9: {  	[tilespmem:s10+$0xA0] =	vst.add.f32.msk $0xffff, v3  }
0x2da: {  	[tilespmem:s10+$0xB0] =	vst.add.f32.msk $0xffff, v4  }
0x2db: {  	[tilespmem:s10+$0xC0] =	vst.add.f32.msk $0xffff, v5  }
0x2dc: {  	s9 =	sadd.s32 $0x400, s9;
	[tilespmem:s10+$0xD0] =	vst.add.f32.msk $0xffff, v6  }
0x2dd: {  	p0 =	slt.u32 s4, $0xE  }
.Ltmp23:
0x2de: {  	_ = 	snop;
	(pc) =	sbr.rel @p0 .LBB2_44-.Ltmp23, $3  }
0x2df: {  	_ =	sdelay $0x1  }
0x2e0: {  	s7 =	sadd.s32 $0x2, s4  }
0x2e1: {  	[tilespmem:s10+$0xE0] =	vst.add.f32.msk $0xffff, v0;
	s6 =	sadd.s32 $0x1, s6;
	s5 =	sadd.s32 $0x800, s5;
	s4 =	smov.u32 s7  }
0x2e2: {  	s4 =	simm.s32 $0x0;
	s5 =	rddreg [dreg:$0x14]  }
0x2e3: {  	[hbm4b:s5+s4] =	stream.linear.scatter [tilespmem:s18], [sflag:$0x8], $0x4000, $0x38;
	[tilespmem:$0x1C000] =	vst v63  }
0x2e4: {  	s13 =	rddreg [dreg:$0x1c]  }
0x2e5: {  	[tilespmem:s16], [sflag:$0xC] =	stream.linear.gather [hbm4b:s13+s4], $0x4000, $0x38;
	[tilespmem:$0x1C000] =	vst v63  }
0x2e6: {  	_ =	swait.ge [sflag:s25], $0x4000  }
0x2e7: {  	[sflag:s25] =	ssyncset.done $0x0  }
0x2e8: {  	s14 =	rddreg [dreg:$0x18];
	[sflag:s25] =	ssyncadd.s32 $0xFFFFC000  }
0x2e9: {  	[tilespmem:s4], [sflag:$0x1] =	stream.linear.gather [hbm4b:s14+s4], $0x4000, $0x38;
	[tilespmem:$0x1C000] =	vst v63  }
0x2ea: {  	_ =	swait.ge [sflag:s19], $0x4000  }
0x2eb: {  	[sflag:s19] =	ssyncset.done $0x0  }
0x2ec: {  	[sflag:s19] =	ssyncadd.s32 $0xFFFFC000  }
0x2ed: {  	_ =	swait.ge [sflag:s26], $0x4000  }
0x2ee: {  	[sflag:s26] =	ssyncset.done $0x0  }
0x2ef: {  	s6 =	simm.s32 $0x0;
	s5 =	simm.s32 $0x0;
	[sflag:s26] =	ssyncadd.s32 $0xFFFFC000  }
.LBB2_50:
0x2f0: {  	s7 =	sshll.u32 s6, $0xA  }
0x2f1: {  	s9 =	sand.u32 $0x3FFFE000, s5;
	s7 =	sand.u32 $0xC00, s7  }
0x2f2: {  	s10 =	sadd.s32 $0x14040, s9;
	s7 =	sshrl.u32 s7, $0x2  }
0x2f3: {  	s12 =	sadd.s32 s7, s10  }
0x2f4: {  	v0 =	vld [tilespmem:s12+$0x30]  }
0x2f5: {  	v2 =	vld [tilespmem:s12+$0xFFFFFFC0]  }
0x2f6: {  	v3 =	vld [tilespmem:s12+$0xFFFFFFD0]  }
0x2f7: {  	v4 =	vld [tilespmem:s12+$0xFFFFFFE0]  }
0x2f8: {  	v5 =	vld [tilespmem:s12+$0xFFFFFFF0]  }
0x2f9: {  	s8 =	sadd.s32 $0xC000, s9;
	v6 =	vld [tilespmem:s12+$0x0]  }
0x2fa: {  	s11 =	sadd.s32 s7, s8;
	v1 =	vld [tilespmem:s12+$0x10]  }
0x2fb: {  	[tilespmem:s11+$0x70] =	vst.add.f32.msk $0xffff, v0  }
0x2fc: {  	v0 =	vld [tilespmem:s12+$0x20]  }
0x2fd: {  	[tilespmem:s11+$0x0] =	vst.add.f32.msk $0xffff, v2  }
0x2fe: {  	[tilespmem:s11+$0x10] =	vst.add.f32.msk $0xffff, v3  }
0x2ff: {  	[tilespmem:s11+$0x20] =	vst.add.f32.msk $0xffff, v4  }
0x300: {  	[tilespmem:s11+$0x30] =	vst.add.f32.msk $0xffff, v5  }
0x301: {  	s9 =	sadd.s32 $0x14080, s9;
	s13 =	smov.u32 s8;
	s12 =	simm.s32 $0x0;
	[tilespmem:s11+$0x40] =	vst.add.f32.msk $0xffff, v6  }
.LBB2_51:
0x302: {  	s12 =	sadd.s32 $0x80, s12;
	[tilespmem:s11+$0x50] =	vst.add.f32.msk $0xffff, v1;
	s10 =	sadd.s32 $0x400, s10  }
0x303: {  	s14 =	sadd.s32 s7, s10;
	p0 =	slt.u32 s12, $0x380;
	[tilespmem:s11+$0x60] =	vst.add.f32.msk $0xffff, v0  }
0x304: {  	v0 =	vld [tilespmem:s14+$0x30]  }
0x305: {  	v2 =	vld [tilespmem:s14+$0xFFFFFFC0]  }
0x306: {  	v3 =	vld [tilespmem:s14+$0xFFFFFFD0]  }
0x307: {  	s13 =	sadd.s32 $0x400, s13;
	v4 =	vld [tilespmem:s14+$0xFFFFFFE0]  }
0x308: {  	s11 =	sadd.s32 s7, s13;
	v5 =	vld [tilespmem:s14+$0xFFFFFFF0]  }
0x309: {  	[tilespmem:s11+$0x70] =	vst.add.f32.msk $0xffff, v0  }
0x30a: {  	v6 =	vld [tilespmem:s14+$0x0]  }
0x30b: {  	v1 =	vld [tilespmem:s14+$0x10]  }
0x30c: {  	v0 =	vld [tilespmem:s14+$0x20]  }
.Ltmp24:
0x30d: {  	[tilespmem:s11+$0x0] =	vst.add.f32.msk $0xffff, v2;
	(pc) =	sbr.rel @p0 .LBB2_51-.Ltmp24, $4  }
0x30e: {  	[tilespmem:s11+$0x10] =	vst.add.f32.msk $0xffff, v3  }
0x30f: {  	[tilespmem:s11+$0x20] =	vst.add.f32.msk $0xffff, v4  }
0x310: {  	[tilespmem:s11+$0x30] =	vst.add.f32.msk $0xffff, v5  }
0x311: {  	[tilespmem:s11+$0x40] =	vst.add.f32.msk $0xffff, v6  }
0x312: {  	[tilespmem:s11+$0x50] =	vst.add.f32.msk $0xffff, v1  }
0x313: {  	[tilespmem:s11+$0x60] =	vst.add.f32.msk $0xffff, v0;
	s14 =	sadd.s32 s7, s9  }
0x314: {  	v0 =	vld [tilespmem:s14+$0x70]  }
0x315: {  	v1 =	vld [tilespmem:s14+$0x0]  }
0x316: {  	v2 =	vld [tilespmem:s14+$0x10]  }
0x317: {  	v3 =	vld [tilespmem:s14+$0x20]  }
0x318: {  	v4 =	vld [tilespmem:s14+$0x30]  }
0x319: {  	v5 =	vld [tilespmem:s14+$0x40]  }
0x31a: {  	s10 =	sadd.s32 s7, s8;
	v6 =	vld [tilespmem:s14+$0x50]  }
0x31b: {  	[tilespmem:s10+$0xF0] =	vst.add.f32.msk $0xffff, v0  }
0x31c: {  	v0 =	vld [tilespmem:s14+$0x60]  }
0x31d: {  	[tilespmem:s10+$0x80] =	vst.add.f32.msk $0xffff, v1  }
0x31e: {  	[tilespmem:s10+$0x90] =	vst.add.f32.msk $0xffff, v2  }
0x31f: {  	[tilespmem:s10+$0xA0] =	vst.add.f32.msk $0xffff, v3  }
0x320: {  	[tilespmem:s10+$0xB0] =	vst.add.f32.msk $0xffff, v4  }
0x321: {  	[tilespmem:s10+$0xC0] =	vst.add.f32.msk $0xffff, v5  }
0x322: {  	s11 =	simm.s32 $0x0;
	s9 =	sadd.s32 $0x400, s9;
	[tilespmem:s10+$0xD0] =	vst.add.f32.msk $0xffff, v6  }
.LBB2_53:
0x323: {  	s12 =	sadd.s32 s7, s9;
	s11 =	sadd.s32 $0x80, s11;
	[tilespmem:s10+$0xE0] =	vst.add.f32.msk $0xffff, v0  }
0x324: {  	v0 =	vld [tilespmem:s12+$0x70];
	p0 =	slt.u32 s11, $0x380  }
0x325: {  	v1 =	vld [tilespmem:s12+$0x0]  }
0x326: {  	v2 =	vld [tilespmem:s12+$0x10]  }
0x327: {  	s8 =	sadd.s32 $0x400, s8;
	v3 =	vld [tilespmem:s12+$0x20]  }
0x328: {  	s10 =	sadd.s32 s7, s8;
	v4 =	vld [tilespmem:s12+$0x30]  }
0x329: {  	[tilespmem:s10+$0xF0] =	vst.add.f32.msk $0xffff, v0  }
0x32a: {  	v5 =	vld [tilespmem:s12+$0x40]  }
0x32b: {  	v6 =	vld [tilespmem:s12+$0x50]  }
0x32c: {  	v0 =	vld [tilespmem:s12+$0x60]  }
0x32d: {  	[tilespmem:s10+$0x80] =	vst.add.f32.msk $0xffff, v1  }
.Ltmp25:
0x32e: {  	[tilespmem:s10+$0x90] =	vst.add.f32.msk $0xffff, v2;
	(pc) =	sbr.rel @p0 .LBB2_53-.Ltmp25, $4  }
0x32f: {  	[tilespmem:s10+$0xA0] =	vst.add.f32.msk $0xffff, v3  }
0x330: {  	[tilespmem:s10+$0xB0] =	vst.add.f32.msk $0xffff, v4  }
0x331: {  	[tilespmem:s10+$0xC0] =	vst.add.f32.msk $0xffff, v5  }
0x332: {  	s9 =	sadd.s32 $0x400, s9;
	[tilespmem:s10+$0xD0] =	vst.add.f32.msk $0xffff, v6  }
0x333: {  	p0 =	slt.u32 s4, $0xE  }
.Ltmp26:
0x334: {  	_ = 	snop;
	(pc) =	sbr.rel @p0 .LBB2_50-.Ltmp26, $3  }
0x335: {  	_ =	sdelay $0x1  }
0x336: {  	s7 =	sadd.s32 $0x2, s4  }
0x337: {  	[tilespmem:s10+$0xE0] =	vst.add.f32.msk $0xffff, v0;
	s6 =	sadd.s32 $0x1, s6;
	s5 =	sadd.s32 $0x800, s5;
	s4 =	smov.u32 s7  }
0x338: {  	s4 =	simm.s32 $0x0;
	s5 =	rddreg [dreg:$0x15]  }
0x339: {  	[hbm4b:s5+s4] =	stream.linear.scatter [tilespmem:s21], [sflag:$0x9], $0x4000, $0x38;
	[tilespmem:$0x1C000] =	vst v63  }
0x33a: {  	_ =	swait.ge [sflag:s28], $0x4000  }
0x33b: {  	[sflag:s28] =	ssyncset.done $0x0  }
0x33c: {  	s14 =	rddreg [dreg:$0x1a];
	[sflag:s28] =	ssyncadd.s32 $0xFFFFC000  }
0x33d: {  	[tilespmem:s17], [sflag:$0x2] =	stream.linear.gather [hbm4b:s14+s4], $0x4000, $0x38;
	[tilespmem:$0x1C000] =	vst v63  }
0x33e: {  	_ =	swait.ge [sflag:s30], $0x4000  }
0x33f: {  	[sflag:s30] =	ssyncset.done $0x0  }
0x340: {  	s6 =	simm.s32 $0x0;
	s5 =	simm.s32 $0x0;
	[sflag:s30] =	ssyncadd.s32 $0xFFFFC000  }
.LBB2_56:
0x341: {  	s7 =	sshll.u32 s6, $0xA  }
0x342: {  	s9 =	sand.u32 $0x3FFFE000, s5;
	s7 =	sand.u32 $0xC00, s7  }
0x343: {  	s10 =	sadd.s32 $0x14040, s9;
	s7 =	sshrl.u32 s7, $0x2  }
0x344: {  	s12 =	sadd.s32 s7, s10  }
0x345: {  	v0 =	vld [tilespmem:s12+$0x30]  }
0x346: {  	v2 =	vld [tilespmem:s12+$0xFFFFFFC0]  }
0x347: {  	v3 =	vld [tilespmem:s12+$0xFFFFFFD0]  }
0x348: {  	v4 =	vld [tilespmem:s12+$0xFFFFFFE0]  }
0x349: {  	v5 =	vld [tilespmem:s12+$0xFFFFFFF0]  }
0x34a: {  	s8 =	sadd.s32 $0x10000, s9;
	v6 =	vld [tilespmem:s12+$0x0]  }
0x34b: {  	s11 =	sadd.s32 s7, s8;
	v1 =	vld [tilespmem:s12+$0x10]  }
0x34c: {  	[tilespmem:s11+$0x70] =	vst.add.f32.msk $0xffff, v0  }
0x34d: {  	v0 =	vld [tilespmem:s12+$0x20]  }
0x34e: {  	[tilespmem:s11+$0x0] =	vst.add.f32.msk $0xffff, v2  }
0x34f: {  	[tilespmem:s11+$0x10] =	vst.add.f32.msk $0xffff, v3  }
0x350: {  	[tilespmem:s11+$0x20] =	vst.add.f32.msk $0xffff, v4  }
0x351: {  	[tilespmem:s11+$0x30] =	vst.add.f32.msk $0xffff, v5  }
0x352: {  	s9 =	sadd.s32 $0x14080, s9;
	s13 =	smov.u32 s8;
	s12 =	simm.s32 $0x0;
	[tilespmem:s11+$0x40] =	vst.add.f32.msk $0xffff, v6  }
.LBB2_57:
0x353: {  	s12 =	sadd.s32 $0x80, s12;
	[tilespmem:s11+$0x50] =	vst.add.f32.msk $0xffff, v1;
	s10 =	sadd.s32 $0x400, s10  }
0x354: {  	s14 =	sadd.s32 s7, s10;
	p0 =	slt.u32 s12, $0x380;
	[tilespmem:s11+$0x60] =	vst.add.f32.msk $0xffff, v0  }
0x355: {  	v0 =	vld [tilespmem:s14+$0x30]  }
0x356: {  	v2 =	vld [tilespmem:s14+$0xFFFFFFC0]  }
0x357: {  	v3 =	vld [tilespmem:s14+$0xFFFFFFD0]  }
0x358: {  	s13 =	sadd.s32 $0x400, s13;
	v4 =	vld [tilespmem:s14+$0xFFFFFFE0]  }
0x359: {  	s11 =	sadd.s32 s7, s13;
	v5 =	vld [tilespmem:s14+$0xFFFFFFF0]  }
0x35a: {  	[tilespmem:s11+$0x70] =	vst.add.f32.msk $0xffff, v0  }
0x35b: {  	v6 =	vld [tilespmem:s14+$0x0]  }
0x35c: {  	v1 =	vld [tilespmem:s14+$0x10]  }
0x35d: {  	v0 =	vld [tilespmem:s14+$0x20]  }
.Ltmp27:
0x35e: {  	[tilespmem:s11+$0x0] =	vst.add.f32.msk $0xffff, v2;
	(pc) =	sbr.rel @p0 .LBB2_57-.Ltmp27, $4  }
0x35f: {  	[tilespmem:s11+$0x10] =	vst.add.f32.msk $0xffff, v3  }
0x360: {  	[tilespmem:s11+$0x20] =	vst.add.f32.msk $0xffff, v4  }
0x361: {  	[tilespmem:s11+$0x30] =	vst.add.f32.msk $0xffff, v5  }
0x362: {  	[tilespmem:s11+$0x40] =	vst.add.f32.msk $0xffff, v6  }
0x363: {  	[tilespmem:s11+$0x50] =	vst.add.f32.msk $0xffff, v1  }
0x364: {  	[tilespmem:s11+$0x60] =	vst.add.f32.msk $0xffff, v0;
	s14 =	sadd.s32 s7, s9  }
0x365: {  	v0 =	vld [tilespmem:s14+$0x70]  }
0x366: {  	v1 =	vld [tilespmem:s14+$0x0]  }
0x367: {  	v2 =	vld [tilespmem:s14+$0x10]  }
0x368: {  	v3 =	vld [tilespmem:s14+$0x20]  }
0x369: {  	v4 =	vld [tilespmem:s14+$0x30]  }
0x36a: {  	v5 =	vld [tilespmem:s14+$0x40]  }
0x36b: {  	s10 =	sadd.s32 s7, s8;
	v6 =	vld [tilespmem:s14+$0x50]  }
0x36c: {  	[tilespmem:s10+$0xF0] =	vst.add.f32.msk $0xffff, v0  }
0x36d: {  	v0 =	vld [tilespmem:s14+$0x60]  }
0x36e: {  	[tilespmem:s10+$0x80] =	vst.add.f32.msk $0xffff, v1  }
0x36f: {  	[tilespmem:s10+$0x90] =	vst.add.f32.msk $0xffff, v2  }
0x370: {  	[tilespmem:s10+$0xA0] =	vst.add.f32.msk $0xffff, v3  }
0x371: {  	[tilespmem:s10+$0xB0] =	vst.add.f32.msk $0xffff, v4  }
0x372: {  	[tilespmem:s10+$0xC0] =	vst.add.f32.msk $0xffff, v5  }
0x373: {  	s11 =	simm.s32 $0x0;
	s9 =	sadd.s32 $0x400, s9;
	[tilespmem:s10+$0xD0] =	vst.add.f32.msk $0xffff, v6  }
.LBB2_59:
0x374: {  	s12 =	sadd.s32 s7, s9;
	s11 =	sadd.s32 $0x80, s11;
	[tilespmem:s10+$0xE0] =	vst.add.f32.msk $0xffff, v0  }
0x375: {  	v0 =	vld [tilespmem:s12+$0x70];
	p0 =	slt.u32 s11, $0x380  }
0x376: {  	v1 =	vld [tilespmem:s12+$0x0]  }
0x377: {  	v2 =	vld [tilespmem:s12+$0x10]  }
0x378: {  	s8 =	sadd.s32 $0x400, s8;
	v3 =	vld [tilespmem:s12+$0x20]  }
0x379: {  	s10 =	sadd.s32 s7, s8;
	v4 =	vld [tilespmem:s12+$0x30]  }
0x37a: {  	[tilespmem:s10+$0xF0] =	vst.add.f32.msk $0xffff, v0  }
0x37b: {  	v5 =	vld [tilespmem:s12+$0x40]  }
0x37c: {  	v6 =	vld [tilespmem:s12+$0x50]  }
0x37d: {  	v0 =	vld [tilespmem:s12+$0x60]  }
0x37e: {  	[tilespmem:s10+$0x80] =	vst.add.f32.msk $0xffff, v1  }
.Ltmp28:
0x37f: {  	[tilespmem:s10+$0x90] =	vst.add.f32.msk $0xffff, v2;
	(pc) =	sbr.rel @p0 .LBB2_59-.Ltmp28, $4  }
0x380: {  	[tilespmem:s10+$0xA0] =	vst.add.f32.msk $0xffff, v3  }
0x381: {  	[tilespmem:s10+$0xB0] =	vst.add.f32.msk $0xffff, v4  }
0x382: {  	[tilespmem:s10+$0xC0] =	vst.add.f32.msk $0xffff, v5  }
0x383: {  	s9 =	sadd.s32 $0x400, s9;
	[tilespmem:s10+$0xD0] =	vst.add.f32.msk $0xffff, v6  }
0x384: {  	p0 =	slt.u32 s4, $0xE  }
.Ltmp29:
0x385: {  	_ = 	snop;
	(pc) =	sbr.rel @p0 .LBB2_56-.Ltmp29, $3  }
0x386: {  	_ =	sdelay $0x1  }
0x387: {  	s7 =	sadd.s32 $0x2, s4  }
0x388: {  	[tilespmem:s10+$0xE0] =	vst.add.f32.msk $0xffff, v0;
	s6 =	sadd.s32 $0x1, s6;
	s5 =	sadd.s32 $0x800, s5;
	s4 =	smov.u32 s7  }
0x389: {  	s4 =	simm.s32 $0x0;
	s5 =	rddreg [dreg:$0x17]  }
0x38a: {  	[hbm4b:s5+s4] =	stream.linear.scatter [tilespmem:s23], [sflag:$0xA], $0x4000, $0x38;
	[tilespmem:$0x1C000] =	vst v63  }
0x38b: {  	_ =	swait.ge [sflag:s31], $0x4000  }
0x38c: {  	[sflag:s31] =	ssyncset.done $0x0  }
0x38d: {  	s14 =	rddreg [dreg:$0x1d];
	[sflag:s31] =	ssyncadd.s32 $0xFFFFC000  }
0x38e: {  	[tilespmem:s18], [sflag:$0x3] =	stream.linear.gather [hbm4b:s14+s4], $0x4000, $0x38;
	[tilespmem:$0x1C000] =	vst v63  }
0x38f: {  	_ =	swait.ge [sflag:s20], $0x4000  }
0x390: {  	[sflag:s20] =	ssyncset.done $0x0  }
0x391: {  	s6 =	simm.s32 $0x0;
	s5 =	simm.s32 $0x0;
	[sflag:s20] =	ssyncadd.s32 $0xFFFFC000  }
.LBB2_62:
0x392: {  	s7 =	sshll.u32 s6, $0xA  }
0x393: {  	s8 =	sand.u32 $0xC00, s7;
	s7 =	sand.u32 $0x3FFFE000, s5  }
0x394: {  	s10 =	sadd.s32 $0x14040, s7;
	s8 =	sshrl.u32 s8, $0x2  }
0x395: {  	s9 =	sadd.s32 s8, s10  }
0x396: {  	v0 =	vld [tilespmem:s9+$0x30]  }
0x397: {  	v2 =	vld [tilespmem:s9+$0xFFFFFFC0]  }
0x398: {  	v3 =	vld [tilespmem:s9+$0xFFFFFFD0]  }
0x399: {  	v4 =	vld [tilespmem:s9+$0xFFFFFFE0]  }
0x39a: {  	v5 =	vld [tilespmem:s9+$0xFFFFFFF0]  }
0x39b: {  	v6 =	vld [tilespmem:s9+$0x0]  }
0x39c: {  	s11 =	sadd.s32 s8, s7;
	v1 =	vld [tilespmem:s9+$0x10]  }
0x39d: {  	[tilespmem:s11+$0x70] =	vst.add.f32.msk $0xffff, v0  }
0x39e: {  	v0 =	vld [tilespmem:s9+$0x20]  }
0x39f: {  	[tilespmem:s11+$0x0] =	vst.add.f32.msk $0xffff, v2  }
0x3a0: {  	[tilespmem:s11+$0x10] =	vst.add.f32.msk $0xffff, v3  }
0x3a1: {  	[tilespmem:s11+$0x20] =	vst.add.f32.msk $0xffff, v4  }
0x3a2: {  	[tilespmem:s11+$0x30] =	vst.add.f32.msk $0xffff, v5  }
0x3a3: {  	s12 =	simm.s32 $0x0;
	s13 =	smov.u32 s7;
	s9 =	sadd.s32 $0x14080, s7;
	[tilespmem:s11+$0x40] =	vst.add.f32.msk $0xffff, v6  }
.LBB2_63:
0x3a4: {  	s12 =	sadd.s32 $0x80, s12;
	[tilespmem:s11+$0x50] =	vst.add.f32.msk $0xffff, v1;
	s10 =	sadd.s32 $0x400, s10  }
0x3a5: {  	s14 =	sadd.s32 s8, s10;
	p0 =	slt.u32 s12, $0x380;
	[tilespmem:s11+$0x60] =	vst.add.f32.msk $0xffff, v0  }
0x3a6: {  	v0 =	vld [tilespmem:s14+$0x30]  }
0x3a7: {  	v2 =	vld [tilespmem:s14+$0xFFFFFFC0]  }
0x3a8: {  	v3 =	vld [tilespmem:s14+$0xFFFFFFD0]  }
0x3a9: {  	s13 =	sadd.s32 $0x400, s13;
	v4 =	vld [tilespmem:s14+$0xFFFFFFE0]  }
0x3aa: {  	s11 =	sadd.s32 s8, s13;
	v5 =	vld [tilespmem:s14+$0xFFFFFFF0]  }
0x3ab: {  	[tilespmem:s11+$0x70] =	vst.add.f32.msk $0xffff, v0  }
0x3ac: {  	v6 =	vld [tilespmem:s14+$0x0]  }
0x3ad: {  	v1 =	vld [tilespmem:s14+$0x10]  }
0x3ae: {  	v0 =	vld [tilespmem:s14+$0x20]  }
.Ltmp30:
0x3af: {  	[tilespmem:s11+$0x0] =	vst.add.f32.msk $0xffff, v2;
	(pc) =	sbr.rel @p0 .LBB2_63-.Ltmp30, $4  }
0x3b0: {  	[tilespmem:s11+$0x10] =	vst.add.f32.msk $0xffff, v3  }
0x3b1: {  	[tilespmem:s11+$0x20] =	vst.add.f32.msk $0xffff, v4  }
0x3b2: {  	[tilespmem:s11+$0x30] =	vst.add.f32.msk $0xffff, v5  }
0x3b3: {  	[tilespmem:s11+$0x40] =	vst.add.f32.msk $0xffff, v6  }
0x3b4: {  	[tilespmem:s11+$0x50] =	vst.add.f32.msk $0xffff, v1  }
0x3b5: {  	[tilespmem:s11+$0x60] =	vst.add.f32.msk $0xffff, v0;
	s14 =	sadd.s32 s8, s9  }
0x3b6: {  	v0 =	vld [tilespmem:s14+$0x70]  }
0x3b7: {  	v1 =	vld [tilespmem:s14+$0x0]  }
0x3b8: {  	v2 =	vld [tilespmem:s14+$0x10]  }
0x3b9: {  	v3 =	vld [tilespmem:s14+$0x20]  }
0x3ba: {  	v4 =	vld [tilespmem:s14+$0x30]  }
0x3bb: {  	v5 =	vld [tilespmem:s14+$0x40]  }
0x3bc: {  	s10 =	sadd.s32 s8, s7;
	v6 =	vld [tilespmem:s14+$0x50]  }
0x3bd: {  	[tilespmem:s10+$0xF0] =	vst.add.f32.msk $0xffff, v0  }
0x3be: {  	v0 =	vld [tilespmem:s14+$0x60]  }
0x3bf: {  	[tilespmem:s10+$0x80] =	vst.add.f32.msk $0xffff, v1  }
0x3c0: {  	[tilespmem:s10+$0x90] =	vst.add.f32.msk $0xffff, v2  }
0x3c1: {  	[tilespmem:s10+$0xA0] =	vst.add.f32.msk $0xffff, v3  }
0x3c2: {  	[tilespmem:s10+$0xB0] =	vst.add.f32.msk $0xffff, v4  }
0x3c3: {  	[tilespmem:s10+$0xC0] =	vst.add.f32.msk $0xffff, v5  }
0x3c4: {  	s11 =	simm.s32 $0x0;
	s9 =	sadd.s32 $0x400, s9;
	[tilespmem:s10+$0xD0] =	vst.add.f32.msk $0xffff, v6  }
.LBB2_65:
0x3c5: {  	s12 =	sadd.s32 s8, s9;
	s11 =	sadd.s32 $0x80, s11;
	[tilespmem:s10+$0xE0] =	vst.add.f32.msk $0xffff, v0  }
0x3c6: {  	v0 =	vld [tilespmem:s12+$0x70];
	p0 =	slt.u32 s11, $0x380  }
0x3c7: {  	v1 =	vld [tilespmem:s12+$0x0]  }
0x3c8: {  	v2 =	vld [tilespmem:s12+$0x10]  }
0x3c9: {  	s7 =	sadd.s32 $0x400, s7;
	v3 =	vld [tilespmem:s12+$0x20]  }
0x3ca: {  	s10 =	sadd.s32 s8, s7;
	v4 =	vld [tilespmem:s12+$0x30]  }
0x3cb: {  	[tilespmem:s10+$0xF0] =	vst.add.f32.msk $0xffff, v0  }
0x3cc: {  	v5 =	vld [tilespmem:s12+$0x40]  }
0x3cd: {  	v6 =	vld [tilespmem:s12+$0x50]  }
0x3ce: {  	v0 =	vld [tilespmem:s12+$0x60]  }
0x3cf: {  	[tilespmem:s10+$0x80] =	vst.add.f32.msk $0xffff, v1  }
.Ltmp31:
0x3d0: {  	[tilespmem:s10+$0x90] =	vst.add.f32.msk $0xffff, v2;
	(pc) =	sbr.rel @p0 .LBB2_65-.Ltmp31, $4  }
0x3d1: {  	[tilespmem:s10+$0xA0] =	vst.add.f32.msk $0xffff, v3  }
0x3d2: {  	[tilespmem:s10+$0xB0] =	vst.add.f32.msk $0xffff, v4  }
0x3d3: {  	[tilespmem:s10+$0xC0] =	vst.add.f32.msk $0xffff, v5  }
0x3d4: {  	s9 =	sadd.s32 $0x400, s9;
	[tilespmem:s10+$0xD0] =	vst.add.f32.msk $0xffff, v6  }
0x3d5: {  	p0 =	slt.u32 s4, $0xE  }
.Ltmp32:
0x3d6: {  	_ = 	snop;
	(pc) =	sbr.rel @p0 .LBB2_62-.Ltmp32, $3  }
0x3d7: {  	_ =	sdelay $0x1  }
0x3d8: {  	s7 =	sadd.s32 $0x2, s4  }
0x3d9: {  	[tilespmem:s10+$0xE0] =	vst.add.f32.msk $0xffff, v0;
	s6 =	sadd.s32 $0x1, s6;
	s5 =	sadd.s32 $0x800, s5;
	s4 =	smov.u32 s7  }
0x3da: {  	s4 =	simm.s32 $0x0;
	s5 =	rddreg [dreg:$0x19]  }
0x3db: {  	[hbm4b:s5+s4] =	stream.linear.scatter [tilespmem:s4], [sflag:$0x6], $0x4000, $0x38;
	[tilespmem:$0x1C000] =	vst v63  }
0x3dc: {  	_ =	swait.ge [sflag:s0], $0x4000  }
0x3dd: {  	[sflag:s0] =	ssyncset.done $0x0  }
0x3de: {  	s14 =	rddreg [dreg:$0x1f];
	[sflag:s0] =	ssyncadd.s32 $0xFFFFC000  }
0x3df: {  	[tilespmem:s21], [sflag:$0x4] =	stream.linear.gather [hbm4b:s14+s4], $0x4000, $0x38;
	[tilespmem:$0x1C000] =	vst v63  }
0x3e0: {  	_ =	swait.ge [sflag:s22], $0x4000  }
0x3e1: {  	[sflag:s22] =	ssyncset.done $0x0  }
0x3e2: {  	s6 =	simm.s32 $0x0;
	s5 =	simm.s32 $0x0;
	[sflag:s22] =	ssyncadd.s32 $0xFFFFC000  }
.LBB2_68:
0x3e3: {  	s7 =	sshll.u32 s6, $0xA  }
0x3e4: {  	s9 =	sand.u32 $0x3FFFE000, s5;
	s7 =	sand.u32 $0xC00, s7  }
0x3e5: {  	s10 =	sadd.s32 $0x14040, s9;
	s7 =	sshrl.u32 s7, $0x2  }
0x3e6: {  	s12 =	sadd.s32 s7, s10  }
0x3e7: {  	v0 =	vld [tilespmem:s12+$0x30]  }
0x3e8: {  	v2 =	vld [tilespmem:s12+$0xFFFFFFC0]  }
0x3e9: {  	v3 =	vld [tilespmem:s12+$0xFFFFFFD0]  }
0x3ea: {  	v4 =	vld [tilespmem:s12+$0xFFFFFFE0]  }
0x3eb: {  	v5 =	vld [tilespmem:s12+$0xFFFFFFF0]  }
0x3ec: {  	s8 =	sadd.s32 $0x4000, s9;
	v6 =	vld [tilespmem:s12+$0x0]  }
0x3ed: {  	s11 =	sadd.s32 s7, s8;
	v1 =	vld [tilespmem:s12+$0x10]  }
0x3ee: {  	[tilespmem:s11+$0x70] =	vst.add.f32.msk $0xffff, v0  }
0x3ef: {  	v0 =	vld [tilespmem:s12+$0x20]  }
0x3f0: {  	[tilespmem:s11+$0x0] =	vst.add.f32.msk $0xffff, v2  }
0x3f1: {  	[tilespmem:s11+$0x10] =	vst.add.f32.msk $0xffff, v3  }
0x3f2: {  	[tilespmem:s11+$0x20] =	vst.add.f32.msk $0xffff, v4  }
0x3f3: {  	[tilespmem:s11+$0x30] =	vst.add.f32.msk $0xffff, v5  }
0x3f4: {  	s9 =	sadd.s32 $0x14080, s9;
	s13 =	smov.u32 s8;
	s12 =	simm.s32 $0x0;
	[tilespmem:s11+$0x40] =	vst.add.f32.msk $0xffff, v6  }
.LBB2_69:
0x3f5: {  	s12 =	sadd.s32 $0x80, s12;
	[tilespmem:s11+$0x50] =	vst.add.f32.msk $0xffff, v1;
	s10 =	sadd.s32 $0x400, s10  }
0x3f6: {  	s14 =	sadd.s32 s7, s10;
	p0 =	slt.u32 s12, $0x380;
	[tilespmem:s11+$0x60] =	vst.add.f32.msk $0xffff, v0  }
0x3f7: {  	v0 =	vld [tilespmem:s14+$0x30]  }
0x3f8: {  	v2 =	vld [tilespmem:s14+$0xFFFFFFC0]  }
0x3f9: {  	v3 =	vld [tilespmem:s14+$0xFFFFFFD0]  }
0x3fa: {  	s13 =	sadd.s32 $0x400, s13;
	v4 =	vld [tilespmem:s14+$0xFFFFFFE0]  }
0x3fb: {  	s11 =	sadd.s32 s7, s13;
	v5 =	vld [tilespmem:s14+$0xFFFFFFF0]  }
0x3fc: {  	[tilespmem:s11+$0x70] =	vst.add.f32.msk $0xffff, v0  }
0x3fd: {  	v6 =	vld [tilespmem:s14+$0x0]  }
0x3fe: {  	v1 =	vld [tilespmem:s14+$0x10]  }
0x3ff: {  	v0 =	vld [tilespmem:s14+$0x20]  }
.Ltmp33:
0x400: {  	[tilespmem:s11+$0x0] =	vst.add.f32.msk $0xffff, v2;
	(pc) =	sbr.rel @p0 .LBB2_69-.Ltmp33, $4  }
0x401: {  	[tilespmem:s11+$0x10] =	vst.add.f32.msk $0xffff, v3  }
0x402: {  	[tilespmem:s11+$0x20] =	vst.add.f32.msk $0xffff, v4  }
0x403: {  	[tilespmem:s11+$0x30] =	vst.add.f32.msk $0xffff, v5  }
0x404: {  	[tilespmem:s11+$0x40] =	vst.add.f32.msk $0xffff, v6  }
0x405: {  	[tilespmem:s11+$0x50] =	vst.add.f32.msk $0xffff, v1  }
0x406: {  	[tilespmem:s11+$0x60] =	vst.add.f32.msk $0xffff, v0;
	s14 =	sadd.s32 s7, s9  }
0x407: {  	v0 =	vld [tilespmem:s14+$0x70]  }
0x408: {  	v1 =	vld [tilespmem:s14+$0x0]  }
0x409: {  	v2 =	vld [tilespmem:s14+$0x10]  }
0x40a: {  	v3 =	vld [tilespmem:s14+$0x20]  }
0x40b: {  	v4 =	vld [tilespmem:s14+$0x30]  }
0x40c: {  	v5 =	vld [tilespmem:s14+$0x40]  }
0x40d: {  	s10 =	sadd.s32 s7, s8;
	v6 =	vld [tilespmem:s14+$0x50]  }
0x40e: {  	[tilespmem:s10+$0xF0] =	vst.add.f32.msk $0xffff, v0  }
0x40f: {  	v0 =	vld [tilespmem:s14+$0x60]  }
0x410: {  	[tilespmem:s10+$0x80] =	vst.add.f32.msk $0xffff, v1  }
0x411: {  	[tilespmem:s10+$0x90] =	vst.add.f32.msk $0xffff, v2  }
0x412: {  	[tilespmem:s10+$0xA0] =	vst.add.f32.msk $0xffff, v3  }
0x413: {  	[tilespmem:s10+$0xB0] =	vst.add.f32.msk $0xffff, v4  }
0x414: {  	[tilespmem:s10+$0xC0] =	vst.add.f32.msk $0xffff, v5  }
0x415: {  	s11 =	simm.s32 $0x0;
	s9 =	sadd.s32 $0x400, s9;
	[tilespmem:s10+$0xD0] =	vst.add.f32.msk $0xffff, v6  }
.LBB2_71:
0x416: {  	s12 =	sadd.s32 s7, s9;
	s11 =	sadd.s32 $0x80, s11;
	[tilespmem:s10+$0xE0] =	vst.add.f32.msk $0xffff, v0  }
0x417: {  	v0 =	vld [tilespmem:s12+$0x70];
	p0 =	slt.u32 s11, $0x380  }
0x418: {  	v1 =	vld [tilespmem:s12+$0x0]  }
0x419: {  	v2 =	vld [tilespmem:s12+$0x10]  }
0x41a: {  	s8 =	sadd.s32 $0x400, s8;
	v3 =	vld [tilespmem:s12+$0x20]  }
0x41b: {  	s10 =	sadd.s32 s7, s8;
	v4 =	vld [tilespmem:s12+$0x30]  }
0x41c: {  	[tilespmem:s10+$0xF0] =	vst.add.f32.msk $0xffff, v0  }
0x41d: {  	v5 =	vld [tilespmem:s12+$0x40]  }
0x41e: {  	v6 =	vld [tilespmem:s12+$0x50]  }
0x41f: {  	v0 =	vld [tilespmem:s12+$0x60]  }
0x420: {  	[tilespmem:s10+$0x80] =	vst.add.f32.msk $0xffff, v1  }
.Ltmp34:
0x421: {  	[tilespmem:s10+$0x90] =	vst.add.f32.msk $0xffff, v2;
	(pc) =	sbr.rel @p0 .LBB2_71-.Ltmp34, $4  }
0x422: {  	[tilespmem:s10+$0xA0] =	vst.add.f32.msk $0xffff, v3  }
0x423: {  	[tilespmem:s10+$0xB0] =	vst.add.f32.msk $0xffff, v4  }
0x424: {  	[tilespmem:s10+$0xC0] =	vst.add.f32.msk $0xffff, v5  }
0x425: {  	s9 =	sadd.s32 $0x400, s9;
	[tilespmem:s10+$0xD0] =	vst.add.f32.msk $0xffff, v6  }
0x426: {  	p0 =	slt.u32 s4, $0xE  }
.Ltmp35:
0x427: {  	_ = 	snop;
	(pc) =	sbr.rel @p0 .LBB2_68-.Ltmp35, $3  }
0x428: {  	_ =	sdelay $0x1  }
0x429: {  	s7 =	sadd.s32 $0x2, s4  }
0x42a: {  	[tilespmem:s10+$0xE0] =	vst.add.f32.msk $0xffff, v0;
	s6 =	sadd.s32 $0x1, s6;
	s5 =	sadd.s32 $0x800, s5;
	s4 =	smov.u32 s7  }
0x42b: {  	s5 =	rddreg [dreg:$0x1b]  }
0x42c: {  	s4 =	simm.s32 $0x0;
	s13 =	sld [smem:$0x7D6]  }
0x42d: {  	[hbm4b:s5+s4] =	stream.linear.scatter [tilespmem:s17], [sflag:$0x7], $0x4000, $0x38;
	[tilespmem:$0x1C000] =	vst v63  }
0x42e: {  	_ = 	snop  }
0x42f: {  	[tilespmem:s15], [sflag:$0xB] =	stream.linear.gather [hbm4b:s13+s4], $0x4000, $0x38;
	[tilespmem:$0x1C000] =	vst v63  }
0x430: {  	_ =	swait.ge [sflag:s2], $0x4000  }
0x431: {  	s14 =	sld [smem:$0x7D2]  }
0x432: {  	[sflag:s2] =	ssyncset.done $0x0  }
0x433: {  	[sflag:s2] =	ssyncadd.s32 $0xFFFFC000  }
0x434: {  	[tilespmem:s23], [sflag:$0x5] =	stream.linear.gather [hbm4b:s14+s4], $0x4000, $0x38;
	[tilespmem:$0x1C000] =	vst v63  }
0x435: {  	_ =	swait.ge [sflag:s29], $0x4000  }
0x436: {  	[sflag:s29] =	ssyncset.done $0x0  }
0x437: {  	[sflag:s29] =	ssyncadd.s32 $0xFFFFC000  }
0x438: {  	_ =	swait.ge [sflag:s24], $0x4000  }
0x439: {  	[sflag:s24] =	ssyncset.done $0x0  }
0x43a: {  	s6 =	simm.s32 $0x0;
	s5 =	simm.s32 $0x0;
	[sflag:s24] =	ssyncadd.s32 $0xFFFFC000  }
.LBB2_74:
0x43b: {  	s7 =	sshll.u32 s6, $0xA  }
0x43c: {  	s9 =	sand.u32 $0x3FFFE000, s5;
	s7 =	sand.u32 $0xC00, s7  }
0x43d: {  	s10 =	sadd.s32 $0x18040, s9;
	s7 =	sshrl.u32 s7, $0x2  }
0x43e: {  	s12 =	sadd.s32 s7, s10  }
0x43f: {  	v0 =	vld [tilespmem:s12+$0x30]  }
0x440: {  	v2 =	vld [tilespmem:s12+$0xFFFFFFC0]  }
0x441: {  	v3 =	vld [tilespmem:s12+$0xFFFFFFD0]  }
0x442: {  	v4 =	vld [tilespmem:s12+$0xFFFFFFE0]  }
0x443: {  	v5 =	vld [tilespmem:s12+$0xFFFFFFF0]  }
0x444: {  	s8 =	sadd.s32 $0x8000, s9;
	v6 =	vld [tilespmem:s12+$0x0]  }
0x445: {  	s11 =	sadd.s32 s7, s8;
	v1 =	vld [tilespmem:s12+$0x10]  }
0x446: {  	[tilespmem:s11+$0x70] =	vst.add.f32.msk $0xffff, v0  }
0x447: {  	v0 =	vld [tilespmem:s12+$0x20]  }
0x448: {  	[tilespmem:s11+$0x0] =	vst.add.f32.msk $0xffff, v2  }
0x449: {  	[tilespmem:s11+$0x10] =	vst.add.f32.msk $0xffff, v3  }
0x44a: {  	[tilespmem:s11+$0x20] =	vst.add.f32.msk $0xffff, v4  }
0x44b: {  	[tilespmem:s11+$0x30] =	vst.add.f32.msk $0xffff, v5  }
0x44c: {  	s9 =	sadd.s32 $0x18080, s9;
	s13 =	smov.u32 s8;
	s12 =	simm.s32 $0x0;
	[tilespmem:s11+$0x40] =	vst.add.f32.msk $0xffff, v6  }
.LBB2_75:
0x44d: {  	s12 =	sadd.s32 $0x80, s12;
	[tilespmem:s11+$0x50] =	vst.add.f32.msk $0xffff, v1;
	s10 =	sadd.s32 $0x400, s10  }
0x44e: {  	s14 =	sadd.s32 s7, s10;
	p0 =	slt.u32 s12, $0x380;
	[tilespmem:s11+$0x60] =	vst.add.f32.msk $0xffff, v0  }
0x44f: {  	v0 =	vld [tilespmem:s14+$0x30]  }
0x450: {  	v2 =	vld [tilespmem:s14+$0xFFFFFFC0]  }
0x451: {  	v3 =	vld [tilespmem:s14+$0xFFFFFFD0]  }
0x452: {  	s13 =	sadd.s32 $0x400, s13;
	v4 =	vld [tilespmem:s14+$0xFFFFFFE0]  }
0x453: {  	s11 =	sadd.s32 s7, s13;
	v5 =	vld [tilespmem:s14+$0xFFFFFFF0]  }
0x454: {  	[tilespmem:s11+$0x70] =	vst.add.f32.msk $0xffff, v0  }
0x455: {  	v6 =	vld [tilespmem:s14+$0x0]  }
0x456: {  	v1 =	vld [tilespmem:s14+$0x10]  }
0x457: {  	v0 =	vld [tilespmem:s14+$0x20]  }
.Ltmp36:
0x458: {  	[tilespmem:s11+$0x0] =	vst.add.f32.msk $0xffff, v2;
	(pc) =	sbr.rel @p0 .LBB2_75-.Ltmp36, $4  }
0x459: {  	[tilespmem:s11+$0x10] =	vst.add.f32.msk $0xffff, v3  }
0x45a: {  	[tilespmem:s11+$0x20] =	vst.add.f32.msk $0xffff, v4  }
0x45b: {  	[tilespmem:s11+$0x30] =	vst.add.f32.msk $0xffff, v5  }
0x45c: {  	[tilespmem:s11+$0x40] =	vst.add.f32.msk $0xffff, v6  }
0x45d: {  	[tilespmem:s11+$0x50] =	vst.add.f32.msk $0xffff, v1  }
0x45e: {  	[tilespmem:s11+$0x60] =	vst.add.f32.msk $0xffff, v0;
	s14 =	sadd.s32 s7, s9  }
0x45f: {  	v0 =	vld [tilespmem:s14+$0x70]  }
0x460: {  	v1 =	vld [tilespmem:s14+$0x0]  }
0x461: {  	v2 =	vld [tilespmem:s14+$0x10]  }
0x462: {  	v3 =	vld [tilespmem:s14+$0x20]  }
0x463: {  	v4 =	vld [tilespmem:s14+$0x30]  }
0x464: {  	v5 =	vld [tilespmem:s14+$0x40]  }
0x465: {  	s10 =	sadd.s32 s7, s8;
	v6 =	vld [tilespmem:s14+$0x50]  }
0x466: {  	[tilespmem:s10+$0xF0] =	vst.add.f32.msk $0xffff, v0  }
0x467: {  	v0 =	vld [tilespmem:s14+$0x60]  }
0x468: {  	[tilespmem:s10+$0x80] =	vst.add.f32.msk $0xffff, v1  }
0x469: {  	[tilespmem:s10+$0x90] =	vst.add.f32.msk $0xffff, v2  }
0x46a: {  	[tilespmem:s10+$0xA0] =	vst.add.f32.msk $0xffff, v3  }
0x46b: {  	[tilespmem:s10+$0xB0] =	vst.add.f32.msk $0xffff, v4  }
0x46c: {  	[tilespmem:s10+$0xC0] =	vst.add.f32.msk $0xffff, v5  }
0x46d: {  	s11 =	simm.s32 $0x0;
	s9 =	sadd.s32 $0x400, s9;
	[tilespmem:s10+$0xD0] =	vst.add.f32.msk $0xffff, v6  }
.LBB2_77:
0x46e: {  	s12 =	sadd.s32 s7, s9;
	s11 =	sadd.s32 $0x80, s11;
	[tilespmem:s10+$0xE0] =	vst.add.f32.msk $0xffff, v0  }
0x46f: {  	v0 =	vld [tilespmem:s12+$0x70];
	p0 =	slt.u32 s11, $0x380  }
0x470: {  	v1 =	vld [tilespmem:s12+$0x0]  }
0x471: {  	v2 =	vld [tilespmem:s12+$0x10]  }
0x472: {  	s8 =	sadd.s32 $0x400, s8;
	v3 =	vld [tilespmem:s12+$0x20]  }
0x473: {  	s10 =	sadd.s32 s7, s8;
	v4 =	vld [tilespmem:s12+$0x30]  }
0x474: {  	[tilespmem:s10+$0xF0] =	vst.add.f32.msk $0xffff, v0  }
0x475: {  	v5 =	vld [tilespmem:s12+$0x40]  }
0x476: {  	v6 =	vld [tilespmem:s12+$0x50]  }
0x477: {  	v0 =	vld [tilespmem:s12+$0x60]  }
0x478: {  	[tilespmem:s10+$0x80] =	vst.add.f32.msk $0xffff, v1  }
.Ltmp37:
0x479: {  	[tilespmem:s10+$0x90] =	vst.add.f32.msk $0xffff, v2;
	(pc) =	sbr.rel @p0 .LBB2_77-.Ltmp37, $4  }
0x47a: {  	[tilespmem:s10+$0xA0] =	vst.add.f32.msk $0xffff, v3  }
0x47b: {  	[tilespmem:s10+$0xB0] =	vst.add.f32.msk $0xffff, v4  }
0x47c: {  	[tilespmem:s10+$0xC0] =	vst.add.f32.msk $0xffff, v5  }
0x47d: {  	s9 =	sadd.s32 $0x400, s9;
	[tilespmem:s10+$0xD0] =	vst.add.f32.msk $0xffff, v6  }
0x47e: {  	p0 =	slt.u32 s4, $0xE  }
.Ltmp38:
0x47f: {  	_ = 	snop;
	(pc) =	sbr.rel @p0 .LBB2_74-.Ltmp38, $3  }
0x480: {  	_ =	sdelay $0x1  }
0x481: {  	s7 =	sadd.s32 $0x2, s4  }
0x482: {  	[tilespmem:s10+$0xE0] =	vst.add.f32.msk $0xffff, v0;
	s6 =	sadd.s32 $0x1, s6;
	s5 =	sadd.s32 $0x800, s5;
	s4 =	smov.u32 s7  }
0x483: {  	s4 =	simm.s32 $0x0;
	s5 =	rddreg [dreg:$0x1e]  }
0x484: {  	[hbm4b:s5+s4] =	stream.linear.scatter [tilespmem:s18], [sflag:$0x8], $0x4000, $0x38;
	[tilespmem:$0x1C000] =	vst v63  }
0x485: {  	_ =	swait.ge [sflag:s25], $0x4000  }
0x486: {  	s14 =	sld [smem:$0x7D4]  }
0x487: {  	[sflag:s25] =	ssyncset.done $0x0  }
0x488: {  	[sflag:s25] =	ssyncadd.s32 $0xFFFFC000  }
0x489: {  	[tilespmem:s4], [sflag:$0x1] =	stream.linear.gather [hbm4b:s14+s4], $0x4000, $0x38;
	[tilespmem:$0x1C000] =	vst v63  }
0x48a: {  	_ =	swait.ge [sflag:s26], $0x4000  }
0x48b: {  	[sflag:s26] =	ssyncset.done $0x0  }
0x48c: {  	s6 =	simm.s32 $0x0;
	s5 =	simm.s32 $0x0;
	[sflag:s26] =	ssyncadd.s32 $0xFFFFC000  }
.LBB2_80:
0x48d: {  	s7 =	sshll.u32 s6, $0xA  }
0x48e: {  	s9 =	sand.u32 $0x3FFFE000, s5;
	s7 =	sand.u32 $0xC00, s7  }
0x48f: {  	s10 =	sadd.s32 $0x18040, s9;
	s7 =	sshrl.u32 s7, $0x2  }
0x490: {  	s12 =	sadd.s32 s7, s10  }
0x491: {  	v0 =	vld [tilespmem:s12+$0x30]  }
0x492: {  	v2 =	vld [tilespmem:s12+$0xFFFFFFC0]  }
0x493: {  	v3 =	vld [tilespmem:s12+$0xFFFFFFD0]  }
0x494: {  	v4 =	vld [tilespmem:s12+$0xFFFFFFE0]  }
0x495: {  	v5 =	vld [tilespmem:s12+$0xFFFFFFF0]  }
0x496: {  	s8 =	sadd.s32 $0xC000, s9;
	v6 =	vld [tilespmem:s12+$0x0]  }
0x497: {  	s11 =	sadd.s32 s7, s8;
	v1 =	vld [tilespmem:s12+$0x10]  }
0x498: {  	[tilespmem:s11+$0x70] =	vst.add.f32.msk $0xffff, v0  }
0x499: {  	v0 =	vld [tilespmem:s12+$0x20]  }
0x49a: {  	[tilespmem:s11+$0x0] =	vst.add.f32.msk $0xffff, v2  }
0x49b: {  	[tilespmem:s11+$0x10] =	vst.add.f32.msk $0xffff, v3  }
0x49c: {  	[tilespmem:s11+$0x20] =	vst.add.f32.msk $0xffff, v4  }
0x49d: {  	[tilespmem:s11+$0x30] =	vst.add.f32.msk $0xffff, v5  }
0x49e: {  	s9 =	sadd.s32 $0x18080, s9;
	s13 =	smov.u32 s8;
	s12 =	simm.s32 $0x0;
	[tilespmem:s11+$0x40] =	vst.add.f32.msk $0xffff, v6  }
.LBB2_81:
0x49f: {  	s12 =	sadd.s32 $0x80, s12;
	[tilespmem:s11+$0x50] =	vst.add.f32.msk $0xffff, v1;
	s10 =	sadd.s32 $0x400, s10  }
0x4a0: {  	s14 =	sadd.s32 s7, s10;
	p0 =	slt.u32 s12, $0x380;
	[tilespmem:s11+$0x60] =	vst.add.f32.msk $0xffff, v0  }
0x4a1: {  	v0 =	vld [tilespmem:s14+$0x30]  }
0x4a2: {  	v2 =	vld [tilespmem:s14+$0xFFFFFFC0]  }
0x4a3: {  	v3 =	vld [tilespmem:s14+$0xFFFFFFD0]  }
0x4a4: {  	s13 =	sadd.s32 $0x400, s13;
	v4 =	vld [tilespmem:s14+$0xFFFFFFE0]  }
0x4a5: {  	s11 =	sadd.s32 s7, s13;
	v5 =	vld [tilespmem:s14+$0xFFFFFFF0]  }
0x4a6: {  	[tilespmem:s11+$0x70] =	vst.add.f32.msk $0xffff, v0  }
0x4a7: {  	v6 =	vld [tilespmem:s14+$0x0]  }
0x4a8: {  	v1 =	vld [tilespmem:s14+$0x10]  }
0x4a9: {  	v0 =	vld [tilespmem:s14+$0x20]  }
.Ltmp39:
0x4aa: {  	[tilespmem:s11+$0x0] =	vst.add.f32.msk $0xffff, v2;
	(pc) =	sbr.rel @p0 .LBB2_81-.Ltmp39, $4  }
0x4ab: {  	[tilespmem:s11+$0x10] =	vst.add.f32.msk $0xffff, v3  }
0x4ac: {  	[tilespmem:s11+$0x20] =	vst.add.f32.msk $0xffff, v4  }
0x4ad: {  	[tilespmem:s11+$0x30] =	vst.add.f32.msk $0xffff, v5  }
0x4ae: {  	[tilespmem:s11+$0x40] =	vst.add.f32.msk $0xffff, v6  }
0x4af: {  	[tilespmem:s11+$0x50] =	vst.add.f32.msk $0xffff, v1  }
0x4b0: {  	[tilespmem:s11+$0x60] =	vst.add.f32.msk $0xffff, v0;
	s14 =	sadd.s32 s7, s9  }
0x4b1: {  	v0 =	vld [tilespmem:s14+$0x70]  }
0x4b2: {  	v1 =	vld [tilespmem:s14+$0x0]  }
0x4b3: {  	v2 =	vld [tilespmem:s14+$0x10]  }
0x4b4: {  	v3 =	vld [tilespmem:s14+$0x20]  }
0x4b5: {  	v4 =	vld [tilespmem:s14+$0x30]  }
0x4b6: {  	v5 =	vld [tilespmem:s14+$0x40]  }
0x4b7: {  	s10 =	sadd.s32 s7, s8;
	v6 =	vld [tilespmem:s14+$0x50]  }
0x4b8: {  	[tilespmem:s10+$0xF0] =	vst.add.f32.msk $0xffff, v0  }
0x4b9: {  	v0 =	vld [tilespmem:s14+$0x60]  }
0x4ba: {  	[tilespmem:s10+$0x80] =	vst.add.f32.msk $0xffff, v1  }
0x4bb: {  	[tilespmem:s10+$0x90] =	vst.add.f32.msk $0xffff, v2  }
0x4bc: {  	[tilespmem:s10+$0xA0] =	vst.add.f32.msk $0xffff, v3  }
0x4bd: {  	[tilespmem:s10+$0xB0] =	vst.add.f32.msk $0xffff, v4  }
0x4be: {  	[tilespmem:s10+$0xC0] =	vst.add.f32.msk $0xffff, v5  }
0x4bf: {  	s11 =	simm.s32 $0x0;
	s9 =	sadd.s32 $0x400, s9;
	[tilespmem:s10+$0xD0] =	vst.add.f32.msk $0xffff, v6  }
.LBB2_83:
0x4c0: {  	s12 =	sadd.s32 s7, s9;
	s11 =	sadd.s32 $0x80, s11;
	[tilespmem:s10+$0xE0] =	vst.add.f32.msk $0xffff, v0  }
0x4c1: {  	v0 =	vld [tilespmem:s12+$0x70];
	p0 =	slt.u32 s11, $0x380  }
0x4c2: {  	v1 =	vld [tilespmem:s12+$0x0]  }
0x4c3: {  	v2 =	vld [tilespmem:s12+$0x10]  }
0x4c4: {  	s8 =	sadd.s32 $0x400, s8;
	v3 =	vld [tilespmem:s12+$0x20]  }
0x4c5: {  	s10 =	sadd.s32 s7, s8;
	v4 =	vld [tilespmem:s12+$0x30]  }
0x4c6: {  	[tilespmem:s10+$0xF0] =	vst.add.f32.msk $0xffff, v0  }
0x4c7: {  	v5 =	vld [tilespmem:s12+$0x40]  }
0x4c8: {  	v6 =	vld [tilespmem:s12+$0x50]  }
0x4c9: {  	v0 =	vld [tilespmem:s12+$0x60]  }
0x4ca: {  	[tilespmem:s10+$0x80] =	vst.add.f32.msk $0xffff, v1  }
.Ltmp40:
0x4cb: {  	[tilespmem:s10+$0x90] =	vst.add.f32.msk $0xffff, v2;
	(pc) =	sbr.rel @p0 .LBB2_83-.Ltmp40, $4  }
0x4cc: {  	[tilespmem:s10+$0xA0] =	vst.add.f32.msk $0xffff, v3  }
0x4cd: {  	[tilespmem:s10+$0xB0] =	vst.add.f32.msk $0xffff, v4  }
0x4ce: {  	[tilespmem:s10+$0xC0] =	vst.add.f32.msk $0xffff, v5  }
0x4cf: {  	s9 =	sadd.s32 $0x400, s9;
	[tilespmem:s10+$0xD0] =	vst.add.f32.msk $0xffff, v6  }
0x4d0: {  	p0 =	slt.u32 s4, $0xE  }
.Ltmp41:
0x4d1: {  	_ = 	snop;
	(pc) =	sbr.rel @p0 .LBB2_80-.Ltmp41, $3  }
0x4d2: {  	_ =	sdelay $0x1  }
0x4d3: {  	s7 =	sadd.s32 $0x2, s4  }
0x4d4: {  	[tilespmem:s10+$0xE0] =	vst.add.f32.msk $0xffff, v0;
	s6 =	sadd.s32 $0x1, s6;
	s5 =	sadd.s32 $0x800, s5;
	s4 =	smov.u32 s7  }
0x4d5: {  	s5 =	sld [smem:$0x7D1];
	_ =	sdelay $0x1  }
0x4d6: {  	s4 =	simm.s32 $0x0  }
0x4d7: {  	[hbm4b:s5+s4] =	stream.linear.scatter [tilespmem:s21], [sflag:$0x9], $0x4000, $0x38;
	[tilespmem:$0x1C000] =	vst v63  }
0x4d8: {  	_ =	swait.ge [sflag:s28], $0x4000  }
0x4d9: {  	s14 =	sld [smem:$0x7D7]  }
0x4da: {  	[sflag:s28] =	ssyncset.done $0x0  }
0x4db: {  	[sflag:s28] =	ssyncadd.s32 $0xFFFFC000  }
0x4dc: {  	[tilespmem:s17], [sflag:$0x2] =	stream.linear.gather [hbm4b:s14+s4], $0x4000, $0x38;
	[tilespmem:$0x1C000] =	vst v63  }
0x4dd: {  	_ =	swait.ge [sflag:s30], $0x4000  }
0x4de: {  	[sflag:s30] =	ssyncset.done $0x0  }
0x4df: {  	s6 =	simm.s32 $0x0;
	s5 =	simm.s32 $0x0;
	[sflag:s30] =	ssyncadd.s32 $0xFFFFC000  }
.LBB2_86:
0x4e0: {  	s7 =	sshll.u32 s6, $0xA  }
0x4e1: {  	s9 =	sand.u32 $0x3FFFE000, s5;
	s7 =	sand.u32 $0xC00, s7  }
0x4e2: {  	s10 =	sadd.s32 $0x18040, s9;
	s7 =	sshrl.u32 s7, $0x2  }
0x4e3: {  	s12 =	sadd.s32 s7, s10  }
0x4e4: {  	v0 =	vld [tilespmem:s12+$0x30]  }
0x4e5: {  	v2 =	vld [tilespmem:s12+$0xFFFFFFC0]  }
0x4e6: {  	v3 =	vld [tilespmem:s12+$0xFFFFFFD0]  }
0x4e7: {  	v4 =	vld [tilespmem:s12+$0xFFFFFFE0]  }
0x4e8: {  	v5 =	vld [tilespmem:s12+$0xFFFFFFF0]  }
0x4e9: {  	s8 =	sadd.s32 $0x10000, s9;
	v6 =	vld [tilespmem:s12+$0x0]  }
0x4ea: {  	s11 =	sadd.s32 s7, s8;
	v1 =	vld [tilespmem:s12+$0x10]  }
0x4eb: {  	[tilespmem:s11+$0x70] =	vst.add.f32.msk $0xffff, v0  }
0x4ec: {  	v0 =	vld [tilespmem:s12+$0x20]  }
0x4ed: {  	[tilespmem:s11+$0x0] =	vst.add.f32.msk $0xffff, v2  }
0x4ee: {  	[tilespmem:s11+$0x10] =	vst.add.f32.msk $0xffff, v3  }
0x4ef: {  	[tilespmem:s11+$0x20] =	vst.add.f32.msk $0xffff, v4  }
0x4f0: {  	[tilespmem:s11+$0x30] =	vst.add.f32.msk $0xffff, v5  }
0x4f1: {  	s9 =	sadd.s32 $0x18080, s9;
	s13 =	smov.u32 s8;
	s12 =	simm.s32 $0x0;
	[tilespmem:s11+$0x40] =	vst.add.f32.msk $0xffff, v6  }
.LBB2_87:
0x4f2: {  	s12 =	sadd.s32 $0x80, s12;
	[tilespmem:s11+$0x50] =	vst.add.f32.msk $0xffff, v1;
	s10 =	sadd.s32 $0x400, s10  }
0x4f3: {  	s14 =	sadd.s32 s7, s10;
	p0 =	slt.u32 s12, $0x380;
	[tilespmem:s11+$0x60] =	vst.add.f32.msk $0xffff, v0  }
0x4f4: {  	v0 =	vld [tilespmem:s14+$0x30]  }
0x4f5: {  	v2 =	vld [tilespmem:s14+$0xFFFFFFC0]  }
0x4f6: {  	v3 =	vld [tilespmem:s14+$0xFFFFFFD0]  }
0x4f7: {  	s13 =	sadd.s32 $0x400, s13;
	v4 =	vld [tilespmem:s14+$0xFFFFFFE0]  }
0x4f8: {  	s11 =	sadd.s32 s7, s13;
	v5 =	vld [tilespmem:s14+$0xFFFFFFF0]  }
0x4f9: {  	[tilespmem:s11+$0x70] =	vst.add.f32.msk $0xffff, v0  }
0x4fa: {  	v6 =	vld [tilespmem:s14+$0x0]  }
0x4fb: {  	v1 =	vld [tilespmem:s14+$0x10]  }
0x4fc: {  	v0 =	vld [tilespmem:s14+$0x20]  }
.Ltmp42:
0x4fd: {  	[tilespmem:s11+$0x0] =	vst.add.f32.msk $0xffff, v2;
	(pc) =	sbr.rel @p0 .LBB2_87-.Ltmp42, $4  }
0x4fe: {  	[tilespmem:s11+$0x10] =	vst.add.f32.msk $0xffff, v3  }
0x4ff: {  	[tilespmem:s11+$0x20] =	vst.add.f32.msk $0xffff, v4  }
0x500: {  	[tilespmem:s11+$0x30] =	vst.add.f32.msk $0xffff, v5  }
0x501: {  	[tilespmem:s11+$0x40] =	vst.add.f32.msk $0xffff, v6  }
0x502: {  	[tilespmem:s11+$0x50] =	vst.add.f32.msk $0xffff, v1  }
0x503: {  	[tilespmem:s11+$0x60] =	vst.add.f32.msk $0xffff, v0;
	s14 =	sadd.s32 s7, s9  }
0x504: {  	v0 =	vld [tilespmem:s14+$0x70]  }
0x505: {  	v1 =	vld [tilespmem:s14+$0x0]  }
0x506: {  	v2 =	vld [tilespmem:s14+$0x10]  }
0x507: {  	v3 =	vld [tilespmem:s14+$0x20]  }
0x508: {  	v4 =	vld [tilespmem:s14+$0x30]  }
0x509: {  	v5 =	vld [tilespmem:s14+$0x40]  }
0x50a: {  	s10 =	sadd.s32 s7, s8;
	v6 =	vld [tilespmem:s14+$0x50]  }
0x50b: {  	[tilespmem:s10+$0xF0] =	vst.add.f32.msk $0xffff, v0  }
0x50c: {  	v0 =	vld [tilespmem:s14+$0x60]  }
0x50d: {  	[tilespmem:s10+$0x80] =	vst.add.f32.msk $0xffff, v1  }
0x50e: {  	[tilespmem:s10+$0x90] =	vst.add.f32.msk $0xffff, v2  }
0x50f: {  	[tilespmem:s10+$0xA0] =	vst.add.f32.msk $0xffff, v3  }
0x510: {  	[tilespmem:s10+$0xB0] =	vst.add.f32.msk $0xffff, v4  }
0x511: {  	[tilespmem:s10+$0xC0] =	vst.add.f32.msk $0xffff, v5  }
0x512: {  	s11 =	simm.s32 $0x0;
	s9 =	sadd.s32 $0x400, s9;
	[tilespmem:s10+$0xD0] =	vst.add.f32.msk $0xffff, v6  }
.LBB2_89:
0x513: {  	s12 =	sadd.s32 s7, s9;
	s11 =	sadd.s32 $0x80, s11;
	[tilespmem:s10+$0xE0] =	vst.add.f32.msk $0xffff, v0  }
0x514: {  	v0 =	vld [tilespmem:s12+$0x70];
	p0 =	slt.u32 s11, $0x380  }
0x515: {  	v1 =	vld [tilespmem:s12+$0x0]  }
0x516: {  	v2 =	vld [tilespmem:s12+$0x10]  }
0x517: {  	s8 =	sadd.s32 $0x400, s8;
	v3 =	vld [tilespmem:s12+$0x20]  }
0x518: {  	s10 =	sadd.s32 s7, s8;
	v4 =	vld [tilespmem:s12+$0x30]  }
0x519: {  	[tilespmem:s10+$0xF0] =	vst.add.f32.msk $0xffff, v0  }
0x51a: {  	v5 =	vld [tilespmem:s12+$0x40]  }
0x51b: {  	v6 =	vld [tilespmem:s12+$0x50]  }
0x51c: {  	v0 =	vld [tilespmem:s12+$0x60]  }
0x51d: {  	[tilespmem:s10+$0x80] =	vst.add.f32.msk $0xffff, v1  }
.Ltmp43:
0x51e: {  	[tilespmem:s10+$0x90] =	vst.add.f32.msk $0xffff, v2;
	(pc) =	sbr.rel @p0 .LBB2_89-.Ltmp43, $4  }
0x51f: {  	[tilespmem:s10+$0xA0] =	vst.add.f32.msk $0xffff, v3  }
0x520: {  	[tilespmem:s10+$0xB0] =	vst.add.f32.msk $0xffff, v4  }
0x521: {  	[tilespmem:s10+$0xC0] =	vst.add.f32.msk $0xffff, v5  }
0x522: {  	s9 =	sadd.s32 $0x400, s9;
	[tilespmem:s10+$0xD0] =	vst.add.f32.msk $0xffff, v6  }
0x523: {  	p0 =	slt.u32 s4, $0xE  }
.Ltmp44:
0x524: {  	_ = 	snop;
	(pc) =	sbr.rel @p0 .LBB2_86-.Ltmp44, $3  }
0x525: {  	_ =	sdelay $0x1  }
0x526: {  	s7 =	sadd.s32 $0x2, s4  }
0x527: {  	[tilespmem:s10+$0xE0] =	vst.add.f32.msk $0xffff, v0;
	s6 =	sadd.s32 $0x1, s6;
	s5 =	sadd.s32 $0x800, s5;
	s4 =	smov.u32 s7  }
0x528: {  	s5 =	sld [smem:$0x7D3];
	_ =	sdelay $0x1  }
0x529: {  	s4 =	simm.s32 $0x0  }
0x52a: {  	[hbm4b:s5+s4] =	stream.linear.scatter [tilespmem:s23], [sflag:$0xA], $0x4000, $0x38;
	[tilespmem:$0x1C000] =	vst v63  }
0x52b: {  	_ =	swait.ge [sflag:s31], $0x4000  }
0x52c: {  	s14 =	sld [smem:$0x7D9]  }
0x52d: {  	[sflag:s31] =	ssyncset.done $0x0  }
0x52e: {  	[sflag:s31] =	ssyncadd.s32 $0xFFFFC000  }
0x52f: {  	[tilespmem:s18], [sflag:$0x3] =	stream.linear.gather [hbm4b:s14+s4], $0x4000, $0x38;
	[tilespmem:$0x1C000] =	vst v63  }
0x530: {  	_ =	swait.ge [sflag:s20], $0x4000  }
0x531: {  	[sflag:s20] =	ssyncset.done $0x0  }
0x532: {  	s6 =	simm.s32 $0x0;
	s5 =	simm.s32 $0x0;
	[sflag:s20] =	ssyncadd.s32 $0xFFFFC000  }
.LBB2_92:
0x533: {  	s7 =	sshll.u32 s6, $0xA  }
0x534: {  	s8 =	sand.u32 $0xC00, s7;
	s7 =	sand.u32 $0x3FFFE000, s5  }
0x535: {  	s10 =	sadd.s32 $0x18040, s7;
	s8 =	sshrl.u32 s8, $0x2  }
0x536: {  	s9 =	sadd.s32 s8, s10  }
0x537: {  	v0 =	vld [tilespmem:s9+$0x30]  }
0x538: {  	v2 =	vld [tilespmem:s9+$0xFFFFFFC0]  }
0x539: {  	v3 =	vld [tilespmem:s9+$0xFFFFFFD0]  }
0x53a: {  	v4 =	vld [tilespmem:s9+$0xFFFFFFE0]  }
0x53b: {  	v5 =	vld [tilespmem:s9+$0xFFFFFFF0]  }
0x53c: {  	v6 =	vld [tilespmem:s9+$0x0]  }
0x53d: {  	s11 =	sadd.s32 s8, s7;
	v1 =	vld [tilespmem:s9+$0x10]  }
0x53e: {  	[tilespmem:s11+$0x70] =	vst.add.f32.msk $0xffff, v0  }
0x53f: {  	v0 =	vld [tilespmem:s9+$0x20]  }
0x540: {  	[tilespmem:s11+$0x0] =	vst.add.f32.msk $0xffff, v2  }
0x541: {  	[tilespmem:s11+$0x10] =	vst.add.f32.msk $0xffff, v3  }
0x542: {  	[tilespmem:s11+$0x20] =	vst.add.f32.msk $0xffff, v4  }
0x543: {  	[tilespmem:s11+$0x30] =	vst.add.f32.msk $0xffff, v5  }
0x544: {  	s12 =	simm.s32 $0x0;
	s13 =	smov.u32 s7;
	s9 =	sadd.s32 $0x18080, s7;
	[tilespmem:s11+$0x40] =	vst.add.f32.msk $0xffff, v6  }
.LBB2_93:
0x545: {  	s12 =	sadd.s32 $0x80, s12;
	[tilespmem:s11+$0x50] =	vst.add.f32.msk $0xffff, v1;
	s10 =	sadd.s32 $0x400, s10  }
0x546: {  	s14 =	sadd.s32 s8, s10;
	p0 =	slt.u32 s12, $0x380;
	[tilespmem:s11+$0x60] =	vst.add.f32.msk $0xffff, v0  }
0x547: {  	v0 =	vld [tilespmem:s14+$0x30]  }
0x548: {  	v2 =	vld [tilespmem:s14+$0xFFFFFFC0]  }
0x549: {  	v3 =	vld [tilespmem:s14+$0xFFFFFFD0]  }
0x54a: {  	s13 =	sadd.s32 $0x400, s13;
	v4 =	vld [tilespmem:s14+$0xFFFFFFE0]  }
0x54b: {  	s11 =	sadd.s32 s8, s13;
	v5 =	vld [tilespmem:s14+$0xFFFFFFF0]  }
0x54c: {  	[tilespmem:s11+$0x70] =	vst.add.f32.msk $0xffff, v0  }
0x54d: {  	v6 =	vld [tilespmem:s14+$0x0]  }
0x54e: {  	v1 =	vld [tilespmem:s14+$0x10]  }
0x54f: {  	v0 =	vld [tilespmem:s14+$0x20]  }
.Ltmp45:
0x550: {  	[tilespmem:s11+$0x0] =	vst.add.f32.msk $0xffff, v2;
	(pc) =	sbr.rel @p0 .LBB2_93-.Ltmp45, $4  }
0x551: {  	[tilespmem:s11+$0x10] =	vst.add.f32.msk $0xffff, v3  }
0x552: {  	[tilespmem:s11+$0x20] =	vst.add.f32.msk $0xffff, v4  }
0x553: {  	[tilespmem:s11+$0x30] =	vst.add.f32.msk $0xffff, v5  }
0x554: {  	[tilespmem:s11+$0x40] =	vst.add.f32.msk $0xffff, v6  }
0x555: {  	[tilespmem:s11+$0x50] =	vst.add.f32.msk $0xffff, v1  }
0x556: {  	[tilespmem:s11+$0x60] =	vst.add.f32.msk $0xffff, v0;
	s14 =	sadd.s32 s8, s9  }
0x557: {  	v0 =	vld [tilespmem:s14+$0x70]  }
0x558: {  	v1 =	vld [tilespmem:s14+$0x0]  }
0x559: {  	v2 =	vld [tilespmem:s14+$0x10]  }
0x55a: {  	v3 =	vld [tilespmem:s14+$0x20]  }
0x55b: {  	v4 =	vld [tilespmem:s14+$0x30]  }
0x55c: {  	v5 =	vld [tilespmem:s14+$0x40]  }
0x55d: {  	s10 =	sadd.s32 s8, s7;
	v6 =	vld [tilespmem:s14+$0x50]  }
0x55e: {  	[tilespmem:s10+$0xF0] =	vst.add.f32.msk $0xffff, v0  }
0x55f: {  	v0 =	vld [tilespmem:s14+$0x60]  }
0x560: {  	[tilespmem:s10+$0x80] =	vst.add.f32.msk $0xffff, v1  }
0x561: {  	[tilespmem:s10+$0x90] =	vst.add.f32.msk $0xffff, v2  }
0x562: {  	[tilespmem:s10+$0xA0] =	vst.add.f32.msk $0xffff, v3  }
0x563: {  	[tilespmem:s10+$0xB0] =	vst.add.f32.msk $0xffff, v4  }
0x564: {  	[tilespmem:s10+$0xC0] =	vst.add.f32.msk $0xffff, v5  }
0x565: {  	s11 =	simm.s32 $0x0;
	s9 =	sadd.s32 $0x400, s9;
	[tilespmem:s10+$0xD0] =	vst.add.f32.msk $0xffff, v6  }
.LBB2_95:
0x566: {  	s12 =	sadd.s32 s8, s9;
	s11 =	sadd.s32 $0x80, s11;
	[tilespmem:s10+$0xE0] =	vst.add.f32.msk $0xffff, v0  }
0x567: {  	v0 =	vld [tilespmem:s12+$0x70];
	p0 =	slt.u32 s11, $0x380  }
0x568: {  	v1 =	vld [tilespmem:s12+$0x0]  }
0x569: {  	v2 =	vld [tilespmem:s12+$0x10]  }
0x56a: {  	s7 =	sadd.s32 $0x400, s7;
	v3 =	vld [tilespmem:s12+$0x20]  }
0x56b: {  	s10 =	sadd.s32 s8, s7;
	v4 =	vld [tilespmem:s12+$0x30]  }
0x56c: {  	[tilespmem:s10+$0xF0] =	vst.add.f32.msk $0xffff, v0  }
0x56d: {  	v5 =	vld [tilespmem:s12+$0x40]  }
0x56e: {  	v6 =	vld [tilespmem:s12+$0x50]  }
0x56f: {  	v0 =	vld [tilespmem:s12+$0x60]  }
0x570: {  	[tilespmem:s10+$0x80] =	vst.add.f32.msk $0xffff, v1  }
.Ltmp46:
0x571: {  	[tilespmem:s10+$0x90] =	vst.add.f32.msk $0xffff, v2;
	(pc) =	sbr.rel @p0 .LBB2_95-.Ltmp46, $4  }
0x572: {  	[tilespmem:s10+$0xA0] =	vst.add.f32.msk $0xffff, v3  }
0x573: {  	[tilespmem:s10+$0xB0] =	vst.add.f32.msk $0xffff, v4  }
0x574: {  	[tilespmem:s10+$0xC0] =	vst.add.f32.msk $0xffff, v5  }
0x575: {  	s9 =	sadd.s32 $0x400, s9;
	[tilespmem:s10+$0xD0] =	vst.add.f32.msk $0xffff, v6  }
0x576: {  	p0 =	slt.u32 s4, $0xE  }
.Ltmp47:
0x577: {  	_ = 	snop;
	(pc) =	sbr.rel @p0 .LBB2_92-.Ltmp47, $3  }
0x578: {  	_ =	sdelay $0x1  }
0x579: {  	s7 =	sadd.s32 $0x2, s4  }
0x57a: {  	[tilespmem:s10+$0xE0] =	vst.add.f32.msk $0xffff, v0;
	s6 =	sadd.s32 $0x1, s6;
	s5 =	sadd.s32 $0x800, s5;
	s4 =	smov.u32 s7  }
0x57b: {  	s5 =	sld [smem:$0x7D5];
	_ =	sdelay $0x1  }
0x57c: {  	s4 =	simm.s32 $0x0;
	s13 =	sld [smem:$0x7DF]  }
0x57d: {  	[hbm4b:s5+s4] =	stream.linear.scatter [tilespmem:s4], [sflag:$0x6], $0x4000, $0x38;
	[tilespmem:$0x1C000] =	vst v63  }
0x57e: {  	_ = 	snop  }
0x57f: {  	[tilespmem:s16], [sflag:$0xC] =	stream.linear.gather [hbm4b:s13+s4], $0x4000, $0x38;
	[tilespmem:$0x1C000] =	vst v63  }
0x580: {  	_ =	swait.ge [sflag:s0], $0x4000  }
0x581: {  	s14 =	sld [smem:$0x7DB]  }
0x582: {  	[sflag:s0] =	ssyncset.done $0x0  }
0x583: {  	[sflag:s0] =	ssyncadd.s32 $0xFFFFC000  }
0x584: {  	[tilespmem:s21], [sflag:$0x4] =	stream.linear.gather [hbm4b:s14+s4], $0x4000, $0x38;
	[tilespmem:$0x1C000] =	vst v63  }
0x585: {  	_ =	swait.ge [sflag:s19], $0x4000  }
0x586: {  	[sflag:s19] =	ssyncset.done $0x0  }
0x587: {  	[sflag:s19] =	ssyncadd.s32 $0xFFFFC000  }
0x588: {  	_ =	swait.ge [sflag:s22], $0x4000  }
0x589: {  	[sflag:s22] =	ssyncset.done $0x0  }
0x58a: {  	s6 =	simm.s32 $0x0;
	s5 =	simm.s32 $0x0;
	[sflag:s22] =	ssyncadd.s32 $0xFFFFC000  }
.LBB2_98:
0x58b: {  	s7 =	sshll.u32 s6, $0xA  }
0x58c: {  	s9 =	sand.u32 $0x3FFFE000, s5;
	s7 =	sand.u32 $0xC00, s7  }
0x58d: {  	s10 =	sadd.s32 $0x14040, s9;
	s7 =	sshrl.u32 s7, $0x2  }
0x58e: {  	s12 =	sadd.s32 s7, s10  }
0x58f: {  	v0 =	vld [tilespmem:s12+$0x30]  }
0x590: {  	v2 =	vld [tilespmem:s12+$0xFFFFFFC0]  }
0x591: {  	v3 =	vld [tilespmem:s12+$0xFFFFFFD0]  }
0x592: {  	v4 =	vld [tilespmem:s12+$0xFFFFFFE0]  }
0x593: {  	v5 =	vld [tilespmem:s12+$0xFFFFFFF0]  }
0x594: {  	s8 =	sadd.s32 $0x4000, s9;
	v6 =	vld [tilespmem:s12+$0x0]  }
0x595: {  	s11 =	sadd.s32 s7, s8;
	v1 =	vld [tilespmem:s12+$0x10]  }
0x596: {  	[tilespmem:s11+$0x70] =	vst.add.f32.msk $0xffff, v0  }
0x597: {  	v0 =	vld [tilespmem:s12+$0x20]  }
0x598: {  	[tilespmem:s11+$0x0] =	vst.add.f32.msk $0xffff, v2  }
0x599: {  	[tilespmem:s11+$0x10] =	vst.add.f32.msk $0xffff, v3  }
0x59a: {  	[tilespmem:s11+$0x20] =	vst.add.f32.msk $0xffff, v4  }
0x59b: {  	[tilespmem:s11+$0x30] =	vst.add.f32.msk $0xffff, v5  }
0x59c: {  	s9 =	sadd.s32 $0x14080, s9;
	s13 =	smov.u32 s8;
	s12 =	simm.s32 $0x0;
	[tilespmem:s11+$0x40] =	vst.add.f32.msk $0xffff, v6  }
.LBB2_99:
0x59d: {  	s12 =	sadd.s32 $0x80, s12;
	[tilespmem:s11+$0x50] =	vst.add.f32.msk $0xffff, v1;
	s10 =	sadd.s32 $0x400, s10  }
0x59e: {  	s14 =	sadd.s32 s7, s10;
	p0 =	slt.u32 s12, $0x380;
	[tilespmem:s11+$0x60] =	vst.add.f32.msk $0xffff, v0  }
0x59f: {  	v0 =	vld [tilespmem:s14+$0x30]  }
0x5a0: {  	v2 =	vld [tilespmem:s14+$0xFFFFFFC0]  }
0x5a1: {  	v3 =	vld [tilespmem:s14+$0xFFFFFFD0]  }
0x5a2: {  	s13 =	sadd.s32 $0x400, s13;
	v4 =	vld [tilespmem:s14+$0xFFFFFFE0]  }
0x5a3: {  	s11 =	sadd.s32 s7, s13;
	v5 =	vld [tilespmem:s14+$0xFFFFFFF0]  }
0x5a4: {  	[tilespmem:s11+$0x70] =	vst.add.f32.msk $0xffff, v0  }
0x5a5: {  	v6 =	vld [tilespmem:s14+$0x0]  }
0x5a6: {  	v1 =	vld [tilespmem:s14+$0x10]  }
0x5a7: {  	v0 =	vld [tilespmem:s14+$0x20]  }
.Ltmp48:
0x5a8: {  	[tilespmem:s11+$0x0] =	vst.add.f32.msk $0xffff, v2;
	(pc) =	sbr.rel @p0 .LBB2_99-.Ltmp48, $4  }
0x5a9: {  	[tilespmem:s11+$0x10] =	vst.add.f32.msk $0xffff, v3  }
0x5aa: {  	[tilespmem:s11+$0x20] =	vst.add.f32.msk $0xffff, v4  }
0x5ab: {  	[tilespmem:s11+$0x30] =	vst.add.f32.msk $0xffff, v5  }
0x5ac: {  	[tilespmem:s11+$0x40] =	vst.add.f32.msk $0xffff, v6  }
0x5ad: {  	[tilespmem:s11+$0x50] =	vst.add.f32.msk $0xffff, v1  }
0x5ae: {  	[tilespmem:s11+$0x60] =	vst.add.f32.msk $0xffff, v0;
	s14 =	sadd.s32 s7, s9  }
0x5af: {  	v0 =	vld [tilespmem:s14+$0x70]  }
0x5b0: {  	v1 =	vld [tilespmem:s14+$0x0]  }
0x5b1: {  	v2 =	vld [tilespmem:s14+$0x10]  }
0x5b2: {  	v3 =	vld [tilespmem:s14+$0x20]  }
0x5b3: {  	v4 =	vld [tilespmem:s14+$0x30]  }
0x5b4: {  	v5 =	vld [tilespmem:s14+$0x40]  }
0x5b5: {  	s10 =	sadd.s32 s7, s8;
	v6 =	vld [tilespmem:s14+$0x50]  }
0x5b6: {  	[tilespmem:s10+$0xF0] =	vst.add.f32.msk $0xffff, v0  }
0x5b7: {  	v0 =	vld [tilespmem:s14+$0x60]  }
0x5b8: {  	[tilespmem:s10+$0x80] =	vst.add.f32.msk $0xffff, v1  }
0x5b9: {  	[tilespmem:s10+$0x90] =	vst.add.f32.msk $0xffff, v2  }
0x5ba: {  	[tilespmem:s10+$0xA0] =	vst.add.f32.msk $0xffff, v3  }
0x5bb: {  	[tilespmem:s10+$0xB0] =	vst.add.f32.msk $0xffff, v4  }
0x5bc: {  	[tilespmem:s10+$0xC0] =	vst.add.f32.msk $0xffff, v5  }
0x5bd: {  	s11 =	simm.s32 $0x0;
	s9 =	sadd.s32 $0x400, s9;
	[tilespmem:s10+$0xD0] =	vst.add.f32.msk $0xffff, v6  }
.LBB2_101:
0x5be: {  	s12 =	sadd.s32 s7, s9;
	s11 =	sadd.s32 $0x80, s11;
	[tilespmem:s10+$0xE0] =	vst.add.f32.msk $0xffff, v0  }
0x5bf: {  	v0 =	vld [tilespmem:s12+$0x70];
	p0 =	slt.u32 s11, $0x380  }
0x5c0: {  	v1 =	vld [tilespmem:s12+$0x0]  }
0x5c1: {  	v2 =	vld [tilespmem:s12+$0x10]  }
0x5c2: {  	s8 =	sadd.s32 $0x400, s8;
	v3 =	vld [tilespmem:s12+$0x20]  }
0x5c3: {  	s10 =	sadd.s32 s7, s8;
	v4 =	vld [tilespmem:s12+$0x30]  }
0x5c4: {  	[tilespmem:s10+$0xF0] =	vst.add.f32.msk $0xffff, v0  }
0x5c5: {  	v5 =	vld [tilespmem:s12+$0x40]  }
0x5c6: {  	v6 =	vld [tilespmem:s12+$0x50]  }
0x5c7: {  	v0 =	vld [tilespmem:s12+$0x60]  }
0x5c8: {  	[tilespmem:s10+$0x80] =	vst.add.f32.msk $0xffff, v1  }
.Ltmp49:
0x5c9: {  	[tilespmem:s10+$0x90] =	vst.add.f32.msk $0xffff, v2;
	(pc) =	sbr.rel @p0 .LBB2_101-.Ltmp49, $4  }
0x5ca: {  	[tilespmem:s10+$0xA0] =	vst.add.f32.msk $0xffff, v3  }
0x5cb: {  	[tilespmem:s10+$0xB0] =	vst.add.f32.msk $0xffff, v4  }
0x5cc: {  	[tilespmem:s10+$0xC0] =	vst.add.f32.msk $0xffff, v5  }
0x5cd: {  	s9 =	sadd.s32 $0x400, s9;
	[tilespmem:s10+$0xD0] =	vst.add.f32.msk $0xffff, v6  }
0x5ce: {  	p0 =	slt.u32 s4, $0xE  }
.Ltmp50:
0x5cf: {  	_ = 	snop;
	(pc) =	sbr.rel @p0 .LBB2_98-.Ltmp50, $3  }
0x5d0: {  	_ =	sdelay $0x1  }
0x5d1: {  	s7 =	sadd.s32 $0x2, s4  }
0x5d2: {  	[tilespmem:s10+$0xE0] =	vst.add.f32.msk $0xffff, v0;
	s6 =	sadd.s32 $0x1, s6;
	s5 =	sadd.s32 $0x800, s5;
	s4 =	smov.u32 s7  }
0x5d3: {  	s5 =	sld [smem:$0x7D8];
	_ =	sdelay $0x1  }
0x5d4: {  	s4 =	simm.s32 $0x0  }
0x5d5: {  	[hbm4b:s5+s4] =	stream.linear.scatter [tilespmem:s17], [sflag:$0x7], $0x4000, $0x38;
	[tilespmem:$0x1C000] =	vst v63  }
0x5d6: {  	_ =	swait.ge [sflag:s2], $0x4000  }
0x5d7: {  	s14 =	sld [smem:$0x7DD]  }
0x5d8: {  	[sflag:s2] =	ssyncset.done $0x0  }
0x5d9: {  	[sflag:s2] =	ssyncadd.s32 $0xFFFFC000  }
0x5da: {  	[tilespmem:s23], [sflag:$0x5] =	stream.linear.gather [hbm4b:s14+s4], $0x4000, $0x38;
	[tilespmem:$0x1C000] =	vst v63  }
0x5db: {  	_ =	swait.ge [sflag:s24], $0x4000  }
0x5dc: {  	[sflag:s24] =	ssyncset.done $0x0  }
0x5dd: {  	s6 =	simm.s32 $0x0;
	s5 =	simm.s32 $0x0;
	[sflag:s24] =	ssyncadd.s32 $0xFFFFC000  }
.LBB2_104:
0x5de: {  	s7 =	sshll.u32 s6, $0xA  }
0x5df: {  	s9 =	sand.u32 $0x3FFFE000, s5;
	s7 =	sand.u32 $0xC00, s7  }
0x5e0: {  	s10 =	sadd.s32 $0x14040, s9;
	s7 =	sshrl.u32 s7, $0x2  }
0x5e1: {  	s12 =	sadd.s32 s7, s10  }
0x5e2: {  	v0 =	vld [tilespmem:s12+$0x30]  }
0x5e3: {  	v2 =	vld [tilespmem:s12+$0xFFFFFFC0]  }
0x5e4: {  	v3 =	vld [tilespmem:s12+$0xFFFFFFD0]  }
0x5e5: {  	v4 =	vld [tilespmem:s12+$0xFFFFFFE0]  }
0x5e6: {  	v5 =	vld [tilespmem:s12+$0xFFFFFFF0]  }
0x5e7: {  	s8 =	sadd.s32 $0x8000, s9;
	v6 =	vld [tilespmem:s12+$0x0]  }
0x5e8: {  	s11 =	sadd.s32 s7, s8;
	v1 =	vld [tilespmem:s12+$0x10]  }
0x5e9: {  	[tilespmem:s11+$0x70] =	vst.add.f32.msk $0xffff, v0  }
0x5ea: {  	v0 =	vld [tilespmem:s12+$0x20]  }
0x5eb: {  	[tilespmem:s11+$0x0] =	vst.add.f32.msk $0xffff, v2  }
0x5ec: {  	[tilespmem:s11+$0x10] =	vst.add.f32.msk $0xffff, v3  }
0x5ed: {  	[tilespmem:s11+$0x20] =	vst.add.f32.msk $0xffff, v4  }
0x5ee: {  	[tilespmem:s11+$0x30] =	vst.add.f32.msk $0xffff, v5  }
0x5ef: {  	s9 =	sadd.s32 $0x14080, s9;
	s13 =	smov.u32 s8;
	s12 =	simm.s32 $0x0;
	[tilespmem:s11+$0x40] =	vst.add.f32.msk $0xffff, v6  }
.LBB2_105:
0x5f0: {  	s12 =	sadd.s32 $0x80, s12;
	[tilespmem:s11+$0x50] =	vst.add.f32.msk $0xffff, v1;
	s10 =	sadd.s32 $0x400, s10  }
0x5f1: {  	s14 =	sadd.s32 s7, s10;
	p0 =	slt.u32 s12, $0x380;
	[tilespmem:s11+$0x60] =	vst.add.f32.msk $0xffff, v0  }
0x5f2: {  	v0 =	vld [tilespmem:s14+$0x30]  }
0x5f3: {  	v2 =	vld [tilespmem:s14+$0xFFFFFFC0]  }
0x5f4: {  	v3 =	vld [tilespmem:s14+$0xFFFFFFD0]  }
0x5f5: {  	s13 =	sadd.s32 $0x400, s13;
	v4 =	vld [tilespmem:s14+$0xFFFFFFE0]  }
0x5f6: {  	s11 =	sadd.s32 s7, s13;
	v5 =	vld [tilespmem:s14+$0xFFFFFFF0]  }
0x5f7: {  	[tilespmem:s11+$0x70] =	vst.add.f32.msk $0xffff, v0  }
0x5f8: {  	v6 =	vld [tilespmem:s14+$0x0]  }
0x5f9: {  	v1 =	vld [tilespmem:s14+$0x10]  }
0x5fa: {  	v0 =	vld [tilespmem:s14+$0x20]  }
.Ltmp51:
0x5fb: {  	[tilespmem:s11+$0x0] =	vst.add.f32.msk $0xffff, v2;
	(pc) =	sbr.rel @p0 .LBB2_105-.Ltmp51, $4  }
0x5fc: {  	[tilespmem:s11+$0x10] =	vst.add.f32.msk $0xffff, v3  }
0x5fd: {  	[tilespmem:s11+$0x20] =	vst.add.f32.msk $0xffff, v4  }
0x5fe: {  	[tilespmem:s11+$0x30] =	vst.add.f32.msk $0xffff, v5  }
0x5ff: {  	[tilespmem:s11+$0x40] =	vst.add.f32.msk $0xffff, v6  }
0x600: {  	[tilespmem:s11+$0x50] =	vst.add.f32.msk $0xffff, v1  }
0x601: {  	[tilespmem:s11+$0x60] =	vst.add.f32.msk $0xffff, v0;
	s14 =	sadd.s32 s7, s9  }
0x602: {  	v0 =	vld [tilespmem:s14+$0x70]  }
0x603: {  	v1 =	vld [tilespmem:s14+$0x0]  }
0x604: {  	v2 =	vld [tilespmem:s14+$0x10]  }
0x605: {  	v3 =	vld [tilespmem:s14+$0x20]  }
0x606: {  	v4 =	vld [tilespmem:s14+$0x30]  }
0x607: {  	v5 =	vld [tilespmem:s14+$0x40]  }
0x608: {  	s10 =	sadd.s32 s7, s8;
	v6 =	vld [tilespmem:s14+$0x50]  }
0x609: {  	[tilespmem:s10+$0xF0] =	vst.add.f32.msk $0xffff, v0  }
0x60a: {  	v0 =	vld [tilespmem:s14+$0x60]  }
0x60b: {  	[tilespmem:s10+$0x80] =	vst.add.f32.msk $0xffff, v1  }
0x60c: {  	[tilespmem:s10+$0x90] =	vst.add.f32.msk $0xffff, v2  }
0x60d: {  	[tilespmem:s10+$0xA0] =	vst.add.f32.msk $0xffff, v3  }
0x60e: {  	[tilespmem:s10+$0xB0] =	vst.add.f32.msk $0xffff, v4  }
0x60f: {  	[tilespmem:s10+$0xC0] =	vst.add.f32.msk $0xffff, v5  }
0x610: {  	s11 =	simm.s32 $0x0;
	s9 =	sadd.s32 $0x400, s9;
	[tilespmem:s10+$0xD0] =	vst.add.f32.msk $0xffff, v6  }
.LBB2_107:
0x611: {  	s12 =	sadd.s32 s7, s9;
	s11 =	sadd.s32 $0x80, s11;
	[tilespmem:s10+$0xE0] =	vst.add.f32.msk $0xffff, v0  }
0x612: {  	v0 =	vld [tilespmem:s12+$0x70];
	p0 =	slt.u32 s11, $0x380  }
0x613: {  	v1 =	vld [tilespmem:s12+$0x0]  }
0x614: {  	v2 =	vld [tilespmem:s12+$0x10]  }
0x615: {  	s8 =	sadd.s32 $0x400, s8;
	v3 =	vld [tilespmem:s12+$0x20]  }
0x616: {  	s10 =	sadd.s32 s7, s8;
	v4 =	vld [tilespmem:s12+$0x30]  }
0x617: {  	[tilespmem:s10+$0xF0] =	vst.add.f32.msk $0xffff, v0  }
0x618: {  	v5 =	vld [tilespmem:s12+$0x40]  }
0x619: {  	v6 =	vld [tilespmem:s12+$0x50]  }
0x61a: {  	v0 =	vld [tilespmem:s12+$0x60]  }
0x61b: {  	[tilespmem:s10+$0x80] =	vst.add.f32.msk $0xffff, v1  }
.Ltmp52:
0x61c: {  	[tilespmem:s10+$0x90] =	vst.add.f32.msk $0xffff, v2;
	(pc) =	sbr.rel @p0 .LBB2_107-.Ltmp52, $4  }
0x61d: {  	[tilespmem:s10+$0xA0] =	vst.add.f32.msk $0xffff, v3  }
0x61e: {  	[tilespmem:s10+$0xB0] =	vst.add.f32.msk $0xffff, v4  }
0x61f: {  	[tilespmem:s10+$0xC0] =	vst.add.f32.msk $0xffff, v5  }
0x620: {  	s9 =	sadd.s32 $0x400, s9;
	[tilespmem:s10+$0xD0] =	vst.add.f32.msk $0xffff, v6  }
0x621: {  	p0 =	slt.u32 s4, $0xE  }
.Ltmp53:
0x622: {  	_ = 	snop;
	(pc) =	sbr.rel @p0 .LBB2_104-.Ltmp53, $3  }
0x623: {  	_ =	sdelay $0x1  }
0x624: {  	s7 =	sadd.s32 $0x2, s4  }
0x625: {  	[tilespmem:s10+$0xE0] =	vst.add.f32.msk $0xffff, v0;
	s6 =	sadd.s32 $0x1, s6;
	s5 =	sadd.s32 $0x800, s5;
	s4 =	smov.u32 s7  }
0x626: {  	s5 =	sld [smem:$0x7DA];
	_ =	sdelay $0x1  }
0x627: {  	s4 =	simm.s32 $0x0  }
0x628: {  	[hbm4b:s5+s4] =	stream.linear.scatter [tilespmem:s18], [sflag:$0x8], $0x4000, $0x38;
	[tilespmem:$0x1C000] =	vst v63  }
0x629: {  	_ =	swait.ge [sflag:s25], $0x4000  }
0x62a: {  	s14 =	sld [smem:$0x7E0]  }
0x62b: {  	[sflag:s25] =	ssyncset.done $0x0  }
0x62c: {  	[sflag:s25] =	ssyncadd.s32 $0xFFFFC000  }
0x62d: {  	[tilespmem:s4], [sflag:$0x1] =	stream.linear.gather [hbm4b:s14+s4], $0x4000, $0x38;
	[tilespmem:$0x1C000] =	vst v63  }
0x62e: {  	_ =	swait.ge [sflag:s26], $0x4000  }
0x62f: {  	[sflag:s26] =	ssyncset.done $0x0  }
0x630: {  	s6 =	simm.s32 $0x0;
	s5 =	simm.s32 $0x0;
	[sflag:s26] =	ssyncadd.s32 $0xFFFFC000  }
.LBB2_110:
0x631: {  	s7 =	sshll.u32 s6, $0xA  }
0x632: {  	s9 =	sand.u32 $0x3FFFE000, s5;
	s7 =	sand.u32 $0xC00, s7  }
0x633: {  	s10 =	sadd.s32 $0x14040, s9;
	s7 =	sshrl.u32 s7, $0x2  }
0x634: {  	s12 =	sadd.s32 s7, s10  }
0x635: {  	v0 =	vld [tilespmem:s12+$0x30]  }
0x636: {  	v2 =	vld [tilespmem:s12+$0xFFFFFFC0]  }
0x637: {  	v3 =	vld [tilespmem:s12+$0xFFFFFFD0]  }
0x638: {  	v4 =	vld [tilespmem:s12+$0xFFFFFFE0]  }
0x639: {  	v5 =	vld [tilespmem:s12+$0xFFFFFFF0]  }
0x63a: {  	s8 =	sadd.s32 $0xC000, s9;
	v6 =	vld [tilespmem:s12+$0x0]  }
0x63b: {  	s11 =	sadd.s32 s7, s8;
	v1 =	vld [tilespmem:s12+$0x10]  }
0x63c: {  	[tilespmem:s11+$0x70] =	vst.add.f32.msk $0xffff, v0  }
0x63d: {  	v0 =	vld [tilespmem:s12+$0x20]  }
0x63e: {  	[tilespmem:s11+$0x0] =	vst.add.f32.msk $0xffff, v2  }
0x63f: {  	[tilespmem:s11+$0x10] =	vst.add.f32.msk $0xffff, v3  }
0x640: {  	[tilespmem:s11+$0x20] =	vst.add.f32.msk $0xffff, v4  }
0x641: {  	[tilespmem:s11+$0x30] =	vst.add.f32.msk $0xffff, v5  }
0x642: {  	s9 =	sadd.s32 $0x14080, s9;
	s13 =	smov.u32 s8;
	s12 =	simm.s32 $0x0;
	[tilespmem:s11+$0x40] =	vst.add.f32.msk $0xffff, v6  }
.LBB2_111:
0x643: {  	s12 =	sadd.s32 $0x80, s12;
	[tilespmem:s11+$0x50] =	vst.add.f32.msk $0xffff, v1;
	s10 =	sadd.s32 $0x400, s10  }
0x644: {  	s14 =	sadd.s32 s7, s10;
	p0 =	slt.u32 s12, $0x380;
	[tilespmem:s11+$0x60] =	vst.add.f32.msk $0xffff, v0  }
0x645: {  	v0 =	vld [tilespmem:s14+$0x30]  }
0x646: {  	v2 =	vld [tilespmem:s14+$0xFFFFFFC0]  }
0x647: {  	v3 =	vld [tilespmem:s14+$0xFFFFFFD0]  }
0x648: {  	s13 =	sadd.s32 $0x400, s13;
	v4 =	vld [tilespmem:s14+$0xFFFFFFE0]  }
0x649: {  	s11 =	sadd.s32 s7, s13;
	v5 =	vld [tilespmem:s14+$0xFFFFFFF0]  }
0x64a: {  	[tilespmem:s11+$0x70] =	vst.add.f32.msk $0xffff, v0  }
0x64b: {  	v6 =	vld [tilespmem:s14+$0x0]  }
0x64c: {  	v1 =	vld [tilespmem:s14+$0x10]  }
0x64d: {  	v0 =	vld [tilespmem:s14+$0x20]  }
.Ltmp54:
0x64e: {  	[tilespmem:s11+$0x0] =	vst.add.f32.msk $0xffff, v2;
	(pc) =	sbr.rel @p0 .LBB2_111-.Ltmp54, $4  }
0x64f: {  	[tilespmem:s11+$0x10] =	vst.add.f32.msk $0xffff, v3  }
0x650: {  	[tilespmem:s11+$0x20] =	vst.add.f32.msk $0xffff, v4  }
0x651: {  	[tilespmem:s11+$0x30] =	vst.add.f32.msk $0xffff, v5  }
0x652: {  	[tilespmem:s11+$0x40] =	vst.add.f32.msk $0xffff, v6  }
0x653: {  	[tilespmem:s11+$0x50] =	vst.add.f32.msk $0xffff, v1  }
0x654: {  	[tilespmem:s11+$0x60] =	vst.add.f32.msk $0xffff, v0;
	s14 =	sadd.s32 s7, s9  }
0x655: {  	v0 =	vld [tilespmem:s14+$0x70]  }
0x656: {  	v1 =	vld [tilespmem:s14+$0x0]  }
0x657: {  	v2 =	vld [tilespmem:s14+$0x10]  }
0x658: {  	v3 =	vld [tilespmem:s14+$0x20]  }
0x659: {  	v4 =	vld [tilespmem:s14+$0x30]  }
0x65a: {  	v5 =	vld [tilespmem:s14+$0x40]  }
0x65b: {  	s10 =	sadd.s32 s7, s8;
	v6 =	vld [tilespmem:s14+$0x50]  }
0x65c: {  	[tilespmem:s10+$0xF0] =	vst.add.f32.msk $0xffff, v0  }
0x65d: {  	v0 =	vld [tilespmem:s14+$0x60]  }
0x65e: {  	[tilespmem:s10+$0x80] =	vst.add.f32.msk $0xffff, v1  }
0x65f: {  	[tilespmem:s10+$0x90] =	vst.add.f32.msk $0xffff, v2  }
0x660: {  	[tilespmem:s10+$0xA0] =	vst.add.f32.msk $0xffff, v3  }
0x661: {  	[tilespmem:s10+$0xB0] =	vst.add.f32.msk $0xffff, v4  }
0x662: {  	[tilespmem:s10+$0xC0] =	vst.add.f32.msk $0xffff, v5  }
0x663: {  	s11 =	simm.s32 $0x0;
	s9 =	sadd.s32 $0x400, s9;
	[tilespmem:s10+$0xD0] =	vst.add.f32.msk $0xffff, v6  }
.LBB2_113:
0x664: {  	s12 =	sadd.s32 s7, s9;
	s11 =	sadd.s32 $0x80, s11;
	[tilespmem:s10+$0xE0] =	vst.add.f32.msk $0xffff, v0  }
0x665: {  	v0 =	vld [tilespmem:s12+$0x70];
	p0 =	slt.u32 s11, $0x380  }
0x666: {  	v1 =	vld [tilespmem:s12+$0x0]  }
0x667: {  	v2 =	vld [tilespmem:s12+$0x10]  }
0x668: {  	s8 =	sadd.s32 $0x400, s8;
	v3 =	vld [tilespmem:s12+$0x20]  }
0x669: {  	s10 =	sadd.s32 s7, s8;
	v4 =	vld [tilespmem:s12+$0x30]  }
0x66a: {  	[tilespmem:s10+$0xF0] =	vst.add.f32.msk $0xffff, v0  }
0x66b: {  	v5 =	vld [tilespmem:s12+$0x40]  }
0x66c: {  	v6 =	vld [tilespmem:s12+$0x50]  }
0x66d: {  	v0 =	vld [tilespmem:s12+$0x60]  }
0x66e: {  	[tilespmem:s10+$0x80] =	vst.add.f32.msk $0xffff, v1  }
.Ltmp55:
0x66f: {  	[tilespmem:s10+$0x90] =	vst.add.f32.msk $0xffff, v2;
	(pc) =	sbr.rel @p0 .LBB2_113-.Ltmp55, $4  }
0x670: {  	[tilespmem:s10+$0xA0] =	vst.add.f32.msk $0xffff, v3  }
0x671: {  	[tilespmem:s10+$0xB0] =	vst.add.f32.msk $0xffff, v4  }
0x672: {  	[tilespmem:s10+$0xC0] =	vst.add.f32.msk $0xffff, v5  }
0x673: {  	s9 =	sadd.s32 $0x400, s9;
	[tilespmem:s10+$0xD0] =	vst.add.f32.msk $0xffff, v6  }
0x674: {  	p0 =	slt.u32 s4, $0xE  }
.Ltmp56:
0x675: {  	_ = 	snop;
	(pc) =	sbr.rel @p0 .LBB2_110-.Ltmp56, $3  }
0x676: {  	_ =	sdelay $0x1  }
0x677: {  	s7 =	sadd.s32 $0x2, s4  }
0x678: {  	[tilespmem:s10+$0xE0] =	vst.add.f32.msk $0xffff, v0;
	s6 =	sadd.s32 $0x1, s6;
	s5 =	sadd.s32 $0x800, s5;
	s4 =	smov.u32 s7  }
0x679: {  	s5 =	sld [smem:$0x7DC];
	_ =	sdelay $0x1  }
0x67a: {  	s4 =	simm.s32 $0x0  }
0x67b: {  	[hbm4b:s5+s4] =	stream.linear.scatter [tilespmem:s21], [sflag:$0x9], $0x4000, $0x38;
	[tilespmem:$0x1C000] =	vst v63  }
0x67c: {  	_ =	swait.ge [sflag:s28], $0x4000  }
0x67d: {  	s14 =	sld [smem:$0x7E2]  }
0x67e: {  	[sflag:s28] =	ssyncset.done $0x0  }
0x67f: {  	[sflag:s28] =	ssyncadd.s32 $0xFFFFC000  }
0x680: {  	[tilespmem:s17], [sflag:$0x2] =	stream.linear.gather [hbm4b:s14+s4], $0x4000, $0x38;
	[tilespmem:$0x1C000] =	vst v63  }
0x681: {  	_ =	swait.ge [sflag:s30], $0x4000  }
0x682: {  	[sflag:s30] =	ssyncset.done $0x0  }
0x683: {  	s6 =	simm.s32 $0x0;
	s5 =	simm.s32 $0x0;
	[sflag:s30] =	ssyncadd.s32 $0xFFFFC000  }
.LBB2_116:
0x684: {  	s7 =	sshll.u32 s6, $0xA  }
0x685: {  	s9 =	sand.u32 $0x3FFFE000, s5;
	s7 =	sand.u32 $0xC00, s7  }
0x686: {  	s10 =	sadd.s32 $0x14040, s9;
	s7 =	sshrl.u32 s7, $0x2  }
0x687: {  	s12 =	sadd.s32 s7, s10  }
0x688: {  	v0 =	vld [tilespmem:s12+$0x30]  }
0x689: {  	v2 =	vld [tilespmem:s12+$0xFFFFFFC0]  }
0x68a: {  	v3 =	vld [tilespmem:s12+$0xFFFFFFD0]  }
0x68b: {  	v4 =	vld [tilespmem:s12+$0xFFFFFFE0]  }
0x68c: {  	v5 =	vld [tilespmem:s12+$0xFFFFFFF0]  }
0x68d: {  	s8 =	sadd.s32 $0x10000, s9;
	v6 =	vld [tilespmem:s12+$0x0]  }
0x68e: {  	s11 =	sadd.s32 s7, s8;
	v1 =	vld [tilespmem:s12+$0x10]  }
0x68f: {  	[tilespmem:s11+$0x70] =	vst.add.f32.msk $0xffff, v0  }
0x690: {  	v0 =	vld [tilespmem:s12+$0x20]  }
0x691: {  	[tilespmem:s11+$0x0] =	vst.add.f32.msk $0xffff, v2  }
0x692: {  	[tilespmem:s11+$0x10] =	vst.add.f32.msk $0xffff, v3  }
0x693: {  	[tilespmem:s11+$0x20] =	vst.add.f32.msk $0xffff, v4  }
0x694: {  	[tilespmem:s11+$0x30] =	vst.add.f32.msk $0xffff, v5  }
0x695: {  	s9 =	sadd.s32 $0x14080, s9;
	s13 =	smov.u32 s8;
	s12 =	simm.s32 $0x0;
	[tilespmem:s11+$0x40] =	vst.add.f32.msk $0xffff, v6  }
.LBB2_117:
0x696: {  	s12 =	sadd.s32 $0x80, s12;
	[tilespmem:s11+$0x50] =	vst.add.f32.msk $0xffff, v1;
	s10 =	sadd.s32 $0x400, s10  }
0x697: {  	s14 =	sadd.s32 s7, s10;
	p0 =	slt.u32 s12, $0x380;
	[tilespmem:s11+$0x60] =	vst.add.f32.msk $0xffff, v0  }
0x698: {  	v0 =	vld [tilespmem:s14+$0x30]  }
0x699: {  	v2 =	vld [tilespmem:s14+$0xFFFFFFC0]  }
0x69a: {  	v3 =	vld [tilespmem:s14+$0xFFFFFFD0]  }
0x69b: {  	s13 =	sadd.s32 $0x400, s13;
	v4 =	vld [tilespmem:s14+$0xFFFFFFE0]  }
0x69c: {  	s11 =	sadd.s32 s7, s13;
	v5 =	vld [tilespmem:s14+$0xFFFFFFF0]  }
0x69d: {  	[tilespmem:s11+$0x70] =	vst.add.f32.msk $0xffff, v0  }
0x69e: {  	v6 =	vld [tilespmem:s14+$0x0]  }
0x69f: {  	v1 =	vld [tilespmem:s14+$0x10]  }
0x6a0: {  	v0 =	vld [tilespmem:s14+$0x20]  }
.Ltmp57:
0x6a1: {  	[tilespmem:s11+$0x0] =	vst.add.f32.msk $0xffff, v2;
	(pc) =	sbr.rel @p0 .LBB2_117-.Ltmp57, $4  }
0x6a2: {  	[tilespmem:s11+$0x10] =	vst.add.f32.msk $0xffff, v3  }
0x6a3: {  	[tilespmem:s11+$0x20] =	vst.add.f32.msk $0xffff, v4  }
0x6a4: {  	[tilespmem:s11+$0x30] =	vst.add.f32.msk $0xffff, v5  }
0x6a5: {  	[tilespmem:s11+$0x40] =	vst.add.f32.msk $0xffff, v6  }
0x6a6: {  	[tilespmem:s11+$0x50] =	vst.add.f32.msk $0xffff, v1  }
0x6a7: {  	[tilespmem:s11+$0x60] =	vst.add.f32.msk $0xffff, v0;
	s14 =	sadd.s32 s7, s9  }
0x6a8: {  	v0 =	vld [tilespmem:s14+$0x70]  }
0x6a9: {  	v1 =	vld [tilespmem:s14+$0x0]  }
0x6aa: {  	v2 =	vld [tilespmem:s14+$0x10]  }
0x6ab: {  	v3 =	vld [tilespmem:s14+$0x20]  }
0x6ac: {  	v4 =	vld [tilespmem:s14+$0x30]  }
0x6ad: {  	v5 =	vld [tilespmem:s14+$0x40]  }
0x6ae: {  	s10 =	sadd.s32 s7, s8;
	v6 =	vld [tilespmem:s14+$0x50]  }
0x6af: {  	[tilespmem:s10+$0xF0] =	vst.add.f32.msk $0xffff, v0  }
0x6b0: {  	v0 =	vld [tilespmem:s14+$0x60]  }
0x6b1: {  	[tilespmem:s10+$0x80] =	vst.add.f32.msk $0xffff, v1  }
0x6b2: {  	[tilespmem:s10+$0x90] =	vst.add.f32.msk $0xffff, v2  }
0x6b3: {  	[tilespmem:s10+$0xA0] =	vst.add.f32.msk $0xffff, v3  }
0x6b4: {  	[tilespmem:s10+$0xB0] =	vst.add.f32.msk $0xffff, v4  }
0x6b5: {  	[tilespmem:s10+$0xC0] =	vst.add.f32.msk $0xffff, v5  }
0x6b6: {  	s11 =	simm.s32 $0x0;
	s9 =	sadd.s32 $0x400, s9;
	[tilespmem:s10+$0xD0] =	vst.add.f32.msk $0xffff, v6  }
.LBB2_119:
0x6b7: {  	s12 =	sadd.s32 s7, s9;
	s11 =	sadd.s32 $0x80, s11;
	[tilespmem:s10+$0xE0] =	vst.add.f32.msk $0xffff, v0  }
0x6b8: {  	v0 =	vld [tilespmem:s12+$0x70];
	p0 =	slt.u32 s11, $0x380  }
0x6b9: {  	v1 =	vld [tilespmem:s12+$0x0]  }
0x6ba: {  	v2 =	vld [tilespmem:s12+$0x10]  }
0x6bb: {  	s8 =	sadd.s32 $0x400, s8;
	v3 =	vld [tilespmem:s12+$0x20]  }
0x6bc: {  	s10 =	sadd.s32 s7, s8;
	v4 =	vld [tilespmem:s12+$0x30]  }
0x6bd: {  	[tilespmem:s10+$0xF0] =	vst.add.f32.msk $0xffff, v0  }
0x6be: {  	v5 =	vld [tilespmem:s12+$0x40]  }
0x6bf: {  	v6 =	vld [tilespmem:s12+$0x50]  }
0x6c0: {  	v0 =	vld [tilespmem:s12+$0x60]  }
0x6c1: {  	[tilespmem:s10+$0x80] =	vst.add.f32.msk $0xffff, v1  }
.Ltmp58:
0x6c2: {  	[tilespmem:s10+$0x90] =	vst.add.f32.msk $0xffff, v2;
	(pc) =	sbr.rel @p0 .LBB2_119-.Ltmp58, $4  }
0x6c3: {  	[tilespmem:s10+$0xA0] =	vst.add.f32.msk $0xffff, v3  }
0x6c4: {  	[tilespmem:s10+$0xB0] =	vst.add.f32.msk $0xffff, v4  }
0x6c5: {  	[tilespmem:s10+$0xC0] =	vst.add.f32.msk $0xffff, v5  }
0x6c6: {  	s9 =	sadd.s32 $0x400, s9;
	[tilespmem:s10+$0xD0] =	vst.add.f32.msk $0xffff, v6  }
0x6c7: {  	p0 =	slt.u32 s4, $0xE  }
.Ltmp59:
0x6c8: {  	_ = 	snop;
	(pc) =	sbr.rel @p0 .LBB2_116-.Ltmp59, $3  }
0x6c9: {  	_ =	sdelay $0x1  }
0x6ca: {  	s7 =	sadd.s32 $0x2, s4  }
0x6cb: {  	[tilespmem:s10+$0xE0] =	vst.add.f32.msk $0xffff, v0;
	s6 =	sadd.s32 $0x1, s6;
	s5 =	sadd.s32 $0x800, s5;
	s4 =	smov.u32 s7  }
0x6cc: {  	s5 =	sld [smem:$0x7DE];
	_ =	sdelay $0x1  }
0x6cd: {  	s4 =	simm.s32 $0x0;
	s13 =	sld [smem:$0x7E9]  }
0x6ce: {  	[hbm4b:s5+s4] =	stream.linear.scatter [tilespmem:s23], [sflag:$0xA], $0x4000, $0x38;
	[tilespmem:$0x1C000] =	vst v63  }
0x6cf: {  	_ = 	snop  }
0x6d0: {  	[tilespmem:s15], [sflag:$0xB] =	stream.linear.gather [hbm4b:s13+s4], $0x4000, $0x38;
	[tilespmem:$0x1C000] =	vst v63  }
0x6d1: {  	_ =	swait.ge [sflag:s31], $0x4000  }
0x6d2: {  	s14 =	sld [smem:$0x7E4]  }
0x6d3: {  	[sflag:s31] =	ssyncset.done $0x0  }
0x6d4: {  	[sflag:s31] =	ssyncadd.s32 $0xFFFFC000  }
0x6d5: {  	[tilespmem:s18], [sflag:$0x3] =	stream.linear.gather [hbm4b:s14+s4], $0x4000, $0x38;
	[tilespmem:$0x1C000] =	vst v63  }
0x6d6: {  	_ =	swait.ge [sflag:s29], $0x4000  }
0x6d7: {  	[sflag:s29] =	ssyncset.done $0x0  }
0x6d8: {  	[sflag:s29] =	ssyncadd.s32 $0xFFFFC000  }
0x6d9: {  	_ =	swait.ge [sflag:s20], $0x4000  }
0x6da: {  	[sflag:s20] =	ssyncset.done $0x0  }
0x6db: {  	s6 =	simm.s32 $0x0;
	s5 =	simm.s32 $0x0;
	[sflag:s20] =	ssyncadd.s32 $0xFFFFC000  }
.LBB2_122:
0x6dc: {  	s7 =	sshll.u32 s6, $0xA  }
0x6dd: {  	s8 =	sand.u32 $0xC00, s7;
	s7 =	sand.u32 $0x3FFFE000, s5  }
0x6de: {  	s10 =	sadd.s32 $0x18040, s7;
	s8 =	sshrl.u32 s8, $0x2  }
0x6df: {  	s9 =	sadd.s32 s8, s10  }
0x6e0: {  	v0 =	vld [tilespmem:s9+$0x30]  }
0x6e1: {  	v2 =	vld [tilespmem:s9+$0xFFFFFFC0]  }
0x6e2: {  	v3 =	vld [tilespmem:s9+$0xFFFFFFD0]  }
0x6e3: {  	v4 =	vld [tilespmem:s9+$0xFFFFFFE0]  }
0x6e4: {  	v5 =	vld [tilespmem:s9+$0xFFFFFFF0]  }
0x6e5: {  	v6 =	vld [tilespmem:s9+$0x0]  }
0x6e6: {  	s11 =	sadd.s32 s8, s7;
	v1 =	vld [tilespmem:s9+$0x10]  }
0x6e7: {  	[tilespmem:s11+$0x70] =	vst.add.f32.msk $0xffff, v0  }
0x6e8: {  	v0 =	vld [tilespmem:s9+$0x20]  }
0x6e9: {  	[tilespmem:s11+$0x0] =	vst.add.f32.msk $0xffff, v2  }
0x6ea: {  	[tilespmem:s11+$0x10] =	vst.add.f32.msk $0xffff, v3  }
0x6eb: {  	[tilespmem:s11+$0x20] =	vst.add.f32.msk $0xffff, v4  }
0x6ec: {  	[tilespmem:s11+$0x30] =	vst.add.f32.msk $0xffff, v5  }
0x6ed: {  	s12 =	simm.s32 $0x0;
	s13 =	smov.u32 s7;
	s9 =	sadd.s32 $0x18080, s7;
	[tilespmem:s11+$0x40] =	vst.add.f32.msk $0xffff, v6  }
.LBB2_123:
0x6ee: {  	s12 =	sadd.s32 $0x80, s12;
	[tilespmem:s11+$0x50] =	vst.add.f32.msk $0xffff, v1;
	s10 =	sadd.s32 $0x400, s10  }
0x6ef: {  	s14 =	sadd.s32 s8, s10;
	p0 =	slt.u32 s12, $0x380;
	[tilespmem:s11+$0x60] =	vst.add.f32.msk $0xffff, v0  }
0x6f0: {  	v0 =	vld [tilespmem:s14+$0x30]  }
0x6f1: {  	v2 =	vld [tilespmem:s14+$0xFFFFFFC0]  }
0x6f2: {  	v3 =	vld [tilespmem:s14+$0xFFFFFFD0]  }
0x6f3: {  	s13 =	sadd.s32 $0x400, s13;
	v4 =	vld [tilespmem:s14+$0xFFFFFFE0]  }
0x6f4: {  	s11 =	sadd.s32 s8, s13;
	v5 =	vld [tilespmem:s14+$0xFFFFFFF0]  }
0x6f5: {  	[tilespmem:s11+$0x70] =	vst.add.f32.msk $0xffff, v0  }
0x6f6: {  	v6 =	vld [tilespmem:s14+$0x0]  }
0x6f7: {  	v1 =	vld [tilespmem:s14+$0x10]  }
0x6f8: {  	v0 =	vld [tilespmem:s14+$0x20]  }
.Ltmp60:
0x6f9: {  	[tilespmem:s11+$0x0] =	vst.add.f32.msk $0xffff, v2;
	(pc) =	sbr.rel @p0 .LBB2_123-.Ltmp60, $4  }
0x6fa: {  	[tilespmem:s11+$0x10] =	vst.add.f32.msk $0xffff, v3  }
0x6fb: {  	[tilespmem:s11+$0x20] =	vst.add.f32.msk $0xffff, v4  }
0x6fc: {  	[tilespmem:s11+$0x30] =	vst.add.f32.msk $0xffff, v5  }
0x6fd: {  	[tilespmem:s11+$0x40] =	vst.add.f32.msk $0xffff, v6  }
0x6fe: {  	[tilespmem:s11+$0x50] =	vst.add.f32.msk $0xffff, v1  }
0x6ff: {  	[tilespmem:s11+$0x60] =	vst.add.f32.msk $0xffff, v0;
	s14 =	sadd.s32 s8, s9  }
0x700: {  	v0 =	vld [tilespmem:s14+$0x70]  }
0x701: {  	v1 =	vld [tilespmem:s14+$0x0]  }
0x702: {  	v2 =	vld [tilespmem:s14+$0x10]  }
0x703: {  	v3 =	vld [tilespmem:s14+$0x20]  }
0x704: {  	v4 =	vld [tilespmem:s14+$0x30]  }
0x705: {  	v5 =	vld [tilespmem:s14+$0x40]  }
0x706: {  	s10 =	sadd.s32 s8, s7;
	v6 =	vld [tilespmem:s14+$0x50]  }
0x707: {  	[tilespmem:s10+$0xF0] =	vst.add.f32.msk $0xffff, v0  }
0x708: {  	v0 =	vld [tilespmem:s14+$0x60]  }
0x709: {  	[tilespmem:s10+$0x80] =	vst.add.f32.msk $0xffff, v1  }
0x70a: {  	[tilespmem:s10+$0x90] =	vst.add.f32.msk $0xffff, v2  }
0x70b: {  	[tilespmem:s10+$0xA0] =	vst.add.f32.msk $0xffff, v3  }
0x70c: {  	[tilespmem:s10+$0xB0] =	vst.add.f32.msk $0xffff, v4  }
0x70d: {  	[tilespmem:s10+$0xC0] =	vst.add.f32.msk $0xffff, v5  }
0x70e: {  	s11 =	simm.s32 $0x0;
	s9 =	sadd.s32 $0x400, s9;
	[tilespmem:s10+$0xD0] =	vst.add.f32.msk $0xffff, v6  }
.LBB2_125:
0x70f: {  	s12 =	sadd.s32 s8, s9;
	s11 =	sadd.s32 $0x80, s11;
	[tilespmem:s10+$0xE0] =	vst.add.f32.msk $0xffff, v0  }
0x710: {  	v0 =	vld [tilespmem:s12+$0x70];
	p0 =	slt.u32 s11, $0x380  }
0x711: {  	v1 =	vld [tilespmem:s12+$0x0]  }
0x712: {  	v2 =	vld [tilespmem:s12+$0x10]  }
0x713: {  	s7 =	sadd.s32 $0x400, s7;
	v3 =	vld [tilespmem:s12+$0x20]  }
0x714: {  	s10 =	sadd.s32 s8, s7;
	v4 =	vld [tilespmem:s12+$0x30]  }
0x715: {  	[tilespmem:s10+$0xF0] =	vst.add.f32.msk $0xffff, v0  }
0x716: {  	v5 =	vld [tilespmem:s12+$0x40]  }
0x717: {  	v6 =	vld [tilespmem:s12+$0x50]  }
0x718: {  	v0 =	vld [tilespmem:s12+$0x60]  }
0x719: {  	[tilespmem:s10+$0x80] =	vst.add.f32.msk $0xffff, v1  }
.Ltmp61:
0x71a: {  	[tilespmem:s10+$0x90] =	vst.add.f32.msk $0xffff, v2;
	(pc) =	sbr.rel @p0 .LBB2_125-.Ltmp61, $4  }
0x71b: {  	[tilespmem:s10+$0xA0] =	vst.add.f32.msk $0xffff, v3  }
0x71c: {  	[tilespmem:s10+$0xB0] =	vst.add.f32.msk $0xffff, v4  }
0x71d: {  	[tilespmem:s10+$0xC0] =	vst.add.f32.msk $0xffff, v5  }
0x71e: {  	s9 =	sadd.s32 $0x400, s9;
	[tilespmem:s10+$0xD0] =	vst.add.f32.msk $0xffff, v6  }
0x71f: {  	p0 =	slt.u32 s4, $0xE  }
.Ltmp62:
0x720: {  	_ = 	snop;
	(pc) =	sbr.rel @p0 .LBB2_122-.Ltmp62, $3  }
0x721: {  	_ =	sdelay $0x1  }
0x722: {  	s7 =	sadd.s32 $0x2, s4  }
0x723: {  	[tilespmem:s10+$0xE0] =	vst.add.f32.msk $0xffff, v0;
	s6 =	sadd.s32 $0x1, s6;
	s5 =	sadd.s32 $0x800, s5;
	s4 =	smov.u32 s7  }
0x724: {  	s5 =	sld [smem:$0x7E1];
	_ =	sdelay $0x1  }
0x725: {  	s4 =	simm.s32 $0x0  }
0x726: {  	[hbm4b:s5+s4] =	stream.linear.scatter [tilespmem:s4], [sflag:$0x6], $0x4000, $0x38;
	[tilespmem:$0x1C000] =	vst v63  }
0x727: {  	_ =	swait.ge [sflag:s0], $0x4000  }
0x728: {  	s14 =	sld [smem:$0x7E6]  }
0x729: {  	[sflag:s0] =	ssyncset.done $0x0  }
0x72a: {  	[sflag:s0] =	ssyncadd.s32 $0xFFFFC000  }
0x72b: {  	[tilespmem:s21], [sflag:$0x4] =	stream.linear.gather [hbm4b:s14+s4], $0x4000, $0x38;
	[tilespmem:$0x1C000] =	vst v63  }
0x72c: {  	_ =	swait.ge [sflag:s22], $0x4000  }
0x72d: {  	[sflag:s22] =	ssyncset.done $0x0  }
0x72e: {  	s6 =	simm.s32 $0x0;
	s5 =	simm.s32 $0x0;
	[sflag:s22] =	ssyncadd.s32 $0xFFFFC000  }
.LBB2_128:
0x72f: {  	s7 =	sshll.u32 s6, $0xA  }
0x730: {  	s9 =	sand.u32 $0x3FFFE000, s5;
	s7 =	sand.u32 $0xC00, s7  }
0x731: {  	s10 =	sadd.s32 $0x18040, s9;
	s7 =	sshrl.u32 s7, $0x2  }
0x732: {  	s12 =	sadd.s32 s7, s10  }
0x733: {  	v0 =	vld [tilespmem:s12+$0x30]  }
0x734: {  	v2 =	vld [tilespmem:s12+$0xFFFFFFC0]  }
0x735: {  	v3 =	vld [tilespmem:s12+$0xFFFFFFD0]  }
0x736: {  	v4 =	vld [tilespmem:s12+$0xFFFFFFE0]  }
0x737: {  	v5 =	vld [tilespmem:s12+$0xFFFFFFF0]  }
0x738: {  	s8 =	sadd.s32 $0x4000, s9;
	v6 =	vld [tilespmem:s12+$0x0]  }
0x739: {  	s11 =	sadd.s32 s7, s8;
	v1 =	vld [tilespmem:s12+$0x10]  }
0x73a: {  	[tilespmem:s11+$0x70] =	vst.add.f32.msk $0xffff, v0  }
0x73b: {  	v0 =	vld [tilespmem:s12+$0x20]  }
0x73c: {  	[tilespmem:s11+$0x0] =	vst.add.f32.msk $0xffff, v2  }
0x73d: {  	[tilespmem:s11+$0x10] =	vst.add.f32.msk $0xffff, v3  }
0x73e: {  	[tilespmem:s11+$0x20] =	vst.add.f32.msk $0xffff, v4  }
0x73f: {  	[tilespmem:s11+$0x30] =	vst.add.f32.msk $0xffff, v5  }
0x740: {  	s9 =	sadd.s32 $0x18080, s9;
	s13 =	smov.u32 s8;
	s12 =	simm.s32 $0x0;
	[tilespmem:s11+$0x40] =	vst.add.f32.msk $0xffff, v6  }
.LBB2_129:
0x741: {  	s12 =	sadd.s32 $0x80, s12;
	[tilespmem:s11+$0x50] =	vst.add.f32.msk $0xffff, v1;
	s10 =	sadd.s32 $0x400, s10  }
0x742: {  	s14 =	sadd.s32 s7, s10;
	p0 =	slt.u32 s12, $0x380;
	[tilespmem:s11+$0x60] =	vst.add.f32.msk $0xffff, v0  }
0x743: {  	v0 =	vld [tilespmem:s14+$0x30]  }
0x744: {  	v2 =	vld [tilespmem:s14+$0xFFFFFFC0]  }
0x745: {  	v3 =	vld [tilespmem:s14+$0xFFFFFFD0]  }
0x746: {  	s13 =	sadd.s32 $0x400, s13;
	v4 =	vld [tilespmem:s14+$0xFFFFFFE0]  }
0x747: {  	s11 =	sadd.s32 s7, s13;
	v5 =	vld [tilespmem:s14+$0xFFFFFFF0]  }
0x748: {  	[tilespmem:s11+$0x70] =	vst.add.f32.msk $0xffff, v0  }
0x749: {  	v6 =	vld [tilespmem:s14+$0x0]  }
0x74a: {  	v1 =	vld [tilespmem:s14+$0x10]  }
0x74b: {  	v0 =	vld [tilespmem:s14+$0x20]  }
.Ltmp63:
0x74c: {  	[tilespmem:s11+$0x0] =	vst.add.f32.msk $0xffff, v2;
	(pc) =	sbr.rel @p0 .LBB2_129-.Ltmp63, $4  }
0x74d: {  	[tilespmem:s11+$0x10] =	vst.add.f32.msk $0xffff, v3  }
0x74e: {  	[tilespmem:s11+$0x20] =	vst.add.f32.msk $0xffff, v4  }
0x74f: {  	[tilespmem:s11+$0x30] =	vst.add.f32.msk $0xffff, v5  }
0x750: {  	[tilespmem:s11+$0x40] =	vst.add.f32.msk $0xffff, v6  }
0x751: {  	[tilespmem:s11+$0x50] =	vst.add.f32.msk $0xffff, v1  }
0x752: {  	[tilespmem:s11+$0x60] =	vst.add.f32.msk $0xffff, v0;
	s14 =	sadd.s32 s7, s9  }
0x753: {  	v0 =	vld [tilespmem:s14+$0x70]  }
0x754: {  	v1 =	vld [tilespmem:s14+$0x0]  }
0x755: {  	v2 =	vld [tilespmem:s14+$0x10]  }
0x756: {  	v3 =	vld [tilespmem:s14+$0x20]  }
0x757: {  	v4 =	vld [tilespmem:s14+$0x30]  }
0x758: {  	v5 =	vld [tilespmem:s14+$0x40]  }
0x759: {  	s10 =	sadd.s32 s7, s8;
	v6 =	vld [tilespmem:s14+$0x50]  }
0x75a: {  	[tilespmem:s10+$0xF0] =	vst.add.f32.msk $0xffff, v0  }
0x75b: {  	v0 =	vld [tilespmem:s14+$0x60]  }
0x75c: {  	[tilespmem:s10+$0x80] =	vst.add.f32.msk $0xffff, v1  }
0x75d: {  	[tilespmem:s10+$0x90] =	vst.add.f32.msk $0xffff, v2  }
0x75e: {  	[tilespmem:s10+$0xA0] =	vst.add.f32.msk $0xffff, v3  }
0x75f: {  	[tilespmem:s10+$0xB0] =	vst.add.f32.msk $0xffff, v4  }
0x760: {  	[tilespmem:s10+$0xC0] =	vst.add.f32.msk $0xffff, v5  }
0x761: {  	s11 =	simm.s32 $0x0;
	s9 =	sadd.s32 $0x400, s9;
	[tilespmem:s10+$0xD0] =	vst.add.f32.msk $0xffff, v6  }
.LBB2_131:
0x762: {  	s12 =	sadd.s32 s7, s9;
	s11 =	sadd.s32 $0x80, s11;
	[tilespmem:s10+$0xE0] =	vst.add.f32.msk $0xffff, v0  }
0x763: {  	v0 =	vld [tilespmem:s12+$0x70];
	p0 =	slt.u32 s11, $0x380  }
0x764: {  	v1 =	vld [tilespmem:s12+$0x0]  }
0x765: {  	v2 =	vld [tilespmem:s12+$0x10]  }
0x766: {  	s8 =	sadd.s32 $0x400, s8;
	v3 =	vld [tilespmem:s12+$0x20]  }
0x767: {  	s10 =	sadd.s32 s7, s8;
	v4 =	vld [tilespmem:s12+$0x30]  }
0x768: {  	[tilespmem:s10+$0xF0] =	vst.add.f32.msk $0xffff, v0  }
0x769: {  	v5 =	vld [tilespmem:s12+$0x40]  }
0x76a: {  	v6 =	vld [tilespmem:s12+$0x50]  }
0x76b: {  	v0 =	vld [tilespmem:s12+$0x60]  }
0x76c: {  	[tilespmem:s10+$0x80] =	vst.add.f32.msk $0xffff, v1  }
.Ltmp64:
0x76d: {  	[tilespmem:s10+$0x90] =	vst.add.f32.msk $0xffff, v2;
	(pc) =	sbr.rel @p0 .LBB2_131-.Ltmp64, $4  }
0x76e: {  	[tilespmem:s10+$0xA0] =	vst.add.f32.msk $0xffff, v3  }
0x76f: {  	[tilespmem:s10+$0xB0] =	vst.add.f32.msk $0xffff, v4  }
0x770: {  	[tilespmem:s10+$0xC0] =	vst.add.f32.msk $0xffff, v5  }
0x771: {  	s9 =	sadd.s32 $0x400, s9;
	[tilespmem:s10+$0xD0] =	vst.add.f32.msk $0xffff, v6  }
0x772: {  	p0 =	slt.u32 s4, $0xE  }
.Ltmp65:
0x773: {  	_ = 	snop;
	(pc) =	sbr.rel @p0 .LBB2_128-.Ltmp65, $3  }
0x774: {  	_ =	sdelay $0x1  }
0x775: {  	s7 =	sadd.s32 $0x2, s4  }
0x776: {  	[tilespmem:s10+$0xE0] =	vst.add.f32.msk $0xffff, v0;
	s6 =	sadd.s32 $0x1, s6;
	s5 =	sadd.s32 $0x800, s5;
	s4 =	smov.u32 s7  }
0x777: {  	s5 =	sld [smem:$0x7E3];
	_ =	sdelay $0x1  }
0x778: {  	s4 =	simm.s32 $0x0  }
0x779: {  	[hbm4b:s5+s4] =	stream.linear.scatter [tilespmem:s17], [sflag:$0x7], $0x4000, $0x38;
	[tilespmem:$0x1C000] =	vst v63  }
0x77a: {  	_ =	swait.ge [sflag:s2], $0x4000  }
0x77b: {  	s14 =	sld [smem:$0x7EB]  }
0x77c: {  	[sflag:s2] =	ssyncset.done $0x0  }
0x77d: {  	[sflag:s2] =	ssyncadd.s32 $0xFFFFC000  }
0x77e: {  	[tilespmem:s23], [sflag:$0x5] =	stream.linear.gather [hbm4b:s14+s4], $0x4000, $0x38;
	[tilespmem:$0x1C000] =	vst v63  }
0x77f: {  	_ =	swait.ge [sflag:s24], $0x4000  }
0x780: {  	[sflag:s24] =	ssyncset.done $0x0  }
0x781: {  	s6 =	simm.s32 $0x0;
	s5 =	simm.s32 $0x0;
	[sflag:s24] =	ssyncadd.s32 $0xFFFFC000  }
.LBB2_134:
0x782: {  	s7 =	sshll.u32 s6, $0xA  }
0x783: {  	s9 =	sand.u32 $0x3FFFE000, s5;
	s7 =	sand.u32 $0xC00, s7  }
0x784: {  	s10 =	sadd.s32 $0x18040, s9;
	s7 =	sshrl.u32 s7, $0x2  }
0x785: {  	s12 =	sadd.s32 s7, s10  }
0x786: {  	v0 =	vld [tilespmem:s12+$0x30]  }
0x787: {  	v2 =	vld [tilespmem:s12+$0xFFFFFFC0]  }
0x788: {  	v3 =	vld [tilespmem:s12+$0xFFFFFFD0]  }
0x789: {  	v4 =	vld [tilespmem:s12+$0xFFFFFFE0]  }
0x78a: {  	v5 =	vld [tilespmem:s12+$0xFFFFFFF0]  }
0x78b: {  	s8 =	sadd.s32 $0x8000, s9;
	v6 =	vld [tilespmem:s12+$0x0]  }
0x78c: {  	s11 =	sadd.s32 s7, s8;
	v1 =	vld [tilespmem:s12+$0x10]  }
0x78d: {  	[tilespmem:s11+$0x70] =	vst.add.f32.msk $0xffff, v0  }
0x78e: {  	v0 =	vld [tilespmem:s12+$0x20]  }
0x78f: {  	[tilespmem:s11+$0x0] =	vst.add.f32.msk $0xffff, v2  }
0x790: {  	[tilespmem:s11+$0x10] =	vst.add.f32.msk $0xffff, v3  }
0x791: {  	[tilespmem:s11+$0x20] =	vst.add.f32.msk $0xffff, v4  }
0x792: {  	[tilespmem:s11+$0x30] =	vst.add.f32.msk $0xffff, v5  }
0x793: {  	s9 =	sadd.s32 $0x18080, s9;
	s13 =	smov.u32 s8;
	s12 =	simm.s32 $0x0;
	[tilespmem:s11+$0x40] =	vst.add.f32.msk $0xffff, v6  }
.LBB2_135:
0x794: {  	s12 =	sadd.s32 $0x80, s12;
	[tilespmem:s11+$0x50] =	vst.add.f32.msk $0xffff, v1;
	s10 =	sadd.s32 $0x400, s10  }
0x795: {  	s14 =	sadd.s32 s7, s10;
	p0 =	slt.u32 s12, $0x380;
	[tilespmem:s11+$0x60] =	vst.add.f32.msk $0xffff, v0  }
0x796: {  	v0 =	vld [tilespmem:s14+$0x30]  }
0x797: {  	v2 =	vld [tilespmem:s14+$0xFFFFFFC0]  }
0x798: {  	v3 =	vld [tilespmem:s14+$0xFFFFFFD0]  }
0x799: {  	s13 =	sadd.s32 $0x400, s13;
	v4 =	vld [tilespmem:s14+$0xFFFFFFE0]  }
0x79a: {  	s11 =	sadd.s32 s7, s13;
	v5 =	vld [tilespmem:s14+$0xFFFFFFF0]  }
0x79b: {  	[tilespmem:s11+$0x70] =	vst.add.f32.msk $0xffff, v0  }
0x79c: {  	v6 =	vld [tilespmem:s14+$0x0]  }
0x79d: {  	v1 =	vld [tilespmem:s14+$0x10]  }
0x79e: {  	v0 =	vld [tilespmem:s14+$0x20]  }
.Ltmp66:
0x79f: {  	[tilespmem:s11+$0x0] =	vst.add.f32.msk $0xffff, v2;
	(pc) =	sbr.rel @p0 .LBB2_135-.Ltmp66, $4  }
0x7a0: {  	[tilespmem:s11+$0x10] =	vst.add.f32.msk $0xffff, v3  }
0x7a1: {  	[tilespmem:s11+$0x20] =	vst.add.f32.msk $0xffff, v4  }
0x7a2: {  	[tilespmem:s11+$0x30] =	vst.add.f32.msk $0xffff, v5  }
0x7a3: {  	[tilespmem:s11+$0x40] =	vst.add.f32.msk $0xffff, v6  }
0x7a4: {  	[tilespmem:s11+$0x50] =	vst.add.f32.msk $0xffff, v1  }
0x7a5: {  	[tilespmem:s11+$0x60] =	vst.add.f32.msk $0xffff, v0;
	s14 =	sadd.s32 s7, s9  }
0x7a6: {  	v0 =	vld [tilespmem:s14+$0x70]  }
0x7a7: {  	v1 =	vld [tilespmem:s14+$0x0]  }
0x7a8: {  	v2 =	vld [tilespmem:s14+$0x10]  }
0x7a9: {  	v3 =	vld [tilespmem:s14+$0x20]  }
0x7aa: {  	v4 =	vld [tilespmem:s14+$0x30]  }
0x7ab: {  	v5 =	vld [tilespmem:s14+$0x40]  }
0x7ac: {  	s10 =	sadd.s32 s7, s8;
	v6 =	vld [tilespmem:s14+$0x50]  }
0x7ad: {  	[tilespmem:s10+$0xF0] =	vst.add.f32.msk $0xffff, v0  }
0x7ae: {  	v0 =	vld [tilespmem:s14+$0x60]  }
0x7af: {  	[tilespmem:s10+$0x80] =	vst.add.f32.msk $0xffff, v1  }
0x7b0: {  	[tilespmem:s10+$0x90] =	vst.add.f32.msk $0xffff, v2  }
0x7b1: {  	[tilespmem:s10+$0xA0] =	vst.add.f32.msk $0xffff, v3  }
0x7b2: {  	[tilespmem:s10+$0xB0] =	vst.add.f32.msk $0xffff, v4  }
0x7b3: {  	[tilespmem:s10+$0xC0] =	vst.add.f32.msk $0xffff, v5  }
0x7b4: {  	s11 =	simm.s32 $0x0;
	s9 =	sadd.s32 $0x400, s9;
	[tilespmem:s10+$0xD0] =	vst.add.f32.msk $0xffff, v6  }
.LBB2_137:
0x7b5: {  	s12 =	sadd.s32 s7, s9;
	s11 =	sadd.s32 $0x80, s11;
	[tilespmem:s10+$0xE0] =	vst.add.f32.msk $0xffff, v0  }
0x7b6: {  	v0 =	vld [tilespmem:s12+$0x70];
	p0 =	slt.u32 s11, $0x380  }
0x7b7: {  	v1 =	vld [tilespmem:s12+$0x0]  }
0x7b8: {  	v2 =	vld [tilespmem:s12+$0x10]  }
0x7b9: {  	s8 =	sadd.s32 $0x400, s8;
	v3 =	vld [tilespmem:s12+$0x20]  }
0x7ba: {  	s10 =	sadd.s32 s7, s8;
	v4 =	vld [tilespmem:s12+$0x30]  }
0x7bb: {  	[tilespmem:s10+$0xF0] =	vst.add.f32.msk $0xffff, v0  }
0x7bc: {  	v5 =	vld [tilespmem:s12+$0x40]  }
0x7bd: {  	v6 =	vld [tilespmem:s12+$0x50]  }
0x7be: {  	v0 =	vld [tilespmem:s12+$0x60]  }
0x7bf: {  	[tilespmem:s10+$0x80] =	vst.add.f32.msk $0xffff, v1  }
.Ltmp67:
0x7c0: {  	[tilespmem:s10+$0x90] =	vst.add.f32.msk $0xffff, v2;
	(pc) =	sbr.rel @p0 .LBB2_137-.Ltmp67, $4  }
0x7c1: {  	[tilespmem:s10+$0xA0] =	vst.add.f32.msk $0xffff, v3  }
0x7c2: {  	[tilespmem:s10+$0xB0] =	vst.add.f32.msk $0xffff, v4  }
0x7c3: {  	[tilespmem:s10+$0xC0] =	vst.add.f32.msk $0xffff, v5  }
0x7c4: {  	s9 =	sadd.s32 $0x400, s9;
	[tilespmem:s10+$0xD0] =	vst.add.f32.msk $0xffff, v6  }
0x7c5: {  	p0 =	slt.u32 s4, $0xE  }
.Ltmp68:
0x7c6: {  	_ = 	snop;
	(pc) =	sbr.rel @p0 .LBB2_134-.Ltmp68, $3  }
0x7c7: {  	_ =	sdelay $0x1  }
0x7c8: {  	s7 =	sadd.s32 $0x2, s4  }
0x7c9: {  	[tilespmem:s10+$0xE0] =	vst.add.f32.msk $0xffff, v0;
	s6 =	sadd.s32 $0x1, s6;
	s5 =	sadd.s32 $0x800, s5;
	s4 =	smov.u32 s7  }
0x7ca: {  	s5 =	sld [smem:$0x7E5];
	_ =	sdelay $0x1  }
0x7cb: {  	s4 =	simm.s32 $0x0  }
0x7cc: {  	[hbm4b:s5+s4] =	stream.linear.scatter [tilespmem:s18], [sflag:$0x8], $0x4000, $0x38;
	[tilespmem:$0x1C000] =	vst v63  }
0x7cd: {  	_ =	swait.ge [sflag:s25], $0x4000  }
0x7ce: {  	s14 =	sld [smem:$0x7ED]  }
0x7cf: {  	[sflag:s25] =	ssyncset.done $0x0  }
0x7d0: {  	[sflag:s25] =	ssyncadd.s32 $0xFFFFC000  }
0x7d1: {  	[tilespmem:s4], [sflag:$0x1] =	stream.linear.gather [hbm4b:s14+s4], $0x4000, $0x38;
	[tilespmem:$0x1C000] =	vst v63  }
0x7d2: {  	_ =	swait.ge [sflag:s26], $0x4000  }
0x7d3: {  	[sflag:s26] =	ssyncset.done $0x0  }
0x7d4: {  	s6 =	simm.s32 $0x0;
	s5 =	simm.s32 $0x0;
	[sflag:s26] =	ssyncadd.s32 $0xFFFFC000  }
.LBB2_140:
0x7d5: {  	s7 =	sshll.u32 s6, $0xA  }
0x7d6: {  	s9 =	sand.u32 $0x3FFFE000, s5;
	s7 =	sand.u32 $0xC00, s7  }
0x7d7: {  	s10 =	sadd.s32 $0x18040, s9;
	s7 =	sshrl.u32 s7, $0x2  }
0x7d8: {  	s12 =	sadd.s32 s7, s10  }
0x7d9: {  	v0 =	vld [tilespmem:s12+$0x30]  }
0x7da: {  	v2 =	vld [tilespmem:s12+$0xFFFFFFC0]  }
0x7db: {  	v3 =	vld [tilespmem:s12+$0xFFFFFFD0]  }
0x7dc: {  	v4 =	vld [tilespmem:s12+$0xFFFFFFE0]  }
0x7dd: {  	v5 =	vld [tilespmem:s12+$0xFFFFFFF0]  }
0x7de: {  	s8 =	sadd.s32 $0xC000, s9;
	v6 =	vld [tilespmem:s12+$0x0]  }
0x7df: {  	s11 =	sadd.s32 s7, s8;
	v1 =	vld [tilespmem:s12+$0x10]  }
0x7e0: {  	[tilespmem:s11+$0x70] =	vst.add.f32.msk $0xffff, v0  }
0x7e1: {  	v0 =	vld [tilespmem:s12+$0x20]  }
0x7e2: {  	[tilespmem:s11+$0x0] =	vst.add.f32.msk $0xffff, v2  }
0x7e3: {  	[tilespmem:s11+$0x10] =	vst.add.f32.msk $0xffff, v3  }
0x7e4: {  	[tilespmem:s11+$0x20] =	vst.add.f32.msk $0xffff, v4  }
0x7e5: {  	[tilespmem:s11+$0x30] =	vst.add.f32.msk $0xffff, v5  }
0x7e6: {  	s9 =	sadd.s32 $0x18080, s9;
	s13 =	smov.u32 s8;
	s12 =	simm.s32 $0x0;
	[tilespmem:s11+$0x40] =	vst.add.f32.msk $0xffff, v6  }
.LBB2_141:
0x7e7: {  	s12 =	sadd.s32 $0x80, s12;
	[tilespmem:s11+$0x50] =	vst.add.f32.msk $0xffff, v1;
	s10 =	sadd.s32 $0x400, s10  }
0x7e8: {  	s14 =	sadd.s32 s7, s10;
	p0 =	slt.u32 s12, $0x380;
	[tilespmem:s11+$0x60] =	vst.add.f32.msk $0xffff, v0  }
0x7e9: {  	v0 =	vld [tilespmem:s14+$0x30]  }
0x7ea: {  	v2 =	vld [tilespmem:s14+$0xFFFFFFC0]  }
0x7eb: {  	v3 =	vld [tilespmem:s14+$0xFFFFFFD0]  }
0x7ec: {  	s13 =	sadd.s32 $0x400, s13;
	v4 =	vld [tilespmem:s14+$0xFFFFFFE0]  }
0x7ed: {  	s11 =	sadd.s32 s7, s13;
	v5 =	vld [tilespmem:s14+$0xFFFFFFF0]  }
0x7ee: {  	[tilespmem:s11+$0x70] =	vst.add.f32.msk $0xffff, v0  }
0x7ef: {  	v6 =	vld [tilespmem:s14+$0x0]  }
0x7f0: {  	v1 =	vld [tilespmem:s14+$0x10]  }
0x7f1: {  	v0 =	vld [tilespmem:s14+$0x20]  }
.Ltmp69:
0x7f2: {  	[tilespmem:s11+$0x0] =	vst.add.f32.msk $0xffff, v2;
	(pc) =	sbr.rel @p0 .LBB2_141-.Ltmp69, $4  }
0x7f3: {  	[tilespmem:s11+$0x10] =	vst.add.f32.msk $0xffff, v3  }
0x7f4: {  	[tilespmem:s11+$0x20] =	vst.add.f32.msk $0xffff, v4  }
0x7f5: {  	[tilespmem:s11+$0x30] =	vst.add.f32.msk $0xffff, v5  }
0x7f6: {  	[tilespmem:s11+$0x40] =	vst.add.f32.msk $0xffff, v6  }
0x7f7: {  	[tilespmem:s11+$0x50] =	vst.add.f32.msk $0xffff, v1  }
0x7f8: {  	[tilespmem:s11+$0x60] =	vst.add.f32.msk $0xffff, v0;
	s14 =	sadd.s32 s7, s9  }
0x7f9: {  	v0 =	vld [tilespmem:s14+$0x70]  }
0x7fa: {  	v1 =	vld [tilespmem:s14+$0x0]  }
0x7fb: {  	v2 =	vld [tilespmem:s14+$0x10]  }
0x7fc: {  	v3 =	vld [tilespmem:s14+$0x20]  }
0x7fd: {  	v4 =	vld [tilespmem:s14+$0x30]  }
0x7fe: {  	v5 =	vld [tilespmem:s14+$0x40]  }
0x7ff: {  	s10 =	sadd.s32 s7, s8;
	v6 =	vld [tilespmem:s14+$0x50]  }
0x800: {  	[tilespmem:s10+$0xF0] =	vst.add.f32.msk $0xffff, v0  }
0x801: {  	v0 =	vld [tilespmem:s14+$0x60]  }
0x802: {  	[tilespmem:s10+$0x80] =	vst.add.f32.msk $0xffff, v1  }
0x803: {  	[tilespmem:s10+$0x90] =	vst.add.f32.msk $0xffff, v2  }
0x804: {  	[tilespmem:s10+$0xA0] =	vst.add.f32.msk $0xffff, v3  }
0x805: {  	[tilespmem:s10+$0xB0] =	vst.add.f32.msk $0xffff, v4  }
0x806: {  	[tilespmem:s10+$0xC0] =	vst.add.f32.msk $0xffff, v5  }
0x807: {  	s11 =	simm.s32 $0x0;
	s9 =	sadd.s32 $0x400, s9;
	[tilespmem:s10+$0xD0] =	vst.add.f32.msk $0xffff, v6  }
.LBB2_143:
0x808: {  	s12 =	sadd.s32 s7, s9;
	s11 =	sadd.s32 $0x80, s11;
	[tilespmem:s10+$0xE0] =	vst.add.f32.msk $0xffff, v0  }
0x809: {  	v0 =	vld [tilespmem:s12+$0x70];
	p0 =	slt.u32 s11, $0x380  }
0x80a: {  	v1 =	vld [tilespmem:s12+$0x0]  }
0x80b: {  	v2 =	vld [tilespmem:s12+$0x10]  }
0x80c: {  	s8 =	sadd.s32 $0x400, s8;
	v3 =	vld [tilespmem:s12+$0x20]  }
0x80d: {  	s10 =	sadd.s32 s7, s8;
	v4 =	vld [tilespmem:s12+$0x30]  }
0x80e: {  	[tilespmem:s10+$0xF0] =	vst.add.f32.msk $0xffff, v0  }
0x80f: {  	v5 =	vld [tilespmem:s12+$0x40]  }
0x810: {  	v6 =	vld [tilespmem:s12+$0x50]  }
0x811: {  	v0 =	vld [tilespmem:s12+$0x60]  }
0x812: {  	[tilespmem:s10+$0x80] =	vst.add.f32.msk $0xffff, v1  }
.Ltmp70:
0x813: {  	[tilespmem:s10+$0x90] =	vst.add.f32.msk $0xffff, v2;
	(pc) =	sbr.rel @p0 .LBB2_143-.Ltmp70, $4  }
0x814: {  	[tilespmem:s10+$0xA0] =	vst.add.f32.msk $0xffff, v3  }
0x815: {  	[tilespmem:s10+$0xB0] =	vst.add.f32.msk $0xffff, v4  }
0x816: {  	[tilespmem:s10+$0xC0] =	vst.add.f32.msk $0xffff, v5  }
0x817: {  	s9 =	sadd.s32 $0x400, s9;
	[tilespmem:s10+$0xD0] =	vst.add.f32.msk $0xffff, v6  }
0x818: {  	p0 =	slt.u32 s4, $0xE  }
.Ltmp71:
0x819: {  	_ = 	snop;
	(pc) =	sbr.rel @p0 .LBB2_140-.Ltmp71, $3  }
0x81a: {  	_ =	sdelay $0x1  }
0x81b: {  	s7 =	sadd.s32 $0x2, s4  }
0x81c: {  	[tilespmem:s10+$0xE0] =	vst.add.f32.msk $0xffff, v0;
	s6 =	sadd.s32 $0x1, s6;
	s5 =	sadd.s32 $0x800, s5;
	s4 =	smov.u32 s7  }
0x81d: {  	s5 =	sld [smem:$0x7E7];
	_ =	sdelay $0x1  }
0x81e: {  	s4 =	simm.s32 $0x0;
	s13 =	sld [smem:$0x7EA]  }
0x81f: {  	[hbm4b:s5+s4] =	stream.linear.scatter [tilespmem:s21], [sflag:$0x9], $0x4000, $0x38;
	[tilespmem:$0x1C000] =	vst v63  }
0x820: {  	_ = 	snop  }
0x821: {  	[tilespmem:s16], [sflag:$0xC] =	stream.linear.gather [hbm4b:s13+s4], $0x4000, $0x38;
	[tilespmem:$0x1C000] =	vst v63  }
0x822: {  	_ =	swait.ge [sflag:s28], $0x4000  }
0x823: {  	s14 =	sld [smem:$0x7EF]  }
0x824: {  	[sflag:s28] =	ssyncset.done $0x0  }
0x825: {  	[sflag:s28] =	ssyncadd.s32 $0xFFFFC000  }
0x826: {  	[tilespmem:s17], [sflag:$0x2] =	stream.linear.gather [hbm4b:s14+s4], $0x4000, $0x38;
	[tilespmem:$0x1C000] =	vst v63  }
0x827: {  	_ =	swait.ge [sflag:s19], $0x4000  }
0x828: {  	[sflag:s19] =	ssyncset.done $0x0  }
0x829: {  	[sflag:s19] =	ssyncadd.s32 $0xFFFFC000  }
0x82a: {  	_ =	swait.ge [sflag:s30], $0x4000  }
0x82b: {  	[sflag:s30] =	ssyncset.done $0x0  }
0x82c: {  	s6 =	simm.s32 $0x0;
	s5 =	simm.s32 $0x0;
	[sflag:s30] =	ssyncadd.s32 $0xFFFFC000  }
.LBB2_146:
0x82d: {  	s7 =	sshll.u32 s6, $0xA  }
0x82e: {  	s9 =	sand.u32 $0x3FFFE000, s5;
	s7 =	sand.u32 $0xC00, s7  }
0x82f: {  	s10 =	sadd.s32 $0x14040, s9;
	s7 =	sshrl.u32 s7, $0x2  }
0x830: {  	s12 =	sadd.s32 s7, s10  }
0x831: {  	v0 =	vld [tilespmem:s12+$0x30]  }
0x832: {  	v2 =	vld [tilespmem:s12+$0xFFFFFFC0]  }
0x833: {  	v3 =	vld [tilespmem:s12+$0xFFFFFFD0]  }
0x834: {  	v4 =	vld [tilespmem:s12+$0xFFFFFFE0]  }
0x835: {  	v5 =	vld [tilespmem:s12+$0xFFFFFFF0]  }
0x836: {  	s8 =	sadd.s32 $0x10000, s9;
	v6 =	vld [tilespmem:s12+$0x0]  }
0x837: {  	s11 =	sadd.s32 s7, s8;
	v1 =	vld [tilespmem:s12+$0x10]  }
0x838: {  	[tilespmem:s11+$0x70] =	vst.add.f32.msk $0xffff, v0  }
0x839: {  	v0 =	vld [tilespmem:s12+$0x20]  }
0x83a: {  	[tilespmem:s11+$0x0] =	vst.add.f32.msk $0xffff, v2  }
0x83b: {  	[tilespmem:s11+$0x10] =	vst.add.f32.msk $0xffff, v3  }
0x83c: {  	[tilespmem:s11+$0x20] =	vst.add.f32.msk $0xffff, v4  }
0x83d: {  	[tilespmem:s11+$0x30] =	vst.add.f32.msk $0xffff, v5  }
0x83e: {  	s9 =	sadd.s32 $0x14080, s9;
	s13 =	smov.u32 s8;
	s12 =	simm.s32 $0x0;
	[tilespmem:s11+$0x40] =	vst.add.f32.msk $0xffff, v6  }
.LBB2_147:
0x83f: {  	s12 =	sadd.s32 $0x80, s12;
	[tilespmem:s11+$0x50] =	vst.add.f32.msk $0xffff, v1;
	s10 =	sadd.s32 $0x400, s10  }
0x840: {  	s14 =	sadd.s32 s7, s10;
	p0 =	slt.u32 s12, $0x380;
	[tilespmem:s11+$0x60] =	vst.add.f32.msk $0xffff, v0  }
0x841: {  	v0 =	vld [tilespmem:s14+$0x30]  }
0x842: {  	v2 =	vld [tilespmem:s14+$0xFFFFFFC0]  }
0x843: {  	v3 =	vld [tilespmem:s14+$0xFFFFFFD0]  }
0x844: {  	s13 =	sadd.s32 $0x400, s13;
	v4 =	vld [tilespmem:s14+$0xFFFFFFE0]  }
0x845: {  	s11 =	sadd.s32 s7, s13;
	v5 =	vld [tilespmem:s14+$0xFFFFFFF0]  }
0x846: {  	[tilespmem:s11+$0x70] =	vst.add.f32.msk $0xffff, v0  }
0x847: {  	v6 =	vld [tilespmem:s14+$0x0]  }
0x848: {  	v1 =	vld [tilespmem:s14+$0x10]  }
0x849: {  	v0 =	vld [tilespmem:s14+$0x20]  }
.Ltmp72:
0x84a: {  	[tilespmem:s11+$0x0] =	vst.add.f32.msk $0xffff, v2;
	(pc) =	sbr.rel @p0 .LBB2_147-.Ltmp72, $4  }
0x84b: {  	[tilespmem:s11+$0x10] =	vst.add.f32.msk $0xffff, v3  }
0x84c: {  	[tilespmem:s11+$0x20] =	vst.add.f32.msk $0xffff, v4  }
0x84d: {  	[tilespmem:s11+$0x30] =	vst.add.f32.msk $0xffff, v5  }
0x84e: {  	[tilespmem:s11+$0x40] =	vst.add.f32.msk $0xffff, v6  }
0x84f: {  	[tilespmem:s11+$0x50] =	vst.add.f32.msk $0xffff, v1  }
0x850: {  	[tilespmem:s11+$0x60] =	vst.add.f32.msk $0xffff, v0;
	s14 =	sadd.s32 s7, s9  }
0x851: {  	v0 =	vld [tilespmem:s14+$0x70]  }
0x852: {  	v1 =	vld [tilespmem:s14+$0x0]  }
0x853: {  	v2 =	vld [tilespmem:s14+$0x10]  }
0x854: {  	v3 =	vld [tilespmem:s14+$0x20]  }
0x855: {  	v4 =	vld [tilespmem:s14+$0x30]  }
0x856: {  	v5 =	vld [tilespmem:s14+$0x40]  }
0x857: {  	s10 =	sadd.s32 s7, s8;
	v6 =	vld [tilespmem:s14+$0x50]  }
0x858: {  	[tilespmem:s10+$0xF0] =	vst.add.f32.msk $0xffff, v0  }
0x859: {  	v0 =	vld [tilespmem:s14+$0x60]  }
0x85a: {  	[tilespmem:s10+$0x80] =	vst.add.f32.msk $0xffff, v1  }
0x85b: {  	[tilespmem:s10+$0x90] =	vst.add.f32.msk $0xffff, v2  }
0x85c: {  	[tilespmem:s10+$0xA0] =	vst.add.f32.msk $0xffff, v3  }
0x85d: {  	[tilespmem:s10+$0xB0] =	vst.add.f32.msk $0xffff, v4  }
0x85e: {  	[tilespmem:s10+$0xC0] =	vst.add.f32.msk $0xffff, v5  }
0x85f: {  	s11 =	simm.s32 $0x0;
	s9 =	sadd.s32 $0x400, s9;
	[tilespmem:s10+$0xD0] =	vst.add.f32.msk $0xffff, v6  }
.LBB2_149:
0x860: {  	s12 =	sadd.s32 s7, s9;
	s11 =	sadd.s32 $0x80, s11;
	[tilespmem:s10+$0xE0] =	vst.add.f32.msk $0xffff, v0  }
0x861: {  	v0 =	vld [tilespmem:s12+$0x70];
	p0 =	slt.u32 s11, $0x380  }
0x862: {  	v1 =	vld [tilespmem:s12+$0x0]  }
0x863: {  	v2 =	vld [tilespmem:s12+$0x10]  }
0x864: {  	s8 =	sadd.s32 $0x400, s8;
	v3 =	vld [tilespmem:s12+$0x20]  }
0x865: {  	s10 =	sadd.s32 s7, s8;
	v4 =	vld [tilespmem:s12+$0x30]  }
0x866: {  	[tilespmem:s10+$0xF0] =	vst.add.f32.msk $0xffff, v0  }
0x867: {  	v5 =	vld [tilespmem:s12+$0x40]  }
0x868: {  	v6 =	vld [tilespmem:s12+$0x50]  }
0x869: {  	v0 =	vld [tilespmem:s12+$0x60]  }
0x86a: {  	[tilespmem:s10+$0x80] =	vst.add.f32.msk $0xffff, v1  }
.Ltmp73:
0x86b: {  	[tilespmem:s10+$0x90] =	vst.add.f32.msk $0xffff, v2;
	(pc) =	sbr.rel @p0 .LBB2_149-.Ltmp73, $4  }
0x86c: {  	[tilespmem:s10+$0xA0] =	vst.add.f32.msk $0xffff, v3  }
0x86d: {  	[tilespmem:s10+$0xB0] =	vst.add.f32.msk $0xffff, v4  }
0x86e: {  	[tilespmem:s10+$0xC0] =	vst.add.f32.msk $0xffff, v5  }
0x86f: {  	s9 =	sadd.s32 $0x400, s9;
	[tilespmem:s10+$0xD0] =	vst.add.f32.msk $0xffff, v6  }
0x870: {  	p0 =	slt.u32 s4, $0xE  }
.Ltmp74:
0x871: {  	_ = 	snop;
	(pc) =	sbr.rel @p0 .LBB2_146-.Ltmp74, $3  }
0x872: {  	_ =	sdelay $0x1  }
0x873: {  	s7 =	sadd.s32 $0x2, s4  }
0x874: {  	[tilespmem:s10+$0xE0] =	vst.add.f32.msk $0xffff, v0;
	s6 =	sadd.s32 $0x1, s6;
	s5 =	sadd.s32 $0x800, s5;
	s4 =	smov.u32 s7  }
0x875: {  	s5 =	sld [smem:$0x7EC];
	_ =	sdelay $0x1  }
0x876: {  	s4 =	simm.s32 $0x0  }
0x877: {  	[hbm4b:s5+s4] =	stream.linear.scatter [tilespmem:s23], [sflag:$0xA], $0x4000, $0x38;
	[tilespmem:$0x1C000] =	vst v63  }
0x878: {  	_ =	swait.ge [sflag:s31], $0x4000  }
0x879: {  	s14 =	sld [smem:$0x7F1]  }
0x87a: {  	[sflag:s31] =	ssyncset.done $0x0  }
0x87b: {  	[sflag:s31] =	ssyncadd.s32 $0xFFFFC000  }
0x87c: {  	[tilespmem:s18], [sflag:$0x3] =	stream.linear.gather [hbm4b:s14+s4], $0x4000, $0x38;
	[tilespmem:$0x1C000] =	vst v63  }
0x87d: {  	_ =	swait.ge [sflag:s20], $0x4000  }
0x87e: {  	[sflag:s20] =	ssyncset.done $0x0  }
0x87f: {  	s6 =	simm.s32 $0x0;
	s5 =	simm.s32 $0x0;
	[sflag:s20] =	ssyncadd.s32 $0xFFFFC000  }
.LBB2_152:
0x880: {  	s7 =	sshll.u32 s6, $0xA  }
0x881: {  	s8 =	sand.u32 $0xC00, s7;
	s7 =	sand.u32 $0x3FFFE000, s5  }
0x882: {  	s10 =	sadd.s32 $0x14040, s7;
	s8 =	sshrl.u32 s8, $0x2  }
0x883: {  	s9 =	sadd.s32 s8, s10  }
0x884: {  	v0 =	vld [tilespmem:s9+$0x30]  }
0x885: {  	v2 =	vld [tilespmem:s9+$0xFFFFFFC0]  }
0x886: {  	v3 =	vld [tilespmem:s9+$0xFFFFFFD0]  }
0x887: {  	v4 =	vld [tilespmem:s9+$0xFFFFFFE0]  }
0x888: {  	v5 =	vld [tilespmem:s9+$0xFFFFFFF0]  }
0x889: {  	v6 =	vld [tilespmem:s9+$0x0]  }
0x88a: {  	s11 =	sadd.s32 s8, s7;
	v1 =	vld [tilespmem:s9+$0x10]  }
0x88b: {  	[tilespmem:s11+$0x70] =	vst.add.f32.msk $0xffff, v0  }
0x88c: {  	v0 =	vld [tilespmem:s9+$0x20]  }
0x88d: {  	[tilespmem:s11+$0x0] =	vst.add.f32.msk $0xffff, v2  }
0x88e: {  	[tilespmem:s11+$0x10] =	vst.add.f32.msk $0xffff, v3  }
0x88f: {  	[tilespmem:s11+$0x20] =	vst.add.f32.msk $0xffff, v4  }
0x890: {  	[tilespmem:s11+$0x30] =	vst.add.f32.msk $0xffff, v5  }
0x891: {  	s12 =	simm.s32 $0x0;
	s13 =	smov.u32 s7;
	s9 =	sadd.s32 $0x14080, s7;
	[tilespmem:s11+$0x40] =	vst.add.f32.msk $0xffff, v6  }
.LBB2_153:
0x892: {  	s12 =	sadd.s32 $0x80, s12;
	[tilespmem:s11+$0x50] =	vst.add.f32.msk $0xffff, v1;
	s10 =	sadd.s32 $0x400, s10  }
0x893: {  	s14 =	sadd.s32 s8, s10;
	p0 =	slt.u32 s12, $0x380;
	[tilespmem:s11+$0x60] =	vst.add.f32.msk $0xffff, v0  }
0x894: {  	v0 =	vld [tilespmem:s14+$0x30]  }
0x895: {  	v2 =	vld [tilespmem:s14+$0xFFFFFFC0]  }
0x896: {  	v3 =	vld [tilespmem:s14+$0xFFFFFFD0]  }
0x897: {  	s13 =	sadd.s32 $0x400, s13;
	v4 =	vld [tilespmem:s14+$0xFFFFFFE0]  }
0x898: {  	s11 =	sadd.s32 s8, s13;
	v5 =	vld [tilespmem:s14+$0xFFFFFFF0]  }
0x899: {  	[tilespmem:s11+$0x70] =	vst.add.f32.msk $0xffff, v0  }
0x89a: {  	v6 =	vld [tilespmem:s14+$0x0]  }
0x89b: {  	v1 =	vld [tilespmem:s14+$0x10]  }
0x89c: {  	v0 =	vld [tilespmem:s14+$0x20]  }
.Ltmp75:
0x89d: {  	[tilespmem:s11+$0x0] =	vst.add.f32.msk $0xffff, v2;
	(pc) =	sbr.rel @p0 .LBB2_153-.Ltmp75, $4  }
0x89e: {  	[tilespmem:s11+$0x10] =	vst.add.f32.msk $0xffff, v3  }
0x89f: {  	[tilespmem:s11+$0x20] =	vst.add.f32.msk $0xffff, v4  }
0x8a0: {  	[tilespmem:s11+$0x30] =	vst.add.f32.msk $0xffff, v5  }
0x8a1: {  	[tilespmem:s11+$0x40] =	vst.add.f32.msk $0xffff, v6  }
0x8a2: {  	[tilespmem:s11+$0x50] =	vst.add.f32.msk $0xffff, v1  }
0x8a3: {  	[tilespmem:s11+$0x60] =	vst.add.f32.msk $0xffff, v0;
	s14 =	sadd.s32 s8, s9  }
0x8a4: {  	v0 =	vld [tilespmem:s14+$0x70]  }
0x8a5: {  	v1 =	vld [tilespmem:s14+$0x0]  }
0x8a6: {  	v2 =	vld [tilespmem:s14+$0x10]  }
0x8a7: {  	v3 =	vld [tilespmem:s14+$0x20]  }
0x8a8: {  	v4 =	vld [tilespmem:s14+$0x30]  }
0x8a9: {  	v5 =	vld [tilespmem:s14+$0x40]  }
0x8aa: {  	s10 =	sadd.s32 s8, s7;
	v6 =	vld [tilespmem:s14+$0x50]  }
0x8ab: {  	[tilespmem:s10+$0xF0] =	vst.add.f32.msk $0xffff, v0  }
0x8ac: {  	v0 =	vld [tilespmem:s14+$0x60]  }
0x8ad: {  	[tilespmem:s10+$0x80] =	vst.add.f32.msk $0xffff, v1  }
0x8ae: {  	[tilespmem:s10+$0x90] =	vst.add.f32.msk $0xffff, v2  }
0x8af: {  	[tilespmem:s10+$0xA0] =	vst.add.f32.msk $0xffff, v3  }
0x8b0: {  	[tilespmem:s10+$0xB0] =	vst.add.f32.msk $0xffff, v4  }
0x8b1: {  	[tilespmem:s10+$0xC0] =	vst.add.f32.msk $0xffff, v5  }
0x8b2: {  	s11 =	simm.s32 $0x0;
	s9 =	sadd.s32 $0x400, s9;
	[tilespmem:s10+$0xD0] =	vst.add.f32.msk $0xffff, v6  }
.LBB2_155:
0x8b3: {  	s12 =	sadd.s32 s8, s9;
	s11 =	sadd.s32 $0x80, s11;
	[tilespmem:s10+$0xE0] =	vst.add.f32.msk $0xffff, v0  }
0x8b4: {  	v0 =	vld [tilespmem:s12+$0x70];
	p0 =	slt.u32 s11, $0x380  }
0x8b5: {  	v1 =	vld [tilespmem:s12+$0x0]  }
0x8b6: {  	v2 =	vld [tilespmem:s12+$0x10]  }
0x8b7: {  	s7 =	sadd.s32 $0x400, s7;
	v3 =	vld [tilespmem:s12+$0x20]  }
0x8b8: {  	s10 =	sadd.s32 s8, s7;
	v4 =	vld [tilespmem:s12+$0x30]  }
0x8b9: {  	[tilespmem:s10+$0xF0] =	vst.add.f32.msk $0xffff, v0  }
0x8ba: {  	v5 =	vld [tilespmem:s12+$0x40]  }
0x8bb: {  	v6 =	vld [tilespmem:s12+$0x50]  }
0x8bc: {  	v0 =	vld [tilespmem:s12+$0x60]  }
0x8bd: {  	[tilespmem:s10+$0x80] =	vst.add.f32.msk $0xffff, v1  }
.Ltmp76:
0x8be: {  	[tilespmem:s10+$0x90] =	vst.add.f32.msk $0xffff, v2;
	(pc) =	sbr.rel @p0 .LBB2_155-.Ltmp76, $4  }
0x8bf: {  	[tilespmem:s10+$0xA0] =	vst.add.f32.msk $0xffff, v3  }
0x8c0: {  	[tilespmem:s10+$0xB0] =	vst.add.f32.msk $0xffff, v4  }
0x8c1: {  	[tilespmem:s10+$0xC0] =	vst.add.f32.msk $0xffff, v5  }
0x8c2: {  	s9 =	sadd.s32 $0x400, s9;
	[tilespmem:s10+$0xD0] =	vst.add.f32.msk $0xffff, v6  }
0x8c3: {  	p0 =	slt.u32 s4, $0xE  }
.Ltmp77:
0x8c4: {  	_ = 	snop;
	(pc) =	sbr.rel @p0 .LBB2_152-.Ltmp77, $3  }
0x8c5: {  	_ =	sdelay $0x1  }
0x8c6: {  	s7 =	sadd.s32 $0x2, s4  }
0x8c7: {  	[tilespmem:s10+$0xE0] =	vst.add.f32.msk $0xffff, v0;
	s6 =	sadd.s32 $0x1, s6;
	s5 =	sadd.s32 $0x800, s5;
	s4 =	smov.u32 s7  }
0x8c8: {  	s5 =	sld [smem:$0x7EE];
	_ =	sdelay $0x1  }
0x8c9: {  	s4 =	simm.s32 $0x0  }
0x8ca: {  	[hbm4b:s5+s4] =	stream.linear.scatter [tilespmem:s4], [sflag:$0x6], $0x4000, $0x38;
	[tilespmem:$0x1C000] =	vst v63  }
0x8cb: {  	_ =	swait.ge [sflag:s0], $0x4000  }
0x8cc: {  	s14 =	sld [smem:$0x7F3]  }
0x8cd: {  	[sflag:s0] =	ssyncset.done $0x0  }
0x8ce: {  	[sflag:s0] =	ssyncadd.s32 $0xFFFFC000  }
0x8cf: {  	[tilespmem:s21], [sflag:$0x4] =	stream.linear.gather [hbm4b:s14+s4], $0x4000, $0x38;
	[tilespmem:$0x1C000] =	vst v63  }
0x8d0: {  	_ =	swait.ge [sflag:s22], $0x4000  }
0x8d1: {  	[sflag:s22] =	ssyncset.done $0x0  }
0x8d2: {  	s6 =	simm.s32 $0x0;
	s5 =	simm.s32 $0x0;
	[sflag:s22] =	ssyncadd.s32 $0xFFFFC000  }
.LBB2_158:
0x8d3: {  	s7 =	sshll.u32 s6, $0xA  }
0x8d4: {  	s9 =	sand.u32 $0x3FFFE000, s5;
	s7 =	sand.u32 $0xC00, s7  }
0x8d5: {  	s10 =	sadd.s32 $0x14040, s9;
	s7 =	sshrl.u32 s7, $0x2  }
0x8d6: {  	s12 =	sadd.s32 s7, s10  }
0x8d7: {  	v0 =	vld [tilespmem:s12+$0x30]  }
0x8d8: {  	v2 =	vld [tilespmem:s12+$0xFFFFFFC0]  }
0x8d9: {  	v3 =	vld [tilespmem:s12+$0xFFFFFFD0]  }
0x8da: {  	v4 =	vld [tilespmem:s12+$0xFFFFFFE0]  }
0x8db: {  	v5 =	vld [tilespmem:s12+$0xFFFFFFF0]  }
0x8dc: {  	s8 =	sadd.s32 $0x4000, s9;
	v6 =	vld [tilespmem:s12+$0x0]  }
0x8dd: {  	s11 =	sadd.s32 s7, s8;
	v1 =	vld [tilespmem:s12+$0x10]  }
0x8de: {  	[tilespmem:s11+$0x70] =	vst.add.f32.msk $0xffff, v0  }
0x8df: {  	v0 =	vld [tilespmem:s12+$0x20]  }
0x8e0: {  	[tilespmem:s11+$0x0] =	vst.add.f32.msk $0xffff, v2  }
0x8e1: {  	[tilespmem:s11+$0x10] =	vst.add.f32.msk $0xffff, v3  }
0x8e2: {  	[tilespmem:s11+$0x20] =	vst.add.f32.msk $0xffff, v4  }
0x8e3: {  	[tilespmem:s11+$0x30] =	vst.add.f32.msk $0xffff, v5  }
0x8e4: {  	s9 =	sadd.s32 $0x14080, s9;
	s13 =	smov.u32 s8;
	s12 =	simm.s32 $0x0;
	[tilespmem:s11+$0x40] =	vst.add.f32.msk $0xffff, v6  }
.LBB2_159:
0x8e5: {  	s12 =	sadd.s32 $0x80, s12;
	[tilespmem:s11+$0x50] =	vst.add.f32.msk $0xffff, v1;
	s10 =	sadd.s32 $0x400, s10  }
0x8e6: {  	s14 =	sadd.s32 s7, s10;
	p0 =	slt.u32 s12, $0x380;
	[tilespmem:s11+$0x60] =	vst.add.f32.msk $0xffff, v0  }
0x8e7: {  	v0 =	vld [tilespmem:s14+$0x30]  }
0x8e8: {  	v2 =	vld [tilespmem:s14+$0xFFFFFFC0]  }
0x8e9: {  	v3 =	vld [tilespmem:s14+$0xFFFFFFD0]  }
0x8ea: {  	s13 =	sadd.s32 $0x400, s13;
	v4 =	vld [tilespmem:s14+$0xFFFFFFE0]  }
0x8eb: {  	s11 =	sadd.s32 s7, s13;
	v5 =	vld [tilespmem:s14+$0xFFFFFFF0]  }
0x8ec: {  	[tilespmem:s11+$0x70] =	vst.add.f32.msk $0xffff, v0  }
0x8ed: {  	v6 =	vld [tilespmem:s14+$0x0]  }
0x8ee: {  	v1 =	vld [tilespmem:s14+$0x10]  }
0x8ef: {  	v0 =	vld [tilespmem:s14+$0x20]  }
.Ltmp78:
0x8f0: {  	[tilespmem:s11+$0x0] =	vst.add.f32.msk $0xffff, v2;
	(pc) =	sbr.rel @p0 .LBB2_159-.Ltmp78, $4  }
0x8f1: {  	[tilespmem:s11+$0x10] =	vst.add.f32.msk $0xffff, v3  }
0x8f2: {  	[tilespmem:s11+$0x20] =	vst.add.f32.msk $0xffff, v4  }
0x8f3: {  	[tilespmem:s11+$0x30] =	vst.add.f32.msk $0xffff, v5  }
0x8f4: {  	[tilespmem:s11+$0x40] =	vst.add.f32.msk $0xffff, v6  }
0x8f5: {  	[tilespmem:s11+$0x50] =	vst.add.f32.msk $0xffff, v1  }
0x8f6: {  	[tilespmem:s11+$0x60] =	vst.add.f32.msk $0xffff, v0;
	s14 =	sadd.s32 s7, s9  }
0x8f7: {  	v0 =	vld [tilespmem:s14+$0x70]  }
0x8f8: {  	v1 =	vld [tilespmem:s14+$0x0]  }
0x8f9: {  	v2 =	vld [tilespmem:s14+$0x10]  }
0x8fa: {  	v3 =	vld [tilespmem:s14+$0x20]  }
0x8fb: {  	v4 =	vld [tilespmem:s14+$0x30]  }
0x8fc: {  	v5 =	vld [tilespmem:s14+$0x40]  }
0x8fd: {  	s10 =	sadd.s32 s7, s8;
	v6 =	vld [tilespmem:s14+$0x50]  }
0x8fe: {  	[tilespmem:s10+$0xF0] =	vst.add.f32.msk $0xffff, v0  }
0x8ff: {  	v0 =	vld [tilespmem:s14+$0x60]  }
0x900: {  	[tilespmem:s10+$0x80] =	vst.add.f32.msk $0xffff, v1  }
0x901: {  	[tilespmem:s10+$0x90] =	vst.add.f32.msk $0xffff, v2  }
0x902: {  	[tilespmem:s10+$0xA0] =	vst.add.f32.msk $0xffff, v3  }
0x903: {  	[tilespmem:s10+$0xB0] =	vst.add.f32.msk $0xffff, v4  }
0x904: {  	[tilespmem:s10+$0xC0] =	vst.add.f32.msk $0xffff, v5  }
0x905: {  	s11 =	simm.s32 $0x0;
	s9 =	sadd.s32 $0x400, s9;
	[tilespmem:s10+$0xD0] =	vst.add.f32.msk $0xffff, v6  }
.LBB2_161:
0x906: {  	s12 =	sadd.s32 s7, s9;
	s11 =	sadd.s32 $0x80, s11;
	[tilespmem:s10+$0xE0] =	vst.add.f32.msk $0xffff, v0  }
0x907: {  	v0 =	vld [tilespmem:s12+$0x70];
	p0 =	slt.u32 s11, $0x380  }
0x908: {  	v1 =	vld [tilespmem:s12+$0x0]  }
0x909: {  	v2 =	vld [tilespmem:s12+$0x10]  }
0x90a: {  	s8 =	sadd.s32 $0x400, s8;
	v3 =	vld [tilespmem:s12+$0x20]  }
0x90b: {  	s10 =	sadd.s32 s7, s8;
	v4 =	vld [tilespmem:s12+$0x30]  }
0x90c: {  	[tilespmem:s10+$0xF0] =	vst.add.f32.msk $0xffff, v0  }
0x90d: {  	v5 =	vld [tilespmem:s12+$0x40]  }
0x90e: {  	v6 =	vld [tilespmem:s12+$0x50]  }
0x90f: {  	v0 =	vld [tilespmem:s12+$0x60]  }
0x910: {  	[tilespmem:s10+$0x80] =	vst.add.f32.msk $0xffff, v1  }
.Ltmp79:
0x911: {  	[tilespmem:s10+$0x90] =	vst.add.f32.msk $0xffff, v2;
	(pc) =	sbr.rel @p0 .LBB2_161-.Ltmp79, $4  }
0x912: {  	[tilespmem:s10+$0xA0] =	vst.add.f32.msk $0xffff, v3  }
0x913: {  	[tilespmem:s10+$0xB0] =	vst.add.f32.msk $0xffff, v4  }
0x914: {  	[tilespmem:s10+$0xC0] =	vst.add.f32.msk $0xffff, v5  }
0x915: {  	s9 =	sadd.s32 $0x400, s9;
	[tilespmem:s10+$0xD0] =	vst.add.f32.msk $0xffff, v6  }
0x916: {  	p0 =	slt.u32 s4, $0xE  }
.Ltmp80:
0x917: {  	_ = 	snop;
	(pc) =	sbr.rel @p0 .LBB2_158-.Ltmp80, $3  }
0x918: {  	_ =	sdelay $0x1  }
0x919: {  	s7 =	sadd.s32 $0x2, s4  }
0x91a: {  	[tilespmem:s10+$0xE0] =	vst.add.f32.msk $0xffff, v0;
	s6 =	sadd.s32 $0x1, s6;
	s5 =	sadd.s32 $0x800, s5;
	s4 =	smov.u32 s7  }
0x91b: {  	s5 =	sld [smem:$0x7F0];
	_ =	sdelay $0x1  }
0x91c: {  	s4 =	simm.s32 $0x0  }
0x91d: {  	[hbm4b:s5+s4] =	stream.linear.scatter [tilespmem:s17], [sflag:$0x7], $0x4000, $0x38;
	[tilespmem:$0x1C000] =	vst v63  }
0x91e: {  	_ =	swait.ge [sflag:s2], $0x4000  }
0x91f: {  	s14 =	sld [smem:$0x7F7]  }
0x920: {  	[sflag:s2] =	ssyncset.done $0x0  }
0x921: {  	[sflag:s2] =	ssyncadd.s32 $0xFFFFC000  }
0x922: {  	[tilespmem:s23], [sflag:$0x5] =	stream.linear.gather [hbm4b:s14+s4], $0x4000, $0x38;
	[tilespmem:$0x1C000] =	vst v63  }
0x923: {  	_ =	swait.ge [sflag:s24], $0x4000  }
0x924: {  	[sflag:s24] =	ssyncset.done $0x0  }
0x925: {  	s6 =	simm.s32 $0x0;
	s5 =	simm.s32 $0x0;
	[sflag:s24] =	ssyncadd.s32 $0xFFFFC000  }
.LBB2_164:
0x926: {  	s7 =	sshll.u32 s6, $0xA  }
0x927: {  	s9 =	sand.u32 $0x3FFFE000, s5;
	s7 =	sand.u32 $0xC00, s7  }
0x928: {  	s10 =	sadd.s32 $0x14040, s9;
	s7 =	sshrl.u32 s7, $0x2  }
0x929: {  	s12 =	sadd.s32 s7, s10  }
0x92a: {  	v0 =	vld [tilespmem:s12+$0x30]  }
0x92b: {  	v2 =	vld [tilespmem:s12+$0xFFFFFFC0]  }
0x92c: {  	v3 =	vld [tilespmem:s12+$0xFFFFFFD0]  }
0x92d: {  	v4 =	vld [tilespmem:s12+$0xFFFFFFE0]  }
0x92e: {  	v5 =	vld [tilespmem:s12+$0xFFFFFFF0]  }
0x92f: {  	s8 =	sadd.s32 $0x8000, s9;
	v6 =	vld [tilespmem:s12+$0x0]  }
0x930: {  	s11 =	sadd.s32 s7, s8;
	v1 =	vld [tilespmem:s12+$0x10]  }
0x931: {  	[tilespmem:s11+$0x70] =	vst.add.f32.msk $0xffff, v0  }
0x932: {  	v0 =	vld [tilespmem:s12+$0x20]  }
0x933: {  	[tilespmem:s11+$0x0] =	vst.add.f32.msk $0xffff, v2  }
0x934: {  	[tilespmem:s11+$0x10] =	vst.add.f32.msk $0xffff, v3  }
0x935: {  	[tilespmem:s11+$0x20] =	vst.add.f32.msk $0xffff, v4  }
0x936: {  	[tilespmem:s11+$0x30] =	vst.add.f32.msk $0xffff, v5  }
0x937: {  	s9 =	sadd.s32 $0x14080, s9;
	s13 =	smov.u32 s8;
	s12 =	simm.s32 $0x0;
	[tilespmem:s11+$0x40] =	vst.add.f32.msk $0xffff, v6  }
.LBB2_165:
0x938: {  	s12 =	sadd.s32 $0x80, s12;
	[tilespmem:s11+$0x50] =	vst.add.f32.msk $0xffff, v1;
	s10 =	sadd.s32 $0x400, s10  }
0x939: {  	s14 =	sadd.s32 s7, s10;
	p0 =	slt.u32 s12, $0x380;
	[tilespmem:s11+$0x60] =	vst.add.f32.msk $0xffff, v0  }
0x93a: {  	v0 =	vld [tilespmem:s14+$0x30]  }
0x93b: {  	v2 =	vld [tilespmem:s14+$0xFFFFFFC0]  }
0x93c: {  	v3 =	vld [tilespmem:s14+$0xFFFFFFD0]  }
0x93d: {  	s13 =	sadd.s32 $0x400, s13;
	v4 =	vld [tilespmem:s14+$0xFFFFFFE0]  }
0x93e: {  	s11 =	sadd.s32 s7, s13;
	v5 =	vld [tilespmem:s14+$0xFFFFFFF0]  }
0x93f: {  	[tilespmem:s11+$0x70] =	vst.add.f32.msk $0xffff, v0  }
0x940: {  	v6 =	vld [tilespmem:s14+$0x0]  }
0x941: {  	v1 =	vld [tilespmem:s14+$0x10]  }
0x942: {  	v0 =	vld [tilespmem:s14+$0x20]  }
.Ltmp81:
0x943: {  	[tilespmem:s11+$0x0] =	vst.add.f32.msk $0xffff, v2;
	(pc) =	sbr.rel @p0 .LBB2_165-.Ltmp81, $4  }
0x944: {  	[tilespmem:s11+$0x10] =	vst.add.f32.msk $0xffff, v3  }
0x945: {  	[tilespmem:s11+$0x20] =	vst.add.f32.msk $0xffff, v4  }
0x946: {  	[tilespmem:s11+$0x30] =	vst.add.f32.msk $0xffff, v5  }
0x947: {  	[tilespmem:s11+$0x40] =	vst.add.f32.msk $0xffff, v6  }
0x948: {  	[tilespmem:s11+$0x50] =	vst.add.f32.msk $0xffff, v1  }
0x949: {  	[tilespmem:s11+$0x60] =	vst.add.f32.msk $0xffff, v0;
	s14 =	sadd.s32 s7, s9  }
0x94a: {  	v0 =	vld [tilespmem:s14+$0x70]  }
0x94b: {  	v1 =	vld [tilespmem:s14+$0x0]  }
0x94c: {  	v2 =	vld [tilespmem:s14+$0x10]  }
0x94d: {  	v3 =	vld [tilespmem:s14+$0x20]  }
0x94e: {  	v4 =	vld [tilespmem:s14+$0x30]  }
0x94f: {  	v5 =	vld [tilespmem:s14+$0x40]  }
0x950: {  	s10 =	sadd.s32 s7, s8;
	v6 =	vld [tilespmem:s14+$0x50]  }
0x951: {  	[tilespmem:s10+$0xF0] =	vst.add.f32.msk $0xffff, v0  }
0x952: {  	v0 =	vld [tilespmem:s14+$0x60]  }
0x953: {  	[tilespmem:s10+$0x80] =	vst.add.f32.msk $0xffff, v1  }
0x954: {  	[tilespmem:s10+$0x90] =	vst.add.f32.msk $0xffff, v2  }
0x955: {  	[tilespmem:s10+$0xA0] =	vst.add.f32.msk $0xffff, v3  }
0x956: {  	[tilespmem:s10+$0xB0] =	vst.add.f32.msk $0xffff, v4  }
0x957: {  	[tilespmem:s10+$0xC0] =	vst.add.f32.msk $0xffff, v5  }
0x958: {  	s11 =	simm.s32 $0x0;
	s9 =	sadd.s32 $0x400, s9;
	[tilespmem:s10+$0xD0] =	vst.add.f32.msk $0xffff, v6  }
.LBB2_167:
0x959: {  	s12 =	sadd.s32 s7, s9;
	s11 =	sadd.s32 $0x80, s11;
	[tilespmem:s10+$0xE0] =	vst.add.f32.msk $0xffff, v0  }
0x95a: {  	v0 =	vld [tilespmem:s12+$0x70];
	p0 =	slt.u32 s11, $0x380  }
0x95b: {  	v1 =	vld [tilespmem:s12+$0x0]  }
0x95c: {  	v2 =	vld [tilespmem:s12+$0x10]  }
0x95d: {  	s8 =	sadd.s32 $0x400, s8;
	v3 =	vld [tilespmem:s12+$0x20]  }
0x95e: {  	s10 =	sadd.s32 s7, s8;
	v4 =	vld [tilespmem:s12+$0x30]  }
0x95f: {  	[tilespmem:s10+$0xF0] =	vst.add.f32.msk $0xffff, v0  }
0x960: {  	v5 =	vld [tilespmem:s12+$0x40]  }
0x961: {  	v6 =	vld [tilespmem:s12+$0x50]  }
0x962: {  	v0 =	vld [tilespmem:s12+$0x60]  }
0x963: {  	[tilespmem:s10+$0x80] =	vst.add.f32.msk $0xffff, v1  }
.Ltmp82:
0x964: {  	[tilespmem:s10+$0x90] =	vst.add.f32.msk $0xffff, v2;
	(pc) =	sbr.rel @p0 .LBB2_167-.Ltmp82, $4  }
0x965: {  	[tilespmem:s10+$0xA0] =	vst.add.f32.msk $0xffff, v3  }
0x966: {  	[tilespmem:s10+$0xB0] =	vst.add.f32.msk $0xffff, v4  }
0x967: {  	[tilespmem:s10+$0xC0] =	vst.add.f32.msk $0xffff, v5  }
0x968: {  	s9 =	sadd.s32 $0x400, s9;
	[tilespmem:s10+$0xD0] =	vst.add.f32.msk $0xffff, v6  }
0x969: {  	p0 =	slt.u32 s4, $0xE  }
.Ltmp83:
0x96a: {  	_ = 	snop;
	(pc) =	sbr.rel @p0 .LBB2_164-.Ltmp83, $3  }
0x96b: {  	_ =	sdelay $0x1  }
0x96c: {  	s7 =	sadd.s32 $0x2, s4  }
0x96d: {  	[tilespmem:s10+$0xE0] =	vst.add.f32.msk $0xffff, v0;
	s6 =	sadd.s32 $0x1, s6;
	s5 =	sadd.s32 $0x800, s5;
	s4 =	smov.u32 s7  }
0x96e: {  	s5 =	sld [smem:$0x7F2];
	_ =	sdelay $0x1  }
0x96f: {  	s4 =	simm.s32 $0x0  }
0x970: {  	[hbm4b:s5+s4] =	stream.linear.scatter [tilespmem:s18], [sflag:$0x8], $0x4000, $0x38;
	[tilespmem:$0x1C000] =	vst v63  }
0x971: {  	_ =	swait.ge [sflag:s25], $0x4000  }
0x972: {  	s14 =	sld [smem:$0x7F8]  }
0x973: {  	[sflag:s25] =	ssyncset.done $0x0  }
0x974: {  	[sflag:s25] =	ssyncadd.s32 $0xFFFFC000  }
0x975: {  	[tilespmem:s4], [sflag:$0x1] =	stream.linear.gather [hbm4b:s14+s4], $0x4000, $0x38;
	[tilespmem:$0x1C000] =	vst v63  }
0x976: {  	_ =	swait.ge [sflag:s29], $0x4000  }
0x977: {  	[sflag:s29] =	ssyncset.done $0x0  }
0x978: {  	[sflag:s29] =	ssyncadd.s32 $0xFFFFC000  }
0x979: {  	_ =	swait.ge [sflag:s26], $0x4000  }
0x97a: {  	[sflag:s26] =	ssyncset.done $0x0  }
0x97b: {  	s6 =	simm.s32 $0x0;
	s5 =	simm.s32 $0x0;
	[sflag:s26] =	ssyncadd.s32 $0xFFFFC000  }
.LBB2_170:
0x97c: {  	s7 =	sshll.u32 s6, $0xA  }
0x97d: {  	s9 =	sand.u32 $0x3FFFE000, s5;
	s7 =	sand.u32 $0xC00, s7  }
0x97e: {  	s10 =	sadd.s32 $0x18040, s9;
	s7 =	sshrl.u32 s7, $0x2  }
0x97f: {  	s12 =	sadd.s32 s7, s10  }
0x980: {  	v0 =	vld [tilespmem:s12+$0x30]  }
0x981: {  	v2 =	vld [tilespmem:s12+$0xFFFFFFC0]  }
0x982: {  	v3 =	vld [tilespmem:s12+$0xFFFFFFD0]  }
0x983: {  	v4 =	vld [tilespmem:s12+$0xFFFFFFE0]  }
0x984: {  	v5 =	vld [tilespmem:s12+$0xFFFFFFF0]  }
0x985: {  	s8 =	sadd.s32 $0xC000, s9;
	v6 =	vld [tilespmem:s12+$0x0]  }
0x986: {  	s11 =	sadd.s32 s7, s8;
	v1 =	vld [tilespmem:s12+$0x10]  }
0x987: {  	[tilespmem:s11+$0x70] =	vst.add.f32.msk $0xffff, v0  }
0x988: {  	v0 =	vld [tilespmem:s12+$0x20]  }
0x989: {  	[tilespmem:s11+$0x0] =	vst.add.f32.msk $0xffff, v2  }
0x98a: {  	[tilespmem:s11+$0x10] =	vst.add.f32.msk $0xffff, v3  }
0x98b: {  	[tilespmem:s11+$0x20] =	vst.add.f32.msk $0xffff, v4  }
0x98c: {  	[tilespmem:s11+$0x30] =	vst.add.f32.msk $0xffff, v5  }
0x98d: {  	s9 =	sadd.s32 $0x18080, s9;
	s13 =	smov.u32 s8;
	s12 =	simm.s32 $0x0;
	[tilespmem:s11+$0x40] =	vst.add.f32.msk $0xffff, v6  }
.LBB2_171:
0x98e: {  	s12 =	sadd.s32 $0x80, s12;
	[tilespmem:s11+$0x50] =	vst.add.f32.msk $0xffff, v1;
	s10 =	sadd.s32 $0x400, s10  }
0x98f: {  	s14 =	sadd.s32 s7, s10;
	p0 =	slt.u32 s12, $0x380;
	[tilespmem:s11+$0x60] =	vst.add.f32.msk $0xffff, v0  }
0x990: {  	v0 =	vld [tilespmem:s14+$0x30]  }
0x991: {  	v2 =	vld [tilespmem:s14+$0xFFFFFFC0]  }
0x992: {  	v3 =	vld [tilespmem:s14+$0xFFFFFFD0]  }
0x993: {  	s13 =	sadd.s32 $0x400, s13;
	v4 =	vld [tilespmem:s14+$0xFFFFFFE0]  }
0x994: {  	s11 =	sadd.s32 s7, s13;
	v5 =	vld [tilespmem:s14+$0xFFFFFFF0]  }
0x995: {  	[tilespmem:s11+$0x70] =	vst.add.f32.msk $0xffff, v0  }
0x996: {  	v6 =	vld [tilespmem:s14+$0x0]  }
0x997: {  	v1 =	vld [tilespmem:s14+$0x10]  }
0x998: {  	v0 =	vld [tilespmem:s14+$0x20]  }
.Ltmp84:
0x999: {  	[tilespmem:s11+$0x0] =	vst.add.f32.msk $0xffff, v2;
	(pc) =	sbr.rel @p0 .LBB2_171-.Ltmp84, $4  }
0x99a: {  	[tilespmem:s11+$0x10] =	vst.add.f32.msk $0xffff, v3  }
0x99b: {  	[tilespmem:s11+$0x20] =	vst.add.f32.msk $0xffff, v4  }
0x99c: {  	[tilespmem:s11+$0x30] =	vst.add.f32.msk $0xffff, v5  }
0x99d: {  	[tilespmem:s11+$0x40] =	vst.add.f32.msk $0xffff, v6  }
0x99e: {  	[tilespmem:s11+$0x50] =	vst.add.f32.msk $0xffff, v1  }
0x99f: {  	[tilespmem:s11+$0x60] =	vst.add.f32.msk $0xffff, v0;
	s14 =	sadd.s32 s7, s9  }
0x9a0: {  	v0 =	vld [tilespmem:s14+$0x70]  }
0x9a1: {  	v1 =	vld [tilespmem:s14+$0x0]  }
0x9a2: {  	v2 =	vld [tilespmem:s14+$0x10]  }
0x9a3: {  	v3 =	vld [tilespmem:s14+$0x20]  }
0x9a4: {  	v4 =	vld [tilespmem:s14+$0x30]  }
0x9a5: {  	v5 =	vld [tilespmem:s14+$0x40]  }
0x9a6: {  	s10 =	sadd.s32 s7, s8;
	v6 =	vld [tilespmem:s14+$0x50]  }
0x9a7: {  	[tilespmem:s10+$0xF0] =	vst.add.f32.msk $0xffff, v0  }
0x9a8: {  	v0 =	vld [tilespmem:s14+$0x60]  }
0x9a9: {  	[tilespmem:s10+$0x80] =	vst.add.f32.msk $0xffff, v1  }
0x9aa: {  	[tilespmem:s10+$0x90] =	vst.add.f32.msk $0xffff, v2  }
0x9ab: {  	[tilespmem:s10+$0xA0] =	vst.add.f32.msk $0xffff, v3  }
0x9ac: {  	[tilespmem:s10+$0xB0] =	vst.add.f32.msk $0xffff, v4  }
0x9ad: {  	[tilespmem:s10+$0xC0] =	vst.add.f32.msk $0xffff, v5  }
0x9ae: {  	s11 =	simm.s32 $0x0;
	s9 =	sadd.s32 $0x400, s9;
	[tilespmem:s10+$0xD0] =	vst.add.f32.msk $0xffff, v6  }
.LBB2_173:
0x9af: {  	s12 =	sadd.s32 s7, s9;
	s11 =	sadd.s32 $0x80, s11;
	[tilespmem:s10+$0xE0] =	vst.add.f32.msk $0xffff, v0  }
0x9b0: {  	v0 =	vld [tilespmem:s12+$0x70];
	p0 =	slt.u32 s11, $0x380  }
0x9b1: {  	v1 =	vld [tilespmem:s12+$0x0]  }
0x9b2: {  	v2 =	vld [tilespmem:s12+$0x10]  }
0x9b3: {  	s8 =	sadd.s32 $0x400, s8;
	v3 =	vld [tilespmem:s12+$0x20]  }
0x9b4: {  	s10 =	sadd.s32 s7, s8;
	v4 =	vld [tilespmem:s12+$0x30]  }
0x9b5: {  	[tilespmem:s10+$0xF0] =	vst.add.f32.msk $0xffff, v0  }
0x9b6: {  	v5 =	vld [tilespmem:s12+$0x40]  }
0x9b7: {  	v6 =	vld [tilespmem:s12+$0x50]  }
0x9b8: {  	v0 =	vld [tilespmem:s12+$0x60]  }
0x9b9: {  	[tilespmem:s10+$0x80] =	vst.add.f32.msk $0xffff, v1  }
.Ltmp85:
0x9ba: {  	[tilespmem:s10+$0x90] =	vst.add.f32.msk $0xffff, v2;
	(pc) =	sbr.rel @p0 .LBB2_173-.Ltmp85, $4  }
0x9bb: {  	[tilespmem:s10+$0xA0] =	vst.add.f32.msk $0xffff, v3  }
0x9bc: {  	[tilespmem:s10+$0xB0] =	vst.add.f32.msk $0xffff, v4  }
0x9bd: {  	[tilespmem:s10+$0xC0] =	vst.add.f32.msk $0xffff, v5  }
0x9be: {  	s9 =	sadd.s32 $0x400, s9;
	[tilespmem:s10+$0xD0] =	vst.add.f32.msk $0xffff, v6  }
0x9bf: {  	p0 =	slt.u32 s4, $0xE  }
.Ltmp86:
0x9c0: {  	_ = 	snop;
	(pc) =	sbr.rel @p0 .LBB2_170-.Ltmp86, $3  }
0x9c1: {  	_ =	sdelay $0x1  }
0x9c2: {  	s7 =	sadd.s32 $0x2, s4  }
0x9c3: {  	[tilespmem:s10+$0xE0] =	vst.add.f32.msk $0xffff, v0;
	s6 =	sadd.s32 $0x1, s6;
	s5 =	sadd.s32 $0x800, s5;
	s4 =	smov.u32 s7  }
0x9c4: {  	s5 =	sld [smem:$0x7F4];
	_ =	sdelay $0x1  }
0x9c5: {  	s4 =	simm.s32 $0x0  }
0x9c6: {  	[hbm4b:s5+s4] =	stream.linear.scatter [tilespmem:s21], [sflag:$0x9], $0x4000, $0x38;
	[tilespmem:$0x1C000] =	vst v63  }
0x9c7: {  	_ =	swait.ge [sflag:s28], $0x4000  }
0x9c8: {  	s14 =	sld [smem:$0x7F9]  }
0x9c9: {  	[sflag:s28] =	ssyncset.done $0x0  }
0x9ca: {  	[sflag:s28] =	ssyncadd.s32 $0xFFFFC000  }
0x9cb: {  	[tilespmem:s17], [sflag:$0x2] =	stream.linear.gather [hbm4b:s14+s4], $0x4000, $0x38;
	[tilespmem:$0x1C000] =	vst v63  }
0x9cc: {  	_ =	swait.ge [sflag:s30], $0x4000  }
0x9cd: {  	[sflag:s30] =	ssyncset.done $0x0  }
0x9ce: {  	s6 =	simm.s32 $0x0;
	s5 =	simm.s32 $0x0;
	[sflag:s30] =	ssyncadd.s32 $0xFFFFC000  }
.LBB2_176:
0x9cf: {  	s7 =	sshll.u32 s6, $0xA  }
0x9d0: {  	s9 =	sand.u32 $0x3FFFE000, s5;
	s7 =	sand.u32 $0xC00, s7  }
0x9d1: {  	s10 =	sadd.s32 $0x18040, s9;
	s7 =	sshrl.u32 s7, $0x2  }
0x9d2: {  	s12 =	sadd.s32 s7, s10  }
0x9d3: {  	v0 =	vld [tilespmem:s12+$0x30]  }
0x9d4: {  	v2 =	vld [tilespmem:s12+$0xFFFFFFC0]  }
0x9d5: {  	v3 =	vld [tilespmem:s12+$0xFFFFFFD0]  }
0x9d6: {  	v4 =	vld [tilespmem:s12+$0xFFFFFFE0]  }
0x9d7: {  	v5 =	vld [tilespmem:s12+$0xFFFFFFF0]  }
0x9d8: {  	s8 =	sadd.s32 $0x10000, s9;
	v6 =	vld [tilespmem:s12+$0x0]  }
0x9d9: {  	s11 =	sadd.s32 s7, s8;
	v1 =	vld [tilespmem:s12+$0x10]  }
0x9da: {  	[tilespmem:s11+$0x70] =	vst.add.f32.msk $0xffff, v0  }
0x9db: {  	v0 =	vld [tilespmem:s12+$0x20]  }
0x9dc: {  	[tilespmem:s11+$0x0] =	vst.add.f32.msk $0xffff, v2  }
0x9dd: {  	[tilespmem:s11+$0x10] =	vst.add.f32.msk $0xffff, v3  }
0x9de: {  	[tilespmem:s11+$0x20] =	vst.add.f32.msk $0xffff, v4  }
0x9df: {  	[tilespmem:s11+$0x30] =	vst.add.f32.msk $0xffff, v5  }
0x9e0: {  	s9 =	sadd.s32 $0x18080, s9;
	s13 =	smov.u32 s8;
	s12 =	simm.s32 $0x0;
	[tilespmem:s11+$0x40] =	vst.add.f32.msk $0xffff, v6  }
.LBB2_177:
0x9e1: {  	s12 =	sadd.s32 $0x80, s12;
	[tilespmem:s11+$0x50] =	vst.add.f32.msk $0xffff, v1;
	s10 =	sadd.s32 $0x400, s10  }
0x9e2: {  	s14 =	sadd.s32 s7, s10;
	p0 =	slt.u32 s12, $0x380;
	[tilespmem:s11+$0x60] =	vst.add.f32.msk $0xffff, v0  }
0x9e3: {  	v0 =	vld [tilespmem:s14+$0x30]  }
0x9e4: {  	v2 =	vld [tilespmem:s14+$0xFFFFFFC0]  }
0x9e5: {  	v3 =	vld [tilespmem:s14+$0xFFFFFFD0]  }
0x9e6: {  	s13 =	sadd.s32 $0x400, s13;
	v4 =	vld [tilespmem:s14+$0xFFFFFFE0]  }
0x9e7: {  	s11 =	sadd.s32 s7, s13;
	v5 =	vld [tilespmem:s14+$0xFFFFFFF0]  }
0x9e8: {  	[tilespmem:s11+$0x70] =	vst.add.f32.msk $0xffff, v0  }
0x9e9: {  	v6 =	vld [tilespmem:s14+$0x0]  }
0x9ea: {  	v1 =	vld [tilespmem:s14+$0x10]  }
0x9eb: {  	v0 =	vld [tilespmem:s14+$0x20]  }
.Ltmp87:
0x9ec: {  	[tilespmem:s11+$0x0] =	vst.add.f32.msk $0xffff, v2;
	(pc) =	sbr.rel @p0 .LBB2_177-.Ltmp87, $4  }
0x9ed: {  	[tilespmem:s11+$0x10] =	vst.add.f32.msk $0xffff, v3  }
0x9ee: {  	[tilespmem:s11+$0x20] =	vst.add.f32.msk $0xffff, v4  }
0x9ef: {  	[tilespmem:s11+$0x30] =	vst.add.f32.msk $0xffff, v5  }
0x9f0: {  	[tilespmem:s11+$0x40] =	vst.add.f32.msk $0xffff, v6  }
0x9f1: {  	[tilespmem:s11+$0x50] =	vst.add.f32.msk $0xffff, v1  }
0x9f2: {  	[tilespmem:s11+$0x60] =	vst.add.f32.msk $0xffff, v0;
	s14 =	sadd.s32 s7, s9  }
0x9f3: {  	v0 =	vld [tilespmem:s14+$0x70]  }
0x9f4: {  	v1 =	vld [tilespmem:s14+$0x0]  }
0x9f5: {  	v2 =	vld [tilespmem:s14+$0x10]  }
0x9f6: {  	v3 =	vld [tilespmem:s14+$0x20]  }
0x9f7: {  	v4 =	vld [tilespmem:s14+$0x30]  }
0x9f8: {  	v5 =	vld [tilespmem:s14+$0x40]  }
0x9f9: {  	s10 =	sadd.s32 s7, s8;
	v6 =	vld [tilespmem:s14+$0x50]  }
0x9fa: {  	[tilespmem:s10+$0xF0] =	vst.add.f32.msk $0xffff, v0  }
0x9fb: {  	v0 =	vld [tilespmem:s14+$0x60]  }
0x9fc: {  	[tilespmem:s10+$0x80] =	vst.add.f32.msk $0xffff, v1  }
0x9fd: {  	[tilespmem:s10+$0x90] =	vst.add.f32.msk $0xffff, v2  }
0x9fe: {  	[tilespmem:s10+$0xA0] =	vst.add.f32.msk $0xffff, v3  }
0x9ff: {  	[tilespmem:s10+$0xB0] =	vst.add.f32.msk $0xffff, v4  }
0xa00: {  	[tilespmem:s10+$0xC0] =	vst.add.f32.msk $0xffff, v5  }
0xa01: {  	s11 =	simm.s32 $0x0;
	s9 =	sadd.s32 $0x400, s9;
	[tilespmem:s10+$0xD0] =	vst.add.f32.msk $0xffff, v6  }
.LBB2_179:
0xa02: {  	s12 =	sadd.s32 s7, s9;
	s11 =	sadd.s32 $0x80, s11;
	[tilespmem:s10+$0xE0] =	vst.add.f32.msk $0xffff, v0  }
0xa03: {  	v0 =	vld [tilespmem:s12+$0x70];
	p0 =	slt.u32 s11, $0x380  }
0xa04: {  	v1 =	vld [tilespmem:s12+$0x0]  }
0xa05: {  	v2 =	vld [tilespmem:s12+$0x10]  }
0xa06: {  	s8 =	sadd.s32 $0x400, s8;
	v3 =	vld [tilespmem:s12+$0x20]  }
0xa07: {  	s10 =	sadd.s32 s7, s8;
	v4 =	vld [tilespmem:s12+$0x30]  }
0xa08: {  	[tilespmem:s10+$0xF0] =	vst.add.f32.msk $0xffff, v0  }
0xa09: {  	v5 =	vld [tilespmem:s12+$0x40]  }
0xa0a: {  	v6 =	vld [tilespmem:s12+$0x50]  }
0xa0b: {  	v0 =	vld [tilespmem:s12+$0x60]  }
0xa0c: {  	[tilespmem:s10+$0x80] =	vst.add.f32.msk $0xffff, v1  }
.Ltmp88:
0xa0d: {  	[tilespmem:s10+$0x90] =	vst.add.f32.msk $0xffff, v2;
	(pc) =	sbr.rel @p0 .LBB2_179-.Ltmp88, $4  }
0xa0e: {  	[tilespmem:s10+$0xA0] =	vst.add.f32.msk $0xffff, v3  }
0xa0f: {  	[tilespmem:s10+$0xB0] =	vst.add.f32.msk $0xffff, v4  }
0xa10: {  	[tilespmem:s10+$0xC0] =	vst.add.f32.msk $0xffff, v5  }
0xa11: {  	s9 =	sadd.s32 $0x400, s9;
	[tilespmem:s10+$0xD0] =	vst.add.f32.msk $0xffff, v6  }
0xa12: {  	p0 =	slt.u32 s4, $0xE  }
.Ltmp89:
0xa13: {  	_ = 	snop;
	(pc) =	sbr.rel @p0 .LBB2_176-.Ltmp89, $3  }
0xa14: {  	_ =	sdelay $0x1  }
0xa15: {  	s7 =	sadd.s32 $0x2, s4  }
0xa16: {  	[tilespmem:s10+$0xE0] =	vst.add.f32.msk $0xffff, v0;
	s6 =	sadd.s32 $0x1, s6;
	s5 =	sadd.s32 $0x800, s5;
	s4 =	smov.u32 s7  }
0xa17: {  	s5 =	sld [smem:$0x7FA];
	_ =	sdelay $0x1  }
0xa18: {  	s4 =	simm.s32 $0x0  }
0xa19: {  	[hbm4b:s5+s4] =	stream.linear.scatter [tilespmem:s23], [sflag:$0xA], $0x4000, $0x38;
	[tilespmem:$0x1C000] =	vst v63  }
0xa1a: {  	_ =	swait.ge [sflag:s20], $0x4000  }
0xa1b: {  	[sflag:s20] =	ssyncset.done $0x0  }
0xa1c: {  	s6 =	simm.s32 $0x0;
	s5 =	simm.s32 $0x0;
	[sflag:s20] =	ssyncadd.s32 $0xFFFFC000  }
.LBB2_182:
0xa1d: {  	s7 =	sshll.u32 s6, $0xA  }
0xa1e: {  	s8 =	sand.u32 $0xC00, s7;
	s7 =	sand.u32 $0x3FFFE000, s5  }
0xa1f: {  	s10 =	sadd.s32 $0x18040, s7;
	s8 =	sshrl.u32 s8, $0x2  }
0xa20: {  	s9 =	sadd.s32 s8, s10  }
0xa21: {  	v0 =	vld [tilespmem:s9+$0x30]  }
0xa22: {  	v2 =	vld [tilespmem:s9+$0xFFFFFFC0]  }
0xa23: {  	v3 =	vld [tilespmem:s9+$0xFFFFFFD0]  }
0xa24: {  	v4 =	vld [tilespmem:s9+$0xFFFFFFE0]  }
0xa25: {  	v5 =	vld [tilespmem:s9+$0xFFFFFFF0]  }
0xa26: {  	v6 =	vld [tilespmem:s9+$0x0]  }
0xa27: {  	s11 =	sadd.s32 s8, s7;
	v1 =	vld [tilespmem:s9+$0x10]  }
0xa28: {  	[tilespmem:s11+$0x70] =	vst.add.f32.msk $0xffff, v0  }
0xa29: {  	v0 =	vld [tilespmem:s9+$0x20]  }
0xa2a: {  	[tilespmem:s11+$0x0] =	vst.add.f32.msk $0xffff, v2  }
0xa2b: {  	[tilespmem:s11+$0x10] =	vst.add.f32.msk $0xffff, v3  }
0xa2c: {  	[tilespmem:s11+$0x20] =	vst.add.f32.msk $0xffff, v4  }
0xa2d: {  	[tilespmem:s11+$0x30] =	vst.add.f32.msk $0xffff, v5  }
0xa2e: {  	s12 =	simm.s32 $0x0;
	s13 =	smov.u32 s7;
	s9 =	sadd.s32 $0x18080, s7;
	[tilespmem:s11+$0x40] =	vst.add.f32.msk $0xffff, v6  }
.LBB2_183:
0xa2f: {  	s12 =	sadd.s32 $0x80, s12;
	[tilespmem:s11+$0x50] =	vst.add.f32.msk $0xffff, v1;
	s10 =	sadd.s32 $0x400, s10  }
0xa30: {  	s14 =	sadd.s32 s8, s10;
	p0 =	slt.u32 s12, $0x380;
	[tilespmem:s11+$0x60] =	vst.add.f32.msk $0xffff, v0  }
0xa31: {  	v0 =	vld [tilespmem:s14+$0x30]  }
0xa32: {  	v2 =	vld [tilespmem:s14+$0xFFFFFFC0]  }
0xa33: {  	v3 =	vld [tilespmem:s14+$0xFFFFFFD0]  }
0xa34: {  	s13 =	sadd.s32 $0x400, s13;
	v4 =	vld [tilespmem:s14+$0xFFFFFFE0]  }
0xa35: {  	s11 =	sadd.s32 s8, s13;
	v5 =	vld [tilespmem:s14+$0xFFFFFFF0]  }
0xa36: {  	[tilespmem:s11+$0x70] =	vst.add.f32.msk $0xffff, v0  }
0xa37: {  	v6 =	vld [tilespmem:s14+$0x0]  }
0xa38: {  	v1 =	vld [tilespmem:s14+$0x10]  }
0xa39: {  	v0 =	vld [tilespmem:s14+$0x20]  }
.Ltmp90:
0xa3a: {  	[tilespmem:s11+$0x0] =	vst.add.f32.msk $0xffff, v2;
	(pc) =	sbr.rel @p0 .LBB2_183-.Ltmp90, $4  }
0xa3b: {  	[tilespmem:s11+$0x10] =	vst.add.f32.msk $0xffff, v3  }
0xa3c: {  	[tilespmem:s11+$0x20] =	vst.add.f32.msk $0xffff, v4  }
0xa3d: {  	[tilespmem:s11+$0x30] =	vst.add.f32.msk $0xffff, v5  }
0xa3e: {  	[tilespmem:s11+$0x40] =	vst.add.f32.msk $0xffff, v6  }
0xa3f: {  	[tilespmem:s11+$0x50] =	vst.add.f32.msk $0xffff, v1  }
0xa40: {  	[tilespmem:s11+$0x60] =	vst.add.f32.msk $0xffff, v0;
	s14 =	sadd.s32 s8, s9  }
0xa41: {  	v0 =	vld [tilespmem:s14+$0x70]  }
0xa42: {  	v1 =	vld [tilespmem:s14+$0x0]  }
0xa43: {  	v2 =	vld [tilespmem:s14+$0x10]  }
0xa44: {  	v3 =	vld [tilespmem:s14+$0x20]  }
0xa45: {  	v4 =	vld [tilespmem:s14+$0x30]  }
0xa46: {  	v5 =	vld [tilespmem:s14+$0x40]  }
0xa47: {  	s10 =	sadd.s32 s8, s7;
	v6 =	vld [tilespmem:s14+$0x50]  }
0xa48: {  	[tilespmem:s10+$0xF0] =	vst.add.f32.msk $0xffff, v0  }
0xa49: {  	v0 =	vld [tilespmem:s14+$0x60]  }
0xa4a: {  	[tilespmem:s10+$0x80] =	vst.add.f32.msk $0xffff, v1  }
0xa4b: {  	[tilespmem:s10+$0x90] =	vst.add.f32.msk $0xffff, v2  }
0xa4c: {  	[tilespmem:s10+$0xA0] =	vst.add.f32.msk $0xffff, v3  }
0xa4d: {  	[tilespmem:s10+$0xB0] =	vst.add.f32.msk $0xffff, v4  }
0xa4e: {  	[tilespmem:s10+$0xC0] =	vst.add.f32.msk $0xffff, v5  }
0xa4f: {  	s11 =	simm.s32 $0x0;
	s9 =	sadd.s32 $0x400, s9;
	[tilespmem:s10+$0xD0] =	vst.add.f32.msk $0xffff, v6  }
.LBB2_185:
0xa50: {  	s12 =	sadd.s32 s8, s9;
	s11 =	sadd.s32 $0x80, s11;
	[tilespmem:s10+$0xE0] =	vst.add.f32.msk $0xffff, v0  }
0xa51: {  	v0 =	vld [tilespmem:s12+$0x70];
	p0 =	slt.u32 s11, $0x380  }
0xa52: {  	v1 =	vld [tilespmem:s12+$0x0]  }
0xa53: {  	v2 =	vld [tilespmem:s12+$0x10]  }
0xa54: {  	s7 =	sadd.s32 $0x400, s7;
	v3 =	vld [tilespmem:s12+$0x20]  }
0xa55: {  	s10 =	sadd.s32 s8, s7;
	v4 =	vld [tilespmem:s12+$0x30]  }
0xa56: {  	[tilespmem:s10+$0xF0] =	vst.add.f32.msk $0xffff, v0  }
0xa57: {  	v5 =	vld [tilespmem:s12+$0x40]  }
0xa58: {  	v6 =	vld [tilespmem:s12+$0x50]  }
0xa59: {  	v0 =	vld [tilespmem:s12+$0x60]  }
0xa5a: {  	[tilespmem:s10+$0x80] =	vst.add.f32.msk $0xffff, v1  }
.Ltmp91:
0xa5b: {  	[tilespmem:s10+$0x90] =	vst.add.f32.msk $0xffff, v2;
	(pc) =	sbr.rel @p0 .LBB2_185-.Ltmp91, $4  }
0xa5c: {  	[tilespmem:s10+$0xA0] =	vst.add.f32.msk $0xffff, v3  }
0xa5d: {  	[tilespmem:s10+$0xB0] =	vst.add.f32.msk $0xffff, v4  }
0xa5e: {  	[tilespmem:s10+$0xC0] =	vst.add.f32.msk $0xffff, v5  }
0xa5f: {  	s9 =	sadd.s32 $0x400, s9;
	[tilespmem:s10+$0xD0] =	vst.add.f32.msk $0xffff, v6  }
0xa60: {  	p0 =	slt.u32 s4, $0xE  }
.Ltmp92:
0xa61: {  	_ = 	snop;
	(pc) =	sbr.rel @p0 .LBB2_182-.Ltmp92, $3  }
0xa62: {  	_ =	sdelay $0x1  }
0xa63: {  	s7 =	sadd.s32 $0x2, s4  }
0xa64: {  	[tilespmem:s10+$0xE0] =	vst.add.f32.msk $0xffff, v0;
	s6 =	sadd.s32 $0x1, s6;
	s5 =	sadd.s32 $0x800, s5;
	s4 =	smov.u32 s7  }
0xa65: {  	s5 =	sld [smem:$0x7FB];
	_ =	sdelay $0x1  }
0xa66: {  	s4 =	simm.s32 $0x0  }
0xa67: {  	[hbm4b:s5+s4] =	stream.linear.scatter [tilespmem:s4], [sflag:$0x6], $0x4000, $0x38;
	[tilespmem:$0x1C000] =	vst v63  }
0xa68: {  	_ =	swait.ge [sflag:s22], $0x4000  }
0xa69: {  	[sflag:s22] =	ssyncset.done $0x0  }
0xa6a: {  	s6 =	simm.s32 $0x0;
	s5 =	simm.s32 $0x0;
	[sflag:s22] =	ssyncadd.s32 $0xFFFFC000  }
.LBB2_188:
0xa6b: {  	s7 =	sshll.u32 s6, $0xA  }
0xa6c: {  	s9 =	sand.u32 $0x3FFFE000, s5;
	s7 =	sand.u32 $0xC00, s7  }
0xa6d: {  	s10 =	sadd.s32 $0x18040, s9;
	s7 =	sshrl.u32 s7, $0x2  }
0xa6e: {  	s12 =	sadd.s32 s7, s10  }
0xa6f: {  	v0 =	vld [tilespmem:s12+$0x30]  }
0xa70: {  	v2 =	vld [tilespmem:s12+$0xFFFFFFC0]  }
0xa71: {  	v3 =	vld [tilespmem:s12+$0xFFFFFFD0]  }
0xa72: {  	v4 =	vld [tilespmem:s12+$0xFFFFFFE0]  }
0xa73: {  	v5 =	vld [tilespmem:s12+$0xFFFFFFF0]  }
0xa74: {  	s8 =	sadd.s32 $0x4000, s9;
	v6 =	vld [tilespmem:s12+$0x0]  }
0xa75: {  	s11 =	sadd.s32 s7, s8;
	v1 =	vld [tilespmem:s12+$0x10]  }
0xa76: {  	[tilespmem:s11+$0x70] =	vst.add.f32.msk $0xffff, v0  }
0xa77: {  	v0 =	vld [tilespmem:s12+$0x20]  }
0xa78: {  	[tilespmem:s11+$0x0] =	vst.add.f32.msk $0xffff, v2  }
0xa79: {  	[tilespmem:s11+$0x10] =	vst.add.f32.msk $0xffff, v3  }
0xa7a: {  	[tilespmem:s11+$0x20] =	vst.add.f32.msk $0xffff, v4  }
0xa7b: {  	[tilespmem:s11+$0x30] =	vst.add.f32.msk $0xffff, v5  }
0xa7c: {  	s9 =	sadd.s32 $0x18080, s9;
	s13 =	smov.u32 s8;
	s12 =	simm.s32 $0x0;
	[tilespmem:s11+$0x40] =	vst.add.f32.msk $0xffff, v6  }
.LBB2_189:
0xa7d: {  	s12 =	sadd.s32 $0x80, s12;
	[tilespmem:s11+$0x50] =	vst.add.f32.msk $0xffff, v1;
	s10 =	sadd.s32 $0x400, s10  }
0xa7e: {  	s14 =	sadd.s32 s7, s10;
	p0 =	slt.u32 s12, $0x380;
	[tilespmem:s11+$0x60] =	vst.add.f32.msk $0xffff, v0  }
0xa7f: {  	v0 =	vld [tilespmem:s14+$0x30]  }
0xa80: {  	v2 =	vld [tilespmem:s14+$0xFFFFFFC0]  }
0xa81: {  	v3 =	vld [tilespmem:s14+$0xFFFFFFD0]  }
0xa82: {  	s13 =	sadd.s32 $0x400, s13;
	v4 =	vld [tilespmem:s14+$0xFFFFFFE0]  }
0xa83: {  	s11 =	sadd.s32 s7, s13;
	v5 =	vld [tilespmem:s14+$0xFFFFFFF0]  }
0xa84: {  	[tilespmem:s11+$0x70] =	vst.add.f32.msk $0xffff, v0  }
0xa85: {  	v6 =	vld [tilespmem:s14+$0x0]  }
0xa86: {  	v1 =	vld [tilespmem:s14+$0x10]  }
0xa87: {  	v0 =	vld [tilespmem:s14+$0x20]  }
.Ltmp93:
0xa88: {  	[tilespmem:s11+$0x0] =	vst.add.f32.msk $0xffff, v2;
	(pc) =	sbr.rel @p0 .LBB2_189-.Ltmp93, $4  }
0xa89: {  	[tilespmem:s11+$0x10] =	vst.add.f32.msk $0xffff, v3  }
0xa8a: {  	[tilespmem:s11+$0x20] =	vst.add.f32.msk $0xffff, v4  }
0xa8b: {  	[tilespmem:s11+$0x30] =	vst.add.f32.msk $0xffff, v5  }
0xa8c: {  	[tilespmem:s11+$0x40] =	vst.add.f32.msk $0xffff, v6  }
0xa8d: {  	[tilespmem:s11+$0x50] =	vst.add.f32.msk $0xffff, v1  }
0xa8e: {  	[tilespmem:s11+$0x60] =	vst.add.f32.msk $0xffff, v0;
	s14 =	sadd.s32 s7, s9  }
0xa8f: {  	v0 =	vld [tilespmem:s14+$0x70]  }
0xa90: {  	v1 =	vld [tilespmem:s14+$0x0]  }
0xa91: {  	v2 =	vld [tilespmem:s14+$0x10]  }
0xa92: {  	v3 =	vld [tilespmem:s14+$0x20]  }
0xa93: {  	v4 =	vld [tilespmem:s14+$0x30]  }
0xa94: {  	v5 =	vld [tilespmem:s14+$0x40]  }
0xa95: {  	s10 =	sadd.s32 s7, s8;
	v6 =	vld [tilespmem:s14+$0x50]  }
0xa96: {  	[tilespmem:s10+$0xF0] =	vst.add.f32.msk $0xffff, v0  }
0xa97: {  	v0 =	vld [tilespmem:s14+$0x60]  }
0xa98: {  	[tilespmem:s10+$0x80] =	vst.add.f32.msk $0xffff, v1  }
0xa99: {  	[tilespmem:s10+$0x90] =	vst.add.f32.msk $0xffff, v2  }
0xa9a: {  	[tilespmem:s10+$0xA0] =	vst.add.f32.msk $0xffff, v3  }
0xa9b: {  	[tilespmem:s10+$0xB0] =	vst.add.f32.msk $0xffff, v4  }
0xa9c: {  	[tilespmem:s10+$0xC0] =	vst.add.f32.msk $0xffff, v5  }
0xa9d: {  	s11 =	simm.s32 $0x0;
	s9 =	sadd.s32 $0x400, s9;
	[tilespmem:s10+$0xD0] =	vst.add.f32.msk $0xffff, v6  }
.LBB2_191:
0xa9e: {  	s12 =	sadd.s32 s7, s9;
	s11 =	sadd.s32 $0x80, s11;
	[tilespmem:s10+$0xE0] =	vst.add.f32.msk $0xffff, v0  }
0xa9f: {  	v0 =	vld [tilespmem:s12+$0x70];
	p0 =	slt.u32 s11, $0x380  }
0xaa0: {  	v1 =	vld [tilespmem:s12+$0x0]  }
0xaa1: {  	v2 =	vld [tilespmem:s12+$0x10]  }
0xaa2: {  	s8 =	sadd.s32 $0x400, s8;
	v3 =	vld [tilespmem:s12+$0x20]  }
0xaa3: {  	s10 =	sadd.s32 s7, s8;
	v4 =	vld [tilespmem:s12+$0x30]  }
0xaa4: {  	[tilespmem:s10+$0xF0] =	vst.add.f32.msk $0xffff, v0  }
0xaa5: {  	v5 =	vld [tilespmem:s12+$0x40]  }
0xaa6: {  	v6 =	vld [tilespmem:s12+$0x50]  }
0xaa7: {  	v0 =	vld [tilespmem:s12+$0x60]  }
0xaa8: {  	[tilespmem:s10+$0x80] =	vst.add.f32.msk $0xffff, v1  }
.Ltmp94:
0xaa9: {  	[tilespmem:s10+$0x90] =	vst.add.f32.msk $0xffff, v2;
	(pc) =	sbr.rel @p0 .LBB2_191-.Ltmp94, $4  }
0xaaa: {  	[tilespmem:s10+$0xA0] =	vst.add.f32.msk $0xffff, v3  }
0xaab: {  	[tilespmem:s10+$0xB0] =	vst.add.f32.msk $0xffff, v4  }
0xaac: {  	[tilespmem:s10+$0xC0] =	vst.add.f32.msk $0xffff, v5  }
0xaad: {  	s9 =	sadd.s32 $0x400, s9;
	[tilespmem:s10+$0xD0] =	vst.add.f32.msk $0xffff, v6  }
0xaae: {  	p0 =	slt.u32 s4, $0xE  }
.Ltmp95:
0xaaf: {  	_ = 	snop;
	(pc) =	sbr.rel @p0 .LBB2_188-.Ltmp95, $3  }
0xab0: {  	_ =	sdelay $0x1  }
0xab1: {  	s7 =	sadd.s32 $0x2, s4  }
0xab2: {  	[tilespmem:s10+$0xE0] =	vst.add.f32.msk $0xffff, v0;
	s6 =	sadd.s32 $0x1, s6;
	s5 =	sadd.s32 $0x800, s5;
	s4 =	smov.u32 s7  }
0xab3: {  	s4 =	sld [smem:$0x7FC];
	_ =	sdelay $0x2  }
0xab4: {  	[hbm4b:s4+s1] =	stream.linear.scatter [tilespmem:s17], [sflag:$0x7], $0x4000, $0x38;
	[tilespmem:$0x1C000] =	vst v63  }
0xab5: {  	_ =	swait.ge [sflag:s31], $0x4000  }
0xab6: {  	[sflag:s31] =	ssyncset.done $0x0  }
0xab7: {  	[sflag:s31] =	ssyncadd.s32 $0xFFFFC000  }
0xab8: {  	_ =	swait.ge [sflag:s0], $0x4000  }
0xab9: {  	[sflag:s0] =	ssyncset.done $0x0  }
0xaba: {  	[sflag:s0] =	ssyncadd.s32 $0xFFFFC000  }
0xabb: {  	_ =	swait.ge [sflag:s2], $0x4000  }
0xabc: {  	[sflag:s2] =	ssyncset.done $0x0  }
0xabd: {  	[sflag:s2] =	ssyncadd.s32 $0xFFFFC000  }
0xabe: {  	_ =	swait.ge [sflag:s25], $0x4000  }
0xabf: {  	[sflag:s25] =	ssyncset.done $0x0  }
0xac0: {  	[sflag:s25] =	ssyncadd.s32 $0xFFFFC000  }
0xac1: {  	_ =	swait.ge [sflag:s28], $0x4000  }
0xac2: {  	s14 =	sld [smem:$0x7FD];
	_ =	sdelay $0x1  }
0xac3: {  	s3 =	sadd.s32 $0x1, s3  }
0xac4: {  	p0 =	sne.s32 s3, s14  }
.Ltmp96:
0xac5: {  	_ = 	snop;
	(pc) =	sbr.rel @p0 .LBB2_1-.Ltmp96, $3  }
0xac6: {  	_ =	sdelay $0x1  }
0xac7: {  	[sflag:s28] =	ssyncset.done $0x0  }
0xac8: {  	[sflag:s28] =	ssyncadd.s32 $0xFFFFC000  }
0xac9: {  	_ =	sfence.sel $0x180000  }
0xaca: {  	[bflag:$0x0] =	sbarrier.arrive $0xFFFF  }
0xacb: {  	_ =	strace $0x90000047  }
0xacc: {  	s0 =	stileid.u32;
	[bflag:$0x2] =	sbarrier.arrive $0xFFFF  }
0xacd: {  	p0 =	sne.s32 s0, $0x0;
	s0 =	rddreg [dreg:$0x3]  }
0xace: {  	s0 =	sadd.s32 @!p0 $0x100000, s0  }
0xacf: {  	[sflag:s0] =	ssyncadd.tile.s32 @!p0 $0x1;
	_ =	shalt  }
.Lfunc_end2:
_tile_overlayer_lowered:
.L_overlay_start_2:
0xad0: {  	(tag) =	ssettag $0x2  }
0xad1: {  	s0 =	rddreg [dreg:$0x0];
	s2 =	stileid.u32  }
0xad2: {  	s1 =	rddreg [dreg:$0x1];
	p0 =	sne.s32 s2, $0x0  }
0xad3: {  	s3 =	rddreg [dreg:$0x2];
	[bflag:$0x3] =	sbarrier.arrive $0xFFFF;
	s2 =	simm.s32 @!p0 $0x1C0D  }
0xad4: {  	[timem:s3], [sflag:s2] =	dma.local @!p0 [hbm:s0], s1  }
0xad5: {  	s0 =	simm.s32 @!p0 $0xD  }
0xad6: {  	_ =	swait.ge @!p0 [sflag:s0], s1  }
0xad7: {  	s1 =	ssub.s32 @!p0 $0x0, s1;
	[sflag:s0] =	ssyncset.done @!p0 $0x0  }
0xad8: {  	[sflag:s0] =	ssyncadd.s32 @!p0 s1  }
0xad9: {  	[bflag:$0x3] =	sbarrier.arrive $0xFFFF  }
0xada: {  	_ =	shalt  }

</sc_bundles>
